<compile_context>
chip_gen: v7x
topology: tpu7x:2x2x1
jax: 0.10.2.dev20260603
libtpu: 0.0.44.dev20260713+nightly
codegen_flags: <defaults>
</compile_context>

<pallas_src>
import functools

import jax
import jax.numpy as jnp
from jax import lax
from jax.experimental import pallas as pl
from jax.experimental.pallas import tpu as pltpu
from jax.experimental.pallas import tpu_sc as plsc

NUM_FACTORS = 32
BATCH = 16384
REG = 1e-07

NC, NS, L = 2, 16, 16
NW = NC * NS
NIDS = 3 * BATCH
COLS = 1000000
TCOLS = 7812
MAIN = TCOLS * 128
CW = 1024
NCH = 32
MCAP = 2048
CCAP = 256
DUMP = NIDS
IDP = NIDS // 4
VROWS = NIDS + NW * L

_mesh = plsc.VectorSubcoreMesh(
    core_axis_name="c", subcore_axis_name="s", num_cores=NC, num_subcores=NS
)


@functools.partial(
    pl.kernel,
    out_type=jax.ShapeDtypeStruct((VROWS, 128), jnp.float32),
    mesh=_mesh,
    scratch_types=[
        pltpu.VMEM((IDP,), jnp.int32),
        pltpu.VMEM((MCAP + 64,), jnp.int32),
        pltpu.VMEM((MCAP + 64,), jnp.int32),
        pltpu.VMEM((2 * NUM_FACTORS, CW), jnp.float32),
        pltpu.VMEM((NUM_FACTORS * 64,), jnp.float32),
        pltpu.VMEM((CCAP,), jnp.int32),
        pltpu.VMEM((CCAP,), jnp.int32),
        pltpu.VMEM((CCAP // L, L), jnp.int32),
        pltpu.VMEM((2 * 128, 128), jnp.float32),
        pltpu.SemaphoreType.DMA,
        pltpu.SemaphoreType.DMA,
        pltpu.SemaphoreType.DMA,
    ],
    compiler_params=pltpu.CompilerParams(needs_layout_passes=False),
)
def _sc_extract(ids_hbm, tcol_hbm, ttail_hbm, out_hbm,
                idp_v, mid_v, mpos_v, buf_v, tail_v, cloc_v, ctmp_v,
                pos_v, st_v, sem0, sem1, sem_sc):
    wid = lax.axis_index("s") * NC + lax.axis_index("c")
    tw = wid * TCOLS // NW
    tw1 = (wid + 1) * TCOLS // NW
    lo = tw * 128
    hi_main = tw1 * 128
    hi = jnp.where(wid == NW - 1, COLS, hi_main)
    iota = lax.iota(jnp.int32, L)

    def enq_chunk(k, sem):
        b = jnp.minimum(lo + k * CW, hi_main - CW)
        slot = (k % 2) * NUM_FACTORS
        for g in range(4):
            pltpu.async_copy(tcol_hbm.at[pl.ds(g * 8, 8), pl.ds(b, CW)],
                             buf_v.at[pl.ds(slot + g * 8, 8)], sem)
    enq_chunk(jnp.int32(0), sem0)
    enq_chunk(jnp.int32(1), sem1)

    def clear_body(j, _):
        mid_v[pl.ds(j * L, L)] = jnp.full((L,), -1, jnp.int32)
        return 0
    lax.fori_loop(0, (MCAP + 64) // L, clear_body, 0)

    mcount = jnp.int32(0)
    for piece in range(NIDS // IDP):
        pltpu.sync_copy(ids_hbm.at[pl.ds(piece * IDP, IDP)], idp_v)

        def mem_body(v4, cnt):
            vecs, prefs = [], []
            for u in range(4):
                vec = idp_v[pl.ds((v4 * 4 + u) * L, L)]
                mask = (vec >= lo) & (vec < hi)
                vecs.append((vec, mask))
                prefs.append(plsc.cumsum(jnp.where(mask, 1, 0)))
            for u in range(4):
                vec, mask = vecs[u]
                idxs = cnt + prefs[u] - 1
                plsc.store_scatter(mid_v, [idxs], vec, mask=mask)
                plsc.store_scatter(mpos_v, [idxs],
                                   piece * IDP + (v4 * 4 + u) * L + iota,
                                   mask=mask)
                cnt = cnt + prefs[u][L - 1]
            return cnt
        mcount = lax.fori_loop(0, IDP // L // 4, mem_body, mcount)

    tripsm = (mcount + (L - 1)) // L

    def drain_chunk(sem):
        pltpu.make_async_copy(
            tcol_hbm.at[pl.ds(0, NUM_FACTORS), pl.ds(0, CW)],
            buf_v.at[pl.ds(0, NUM_FACTORS)], sem).wait()

    def drain_scat(n):
        def _drain(_b, _):
            pltpu.make_async_copy(out_hbm.at[pl.ds(0, L)],
                                  st_v.at[pl.ds(0, L)], sem_sc).wait()
            return 0
        lax.fori_loop(0, n, _drain, 0)

    def distribute(m_lo, m_hi, base):
        dump = DUMP + wid * L + iota
        for r in range(CCAP // L):
            cloc_v[pl.ds(r * L, L)] = jnp.zeros((L,), jnp.int32)
            ctmp_v[pl.ds(r * L, L)] = dump

        def dist_body(v4, ck):
            vecs, prefs = [], []
            for u in range(4):
                vec = mid_v[pl.ds((v4 * 4 + u) * L, L)]
                pvec = mpos_v[pl.ds((v4 * 4 + u) * L, L)]
                mask = (vec >= m_lo) & (vec < m_hi)
                vecs.append((vec, pvec, mask))
                prefs.append(plsc.cumsum(jnp.where(mask, 1, 0)))
            for u in range(4):
                vec, pvec, mask = vecs[u]
                idxs = ck + prefs[u] - 1
                plsc.store_scatter(cloc_v, [idxs], vec - base, mask=mask)
                plsc.store_scatter(ctmp_v, [idxs], pvec, mask=mask)
                ck = ck + prefs[u][L - 1]
            return ck
        ck = lax.fori_loop(0, (tripsm + 3) // 4, dist_body, jnp.int32(0))
        for r in range(CCAP // L):
            pos_v[r, :] = ctmp_v[pl.ds(r * L, L)]
        return ck

    def extract(ck, slot, is_tail):
        def ext_body(i, _):
            loc = cloc_v[pl.ds(i * L, L)]
            rowv = i * L + iota
            for f in range(NUM_FACTORS):
                fv = jnp.full((L,), f, jnp.int32)
                if is_tail:
                    v = plsc.load_gather(tail_v, [f * 64 + loc])
                else:
                    v = plsc.load_gather(buf_v, [slot + fv, loc])
                plsc.store_scatter(st_v, [rowv, fv], v)
            return 0
        nb = (ck + (L - 1)) // L
        lax.fori_loop(0, nb, ext_body, 0)

        def scat_body(b, _):
            pltpu.async_copy(st_v.at[pl.ds(b * L, L)],
                             out_hbm.at[pos_v.at[b]], sem_sc)
            return 0
        lax.fori_loop(0, nb, scat_body, 0)
        return nb

    def pair_body(j, pending):
        k0 = 2 * j
        drain_chunk(sem0)
        drain_scat(pending)
        m_lo = jnp.minimum(lo + k0 * CW, hi_main)
        m_hi = jnp.minimum(lo + (k0 + 1) * CW, hi_main)
        base0 = jnp.minimum(lo + k0 * CW, hi_main - CW)
        ck = distribute(m_lo, m_hi, base0)
        nb0 = extract(ck, (k0 % 2) * NUM_FACTORS, False)
        enq_chunk(k0 + 2, sem0)

        k1 = k0 + 1
        drain_chunk(sem1)
        drain_scat(nb0)
        m_lo1 = jnp.minimum(lo + k1 * CW, hi_main)
        m_hi1 = jnp.minimum(lo + (k1 + 1) * CW, hi_main)
        base1 = jnp.minimum(lo + k1 * CW, hi_main - CW)
        ck1 = distribute(m_lo1, m_hi1, base1)
        nb1 = extract(ck1, (k1 % 2) * NUM_FACTORS, False)
        enq_chunk(k1 + 2, sem1)
        return nb1

    pending = lax.fori_loop(0, NCH // 2, pair_body, jnp.int32(0))
    drain_chunk(sem0)
    drain_chunk(sem1)
    drain_scat(pending)

    @pl.when(hi > hi_main)
    def _():
        pltpu.sync_copy(ttail_hbm, tail_v)
        ckt = distribute(jnp.int32(MAIN), jnp.int32(COLS), jnp.int32(MAIN))
        nbt = extract(ckt, 0, True)
        drain_scat(nbt)


def _tc_body(b_ref, e_ref, w_ref, ll_ref, sq_ref, auc_ref):
    i = pl.program_id(0)
    b = b_ref[...]
    e = e_ref[...]
    w = w_ref[...]
    valid = lax.broadcasted_iota(jnp.int32, b.shape, 1) < NUM_FACTORS
    zero = jnp.zeros_like(b)
    d = jnp.sum(jnp.where(valid, b * (e - w), zero), axis=1)
    sq = jnp.sum(jnp.where(valid, b * b + e * e + w * w, zero))
    ls = jnp.minimum(d, 0.0) - jnp.log1p(jnp.exp(-jnp.abs(d)))
    llp = jnp.sum(ls)
    aucp = jnp.sum(jnp.where(d > 0, 1.0, 0.0))

    @pl.when(i == 0)
    def _():
        ll_ref[0, 0] = llp
        sq_ref[0, 0] = sq
        auc_ref[0, 0] = aucp

    @pl.when(i > 0)
    def _():
        ll_ref[0, 0] += llp
        sq_ref[0, 0] += sq
        auc_ref[0, 0] += aucp


_RB = 2048

_tc_reduce = pl.pallas_call(
    _tc_body,
    grid=(BATCH // _RB,),
    in_specs=[
        pl.BlockSpec((_RB, 128), lambda i: (i, 0)),
        pl.BlockSpec((_RB, 128), lambda i: (BATCH // _RB + i, 0)),
        pl.BlockSpec((_RB, 128), lambda i: (2 * (BATCH // _RB) + i, 0)),
    ],
    out_shape=(
        jax.ShapeDtypeStruct((1, 1), jnp.float32),
        jax.ShapeDtypeStruct((1, 1), jnp.float32),
        jax.ShapeDtypeStruct((1, 1), jnp.float32),
    ),
    out_specs=(
        pl.BlockSpec(memory_space=pltpu.SMEM),
        pl.BlockSpec(memory_space=pltpu.SMEM),
        pl.BlockSpec(memory_space=pltpu.SMEM),
    ),
)


@jax.jit
def kernel(rankings, table):
    ids = rankings.astype(jnp.int32).T.reshape(NIDS)
    tcol = table.T
    ttail = table[MAIN:, :].T.reshape(NUM_FACTORS * 64)
    vals = _sc_extract(ids, tcol, ttail)
    ll, sq, auc = _tc_reduce(vals, vals, vals)
    inv_b = jnp.float32(1.0 / BATCH)
    return (ll[0, 0] * inv_b,
            jnp.float32(REG) * sq[0, 0],
            auc[0, 0] * inv_b)

# --- scband reference (transcript-rebuilt; emitter-appended) ---
"""Pipeline reference for scband-bprmodel-54640573940108 (READ-ONLY COPY).

The authoritative reference and input builder live on the scoring server;
editing this copy changes nothing except your own understanding.
"""

import jax, jax.numpy as jnp
import numpy as np

NUM_BONDS = 1000000
NUM_FACTORS = 32
REG = 1e-07
BATCH = 16384


def setup_inputs(seed: int = 0) -> dict:
    key = jax.random.key(seed)
    k1, k2 = jax.random.split(key)
    rankings = jax.random.randint(k1, (BATCH, 3), 0, NUM_BONDS)
    table = jax.random.normal(k2, (NUM_BONDS, NUM_FACTORS), dtype=jnp.float32) * 0.01
    return {"rankings": rankings, "table": table}


def reference(rankings, table):
    bonds = rankings[:, 0]
    better = rankings[:, 1]
    worse = rankings[:, 2]
    bond_emb = jnp.take(table, bonds, axis=0)
    better_emb = jnp.take(table, better, axis=0)
    worse_emb = jnp.take(table, worse, axis=0)
    dot_better = jnp.sum(bond_emb * better_emb, axis=1)
    dot_worse = jnp.sum(bond_emb * worse_emb, axis=1)
    dot_diff = dot_better - dot_worse
    log_likelihood = jnp.mean(jax.nn.log_sigmoid(dot_diff))
    auc = jnp.mean((dot_diff > 0).astype(jnp.float32))
    prior = (REG * jnp.sum(bond_emb * bond_emb)
             + REG * jnp.sum(better_emb * better_emb)
             + REG * jnp.sum(worse_emb * worse_emb))
    return (log_likelihood, prior, auc)

if __name__ == "__main__":
    import jax
    _d = setup_inputs()
    print(jax.jit(kernel)(*tuple(_d.values())))

</pallas_src>

<mosaic_0001>
#map = affine_map<(d0, d1) -> (0)>
#map1 = affine_map<(d0, d1) -> (0, 0)>
module attributes {stable_mosaic.version = 14 : i64} {
  func.func @_sc_extract(%arg0: i32, %arg1: i32, %arg2: memref<49152xi32, #tpu.memory_space<hbm>>, %arg3: memref<32x1000000xf32, #tpu.memory_space<hbm>>, %arg4: memref<2048xf32, #tpu.memory_space<hbm>>, %arg5: memref<49664x128xf32, #tpu.memory_space<hbm>>, %arg6: memref<12288xi32, #tpu.memory_space<vmem>>, %arg7: memref<2112xi32, #tpu.memory_space<vmem>>, %arg8: memref<2112xi32, #tpu.memory_space<vmem>>, %arg9: memref<64x1024xf32, #tpu.memory_space<vmem>>, %arg10: memref<2048xf32, #tpu.memory_space<vmem>>, %arg11: memref<256xi32, #tpu.memory_space<vmem>>, %arg12: memref<256xi32, #tpu.memory_space<vmem>>, %arg13: memref<16x16xi32, #tpu.memory_space<vmem>>, %arg14: memref<256x128xf32, #tpu.memory_space<vmem>>, %arg15: memref<!tpu.dma_semaphore, #tpu.memory_space<semaphore_mem>>, %arg16: memref<!tpu.dma_semaphore, #tpu.memory_space<semaphore_mem>>, %arg17: memref<!tpu.dma_semaphore, #tpu.memory_space<semaphore_mem>>) attributes {dimension_semantics = [#tpu.dimension_semantics<core_parallel>, #tpu.dimension_semantics<subcore_parallel>], iteration_bounds = array<i64: 2, 16>, scalar_prefetch = 0 : i64, scratch_operands = 12 : i64, tpu.core_type = #tpu.core_type<sc_vector_subcore>, window_params = [{transform_indices = #map}, {transform_indices = #map1}, {transform_indices = #map}, {transform_indices = #map1}]} {
    %mul3A = arith.constant 2 : i32
    %mul3A_0 = arith.muli %arg1, %mul3A : i32
    %add3A = arith.addi %mul3A_0, %arg0 : i32
    %mul3A_1 = arith.constant 7812 : i32
    %mul3A_2 = arith.muli %add3A, %mul3A_1 : i32
    %jit3A = arith.constant 32 : i32
    %div3A = arith.divsi %mul3A_2, %jit3A : i32
    %sign3A = arith.constant 0 : i32
    %sign3A_3 = arith.cmpi sgt, %mul3A_2, %sign3A : i32
    %sign3A_4 = arith.extui %sign3A_3 : i1 to i32
    %sign3A_5 = arith.constant 0 : i32
    %sign3A_6 = arith.cmpi slt, %mul3A_2, %sign3A_5 : i32
    %sign3A_7 = arith.extui %sign3A_6 : i1 to i32
    %sign3A_8 = arith.subi %sign3A_4, %sign3A_7 : i32
    %sign3A_9 = arith.constant 0 : i32
    %sign3A_10 = arith.cmpi sgt, %jit3A, %sign3A_9 : i32
    %sign3A_11 = arith.extui %sign3A_10 : i1 to i32
    %sign3A_12 = arith.constant 0 : i32
    %sign3A_13 = arith.cmpi slt, %jit3A, %sign3A_12 : i32
    %sign3A_14 = arith.extui %sign3A_13 : i1 to i32
    %sign3A_15 = arith.subi %sign3A_11, %sign3A_14 : i32
    %ne3A = arith.cmpi ne, %sign3A_8, %sign3A_15 : i32
    %rem3A = arith.remsi %mul3A_2, %jit3A : i32
    %ne3A_16 = arith.constant 0 : i32
    %ne3A_17 = arith.cmpi ne, %rem3A, %ne3A_16 : i32
    %and3A = arith.andi %ne3A, %ne3A_17 : i1
    %sub3A = arith.constant 1 : i32
    %sub3A_18 = arith.subi %div3A, %sub3A : i32
    %select_n3A = arith.select %and3A, %sub3A_18, %div3A : i32
    %add3A_19 = arith.constant 1 : i32
    %add3A_20 = arith.addi %add3A, %add3A_19 : i32
    %mul3A_21 = arith.constant 7812 : i32
    %mul3A_22 = arith.muli %add3A_20, %mul3A_21 : i32
    %jit3A_23 = arith.constant 32 : i32
    %div3A_24 = arith.divsi %mul3A_22, %jit3A_23 : i32
    %sign3A_25 = arith.constant 0 : i32
    %sign3A_26 = arith.cmpi sgt, %mul3A_22, %sign3A_25 : i32
    %sign3A_27 = arith.extui %sign3A_26 : i1 to i32
    %sign3A_28 = arith.constant 0 : i32
    %sign3A_29 = arith.cmpi slt, %mul3A_22, %sign3A_28 : i32
    %sign3A_30 = arith.extui %sign3A_29 : i1 to i32
    %sign3A_31 = arith.subi %sign3A_27, %sign3A_30 : i32
    %sign3A_32 = arith.constant 0 : i32
    %sign3A_33 = arith.cmpi sgt, %jit3A_23, %sign3A_32 : i32
    %sign3A_34 = arith.extui %sign3A_33 : i1 to i32
    %sign3A_35 = arith.constant 0 : i32
    %sign3A_36 = arith.cmpi slt, %jit3A_23, %sign3A_35 : i32
    %sign3A_37 = arith.extui %sign3A_36 : i1 to i32
    %sign3A_38 = arith.subi %sign3A_34, %sign3A_37 : i32
    %ne3A_39 = arith.cmpi ne, %sign3A_31, %sign3A_38 : i32
    %rem3A_40 = arith.remsi %mul3A_22, %jit3A_23 : i32
    %ne3A_41 = arith.constant 0 : i32
    %ne3A_42 = arith.cmpi ne, %rem3A_40, %ne3A_41 : i32
    %and3A_43 = arith.andi %ne3A_39, %ne3A_42 : i1
    %sub3A_44 = arith.constant 1 : i32
    %sub3A_45 = arith.subi %div3A_24, %sub3A_44 : i32
    %select_n3A_46 = arith.select %and3A_43, %sub3A_45, %div3A_24 : i32
    %mul3A_47 = arith.constant 128 : i32
    %mul3A_48 = arith.muli %select_n3A, %mul3A_47 : i32
    %mul3A_49 = arith.constant 128 : i32
    %mul3A_50 = arith.muli %select_n3A_46, %mul3A_49 : i32
    %eq3A = arith.constant 31 : i32
    %eq3A_51 = arith.cmpi eq, %add3A, %eq3A : i32
    %jit3A_52 = arith.constant 1000000 : i32
    %select_n3A_53 = arith.select %eq3A_51, %jit3A_52, %mul3A_50 : i32
    %iota3A = tpu.iota {dimensions = array<i32: 0>} : vector<16xi32>
    %mul3A_54 = arith.constant 0 : i32
    %mul3A_55 = arith.constant 1024 : i32
    %mul3A_56 = arith.muli %mul3A_54, %mul3A_55 : i32
    %add3A_57 = arith.addi %mul3A_48, %mul3A_56 : i32
    %sub3A_58 = arith.constant 1024 : i32
    %sub3A_59 = arith.subi %mul3A_50, %sub3A_58 : i32
    %min3A = arith.minsi %add3A_57, %sub3A_59 : i32
    %jit3A_60 = arith.constant 0 : i32
    %jit3A_61 = arith.constant 2 : i32
    %eq3A_62 = arith.constant 0 : i32
    %eq3A_63 = arith.cmpi eq, %jit3A_61, %eq3A_62 : i32
    %jit3A_64 = arith.constant 1 : i32
    %select_n3A_65 = arith.select %eq3A_63, %jit3A_64, %jit3A_61 : i32
    %rem3A_66 = arith.remsi %jit3A_60, %select_n3A_65 : i32
    %ne3A_67 = arith.constant 0 : i32
    %ne3A_68 = arith.cmpi ne, %rem3A_66, %ne3A_67 : i32
    %lt3A = arith.constant 0 : i32
    %lt3A_69 = arith.cmpi slt, %rem3A_66, %lt3A : i32
    %lt3A_70 = arith.constant 0 : i32
    %lt3A_71 = arith.cmpi slt, %select_n3A_65, %lt3A_70 : i32
    %ne3A_72 = arith.xori %lt3A_69, %lt3A_71 : i1
    %and3A_73 = arith.andi %ne3A_72, %ne3A_68 : i1
    %add3A_74 = arith.addi %rem3A_66, %select_n3A_65 : i32
    %select_n3A_75 = arith.select %and3A_73, %add3A_74, %rem3A_66 : i32
    %mul3A_76 = arith.constant 32 : i32
    %mul3A_77 = arith.muli %select_n3A_75, %mul3A_76 : i32
    %add3A_78 = arith.constant 0 : i32
    %add3A_79 = arith.addi %mul3A_77, %add3A_78 : i32
    %dma_start3A = arith.constant 0 : i32
    %dma_start3A_80 = tpu.memref_slice %arg9[%add3A_79, %dma_start3A] : memref<64x1024xf32, #tpu.memory_space<vmem>> -> memref<8x1024xf32, #tpu.memory_space<vmem>>
    %dma_start3A_81 = arith.constant 0 : i32
    %dma_start3A_82 = tpu.memref_slice %arg3[%dma_start3A_81, %min3A] : memref<32x1000000xf32, #tpu.memory_space<hbm>> -> memref<8x1024xf32, #tpu.memory_space<hbm>>
    %dma_start3A_83 = arith.constant 0 : i32
    %dma_start3A_84 = tpu.memref_slice %arg9[%add3A_79, %dma_start3A_83] : memref<64x1024xf32, #tpu.memory_space<vmem>> -> memref<8x1024xf32, #tpu.memory_space<vmem>>
    %dma_start3A_85 = arith.constant 0 : i32
    %dma_start3A_86 = tpu.memref_slice %arg3[%dma_start3A_85, %min3A] : memref<32x1000000xf32, #tpu.memory_space<hbm>> -> memref<8x1024xf32, #tpu.memory_space<hbm>>
    tpu.enqueue_dma source(%dma_start3A_86 : memref<8x1024xf32, #tpu.memory_space<hbm>>) target(%dma_start3A_84 : memref<8x1024xf32, #tpu.memory_space<vmem>>) target_semaphore(%arg15 : memref<!tpu.dma_semaphore, #tpu.memory_space<semaphore_mem>>)
    %add3A_87 = arith.constant 8 : i32
    %add3A_88 = arith.addi %mul3A_77, %add3A_87 : i32
    %dma_start3A_89 = arith.constant 0 : i32
    %dma_start3A_90 = tpu.memref_slice %arg9[%add3A_88, %dma_start3A_89] : memref<64x1024xf32, #tpu.memory_space<vmem>> -> memref<8x1024xf32, #tpu.memory_space<vmem>>
    %dma_start3A_91 = arith.constant 8 : i32
    %dma_start3A_92 = tpu.memref_slice %arg3[%dma_start3A_91, %min3A] : memref<32x1000000xf32, #tpu.memory_space<hbm>> -> memref<8x1024xf32, #tpu.memory_space<hbm>>
    %dma_start3A_93 = arith.constant 0 : i32
    %dma_start3A_94 = tpu.memref_slice %arg9[%add3A_88, %dma_start3A_93] : memref<64x1024xf32, #tpu.memory_space<vmem>> -> memref<8x1024xf32, #tpu.memory_space<vmem>>
    %dma_start3A_95 = arith.constant 8 : i32
    %dma_start3A_96 = tpu.memref_slice %arg3[%dma_start3A_95, %min3A] : memref<32x1000000xf32, #tpu.memory_space<hbm>> -> memref<8x1024xf32, #tpu.memory_space<hbm>>
    tpu.enqueue_dma source(%dma_start3A_96 : memref<8x1024xf32, #tpu.memory_space<hbm>>) target(%dma_start3A_94 : memref<8x1024xf32, #tpu.memory_space<vmem>>) target_semaphore(%arg15 : memref<!tpu.dma_semaphore, #tpu.memory_space<semaphore_mem>>)
    %add3A_97 = arith.constant 16 : i32
    %add3A_98 = arith.addi %mul3A_77, %add3A_97 : i32
    %dma_start3A_99 = arith.constant 0 : i32
    %dma_start3A_100 = tpu.memref_slice %arg9[%add3A_98, %dma_start3A_99] : memref<64x1024xf32, #tpu.memory_space<vmem>> -> memref<8x1024xf32, #tpu.memory_space<vmem>>
    %dma_start3A_101 = arith.constant 16 : i32
    %dma_start3A_102 = tpu.memref_slice %arg3[%dma_start3A_101, %min3A] : memref<32x1000000xf32, #tpu.memory_space<hbm>> -> memref<8x1024xf32, #tpu.memory_space<hbm>>
    %dma_start3A_103 = arith.constant 0 : i32
    %dma_start3A_104 = tpu.memref_slice %arg9[%add3A_98, %dma_start3A_103] : memref<64x1024xf32, #tpu.memory_space<vmem>> -> memref<8x1024xf32, #tpu.memory_space<vmem>>
    %dma_start3A_105 = arith.constant 16 : i32
    %dma_start3A_106 = tpu.memref_slice %arg3[%dma_start3A_105, %min3A] : memref<32x1000000xf32, #tpu.memory_space<hbm>> -> memref<8x1024xf32, #tpu.memory_space<hbm>>
    tpu.enqueue_dma source(%dma_start3A_106 : memref<8x1024xf32, #tpu.memory_space<hbm>>) target(%dma_start3A_104 : memref<8x1024xf32, #tpu.memory_space<vmem>>) target_semaphore(%arg15 : memref<!tpu.dma_semaphore, #tpu.memory_space<semaphore_mem>>)
    %add3A_107 = arith.constant 24 : i32
    %add3A_108 = arith.addi %mul3A_77, %add3A_107 : i32
    %dma_start3A_109 = arith.constant 0 : i32
    %dma_start3A_110 = tpu.memref_slice %arg9[%add3A_108, %dma_start3A_109] : memref<64x1024xf32, #tpu.memory_space<vmem>> -> memref<8x1024xf32, #tpu.memory_space<vmem>>
    %dma_start3A_111 = arith.constant 24 : i32
    %dma_start3A_112 = tpu.memref_slice %arg3[%dma_start3A_111, %min3A] : memref<32x1000000xf32, #tpu.memory_space<hbm>> -> memref<8x1024xf32, #tpu.memory_space<hbm>>
    %dma_start3A_113 = arith.constant 0 : i32
    %dma_start3A_114 = tpu.memref_slice %arg9[%add3A_108, %dma_start3A_113] : memref<64x1024xf32, #tpu.memory_space<vmem>> -> memref<8x1024xf32, #tpu.memory_space<vmem>>
    %dma_start3A_115 = arith.constant 24 : i32
    %dma_start3A_116 = tpu.memref_slice %arg3[%dma_start3A_115, %min3A] : memref<32x1000000xf32, #tpu.memory_space<hbm>> -> memref<8x1024xf32, #tpu.memory_space<hbm>>
    tpu.enqueue_dma source(%dma_start3A_116 : memref<8x1024xf32, #tpu.memory_space<hbm>>) target(%dma_start3A_114 : memref<8x1024xf32, #tpu.memory_space<vmem>>) target_semaphore(%arg15 : memref<!tpu.dma_semaphore, #tpu.memory_space<semaphore_mem>>)
    %mul3A_117 = arith.constant 1 : i32
    %mul3A_118 = arith.constant 1024 : i32
    %mul3A_119 = arith.muli %mul3A_117, %mul3A_118 : i32
    %add3A_120 = arith.addi %mul3A_48, %mul3A_119 : i32
    %sub3A_121 = arith.constant 1024 : i32
    %sub3A_122 = arith.subi %mul3A_50, %sub3A_121 : i32
    %min3A_123 = arith.minsi %add3A_120, %sub3A_122 : i32
    %jit3A_124 = arith.constant 1 : i32
    %jit3A_125 = arith.constant 2 : i32
    %eq3A_126 = arith.constant 0 : i32
    %eq3A_127 = arith.cmpi eq, %jit3A_125, %eq3A_126 : i32
    %jit3A_128 = arith.constant 1 : i32
    %select_n3A_129 = arith.select %eq3A_127, %jit3A_128, %jit3A_125 : i32
    %rem3A_130 = arith.remsi %jit3A_124, %select_n3A_129 : i32
    %ne3A_131 = arith.constant 0 : i32
    %ne3A_132 = arith.cmpi ne, %rem3A_130, %ne3A_131 : i32
    %lt3A_133 = arith.constant 0 : i32
    %lt3A_134 = arith.cmpi slt, %rem3A_130, %lt3A_133 : i32
    %lt3A_135 = arith.constant 0 : i32
    %lt3A_136 = arith.cmpi slt, %select_n3A_129, %lt3A_135 : i32
    %ne3A_137 = arith.xori %lt3A_134, %lt3A_136 : i1
    %and3A_138 = arith.andi %ne3A_137, %ne3A_132 : i1
    %add3A_139 = arith.addi %rem3A_130, %select_n3A_129 : i32
    %select_n3A_140 = arith.select %and3A_138, %add3A_139, %rem3A_130 : i32
    %mul3A_141 = arith.constant 32 : i32
    %mul3A_142 = arith.muli %select_n3A_140, %mul3A_141 : i32
    %add3A_143 = arith.constant 0 : i32
    %add3A_144 = arith.addi %mul3A_142, %add3A_143 : i32
    %dma_start3A_145 = arith.constant 0 : i32
    %dma_start3A_146 = tpu.memref_slice %arg9[%add3A_144, %dma_start3A_145] : memref<64x1024xf32, #tpu.memory_space<vmem>> -> memref<8x1024xf32, #tpu.memory_space<vmem>>
    %dma_start3A_147 = arith.constant 0 : i32
    %dma_start3A_148 = tpu.memref_slice %arg3[%dma_start3A_147, %min3A_123] : memref<32x1000000xf32, #tpu.memory_space<hbm>> -> memref<8x1024xf32, #tpu.memory_space<hbm>>
    %dma_start3A_149 = arith.constant 0 : i32
    %dma_start3A_150 = tpu.memref_slice %arg9[%add3A_144, %dma_start3A_149] : memref<64x1024xf32, #tpu.memory_space<vmem>> -> memref<8x1024xf32, #tpu.memory_space<vmem>>
    %dma_start3A_151 = arith.constant 0 : i32
    %dma_start3A_152 = tpu.memref_slice %arg3[%dma_start3A_151, %min3A_123] : memref<32x1000000xf32, #tpu.memory_space<hbm>> -> memref<8x1024xf32, #tpu.memory_space<hbm>>
    tpu.enqueue_dma source(%dma_start3A_152 : memref<8x1024xf32, #tpu.memory_space<hbm>>) target(%dma_start3A_150 : memref<8x1024xf32, #tpu.memory_space<vmem>>) target_semaphore(%arg16 : memref<!tpu.dma_semaphore, #tpu.memory_space<semaphore_mem>>)
    %add3A_153 = arith.constant 8 : i32
    %add3A_154 = arith.addi %mul3A_142, %add3A_153 : i32
    %dma_start3A_155 = arith.constant 0 : i32
    %dma_start3A_156 = tpu.memref_slice %arg9[%add3A_154, %dma_start3A_155] : memref<64x1024xf32, #tpu.memory_space<vmem>> -> memref<8x1024xf32, #tpu.memory_space<vmem>>
    %dma_start3A_157 = arith.constant 8 : i32
    %dma_start3A_158 = tpu.memref_slice %arg3[%dma_start3A_157, %min3A_123] : memref<32x1000000xf32, #tpu.memory_space<hbm>> -> memref<8x1024xf32, #tpu.memory_space<hbm>>
    %dma_start3A_159 = arith.constant 0 : i32
    %dma_start3A_160 = tpu.memref_slice %arg9[%add3A_154, %dma_start3A_159] : memref<64x1024xf32, #tpu.memory_space<vmem>> -> memref<8x1024xf32, #tpu.memory_space<vmem>>
    %dma_start3A_161 = arith.constant 8 : i32
    %dma_start3A_162 = tpu.memref_slice %arg3[%dma_start3A_161, %min3A_123] : memref<32x1000000xf32, #tpu.memory_space<hbm>> -> memref<8x1024xf32, #tpu.memory_space<hbm>>
    tpu.enqueue_dma source(%dma_start3A_162 : memref<8x1024xf32, #tpu.memory_space<hbm>>) target(%dma_start3A_160 : memref<8x1024xf32, #tpu.memory_space<vmem>>) target_semaphore(%arg16 : memref<!tpu.dma_semaphore, #tpu.memory_space<semaphore_mem>>)
    %add3A_163 = arith.constant 16 : i32
    %add3A_164 = arith.addi %mul3A_142, %add3A_163 : i32
    %dma_start3A_165 = arith.constant 0 : i32
    %dma_start3A_166 = tpu.memref_slice %arg9[%add3A_164, %dma_start3A_165] : memref<64x1024xf32, #tpu.memory_space<vmem>> -> memref<8x1024xf32, #tpu.memory_space<vmem>>
    %dma_start3A_167 = arith.constant 16 : i32
    %dma_start3A_168 = tpu.memref_slice %arg3[%dma_start3A_167, %min3A_123] : memref<32x1000000xf32, #tpu.memory_space<hbm>> -> memref<8x1024xf32, #tpu.memory_space<hbm>>
    %dma_start3A_169 = arith.constant 0 : i32
    %dma_start3A_170 = tpu.memref_slice %arg9[%add3A_164, %dma_start3A_169] : memref<64x1024xf32, #tpu.memory_space<vmem>> -> memref<8x1024xf32, #tpu.memory_space<vmem>>
    %dma_start3A_171 = arith.constant 16 : i32
    %dma_start3A_172 = tpu.memref_slice %arg3[%dma_start3A_171, %min3A_123] : memref<32x1000000xf32, #tpu.memory_space<hbm>> -> memref<8x1024xf32, #tpu.memory_space<hbm>>
    tpu.enqueue_dma source(%dma_start3A_172 : memref<8x1024xf32, #tpu.memory_space<hbm>>) target(%dma_start3A_170 : memref<8x1024xf32, #tpu.memory_space<vmem>>) target_semaphore(%arg16 : memref<!tpu.dma_semaphore, #tpu.memory_space<semaphore_mem>>)
    %add3A_173 = arith.constant 24 : i32
    %add3A_174 = arith.addi %mul3A_142, %add3A_173 : i32
    %dma_start3A_175 = arith.constant 0 : i32
    %dma_start3A_176 = tpu.memref_slice %arg9[%add3A_174, %dma_start3A_175] : memref<64x1024xf32, #tpu.memory_space<vmem>> -> memref<8x1024xf32, #tpu.memory_space<vmem>>
    %dma_start3A_177 = arith.constant 24 : i32
    %dma_start3A_178 = tpu.memref_slice %arg3[%dma_start3A_177, %min3A_123] : memref<32x1000000xf32, #tpu.memory_space<hbm>> -> memref<8x1024xf32, #tpu.memory_space<hbm>>
    %dma_start3A_179 = arith.constant 0 : i32
    %dma_start3A_180 = tpu.memref_slice %arg9[%add3A_174, %dma_start3A_179] : memref<64x1024xf32, #tpu.memory_space<vmem>> -> memref<8x1024xf32, #tpu.memory_space<vmem>>
    %dma_start3A_181 = arith.constant 24 : i32
    %dma_start3A_182 = tpu.memref_slice %arg3[%dma_start3A_181, %min3A_123] : memref<32x1000000xf32, #tpu.memory_space<hbm>> -> memref<8x1024xf32, #tpu.memory_space<hbm>>
    tpu.enqueue_dma source(%dma_start3A_182 : memref<8x1024xf32, #tpu.memory_space<hbm>>) target(%dma_start3A_180 : memref<8x1024xf32, #tpu.memory_space<vmem>>) target_semaphore(%arg16 : memref<!tpu.dma_semaphore, #tpu.memory_space<semaphore_mem>>)
    %scan3A = arith.constant 0 : i32
    %scan3A_183 = arith.constant 0 : i32
    %scan3A_184 = arith.constant 132 : i32
    %scan3A_185 = arith.addi %scan3A_183, %scan3A_184 : i32
    %scan3A_186 = arith.constant 1 : i32
    %scan3A_187 = scf.for %scan3A_282 = %scan3A_183 to %scan3A_185 step %scan3A_186 iter_args(%scan3A_283 = %scan3A) -> (i32)  : i32 {
      %broadcast_in_dim3A = arith.constant -1 : i32
      %broadcast_in_dim3A_284 = vector.broadcast %broadcast_in_dim3A : i32 to vector<16xi32>
      %mul3A_285 = arith.constant 16 : i32
      %mul3A_286 = arith.muli %scan3A_282, %mul3A_285 : i32
      %swap3A = arith.index_cast %mul3A_286 : i32 to index
      %swap3A_287 = tpu.vector_load %arg7[%swap3A] {strides = array<i32>} : memref<2112xi32, #tpu.memory_space<vmem>>, vector<16xi32>,
      tpu.vector_store %arg7[%swap3A], %broadcast_in_dim3A_284 {strides = array<i32>} : memref<2112xi32, #tpu.memory_space<vmem>>, vector<16xi32>,
      %scan3A_288 = arith.constant 0 : i32
      scf.yield %scan3A_288 : i32
    }
    %scan3A_188 = arith.constant 132 : i32
    "tpu.region"() ({
      %run_scoped3A = tpu.sem_alloc : memref<!tpu.dma_semaphore, #tpu.memory_space<semaphore_mem>>
      %dma_start3A_282 = arith.constant 0 : i32
      %dma_start3A_283 = tpu.memref_slice %arg2[%dma_start3A_282] : memref<49152xi32, #tpu.memory_space<hbm>> -> memref<12288xi32, #tpu.memory_space<hbm>>
      %dma_start3A_284 = arith.constant 0 : i32
      %dma_start3A_285 = tpu.memref_slice %arg2[%dma_start3A_284] : memref<49152xi32, #tpu.memory_space<hbm>> -> memref<12288xi32, #tpu.memory_space<hbm>>
      tpu.enqueue_dma source(%dma_start3A_285 : memref<12288xi32, #tpu.memory_space<hbm>>) target(%arg6 : memref<12288xi32, #tpu.memory_space<vmem>>) target_semaphore(%run_scoped3A : memref<!tpu.dma_semaphore, #tpu.memory_space<semaphore_mem>>)
      %dma_wait3A_286 = arith.constant 0 : i32
      %dma_wait3A_287 = tpu.memref_slice %arg2[%dma_wait3A_286] : memref<49152xi32, #tpu.memory_space<hbm>> -> memref<12288xi32, #tpu.memory_space<hbm>>
      %dma_wait3A_288 = arith.constant 0 : i32
      %dma_wait3A_289 = tpu.memref_slice %arg2[%dma_wait3A_288] : memref<49152xi32, #tpu.memory_space<hbm>> -> memref<12288xi32, #tpu.memory_space<hbm>>
      tpu.wait_dma2 semaphore(%run_scoped3A : memref<!tpu.dma_semaphore, #tpu.memory_space<semaphore_mem>>) src(%dma_wait3A_289 : memref<12288xi32, #tpu.memory_space<hbm>>) dst(%arg6 : memref<12288xi32, #tpu.memory_space<vmem>>)
      tpu.yield
    }) : () -> ()
    %scan3A_189 = arith.constant 0 : i32
    %scan3A_190 = arith.constant 0 : i32
    %scan3A_191 = arith.constant 192 : i32
    %scan3A_192 = arith.addi %scan3A_190, %scan3A_191 : i32
    %scan3A_193 = arith.constant 1 : i32
    %scan3A_194 = scf.for %scan3A_282 = %scan3A_190 to %scan3A_192 step %scan3A_193 iter_args(%scan3A_283 = %scan3A_189) -> (i32)  : i32 {
      %mul3A_284 = arith.constant 4 : i32
      %mul3A_285 = arith.muli %scan3A_282, %mul3A_284 : i32
      %add3A_286 = arith.constant 0 : i32
      %add3A_287 = arith.addi %mul3A_285, %add3A_286 : i32
      %mul3A_288 = arith.constant 16 : i32
      %mul3A_289 = arith.muli %add3A_287, %mul3A_288 : i32
      %get3A = arith.index_cast %mul3A_289 : i32 to index
      %get3A_290 = tpu.vector_load %arg6[%get3A] {strides = array<i32>} : memref<12288xi32, #tpu.memory_space<vmem>>, vector<16xi32>,
      %ge3A = vector.broadcast %mul3A_48 : i32 to vector<16xi32>
      %ge3A_291 = arith.cmpi sge, %get3A_290, %ge3A : vector<16xi32>
      %lt3A_292 = vector.broadcast %select_n3A_53 : i32 to vector<16xi32>
      %lt3A_293 = arith.cmpi slt, %get3A_290, %lt3A_292 : vector<16xi32>
      %and3A_294 = arith.andi %ge3A_291, %lt3A_293 : vector<16xi1>
      %jit3A_295 = arith.constant 1 : i32
      %jit3A_296 = arith.constant 0 : i32
      %broadcast_in_dim3A = vector.broadcast %jit3A_295 : i32 to vector<16xi32>
      %broadcast_in_dim3A_297 = vector.broadcast %jit3A_296 : i32 to vector<16xi32>
      %select_n3A_298 = arith.select %and3A_294, %broadcast_in_dim3A, %broadcast_in_dim3A_297 : vector<16xi1>, vector<16xi32>
      %broadcast_in_dim3A_299 = arith.constant true
      %broadcast_in_dim3A_300 = vector.broadcast %broadcast_in_dim3A_299 : i1 to vector<16xi1>
      %masked_cumsum3A = tpu.scan <sum>, %select_n3A_298 masked %broadcast_in_dim3A_300 : vector<16xi32>, vector<16xi1> -> vector<16xi32>
      %mul3A_301 = arith.constant 4 : i32
      %mul3A_302 = arith.muli %scan3A_282, %mul3A_301 : i32
      %add3A_303 = arith.constant 1 : i32
      %add3A_304 = arith.addi %mul3A_302, %add3A_303 : i32
      %mul3A_305 = arith.constant 16 : i32
      %mul3A_306 = arith.muli %add3A_304, %mul3A_305 : i32
      %get3A_307 = arith.index_cast %mul3A_306 : i32 to index
      %get3A_308 = tpu.vector_load %arg6[%get3A_307] {strides = array<i32>} : memref<12288xi32, #tpu.memory_space<vmem>>, vector<16xi32>,
      %ge3A_309 = vector.broadcast %mul3A_48 : i32 to vector<16xi32>
      %ge3A_310 = arith.cmpi sge, %get3A_308, %ge3A_309 : vector<16xi32>
      %lt3A_311 = vector.broadcast %select_n3A_53 : i32 to vector<16xi32>
      %lt3A_312 = arith.cmpi slt, %get3A_308, %lt3A_311 : vector<16xi32>
      %and3A_313 = arith.andi %ge3A_310, %lt3A_312 : vector<16xi1>
      %jit3A_314 = arith.constant 1 : i32
      %jit3A_315 = arith.constant 0 : i32
      %broadcast_in_dim3A_316 = vector.broadcast %jit3A_314 : i32 to vector<16xi32>
      %broadcast_in_dim3A_317 = vector.broadcast %jit3A_315 : i32 to vector<16xi32>
      %select_n3A_318 = arith.select %and3A_313, %broadcast_in_dim3A_316, %broadcast_in_dim3A_317 : vector<16xi1>, vector<16xi32>
      %broadcast_in_dim3A_319 = arith.constant true
      %broadcast_in_dim3A_320 = vector.broadcast %broadcast_in_dim3A_319 : i1 to vector<16xi1>
      %masked_cumsum3A_321 = tpu.scan <sum>, %select_n3A_318 masked %broadcast_in_dim3A_320 : vector<16xi32>, vector<16xi1> -> vector<16xi32>
      %mul3A_322 = arith.constant 4 : i32
      %mul3A_323 = arith.muli %scan3A_282, %mul3A_322 : i32
      %add3A_324 = arith.constant 2 : i32
      %add3A_325 = arith.addi %mul3A_323, %add3A_324 : i32
      %mul3A_326 = arith.constant 16 : i32
      %mul3A_327 = arith.muli %add3A_325, %mul3A_326 : i32
      %get3A_328 = arith.index_cast %mul3A_327 : i32 to index
      %get3A_329 = tpu.vector_load %arg6[%get3A_328] {strides = array<i32>} : memref<12288xi32, #tpu.memory_space<vmem>>, vector<16xi32>,
      %ge3A_330 = vector.broadcast %mul3A_48 : i32 to vector<16xi32>
      %ge3A_331 = arith.cmpi sge, %get3A_329, %ge3A_330 : vector<16xi32>
      %lt3A_332 = vector.broadcast %select_n3A_53 : i32 to vector<16xi32>
      %lt3A_333 = arith.cmpi slt, %get3A_329, %lt3A_332 : vector<16xi32>
      %and3A_334 = arith.andi %ge3A_331, %lt3A_333 : vector<16xi1>
      %jit3A_335 = arith.constant 1 : i32
      %jit3A_336 = arith.constant 0 : i32
      %broadcast_in_dim3A_337 = vector.broadcast %jit3A_335 : i32 to vector<16xi32>
      %broadcast_in_dim3A_338 = vector.broadcast %jit3A_336 : i32 to vector<16xi32>
      %select_n3A_339 = arith.select %and3A_334, %broadcast_in_dim3A_337, %broadcast_in_dim3A_338 : vector<16xi1>, vector<16xi32>
      %broadcast_in_dim3A_340 = arith.constant true
      %broadcast_in_dim3A_341 = vector.broadcast %broadcast_in_dim3A_340 : i1 to vector<16xi1>
      %masked_cumsum3A_342 = tpu.scan <sum>, %select_n3A_339 masked %broadcast_in_dim3A_341 : vector<16xi32>, vector<16xi1> -> vector<16xi32>
      %mul3A_343 = arith.constant 4 : i32
      %mul3A_344 = arith.muli %scan3A_282, %mul3A_343 : i32
      %add3A_345 = arith.constant 3 : i32
      %add3A_346 = arith.addi %mul3A_344, %add3A_345 : i32
      %mul3A_347 = arith.constant 16 : i32
      %mul3A_348 = arith.muli %add3A_346, %mul3A_347 : i32
      %get3A_349 = arith.index_cast %mul3A_348 : i32 to index
      %get3A_350 = tpu.vector_load %arg6[%get3A_349] {strides = array<i32>} : memref<12288xi32, #tpu.memory_space<vmem>>, vector<16xi32>,
      %ge3A_351 = vector.broadcast %mul3A_48 : i32 to vector<16xi32>
      %ge3A_352 = arith.cmpi sge, %get3A_350, %ge3A_351 : vector<16xi32>
      %lt3A_353 = vector.broadcast %select_n3A_53 : i32 to vector<16xi32>
      %lt3A_354 = arith.cmpi slt, %get3A_350, %lt3A_353 : vector<16xi32>
      %and3A_355 = arith.andi %ge3A_352, %lt3A_354 : vector<16xi1>
      %jit3A_356 = arith.constant 1 : i32
      %jit3A_357 = arith.constant 0 : i32
      %broadcast_in_dim3A_358 = vector.broadcast %jit3A_356 : i32 to vector<16xi32>
      %broadcast_in_dim3A_359 = vector.broadcast %jit3A_357 : i32 to vector<16xi32>
      %select_n3A_360 = arith.select %and3A_355, %broadcast_in_dim3A_358, %broadcast_in_dim3A_359 : vector<16xi1>, vector<16xi32>
      %broadcast_in_dim3A_361 = arith.constant true
      %broadcast_in_dim3A_362 = vector.broadcast %broadcast_in_dim3A_361 : i1 to vector<16xi1>
      %masked_cumsum3A_363 = tpu.scan <sum>, %select_n3A_360 masked %broadcast_in_dim3A_362 : vector<16xi32>, vector<16xi1> -> vector<16xi32>
      %add3A_364 = vector.broadcast %scan3A_283 : i32 to vector<16xi32>
      %add3A_365 = arith.addi %add3A_364, %masked_cumsum3A : vector<16xi32>
      %sub3A_366 = arith.constant 1 : i32
      %sub3A_367 = vector.broadcast %sub3A_366 : i32 to vector<16xi32>
      %sub3A_368 = arith.subi %add3A_365, %sub3A_367 : vector<16xi32>
      tpu.vector_store_idx %arg7[%sub3A_368], %get3A_290 masked %and3A_294 : memref<2112xi32, #tpu.memory_space<vmem>>[vector<16xi32>], vector<16xi32>, vector<16xi1>
      %mul3A_369 = arith.constant 4 : i32
      %mul3A_370 = arith.muli %scan3A_282, %mul3A_369 : i32
      %add3A_371 = arith.constant 0 : i32
      %add3A_372 = arith.addi %mul3A_370, %add3A_371 : i32
      %mul3A_373 = arith.constant 16 : i32
      %mul3A_374 = arith.muli %add3A_372, %mul3A_373 : i32
      %add3A_375 = arith.constant 0 : i32
      %add3A_376 = arith.addi %add3A_375, %mul3A_374 : i32
      %add3A_377 = vector.broadcast %add3A_376 : i32 to vector<16xi32>
      %add3A_378 = arith.addi %add3A_377, %iota3A : vector<16xi32>
      tpu.vector_store_idx %arg8[%sub3A_368], %add3A_378 masked %and3A_294 : memref<2112xi32, #tpu.memory_space<vmem>>[vector<16xi32>], vector<16xi32>, vector<16xi1>
      %slice3A = vector.extract_strided_slice %masked_cumsum3A {offsets = [15], sizes = [1], strides = [1]} : vector<16xi32> to vector<1xi32>
      %squeeze3A = vector.extract %slice3A[0] : i32 from vector<1xi32>
      %add3A_379 = arith.addi %scan3A_283, %squeeze3A : i32
      %add3A_380 = vector.broadcast %add3A_379 : i32 to vector<16xi32>
      %add3A_381 = arith.addi %add3A_380, %masked_cumsum3A_321 : vector<16xi32>
      %sub3A_382 = arith.constant 1 : i32
      %sub3A_383 = vector.broadcast %sub3A_382 : i32 to vector<16xi32>
      %sub3A_384 = arith.subi %add3A_381, %sub3A_383 : vector<16xi32>
      tpu.vector_store_idx %arg7[%sub3A_384], %get3A_308 masked %and3A_313 : memref<2112xi32, #tpu.memory_space<vmem>>[vector<16xi32>], vector<16xi32>, vector<16xi1>
      %mul3A_385 = arith.constant 4 : i32
      %mul3A_386 = arith.muli %scan3A_282, %mul3A_385 : i32
      %add3A_387 = arith.constant 1 : i32
      %add3A_388 = arith.addi %mul3A_386, %add3A_387 : i32
      %mul3A_389 = arith.constant 16 : i32
      %mul3A_390 = arith.muli %add3A_388, %mul3A_389 : i32
      %add3A_391 = arith.constant 0 : i32
      %add3A_392 = arith.addi %add3A_391, %mul3A_390 : i32
      %add3A_393 = vector.broadcast %add3A_392 : i32 to vector<16xi32>
      %add3A_394 = arith.addi %add3A_393, %iota3A : vector<16xi32>
      tpu.vector_store_idx %arg8[%sub3A_384], %add3A_394 masked %and3A_313 : memref<2112xi32, #tpu.memory_space<vmem>>[vector<16xi32>], vector<16xi32>, vector<16xi1>
      %slice3A_395 = vector.extract_strided_slice %masked_cumsum3A_321 {offsets = [15], sizes = [1], strides = [1]} : vector<16xi32> to vector<1xi32>
      %squeeze3A_396 = vector.extract %slice3A_395[0] : i32 from vector<1xi32>
      %add3A_397 = arith.addi %add3A_379, %squeeze3A_396 : i32
      %add3A_398 = vector.broadcast %add3A_397 : i32 to vector<16xi32>
      %add3A_399 = arith.addi %add3A_398, %masked_cumsum3A_342 : vector<16xi32>
      %sub3A_400 = arith.constant 1 : i32
      %sub3A_401 = vector.broadcast %sub3A_400 : i32 to vector<16xi32>
      %sub3A_402 = arith.subi %add3A_399, %sub3A_401 : vector<16xi32>
      tpu.vector_store_idx %arg7[%sub3A_402], %get3A_329 masked %and3A_334 : memref<2112xi32, #tpu.memory_space<vmem>>[vector<16xi32>], vector<16xi32>, vector<16xi1>
      %mul3A_403 = arith.constant 4 : i32
      %mul3A_404 = arith.muli %scan3A_282, %mul3A_403 : i32
      %add3A_405 = arith.constant 2 : i32
      %add3A_406 = arith.addi %mul3A_404, %add3A_405 : i32
      %mul3A_407 = arith.constant 16 : i32
      %mul3A_408 = arith.muli %add3A_406, %mul3A_407 : i32
      %add3A_409 = arith.constant 0 : i32
      %add3A_410 = arith.addi %add3A_409, %mul3A_408 : i32
      %add3A_411 = vector.broadcast %add3A_410 : i32 to vector<16xi32>
      %add3A_412 = arith.addi %add3A_411, %iota3A : vector<16xi32>
      tpu.vector_store_idx %arg8[%sub3A_402], %add3A_412 masked %and3A_334 : memref<2112xi32, #tpu.memory_space<vmem>>[vector<16xi32>], vector<16xi32>, vector<16xi1>
      %slice3A_413 = vector.extract_strided_slice %masked_cumsum3A_342 {offsets = [15], sizes = [1], strides = [1]} : vector<16xi32> to vector<1xi32>
      %squeeze3A_414 = vector.extract %slice3A_413[0] : i32 from vector<1xi32>
      %add3A_415 = arith.addi %add3A_397, %squeeze3A_414 : i32
      %add3A_416 = vector.broadcast %add3A_415 : i32 to vector<16xi32>
      %add3A_417 = arith.addi %add3A_416, %masked_cumsum3A_363 : vector<16xi32>
      %sub3A_418 = arith.constant 1 : i32
      %sub3A_419 = vector.broadcast %sub3A_418 : i32 to vector<16xi32>
      %sub3A_420 = arith.subi %add3A_417, %sub3A_419 : vector<16xi32>
      tpu.vector_store_idx %arg7[%sub3A_420], %get3A_350 masked %and3A_355 : memref<2112xi32, #tpu.memory_space<vmem>>[vector<16xi32>], vector<16xi32>, vector<16xi1>
      %mul3A_421 = arith.constant 4 : i32
      %mul3A_422 = arith.muli %scan3A_282, %mul3A_421 : i32
      %add3A_423 = arith.constant 3 : i32
      %add3A_424 = arith.addi %mul3A_422, %add3A_423 : i32
      %mul3A_425 = arith.constant 16 : i32
      %mul3A_426 = arith.muli %add3A_424, %mul3A_425 : i32
      %add3A_427 = arith.constant 0 : i32
      %add3A_428 = arith.addi %add3A_427, %mul3A_426 : i32
      %add3A_429 = vector.broadcast %add3A_428 : i32 to vector<16xi32>
      %add3A_430 = arith.addi %add3A_429, %iota3A : vector<16xi32>
      tpu.vector_store_idx %arg8[%sub3A_420], %add3A_430 masked %and3A_355 : memref<2112xi32, #tpu.memory_space<vmem>>[vector<16xi32>], vector<16xi32>, vector<16xi1>
      %slice3A_431 = vector.extract_strided_slice %masked_cumsum3A_363 {offsets = [15], sizes = [1], strides = [1]} : vector<16xi32> to vector<1xi32>
      %squeeze3A_432 = vector.extract %slice3A_431[0] : i32 from vector<1xi32>
      %add3A_433 = arith.addi %add3A_415, %squeeze3A_432 : i32
      scf.yield %add3A_433 : i32
    }
    %scan3A_195 = arith.constant 192 : i32
    "tpu.region"() ({
      %run_scoped3A = tpu.sem_alloc : memref<!tpu.dma_semaphore, #tpu.memory_space<semaphore_mem>>
      %dma_start3A_282 = arith.constant 12288 : i32
      %dma_start3A_283 = tpu.memref_slice %arg2[%dma_start3A_282] : memref<49152xi32, #tpu.memory_space<hbm>> -> memref<12288xi32, #tpu.memory_space<hbm>>
      %dma_start3A_284 = arith.constant 12288 : i32
      %dma_start3A_285 = tpu.memref_slice %arg2[%dma_start3A_284] : memref<49152xi32, #tpu.memory_space<hbm>> -> memref<12288xi32, #tpu.memory_space<hbm>>
      tpu.enqueue_dma source(%dma_start3A_285 : memref<12288xi32, #tpu.memory_space<hbm>>) target(%arg6 : memref<12288xi32, #tpu.memory_space<vmem>>) target_semaphore(%run_scoped3A : memref<!tpu.dma_semaphore, #tpu.memory_space<semaphore_mem>>)
      %dma_wait3A_286 = arith.constant 12288 : i32
      %dma_wait3A_287 = tpu.memref_slice %arg2[%dma_wait3A_286] : memref<49152xi32, #tpu.memory_space<hbm>> -> memref<12288xi32, #tpu.memory_space<hbm>>
      %dma_wait3A_288 = arith.constant 12288 : i32
      %dma_wait3A_289 = tpu.memref_slice %arg2[%dma_wait3A_288] : memref<49152xi32, #tpu.memory_space<hbm>> -> memref<12288xi32, #tpu.memory_space<hbm>>
      tpu.wait_dma2 semaphore(%run_scoped3A : memref<!tpu.dma_semaphore, #tpu.memory_space<semaphore_mem>>) src(%dma_wait3A_289 : memref<12288xi32, #tpu.memory_space<hbm>>) dst(%arg6 : memref<12288xi32, #tpu.memory_space<vmem>>)
      tpu.yield
    }) : () -> ()
    %scan3A_196 = arith.constant 0 : i32
    %scan3A_197 = arith.constant 192 : i32
    %scan3A_198 = arith.addi %scan3A_196, %scan3A_197 : i32
    %scan3A_199 = arith.constant 1 : i32
    %scan3A_200 = scf.for %scan3A_282 = %scan3A_196 to %scan3A_198 step %scan3A_199 iter_args(%scan3A_283 = %scan3A_194) -> (i32)  : i32 {
      %mul3A_284 = arith.constant 4 : i32
      %mul3A_285 = arith.muli %scan3A_282, %mul3A_284 : i32
      %add3A_286 = arith.constant 0 : i32
      %add3A_287 = arith.addi %mul3A_285, %add3A_286 : i32
      %mul3A_288 = arith.constant 16 : i32
      %mul3A_289 = arith.muli %add3A_287, %mul3A_288 : i32
      %get3A = arith.index_cast %mul3A_289 : i32 to index
      %get3A_290 = tpu.vector_load %arg6[%get3A] {strides = array<i32>} : memref<12288xi32, #tpu.memory_space<vmem>>, vector<16xi32>,
      %ge3A = vector.broadcast %mul3A_48 : i32 to vector<16xi32>
      %ge3A_291 = arith.cmpi sge, %get3A_290, %ge3A : vector<16xi32>
      %lt3A_292 = vector.broadcast %select_n3A_53 : i32 to vector<16xi32>
      %lt3A_293 = arith.cmpi slt, %get3A_290, %lt3A_292 : vector<16xi32>
      %and3A_294 = arith.andi %ge3A_291, %lt3A_293 : vector<16xi1>
      %jit3A_295 = arith.constant 1 : i32
      %jit3A_296 = arith.constant 0 : i32
      %broadcast_in_dim3A = vector.broadcast %jit3A_295 : i32 to vector<16xi32>
      %broadcast_in_dim3A_297 = vector.broadcast %jit3A_296 : i32 to vector<16xi32>
      %select_n3A_298 = arith.select %and3A_294, %broadcast_in_dim3A, %broadcast_in_dim3A_297 : vector<16xi1>, vector<16xi32>
      %broadcast_in_dim3A_299 = arith.constant true
      %broadcast_in_dim3A_300 = vector.broadcast %broadcast_in_dim3A_299 : i1 to vector<16xi1>
      %masked_cumsum3A = tpu.scan <sum>, %select_n3A_298 masked %broadcast_in_dim3A_300 : vector<16xi32>, vector<16xi1> -> vector<16xi32>
      %mul3A_301 = arith.constant 4 : i32
      %mul3A_302 = arith.muli %scan3A_282, %mul3A_301 : i32
      %add3A_303 = arith.constant 1 : i32
      %add3A_304 = arith.addi %mul3A_302, %add3A_303 : i32
      %mul3A_305 = arith.constant 16 : i32
      %mul3A_306 = arith.muli %add3A_304, %mul3A_305 : i32
      %get3A_307 = arith.index_cast %mul3A_306 : i32 to index
      %get3A_308 = tpu.vector_load %arg6[%get3A_307] {strides = array<i32>} : memref<12288xi32, #tpu.memory_space<vmem>>, vector<16xi32>,
      %ge3A_309 = vector.broadcast %mul3A_48 : i32 to vector<16xi32>
      %ge3A_310 = arith.cmpi sge, %get3A_308, %ge3A_309 : vector<16xi32>
      %lt3A_311 = vector.broadcast %select_n3A_53 : i32 to vector<16xi32>
      %lt3A_312 = arith.cmpi slt, %get3A_308, %lt3A_311 : vector<16xi32>
      %and3A_313 = arith.andi %ge3A_310, %lt3A_312 : vector<16xi1>
      %jit3A_314 = arith.constant 1 : i32
      %jit3A_315 = arith.constant 0 : i32
      %broadcast_in_dim3A_316 = vector.broadcast %jit3A_314 : i32 to vector<16xi32>
      %broadcast_in_dim3A_317 = vector.broadcast %jit3A_315 : i32 to vector<16xi32>
      %select_n3A_318 = arith.select %and3A_313, %broadcast_in_dim3A_316, %broadcast_in_dim3A_317 : vector<16xi1>, vector<16xi32>
      %broadcast_in_dim3A_319 = arith.constant true
      %broadcast_in_dim3A_320 = vector.broadcast %broadcast_in_dim3A_319 : i1 to vector<16xi1>
      %masked_cumsum3A_321 = tpu.scan <sum>, %select_n3A_318 masked %broadcast_in_dim3A_320 : vector<16xi32>, vector<16xi1> -> vector<16xi32>
      %mul3A_322 = arith.constant 4 : i32
      %mul3A_323 = arith.muli %scan3A_282, %mul3A_322 : i32
      %add3A_324 = arith.constant 2 : i32
      %add3A_325 = arith.addi %mul3A_323, %add3A_324 : i32
      %mul3A_326 = arith.constant 16 : i32
      %mul3A_327 = arith.muli %add3A_325, %mul3A_326 : i32
      %get3A_328 = arith.index_cast %mul3A_327 : i32 to index
      %get3A_329 = tpu.vector_load %arg6[%get3A_328] {strides = array<i32>} : memref<12288xi32, #tpu.memory_space<vmem>>, vector<16xi32>,
      %ge3A_330 = vector.broadcast %mul3A_48 : i32 to vector<16xi32>
      %ge3A_331 = arith.cmpi sge, %get3A_329, %ge3A_330 : vector<16xi32>
      %lt3A_332 = vector.broadcast %select_n3A_53 : i32 to vector<16xi32>
      %lt3A_333 = arith.cmpi slt, %get3A_329, %lt3A_332 : vector<16xi32>
      %and3A_334 = arith.andi %ge3A_331, %lt3A_333 : vector<16xi1>
      %jit3A_335 = arith.constant 1 : i32
      %jit3A_336 = arith.constant 0 : i32
      %broadcast_in_dim3A_337 = vector.broadcast %jit3A_335 : i32 to vector<16xi32>
      %broadcast_in_dim3A_338 = vector.broadcast %jit3A_336 : i32 to vector<16xi32>
      %select_n3A_339 = arith.select %and3A_334, %broadcast_in_dim3A_337, %broadcast_in_dim3A_338 : vector<16xi1>, vector<16xi32>
      %broadcast_in_dim3A_340 = arith.constant true
      %broadcast_in_dim3A_341 = vector.broadcast %broadcast_in_dim3A_340 : i1 to vector<16xi1>
      %masked_cumsum3A_342 = tpu.scan <sum>, %select_n3A_339 masked %broadcast_in_dim3A_341 : vector<16xi32>, vector<16xi1> -> vector<16xi32>
      %mul3A_343 = arith.constant 4 : i32
      %mul3A_344 = arith.muli %scan3A_282, %mul3A_343 : i32
      %add3A_345 = arith.constant 3 : i32
      %add3A_346 = arith.addi %mul3A_344, %add3A_345 : i32
      %mul3A_347 = arith.constant 16 : i32
      %mul3A_348 = arith.muli %add3A_346, %mul3A_347 : i32
      %get3A_349 = arith.index_cast %mul3A_348 : i32 to index
      %get3A_350 = tpu.vector_load %arg6[%get3A_349] {strides = array<i32>} : memref<12288xi32, #tpu.memory_space<vmem>>, vector<16xi32>,
      %ge3A_351 = vector.broadcast %mul3A_48 : i32 to vector<16xi32>
      %ge3A_352 = arith.cmpi sge, %get3A_350, %ge3A_351 : vector<16xi32>
      %lt3A_353 = vector.broadcast %select_n3A_53 : i32 to vector<16xi32>
      %lt3A_354 = arith.cmpi slt, %get3A_350, %lt3A_353 : vector<16xi32>
      %and3A_355 = arith.andi %ge3A_352, %lt3A_354 : vector<16xi1>
      %jit3A_356 = arith.constant 1 : i32
      %jit3A_357 = arith.constant 0 : i32
      %broadcast_in_dim3A_358 = vector.broadcast %jit3A_356 : i32 to vector<16xi32>
      %broadcast_in_dim3A_359 = vector.broadcast %jit3A_357 : i32 to vector<16xi32>
      %select_n3A_360 = arith.select %and3A_355, %broadcast_in_dim3A_358, %broadcast_in_dim3A_359 : vector<16xi1>, vector<16xi32>
      %broadcast_in_dim3A_361 = arith.constant true
      %broadcast_in_dim3A_362 = vector.broadcast %broadcast_in_dim3A_361 : i1 to vector<16xi1>
      %masked_cumsum3A_363 = tpu.scan <sum>, %select_n3A_360 masked %broadcast_in_dim3A_362 : vector<16xi32>, vector<16xi1> -> vector<16xi32>
      %add3A_364 = vector.broadcast %scan3A_283 : i32 to vector<16xi32>
      %add3A_365 = arith.addi %add3A_364, %masked_cumsum3A : vector<16xi32>
      %sub3A_366 = arith.constant 1 : i32
      %sub3A_367 = vector.broadcast %sub3A_366 : i32 to vector<16xi32>
      %sub3A_368 = arith.subi %add3A_365, %sub3A_367 : vector<16xi32>
      tpu.vector_store_idx %arg7[%sub3A_368], %get3A_290 masked %and3A_294 : memref<2112xi32, #tpu.memory_space<vmem>>[vector<16xi32>], vector<16xi32>, vector<16xi1>
      %mul3A_369 = arith.constant 4 : i32
      %mul3A_370 = arith.muli %scan3A_282, %mul3A_369 : i32
      %add3A_371 = arith.constant 0 : i32
      %add3A_372 = arith.addi %mul3A_370, %add3A_371 : i32
      %mul3A_373 = arith.constant 16 : i32
      %mul3A_374 = arith.muli %add3A_372, %mul3A_373 : i32
      %add3A_375 = arith.constant 12288 : i32
      %add3A_376 = arith.addi %add3A_375, %mul3A_374 : i32
      %add3A_377 = vector.broadcast %add3A_376 : i32 to vector<16xi32>
      %add3A_378 = arith.addi %add3A_377, %iota3A : vector<16xi32>
      tpu.vector_store_idx %arg8[%sub3A_368], %add3A_378 masked %and3A_294 : memref<2112xi32, #tpu.memory_space<vmem>>[vector<16xi32>], vector<16xi32>, vector<16xi1>
      %slice3A = vector.extract_strided_slice %masked_cumsum3A {offsets = [15], sizes = [1], strides = [1]} : vector<16xi32> to vector<1xi32>
      %squeeze3A = vector.extract %slice3A[0] : i32 from vector<1xi32>
      %add3A_379 = arith.addi %scan3A_283, %squeeze3A : i32
      %add3A_380 = vector.broadcast %add3A_379 : i32 to vector<16xi32>
      %add3A_381 = arith.addi %add3A_380, %masked_cumsum3A_321 : vector<16xi32>
      %sub3A_382 = arith.constant 1 : i32
      %sub3A_383 = vector.broadcast %sub3A_382 : i32 to vector<16xi32>
      %sub3A_384 = arith.subi %add3A_381, %sub3A_383 : vector<16xi32>
      tpu.vector_store_idx %arg7[%sub3A_384], %get3A_308 masked %and3A_313 : memref<2112xi32, #tpu.memory_space<vmem>>[vector<16xi32>], vector<16xi32>, vector<16xi1>
      %mul3A_385 = arith.constant 4 : i32
      %mul3A_386 = arith.muli %scan3A_282, %mul3A_385 : i32
      %add3A_387 = arith.constant 1 : i32
      %add3A_388 = arith.addi %mul3A_386, %add3A_387 : i32
      %mul3A_389 = arith.constant 16 : i32
      %mul3A_390 = arith.muli %add3A_388, %mul3A_389 : i32
      %add3A_391 = arith.constant 12288 : i32
      %add3A_392 = arith.addi %add3A_391, %mul3A_390 : i32
      %add3A_393 = vector.broadcast %add3A_392 : i32 to vector<16xi32>
      %add3A_394 = arith.addi %add3A_393, %iota3A : vector<16xi32>
      tpu.vector_store_idx %arg8[%sub3A_384], %add3A_394 masked %and3A_313 : memref<2112xi32, #tpu.memory_space<vmem>>[vector<16xi32>], vector<16xi32>, vector<16xi1>
      %slice3A_395 = vector.extract_strided_slice %masked_cumsum3A_321 {offsets = [15], sizes = [1], strides = [1]} : vector<16xi32> to vector<1xi32>
      %squeeze3A_396 = vector.extract %slice3A_395[0] : i32 from vector<1xi32>
      %add3A_397 = arith.addi %add3A_379, %squeeze3A_396 : i32
      %add3A_398 = vector.broadcast %add3A_397 : i32 to vector<16xi32>
      %add3A_399 = arith.addi %add3A_398, %masked_cumsum3A_342 : vector<16xi32>
      %sub3A_400 = arith.constant 1 : i32
      %sub3A_401 = vector.broadcast %sub3A_400 : i32 to vector<16xi32>
      %sub3A_402 = arith.subi %add3A_399, %sub3A_401 : vector<16xi32>
      tpu.vector_store_idx %arg7[%sub3A_402], %get3A_329 masked %and3A_334 : memref<2112xi32, #tpu.memory_space<vmem>>[vector<16xi32>], vector<16xi32>, vector<16xi1>
      %mul3A_403 = arith.constant 4 : i32
      %mul3A_404 = arith.muli %scan3A_282, %mul3A_403 : i32
      %add3A_405 = arith.constant 2 : i32
      %add3A_406 = arith.addi %mul3A_404, %add3A_405 : i32
      %mul3A_407 = arith.constant 16 : i32
      %mul3A_408 = arith.muli %add3A_406, %mul3A_407 : i32
      %add3A_409 = arith.constant 12288 : i32
      %add3A_410 = arith.addi %add3A_409, %mul3A_408 : i32
      %add3A_411 = vector.broadcast %add3A_410 : i32 to vector<16xi32>
      %add3A_412 = arith.addi %add3A_411, %iota3A : vector<16xi32>
      tpu.vector_store_idx %arg8[%sub3A_402], %add3A_412 masked %and3A_334 : memref<2112xi32, #tpu.memory_space<vmem>>[vector<16xi32>], vector<16xi32>, vector<16xi1>
      %slice3A_413 = vector.extract_strided_slice %masked_cumsum3A_342 {offsets = [15], sizes = [1], strides = [1]} : vector<16xi32> to vector<1xi32>
      %squeeze3A_414 = vector.extract %slice3A_413[0] : i32 from vector<1xi32>
      %add3A_415 = arith.addi %add3A_397, %squeeze3A_414 : i32
      %add3A_416 = vector.broadcast %add3A_415 : i32 to vector<16xi32>
      %add3A_417 = arith.addi %add3A_416, %masked_cumsum3A_363 : vector<16xi32>
      %sub3A_418 = arith.constant 1 : i32
      %sub3A_419 = vector.broadcast %sub3A_418 : i32 to vector<16xi32>
      %sub3A_420 = arith.subi %add3A_417, %sub3A_419 : vector<16xi32>
      tpu.vector_store_idx %arg7[%sub3A_420], %get3A_350 masked %and3A_355 : memref<2112xi32, #tpu.memory_space<vmem>>[vector<16xi32>], vector<16xi32>, vector<16xi1>
      %mul3A_421 = arith.constant 4 : i32
      %mul3A_422 = arith.muli %scan3A_282, %mul3A_421 : i32
      %add3A_423 = arith.constant 3 : i32
      %add3A_424 = arith.addi %mul3A_422, %add3A_423 : i32
      %mul3A_425 = arith.constant 16 : i32
      %mul3A_426 = arith.muli %add3A_424, %mul3A_425 : i32
      %add3A_427 = arith.constant 12288 : i32
      %add3A_428 = arith.addi %add3A_427, %mul3A_426 : i32
      %add3A_429 = vector.broadcast %add3A_428 : i32 to vector<16xi32>
      %add3A_430 = arith.addi %add3A_429, %iota3A : vector<16xi32>
      tpu.vector_store_idx %arg8[%sub3A_420], %add3A_430 masked %and3A_355 : memref<2112xi32, #tpu.memory_space<vmem>>[vector<16xi32>], vector<16xi32>, vector<16xi1>
      %slice3A_431 = vector.extract_strided_slice %masked_cumsum3A_363 {offsets = [15], sizes = [1], strides = [1]} : vector<16xi32> to vector<1xi32>
      %squeeze3A_432 = vector.extract %slice3A_431[0] : i32 from vector<1xi32>
      %add3A_433 = arith.addi %add3A_415, %squeeze3A_432 : i32
      scf.yield %add3A_433 : i32
    }
    %scan3A_201 = arith.constant 192 : i32
    "tpu.region"() ({
      %run_scoped3A = tpu.sem_alloc : memref<!tpu.dma_semaphore, #tpu.memory_space<semaphore_mem>>
      %dma_start3A_282 = arith.constant 24576 : i32
      %dma_start3A_283 = tpu.memref_slice %arg2[%dma_start3A_282] : memref<49152xi32, #tpu.memory_space<hbm>> -> memref<12288xi32, #tpu.memory_space<hbm>>
      %dma_start3A_284 = arith.constant 24576 : i32
      %dma_start3A_285 = tpu.memref_slice %arg2[%dma_start3A_284] : memref<49152xi32, #tpu.memory_space<hbm>> -> memref<12288xi32, #tpu.memory_space<hbm>>
      tpu.enqueue_dma source(%dma_start3A_285 : memref<12288xi32, #tpu.memory_space<hbm>>) target(%arg6 : memref<12288xi32, #tpu.memory_space<vmem>>) target_semaphore(%run_scoped3A : memref<!tpu.dma_semaphore, #tpu.memory_space<semaphore_mem>>)
      %dma_wait3A_286 = arith.constant 24576 : i32
      %dma_wait3A_287 = tpu.memref_slice %arg2[%dma_wait3A_286] : memref<49152xi32, #tpu.memory_space<hbm>> -> memref<12288xi32, #tpu.memory_space<hbm>>
      %dma_wait3A_288 = arith.constant 24576 : i32
      %dma_wait3A_289 = tpu.memref_slice %arg2[%dma_wait3A_288] : memref<49152xi32, #tpu.memory_space<hbm>> -> memref<12288xi32, #tpu.memory_space<hbm>>
      tpu.wait_dma2 semaphore(%run_scoped3A : memref<!tpu.dma_semaphore, #tpu.memory_space<semaphore_mem>>) src(%dma_wait3A_289 : memref<12288xi32, #tpu.memory_space<hbm>>) dst(%arg6 : memref<12288xi32, #tpu.memory_space<vmem>>)
      tpu.yield
    }) : () -> ()
    %scan3A_202 = arith.constant 0 : i32
    %scan3A_203 = arith.constant 192 : i32
    %scan3A_204 = arith.addi %scan3A_202, %scan3A_203 : i32
    %scan3A_205 = arith.constant 1 : i32
    %scan3A_206 = scf.for %scan3A_282 = %scan3A_202 to %scan3A_204 step %scan3A_205 iter_args(%scan3A_283 = %scan3A_200) -> (i32)  : i32 {
      %mul3A_284 = arith.constant 4 : i32
      %mul3A_285 = arith.muli %scan3A_282, %mul3A_284 : i32
      %add3A_286 = arith.constant 0 : i32
      %add3A_287 = arith.addi %mul3A_285, %add3A_286 : i32
      %mul3A_288 = arith.constant 16 : i32
      %mul3A_289 = arith.muli %add3A_287, %mul3A_288 : i32
      %get3A = arith.index_cast %mul3A_289 : i32 to index
      %get3A_290 = tpu.vector_load %arg6[%get3A] {strides = array<i32>} : memref<12288xi32, #tpu.memory_space<vmem>>, vector<16xi32>,
      %ge3A = vector.broadcast %mul3A_48 : i32 to vector<16xi32>
      %ge3A_291 = arith.cmpi sge, %get3A_290, %ge3A : vector<16xi32>
      %lt3A_292 = vector.broadcast %select_n3A_53 : i32 to vector<16xi32>
      %lt3A_293 = arith.cmpi slt, %get3A_290, %lt3A_292 : vector<16xi32>
      %and3A_294 = arith.andi %ge3A_291, %lt3A_293 : vector<16xi1>
      %jit3A_295 = arith.constant 1 : i32
      %jit3A_296 = arith.constant 0 : i32
      %broadcast_in_dim3A = vector.broadcast %jit3A_295 : i32 to vector<16xi32>
      %broadcast_in_dim3A_297 = vector.broadcast %jit3A_296 : i32 to vector<16xi32>
      %select_n3A_298 = arith.select %and3A_294, %broadcast_in_dim3A, %broadcast_in_dim3A_297 : vector<16xi1>, vector<16xi32>
      %broadcast_in_dim3A_299 = arith.constant true
      %broadcast_in_dim3A_300 = vector.broadcast %broadcast_in_dim3A_299 : i1 to vector<16xi1>
      %masked_cumsum3A = tpu.scan <sum>, %select_n3A_298 masked %broadcast_in_dim3A_300 : vector<16xi32>, vector<16xi1> -> vector<16xi32>
      %mul3A_301 = arith.constant 4 : i32
      %mul3A_302 = arith.muli %scan3A_282, %mul3A_301 : i32
      %add3A_303 = arith.constant 1 : i32
      %add3A_304 = arith.addi %mul3A_302, %add3A_303 : i32
      %mul3A_305 = arith.constant 16 : i32
      %mul3A_306 = arith.muli %add3A_304, %mul3A_305 : i32
      %get3A_307 = arith.index_cast %mul3A_306 : i32 to index
      %get3A_308 = tpu.vector_load %arg6[%get3A_307] {strides = array<i32>} : memref<12288xi32, #tpu.memory_space<vmem>>, vector<16xi32>,
      %ge3A_309 = vector.broadcast %mul3A_48 : i32 to vector<16xi32>
      %ge3A_310 = arith.cmpi sge, %get3A_308, %ge3A_309 : vector<16xi32>
      %lt3A_311 = vector.broadcast %select_n3A_53 : i32 to vector<16xi32>
      %lt3A_312 = arith.cmpi slt, %get3A_308, %lt3A_311 : vector<16xi32>
      %and3A_313 = arith.andi %ge3A_310, %lt3A_312 : vector<16xi1>
      %jit3A_314 = arith.constant 1 : i32
      %jit3A_315 = arith.constant 0 : i32
      %broadcast_in_dim3A_316 = vector.broadcast %jit3A_314 : i32 to vector<16xi32>
      %broadcast_in_dim3A_317 = vector.broadcast %jit3A_315 : i32 to vector<16xi32>
      %select_n3A_318 = arith.select %and3A_313, %broadcast_in_dim3A_316, %broadcast_in_dim3A_317 : vector<16xi1>, vector<16xi32>
      %broadcast_in_dim3A_319 = arith.constant true
      %broadcast_in_dim3A_320 = vector.broadcast %broadcast_in_dim3A_319 : i1 to vector<16xi1>
      %masked_cumsum3A_321 = tpu.scan <sum>, %select_n3A_318 masked %broadcast_in_dim3A_320 : vector<16xi32>, vector<16xi1> -> vector<16xi32>
      %mul3A_322 = arith.constant 4 : i32
      %mul3A_323 = arith.muli %scan3A_282, %mul3A_322 : i32
      %add3A_324 = arith.constant 2 : i32
      %add3A_325 = arith.addi %mul3A_323, %add3A_324 : i32
      %mul3A_326 = arith.constant 16 : i32
      %mul3A_327 = arith.muli %add3A_325, %mul3A_326 : i32
      %get3A_328 = arith.index_cast %mul3A_327 : i32 to index
      %get3A_329 = tpu.vector_load %arg6[%get3A_328] {strides = array<i32>} : memref<12288xi32, #tpu.memory_space<vmem>>, vector<16xi32>,
      %ge3A_330 = vector.broadcast %mul3A_48 : i32 to vector<16xi32>
      %ge3A_331 = arith.cmpi sge, %get3A_329, %ge3A_330 : vector<16xi32>
      %lt3A_332 = vector.broadcast %select_n3A_53 : i32 to vector<16xi32>
      %lt3A_333 = arith.cmpi slt, %get3A_329, %lt3A_332 : vector<16xi32>
      %and3A_334 = arith.andi %ge3A_331, %lt3A_333 : vector<16xi1>
      %jit3A_335 = arith.constant 1 : i32
      %jit3A_336 = arith.constant 0 : i32
      %broadcast_in_dim3A_337 = vector.broadcast %jit3A_335 : i32 to vector<16xi32>
      %broadcast_in_dim3A_338 = vector.broadcast %jit3A_336 : i32 to vector<16xi32>
      %select_n3A_339 = arith.select %and3A_334, %broadcast_in_dim3A_337, %broadcast_in_dim3A_338 : vector<16xi1>, vector<16xi32>
      %broadcast_in_dim3A_340 = arith.constant true
      %broadcast_in_dim3A_341 = vector.broadcast %broadcast_in_dim3A_340 : i1 to vector<16xi1>
      %masked_cumsum3A_342 = tpu.scan <sum>, %select_n3A_339 masked %broadcast_in_dim3A_341 : vector<16xi32>, vector<16xi1> -> vector<16xi32>
      %mul3A_343 = arith.constant 4 : i32
      %mul3A_344 = arith.muli %scan3A_282, %mul3A_343 : i32
      %add3A_345 = arith.constant 3 : i32
      %add3A_346 = arith.addi %mul3A_344, %add3A_345 : i32
      %mul3A_347 = arith.constant 16 : i32
      %mul3A_348 = arith.muli %add3A_346, %mul3A_347 : i32
      %get3A_349 = arith.index_cast %mul3A_348 : i32 to index
      %get3A_350 = tpu.vector_load %arg6[%get3A_349] {strides = array<i32>} : memref<12288xi32, #tpu.memory_space<vmem>>, vector<16xi32>,
      %ge3A_351 = vector.broadcast %mul3A_48 : i32 to vector<16xi32>
      %ge3A_352 = arith.cmpi sge, %get3A_350, %ge3A_351 : vector<16xi32>
      %lt3A_353 = vector.broadcast %select_n3A_53 : i32 to vector<16xi32>
      %lt3A_354 = arith.cmpi slt, %get3A_350, %lt3A_353 : vector<16xi32>
      %and3A_355 = arith.andi %ge3A_352, %lt3A_354 : vector<16xi1>
      %jit3A_356 = arith.constant 1 : i32
      %jit3A_357 = arith.constant 0 : i32
      %broadcast_in_dim3A_358 = vector.broadcast %jit3A_356 : i32 to vector<16xi32>
      %broadcast_in_dim3A_359 = vector.broadcast %jit3A_357 : i32 to vector<16xi32>
      %select_n3A_360 = arith.select %and3A_355, %broadcast_in_dim3A_358, %broadcast_in_dim3A_359 : vector<16xi1>, vector<16xi32>
      %broadcast_in_dim3A_361 = arith.constant true
      %broadcast_in_dim3A_362 = vector.broadcast %broadcast_in_dim3A_361 : i1 to vector<16xi1>
      %masked_cumsum3A_363 = tpu.scan <sum>, %select_n3A_360 masked %broadcast_in_dim3A_362 : vector<16xi32>, vector<16xi1> -> vector<16xi32>
      %add3A_364 = vector.broadcast %scan3A_283 : i32 to vector<16xi32>
      %add3A_365 = arith.addi %add3A_364, %masked_cumsum3A : vector<16xi32>
      %sub3A_366 = arith.constant 1 : i32
      %sub3A_367 = vector.broadcast %sub3A_366 : i32 to vector<16xi32>
      %sub3A_368 = arith.subi %add3A_365, %sub3A_367 : vector<16xi32>
      tpu.vector_store_idx %arg7[%sub3A_368], %get3A_290 masked %and3A_294 : memref<2112xi32, #tpu.memory_space<vmem>>[vector<16xi32>], vector<16xi32>, vector<16xi1>
      %mul3A_369 = arith.constant 4 : i32
      %mul3A_370 = arith.muli %scan3A_282, %mul3A_369 : i32
      %add3A_371 = arith.constant 0 : i32
      %add3A_372 = arith.addi %mul3A_370, %add3A_371 : i32
      %mul3A_373 = arith.constant 16 : i32
      %mul3A_374 = arith.muli %add3A_372, %mul3A_373 : i32
      %add3A_375 = arith.constant 24576 : i32
      %add3A_376 = arith.addi %add3A_375, %mul3A_374 : i32
      %add3A_377 = vector.broadcast %add3A_376 : i32 to vector<16xi32>
      %add3A_378 = arith.addi %add3A_377, %iota3A : vector<16xi32>
      tpu.vector_store_idx %arg8[%sub3A_368], %add3A_378 masked %and3A_294 : memref<2112xi32, #tpu.memory_space<vmem>>[vector<16xi32>], vector<16xi32>, vector<16xi1>
      %slice3A = vector.extract_strided_slice %masked_cumsum3A {offsets = [15], sizes = [1], strides = [1]} : vector<16xi32> to vector<1xi32>
      %squeeze3A = vector.extract %slice3A[0] : i32 from vector<1xi32>
      %add3A_379 = arith.addi %scan3A_283, %squeeze3A : i32
      %add3A_380 = vector.broadcast %add3A_379 : i32 to vector<16xi32>
      %add3A_381 = arith.addi %add3A_380, %masked_cumsum3A_321 : vector<16xi32>
      %sub3A_382 = arith.constant 1 : i32
      %sub3A_383 = vector.broadcast %sub3A_382 : i32 to vector<16xi32>
      %sub3A_384 = arith.subi %add3A_381, %sub3A_383 : vector<16xi32>
      tpu.vector_store_idx %arg7[%sub3A_384], %get3A_308 masked %and3A_313 : memref<2112xi32, #tpu.memory_space<vmem>>[vector<16xi32>], vector<16xi32>, vector<16xi1>
      %mul3A_385 = arith.constant 4 : i32
      %mul3A_386 = arith.muli %scan3A_282, %mul3A_385 : i32
      %add3A_387 = arith.constant 1 : i32
      %add3A_388 = arith.addi %mul3A_386, %add3A_387 : i32
      %mul3A_389 = arith.constant 16 : i32
      %mul3A_390 = arith.muli %add3A_388, %mul3A_389 : i32
      %add3A_391 = arith.constant 24576 : i32
      %add3A_392 = arith.addi %add3A_391, %mul3A_390 : i32
      %add3A_393 = vector.broadcast %add3A_392 : i32 to vector<16xi32>
      %add3A_394 = arith.addi %add3A_393, %iota3A : vector<16xi32>
      tpu.vector_store_idx %arg8[%sub3A_384], %add3A_394 masked %and3A_313 : memref<2112xi32, #tpu.memory_space<vmem>>[vector<16xi32>], vector<16xi32>, vector<16xi1>
      %slice3A_395 = vector.extract_strided_slice %masked_cumsum3A_321 {offsets = [15], sizes = [1], strides = [1]} : vector<16xi32> to vector<1xi32>
      %squeeze3A_396 = vector.extract %slice3A_395[0] : i32 from vector<1xi32>
      %add3A_397 = arith.addi %add3A_379, %squeeze3A_396 : i32
      %add3A_398 = vector.broadcast %add3A_397 : i32 to vector<16xi32>
      %add3A_399 = arith.addi %add3A_398, %masked_cumsum3A_342 : vector<16xi32>
      %sub3A_400 = arith.constant 1 : i32
      %sub3A_401 = vector.broadcast %sub3A_400 : i32 to vector<16xi32>
      %sub3A_402 = arith.subi %add3A_399, %sub3A_401 : vector<16xi32>
      tpu.vector_store_idx %arg7[%sub3A_402], %get3A_329 masked %and3A_334 : memref<2112xi32, #tpu.memory_space<vmem>>[vector<16xi32>], vector<16xi32>, vector<16xi1>
      %mul3A_403 = arith.constant 4 : i32
      %mul3A_404 = arith.muli %scan3A_282, %mul3A_403 : i32
      %add3A_405 = arith.constant 2 : i32
      %add3A_406 = arith.addi %mul3A_404, %add3A_405 : i32
      %mul3A_407 = arith.constant 16 : i32
      %mul3A_408 = arith.muli %add3A_406, %mul3A_407 : i32
      %add3A_409 = arith.constant 24576 : i32
      %add3A_410 = arith.addi %add3A_409, %mul3A_408 : i32
      %add3A_411 = vector.broadcast %add3A_410 : i32 to vector<16xi32>
      %add3A_412 = arith.addi %add3A_411, %iota3A : vector<16xi32>
      tpu.vector_store_idx %arg8[%sub3A_402], %add3A_412 masked %and3A_334 : memref<2112xi32, #tpu.memory_space<vmem>>[vector<16xi32>], vector<16xi32>, vector<16xi1>
      %slice3A_413 = vector.extract_strided_slice %masked_cumsum3A_342 {offsets = [15], sizes = [1], strides = [1]} : vector<16xi32> to vector<1xi32>
      %squeeze3A_414 = vector.extract %slice3A_413[0] : i32 from vector<1xi32>
      %add3A_415 = arith.addi %add3A_397, %squeeze3A_414 : i32
      %add3A_416 = vector.broadcast %add3A_415 : i32 to vector<16xi32>
      %add3A_417 = arith.addi %add3A_416, %masked_cumsum3A_363 : vector<16xi32>
      %sub3A_418 = arith.constant 1 : i32
      %sub3A_419 = vector.broadcast %sub3A_418 : i32 to vector<16xi32>
      %sub3A_420 = arith.subi %add3A_417, %sub3A_419 : vector<16xi32>
      tpu.vector_store_idx %arg7[%sub3A_420], %get3A_350 masked %and3A_355 : memref<2112xi32, #tpu.memory_space<vmem>>[vector<16xi32>], vector<16xi32>, vector<16xi1>
      %mul3A_421 = arith.constant 4 : i32
      %mul3A_422 = arith.muli %scan3A_282, %mul3A_421 : i32
      %add3A_423 = arith.constant 3 : i32
      %add3A_424 = arith.addi %mul3A_422, %add3A_423 : i32
      %mul3A_425 = arith.constant 16 : i32
      %mul3A_426 = arith.muli %add3A_424, %mul3A_425 : i32
      %add3A_427 = arith.constant 24576 : i32
      %add3A_428 = arith.addi %add3A_427, %mul3A_426 : i32
      %add3A_429 = vector.broadcast %add3A_428 : i32 to vector<16xi32>
      %add3A_430 = arith.addi %add3A_429, %iota3A : vector<16xi32>
      tpu.vector_store_idx %arg8[%sub3A_420], %add3A_430 masked %and3A_355 : memref<2112xi32, #tpu.memory_space<vmem>>[vector<16xi32>], vector<16xi32>, vector<16xi1>
      %slice3A_431 = vector.extract_strided_slice %masked_cumsum3A_363 {offsets = [15], sizes = [1], strides = [1]} : vector<16xi32> to vector<1xi32>
      %squeeze3A_432 = vector.extract %slice3A_431[0] : i32 from vector<1xi32>
      %add3A_433 = arith.addi %add3A_415, %squeeze3A_432 : i32
      scf.yield %add3A_433 : i32
    }
    %scan3A_207 = arith.constant 192 : i32
    "tpu.region"() ({
      %run_scoped3A = tpu.sem_alloc : memref<!tpu.dma_semaphore, #tpu.memory_space<semaphore_mem>>
      %dma_start3A_282 = arith.constant 36864 : i32
      %dma_start3A_283 = tpu.memref_slice %arg2[%dma_start3A_282] : memref<49152xi32, #tpu.memory_space<hbm>> -> memref<12288xi32, #tpu.memory_space<hbm>>
      %dma_start3A_284 = arith.constant 36864 : i32
      %dma_start3A_285 = tpu.memref_slice %arg2[%dma_start3A_284] : memref<49152xi32, #tpu.memory_space<hbm>> -> memref<12288xi32, #tpu.memory_space<hbm>>
      tpu.enqueue_dma source(%dma_start3A_285 : memref<12288xi32, #tpu.memory_space<hbm>>) target(%arg6 : memref<12288xi32, #tpu.memory_space<vmem>>) target_semaphore(%run_scoped3A : memref<!tpu.dma_semaphore, #tpu.memory_space<semaphore_mem>>)
      %dma_wait3A_286 = arith.constant 36864 : i32
      %dma_wait3A_287 = tpu.memref_slice %arg2[%dma_wait3A_286] : memref<49152xi32, #tpu.memory_space<hbm>> -> memref<12288xi32, #tpu.memory_space<hbm>>
      %dma_wait3A_288 = arith.constant 36864 : i32
      %dma_wait3A_289 = tpu.memref_slice %arg2[%dma_wait3A_288] : memref<49152xi32, #tpu.memory_space<hbm>> -> memref<12288xi32, #tpu.memory_space<hbm>>
      tpu.wait_dma2 semaphore(%run_scoped3A : memref<!tpu.dma_semaphore, #tpu.memory_space<semaphore_mem>>) src(%dma_wait3A_289 : memref<12288xi32, #tpu.memory_space<hbm>>) dst(%arg6 : memref<12288xi32, #tpu.memory_space<vmem>>)
      tpu.yield
    }) : () -> ()
    %scan3A_208 = arith.constant 0 : i32
    %scan3A_209 = arith.constant 192 : i32
    %scan3A_210 = arith.addi %scan3A_208, %scan3A_209 : i32
    %scan3A_211 = arith.constant 1 : i32
    %scan3A_212 = scf.for %scan3A_282 = %scan3A_208 to %scan3A_210 step %scan3A_211 iter_args(%scan3A_283 = %scan3A_206) -> (i32)  : i32 {
      %mul3A_284 = arith.constant 4 : i32
      %mul3A_285 = arith.muli %scan3A_282, %mul3A_284 : i32
      %add3A_286 = arith.constant 0 : i32
      %add3A_287 = arith.addi %mul3A_285, %add3A_286 : i32
      %mul3A_288 = arith.constant 16 : i32
      %mul3A_289 = arith.muli %add3A_287, %mul3A_288 : i32
      %get3A = arith.index_cast %mul3A_289 : i32 to index
      %get3A_290 = tpu.vector_load %arg6[%get3A] {strides = array<i32>} : memref<12288xi32, #tpu.memory_space<vmem>>, vector<16xi32>,
      %ge3A = vector.broadcast %mul3A_48 : i32 to vector<16xi32>
      %ge3A_291 = arith.cmpi sge, %get3A_290, %ge3A : vector<16xi32>
      %lt3A_292 = vector.broadcast %select_n3A_53 : i32 to vector<16xi32>
      %lt3A_293 = arith.cmpi slt, %get3A_290, %lt3A_292 : vector<16xi32>
      %and3A_294 = arith.andi %ge3A_291, %lt3A_293 : vector<16xi1>
      %jit3A_295 = arith.constant 1 : i32
      %jit3A_296 = arith.constant 0 : i32
      %broadcast_in_dim3A = vector.broadcast %jit3A_295 : i32 to vector<16xi32>
      %broadcast_in_dim3A_297 = vector.broadcast %jit3A_296 : i32 to vector<16xi32>
      %select_n3A_298 = arith.select %and3A_294, %broadcast_in_dim3A, %broadcast_in_dim3A_297 : vector<16xi1>, vector<16xi32>
      %broadcast_in_dim3A_299 = arith.constant true
      %broadcast_in_dim3A_300 = vector.broadcast %broadcast_in_dim3A_299 : i1 to vector<16xi1>
      %masked_cumsum3A = tpu.scan <sum>, %select_n3A_298 masked %broadcast_in_dim3A_300 : vector<16xi32>, vector<16xi1> -> vector<16xi32>
      %mul3A_301 = arith.constant 4 : i32
      %mul3A_302 = arith.muli %scan3A_282, %mul3A_301 : i32
      %add3A_303 = arith.constant 1 : i32
      %add3A_304 = arith.addi %mul3A_302, %add3A_303 : i32
      %mul3A_305 = arith.constant 16 : i32
      %mul3A_306 = arith.muli %add3A_304, %mul3A_305 : i32
      %get3A_307 = arith.index_cast %mul3A_306 : i32 to index
      %get3A_308 = tpu.vector_load %arg6[%get3A_307] {strides = array<i32>} : memref<12288xi32, #tpu.memory_space<vmem>>, vector<16xi32>,
      %ge3A_309 = vector.broadcast %mul3A_48 : i32 to vector<16xi32>
      %ge3A_310 = arith.cmpi sge, %get3A_308, %ge3A_309 : vector<16xi32>
      %lt3A_311 = vector.broadcast %select_n3A_53 : i32 to vector<16xi32>
      %lt3A_312 = arith.cmpi slt, %get3A_308, %lt3A_311 : vector<16xi32>
      %and3A_313 = arith.andi %ge3A_310, %lt3A_312 : vector<16xi1>
      %jit3A_314 = arith.constant 1 : i32
      %jit3A_315 = arith.constant 0 : i32
      %broadcast_in_dim3A_316 = vector.broadcast %jit3A_314 : i32 to vector<16xi32>
      %broadcast_in_dim3A_317 = vector.broadcast %jit3A_315 : i32 to vector<16xi32>
      %select_n3A_318 = arith.select %and3A_313, %broadcast_in_dim3A_316, %broadcast_in_dim3A_317 : vector<16xi1>, vector<16xi32>
      %broadcast_in_dim3A_319 = arith.constant true
      %broadcast_in_dim3A_320 = vector.broadcast %broadcast_in_dim3A_319 : i1 to vector<16xi1>
      %masked_cumsum3A_321 = tpu.scan <sum>, %select_n3A_318 masked %broadcast_in_dim3A_320 : vector<16xi32>, vector<16xi1> -> vector<16xi32>
      %mul3A_322 = arith.constant 4 : i32
      %mul3A_323 = arith.muli %scan3A_282, %mul3A_322 : i32
      %add3A_324 = arith.constant 2 : i32
      %add3A_325 = arith.addi %mul3A_323, %add3A_324 : i32
      %mul3A_326 = arith.constant 16 : i32
      %mul3A_327 = arith.muli %add3A_325, %mul3A_326 : i32
      %get3A_328 = arith.index_cast %mul3A_327 : i32 to index
      %get3A_329 = tpu.vector_load %arg6[%get3A_328] {strides = array<i32>} : memref<12288xi32, #tpu.memory_space<vmem>>, vector<16xi32>,
      %ge3A_330 = vector.broadcast %mul3A_48 : i32 to vector<16xi32>
      %ge3A_331 = arith.cmpi sge, %get3A_329, %ge3A_330 : vector<16xi32>
      %lt3A_332 = vector.broadcast %select_n3A_53 : i32 to vector<16xi32>
      %lt3A_333 = arith.cmpi slt, %get3A_329, %lt3A_332 : vector<16xi32>
      %and3A_334 = arith.andi %ge3A_331, %lt3A_333 : vector<16xi1>
      %jit3A_335 = arith.constant 1 : i32
      %jit3A_336 = arith.constant 0 : i32
      %broadcast_in_dim3A_337 = vector.broadcast %jit3A_335 : i32 to vector<16xi32>
      %broadcast_in_dim3A_338 = vector.broadcast %jit3A_336 : i32 to vector<16xi32>
      %select_n3A_339 = arith.select %and3A_334, %broadcast_in_dim3A_337, %broadcast_in_dim3A_338 : vector<16xi1>, vector<16xi32>
      %broadcast_in_dim3A_340 = arith.constant true
      %broadcast_in_dim3A_341 = vector.broadcast %broadcast_in_dim3A_340 : i1 to vector<16xi1>
      %masked_cumsum3A_342 = tpu.scan <sum>, %select_n3A_339 masked %broadcast_in_dim3A_341 : vector<16xi32>, vector<16xi1> -> vector<16xi32>
      %mul3A_343 = arith.constant 4 : i32
      %mul3A_344 = arith.muli %scan3A_282, %mul3A_343 : i32
      %add3A_345 = arith.constant 3 : i32
      %add3A_346 = arith.addi %mul3A_344, %add3A_345 : i32
      %mul3A_347 = arith.constant 16 : i32
      %mul3A_348 = arith.muli %add3A_346, %mul3A_347 : i32
      %get3A_349 = arith.index_cast %mul3A_348 : i32 to index
      %get3A_350 = tpu.vector_load %arg6[%get3A_349] {strides = array<i32>} : memref<12288xi32, #tpu.memory_space<vmem>>, vector<16xi32>,
      %ge3A_351 = vector.broadcast %mul3A_48 : i32 to vector<16xi32>
      %ge3A_352 = arith.cmpi sge, %get3A_350, %ge3A_351 : vector<16xi32>
      %lt3A_353 = vector.broadcast %select_n3A_53 : i32 to vector<16xi32>
      %lt3A_354 = arith.cmpi slt, %get3A_350, %lt3A_353 : vector<16xi32>
      %and3A_355 = arith.andi %ge3A_352, %lt3A_354 : vector<16xi1>
      %jit3A_356 = arith.constant 1 : i32
      %jit3A_357 = arith.constant 0 : i32
      %broadcast_in_dim3A_358 = vector.broadcast %jit3A_356 : i32 to vector<16xi32>
      %broadcast_in_dim3A_359 = vector.broadcast %jit3A_357 : i32 to vector<16xi32>
      %select_n3A_360 = arith.select %and3A_355, %broadcast_in_dim3A_358, %broadcast_in_dim3A_359 : vector<16xi1>, vector<16xi32>
      %broadcast_in_dim3A_361 = arith.constant true
      %broadcast_in_dim3A_362 = vector.broadcast %broadcast_in_dim3A_361 : i1 to vector<16xi1>
      %masked_cumsum3A_363 = tpu.scan <sum>, %select_n3A_360 masked %broadcast_in_dim3A_362 : vector<16xi32>, vector<16xi1> -> vector<16xi32>
      %add3A_364 = vector.broadcast %scan3A_283 : i32 to vector<16xi32>
      %add3A_365 = arith.addi %add3A_364, %masked_cumsum3A : vector<16xi32>
      %sub3A_366 = arith.constant 1 : i32
      %sub3A_367 = vector.broadcast %sub3A_366 : i32 to vector<16xi32>
      %sub3A_368 = arith.subi %add3A_365, %sub3A_367 : vector<16xi32>
      tpu.vector_store_idx %arg7[%sub3A_368], %get3A_290 masked %and3A_294 : memref<2112xi32, #tpu.memory_space<vmem>>[vector<16xi32>], vector<16xi32>, vector<16xi1>
      %mul3A_369 = arith.constant 4 : i32
      %mul3A_370 = arith.muli %scan3A_282, %mul3A_369 : i32
      %add3A_371 = arith.constant 0 : i32
      %add3A_372 = arith.addi %mul3A_370, %add3A_371 : i32
      %mul3A_373 = arith.constant 16 : i32
      %mul3A_374 = arith.muli %add3A_372, %mul3A_373 : i32
      %add3A_375 = arith.constant 36864 : i32
      %add3A_376 = arith.addi %add3A_375, %mul3A_374 : i32
      %add3A_377 = vector.broadcast %add3A_376 : i32 to vector<16xi32>
      %add3A_378 = arith.addi %add3A_377, %iota3A : vector<16xi32>
      tpu.vector_store_idx %arg8[%sub3A_368], %add3A_378 masked %and3A_294 : memref<2112xi32, #tpu.memory_space<vmem>>[vector<16xi32>], vector<16xi32>, vector<16xi1>
      %slice3A = vector.extract_strided_slice %masked_cumsum3A {offsets = [15], sizes = [1], strides = [1]} : vector<16xi32> to vector<1xi32>
      %squeeze3A = vector.extract %slice3A[0] : i32 from vector<1xi32>
      %add3A_379 = arith.addi %scan3A_283, %squeeze3A : i32
      %add3A_380 = vector.broadcast %add3A_379 : i32 to vector<16xi32>
      %add3A_381 = arith.addi %add3A_380, %masked_cumsum3A_321 : vector<16xi32>
      %sub3A_382 = arith.constant 1 : i32
      %sub3A_383 = vector.broadcast %sub3A_382 : i32 to vector<16xi32>
      %sub3A_384 = arith.subi %add3A_381, %sub3A_383 : vector<16xi32>
      tpu.vector_store_idx %arg7[%sub3A_384], %get3A_308 masked %and3A_313 : memref<2112xi32, #tpu.memory_space<vmem>>[vector<16xi32>], vector<16xi32>, vector<16xi1>
      %mul3A_385 = arith.constant 4 : i32
      %mul3A_386 = arith.muli %scan3A_282, %mul3A_385 : i32
      %add3A_387 = arith.constant 1 : i32
      %add3A_388 = arith.addi %mul3A_386, %add3A_387 : i32
      %mul3A_389 = arith.constant 16 : i32
      %mul3A_390 = arith.muli %add3A_388, %mul3A_389 : i32
      %add3A_391 = arith.constant 36864 : i32
      %add3A_392 = arith.addi %add3A_391, %mul3A_390 : i32
      %add3A_393 = vector.broadcast %add3A_392 : i32 to vector<16xi32>
      %add3A_394 = arith.addi %add3A_393, %iota3A : vector<16xi32>
      tpu.vector_store_idx %arg8[%sub3A_384], %add3A_394 masked %and3A_313 : memref<2112xi32, #tpu.memory_space<vmem>>[vector<16xi32>], vector<16xi32>, vector<16xi1>
      %slice3A_395 = vector.extract_strided_slice %masked_cumsum3A_321 {offsets = [15], sizes = [1], strides = [1]} : vector<16xi32> to vector<1xi32>
      %squeeze3A_396 = vector.extract %slice3A_395[0] : i32 from vector<1xi32>
      %add3A_397 = arith.addi %add3A_379, %squeeze3A_396 : i32
      %add3A_398 = vector.broadcast %add3A_397 : i32 to vector<16xi32>
      %add3A_399 = arith.addi %add3A_398, %masked_cumsum3A_342 : vector<16xi32>
      %sub3A_400 = arith.constant 1 : i32
      %sub3A_401 = vector.broadcast %sub3A_400 : i32 to vector<16xi32>
      %sub3A_402 = arith.subi %add3A_399, %sub3A_401 : vector<16xi32>
      tpu.vector_store_idx %arg7[%sub3A_402], %get3A_329 masked %and3A_334 : memref<2112xi32, #tpu.memory_space<vmem>>[vector<16xi32>], vector<16xi32>, vector<16xi1>
      %mul3A_403 = arith.constant 4 : i32
      %mul3A_404 = arith.muli %scan3A_282, %mul3A_403 : i32
      %add3A_405 = arith.constant 2 : i32
      %add3A_406 = arith.addi %mul3A_404, %add3A_405 : i32
      %mul3A_407 = arith.constant 16 : i32
      %mul3A_408 = arith.muli %add3A_406, %mul3A_407 : i32
      %add3A_409 = arith.constant 36864 : i32
      %add3A_410 = arith.addi %add3A_409, %mul3A_408 : i32
      %add3A_411 = vector.broadcast %add3A_410 : i32 to vector<16xi32>
      %add3A_412 = arith.addi %add3A_411, %iota3A : vector<16xi32>
      tpu.vector_store_idx %arg8[%sub3A_402], %add3A_412 masked %and3A_334 : memref<2112xi32, #tpu.memory_space<vmem>>[vector<16xi32>], vector<16xi32>, vector<16xi1>
      %slice3A_413 = vector.extract_strided_slice %masked_cumsum3A_342 {offsets = [15], sizes = [1], strides = [1]} : vector<16xi32> to vector<1xi32>
      %squeeze3A_414 = vector.extract %slice3A_413[0] : i32 from vector<1xi32>
      %add3A_415 = arith.addi %add3A_397, %squeeze3A_414 : i32
      %add3A_416 = vector.broadcast %add3A_415 : i32 to vector<16xi32>
      %add3A_417 = arith.addi %add3A_416, %masked_cumsum3A_363 : vector<16xi32>
      %sub3A_418 = arith.constant 1 : i32
      %sub3A_419 = vector.broadcast %sub3A_418 : i32 to vector<16xi32>
      %sub3A_420 = arith.subi %add3A_417, %sub3A_419 : vector<16xi32>
      tpu.vector_store_idx %arg7[%sub3A_420], %get3A_350 masked %and3A_355 : memref<2112xi32, #tpu.memory_space<vmem>>[vector<16xi32>], vector<16xi32>, vector<16xi1>
      %mul3A_421 = arith.constant 4 : i32
      %mul3A_422 = arith.muli %scan3A_282, %mul3A_421 : i32
      %add3A_423 = arith.constant 3 : i32
      %add3A_424 = arith.addi %mul3A_422, %add3A_423 : i32
      %mul3A_425 = arith.constant 16 : i32
      %mul3A_426 = arith.muli %add3A_424, %mul3A_425 : i32
      %add3A_427 = arith.constant 36864 : i32
      %add3A_428 = arith.addi %add3A_427, %mul3A_426 : i32
      %add3A_429 = vector.broadcast %add3A_428 : i32 to vector<16xi32>
      %add3A_430 = arith.addi %add3A_429, %iota3A : vector<16xi32>
      tpu.vector_store_idx %arg8[%sub3A_420], %add3A_430 masked %and3A_355 : memref<2112xi32, #tpu.memory_space<vmem>>[vector<16xi32>], vector<16xi32>, vector<16xi1>
      %slice3A_431 = vector.extract_strided_slice %masked_cumsum3A_363 {offsets = [15], sizes = [1], strides = [1]} : vector<16xi32> to vector<1xi32>
      %squeeze3A_432 = vector.extract %slice3A_431[0] : i32 from vector<1xi32>
      %add3A_433 = arith.addi %add3A_415, %squeeze3A_432 : i32
      scf.yield %add3A_433 : i32
    }
    %scan3A_213 = arith.constant 192 : i32
    %add3A_214 = arith.constant 15 : i32
    %add3A_215 = arith.addi %scan3A_212, %add3A_214 : i32
    %jit3A_216 = arith.constant 16 : i32
    %div3A_217 = arith.divsi %add3A_215, %jit3A_216 : i32
    %sign3A_218 = arith.constant 0 : i32
    %sign3A_219 = arith.cmpi sgt, %add3A_215, %sign3A_218 : i32
    %sign3A_220 = arith.extui %sign3A_219 : i1 to i32
    %sign3A_221 = arith.constant 0 : i32
    %sign3A_222 = arith.cmpi slt, %add3A_215, %sign3A_221 : i32
    %sign3A_223 = arith.extui %sign3A_222 : i1 to i32
    %sign3A_224 = arith.subi %sign3A_220, %sign3A_223 : i32
    %sign3A_225 = arith.constant 0 : i32
    %sign3A_226 = arith.cmpi sgt, %jit3A_216, %sign3A_225 : i32
    %sign3A_227 = arith.extui %sign3A_226 : i1 to i32
    %sign3A_228 = arith.constant 0 : i32
    %sign3A_229 = arith.cmpi slt, %jit3A_216, %sign3A_228 : i32
    %sign3A_230 = arith.extui %sign3A_229 : i1 to i32
    %sign3A_231 = arith.subi %sign3A_227, %sign3A_230 : i32
    %ne3A_232 = arith.cmpi ne, %sign3A_224, %sign3A_231 : i32
    %rem3A_233 = arith.remsi %add3A_215, %jit3A_216 : i32
    %ne3A_234 = arith.constant 0 : i32
    %ne3A_235 = arith.cmpi ne, %rem3A_233, %ne3A_234 : i32
    %and3A_236 = arith.andi %ne3A_232, %ne3A_235 : i1
    %sub3A_237 = arith.constant 1 : i32
    %sub3A_238 = arith.subi %div3A_217, %sub3A_237 : i32
    %select_n3A_239 = arith.select %and3A_236, %sub3A_238, %div3A_217 : i32
    %scan3A_240 = arith.constant 0 : i32
    %scan3A_241 = arith.constant 0 : i32
    %scan3A_242 = arith.constant 16 : i32
    %scan3A_243 = arith.addi %scan3A_241, %scan3A_242 : i32
    %scan3A_244 = arith.constant 1 : i32
    %scan3A_245 = scf.for %scan3A_282 = %scan3A_241 to %scan3A_243 step %scan3A_244 iter_args(%scan3A_283 = %scan3A_240) -> (i32)  : i32 {
      %mul3A_284 = arith.constant 2 : i32
      %mul3A_285 = arith.muli %mul3A_284, %scan3A_282 : i32
      %dma_wait3A_286 = arith.constant 0 : i32
      %dma_wait3A_287 = arith.constant 0 : i32
      %dma_wait3A_288 = tpu.memref_slice %arg9[%dma_wait3A_286, %dma_wait3A_287] : memref<64x1024xf32, #tpu.memory_space<vmem>> -> memref<32x1024xf32, #tpu.memory_space<vmem>>
      %dma_wait3A_289 = arith.constant 0 : i32
      %dma_wait3A_290 = arith.constant 0 : i32
      %dma_wait3A_291 = tpu.memref_slice %arg3[%dma_wait3A_289, %dma_wait3A_290] : memref<32x1000000xf32, #tpu.memory_space<hbm>> -> memref<32x1024xf32, #tpu.memory_space<hbm>>
      %dma_wait3A_292 = arith.constant 0 : i32
      %dma_wait3A_293 = arith.constant 0 : i32
      %dma_wait3A_294 = tpu.memref_slice %arg9[%dma_wait3A_292, %dma_wait3A_293] : memref<64x1024xf32, #tpu.memory_space<vmem>> -> memref<32x1024xf32, #tpu.memory_space<vmem>>
      %dma_wait3A_295 = arith.constant 0 : i32
      %dma_wait3A_296 = arith.constant 0 : i32
      %dma_wait3A_297 = tpu.memref_slice %arg3[%dma_wait3A_295, %dma_wait3A_296] : memref<32x1000000xf32, #tpu.memory_space<hbm>> -> memref<32x1024xf32, #tpu.memory_space<hbm>>
      tpu.wait_dma2 semaphore(%arg15 : memref<!tpu.dma_semaphore, #tpu.memory_space<semaphore_mem>>) src(%dma_wait3A_297 : memref<32x1024xf32, #tpu.memory_space<hbm>>) dst(%dma_wait3A_294 : memref<32x1024xf32, #tpu.memory_space<vmem>>)
      %while3A_298 = arith.constant 0 : i32
      %while3A_299 = arith.constant 0 : i32
      %while3A_300 = arith.subi %scan3A_283, %while3A_298 : i32
      %while3A_301 = arith.addi %while3A_298, %while3A_300 : i32
      %while3A_302 = arith.constant 1 : i32
      %while3A_303 = arith.divsi %while3A_300, %while3A_302 : i32
      %while3A_304 = arith.muli %while3A_303, %while3A_302 : i32
      %while3A_305 = arith.addi %while3A_298, %while3A_304 : i32
      %while3A_306 = arith.constant 1 : i32
      %while3A_307 = scf.for %while3A_1105 = %while3A_298 to %while3A_305 step %while3A_306 iter_args(%while3A_1106 = %while3A_299) -> (i32)  : i32 {
        %dma_wait3A_1107 = arith.constant 0 : i32
        %dma_wait3A_1108 = arith.constant 0 : i32
        %dma_wait3A_1109 = tpu.memref_slice %arg14[%dma_wait3A_1107, %dma_wait3A_1108] : memref<256x128xf32, #tpu.memory_space<vmem>> -> memref<16x128xf32, #tpu.memory_space<vmem>>
        %dma_wait3A_1110 = arith.constant 0 : i32
        %dma_wait3A_1111 = arith.constant 0 : i32
        %dma_wait3A_1112 = tpu.memref_slice %arg5[%dma_wait3A_1110, %dma_wait3A_1111] : memref<49664x128xf32, #tpu.memory_space<hbm>> -> memref<16x128xf32, #tpu.memory_space<hbm>>
        %dma_wait3A_1113 = arith.constant 0 : i32
        %dma_wait3A_1114 = arith.constant 0 : i32
        %dma_wait3A_1115 = tpu.memref_slice %arg14[%dma_wait3A_1113, %dma_wait3A_1114] : memref<256x128xf32, #tpu.memory_space<vmem>> -> memref<16x128xf32, #tpu.memory_space<vmem>>
        %dma_wait3A_1116 = arith.constant 0 : i32
        %dma_wait3A_1117 = arith.constant 0 : i32
        %dma_wait3A_1118 = tpu.memref_slice %arg5[%dma_wait3A_1116, %dma_wait3A_1117] : memref<49664x128xf32, #tpu.memory_space<hbm>> -> memref<16x128xf32, #tpu.memory_space<hbm>>
        tpu.wait_dma2 semaphore(%arg17 : memref<!tpu.dma_semaphore, #tpu.memory_space<semaphore_mem>>) src(%dma_wait3A_1118 : memref<16x128xf32, #tpu.memory_space<hbm>>) dst(%dma_wait3A_1115 : memref<16x128xf32, #tpu.memory_space<vmem>>)
        %while3A_1119 = arith.constant 0 : i32
        scf.yield %while3A_1119 : i32
      }
      %while3A_308 = arith.constant 1 : i32
      %while3A_309 = scf.for %while3A_1105 = %while3A_305 to %while3A_301 step %while3A_308 iter_args(%while3A_1106 = %while3A_307) -> (i32)  : i32 {
        %dma_wait3A_1107 = arith.constant 0 : i32
        %dma_wait3A_1108 = arith.constant 0 : i32
        %dma_wait3A_1109 = tpu.memref_slice %arg14[%dma_wait3A_1107, %dma_wait3A_1108] : memref<256x128xf32, #tpu.memory_space<vmem>> -> memref<16x128xf32, #tpu.memory_space<vmem>>
        %dma_wait3A_1110 = arith.constant 0 : i32
        %dma_wait3A_1111 = arith.constant 0 : i32
        %dma_wait3A_1112 = tpu.memref_slice %arg5[%dma_wait3A_1110, %dma_wait3A_1111] : memref<49664x128xf32, #tpu.memory_space<hbm>> -> memref<16x128xf32, #tpu.memory_space<hbm>>
        %dma_wait3A_1113 = arith.constant 0 : i32
        %dma_wait3A_1114 = arith.constant 0 : i32
        %dma_wait3A_1115 = tpu.memref_slice %arg14[%dma_wait3A_1113, %dma_wait3A_1114] : memref<256x128xf32, #tpu.memory_space<vmem>> -> memref<16x128xf32, #tpu.memory_space<vmem>>
        %dma_wait3A_1116 = arith.constant 0 : i32
        %dma_wait3A_1117 = arith.constant 0 : i32
        %dma_wait3A_1118 = tpu.memref_slice %arg5[%dma_wait3A_1116, %dma_wait3A_1117] : memref<49664x128xf32, #tpu.memory_space<hbm>> -> memref<16x128xf32, #tpu.memory_space<hbm>>
        tpu.wait_dma2 semaphore(%arg17 : memref<!tpu.dma_semaphore, #tpu.memory_space<semaphore_mem>>) src(%dma_wait3A_1118 : memref<16x128xf32, #tpu.memory_space<hbm>>) dst(%dma_wait3A_1115 : memref<16x128xf32, #tpu.memory_space<vmem>>)
        %while3A_1119 = arith.constant 0 : i32
        scf.yield %while3A_1119 : i32
      }
      %mul3A_310 = arith.constant 1024 : i32
      %mul3A_311 = arith.muli %mul3A_285, %mul3A_310 : i32
      %add3A_312 = arith.addi %mul3A_48, %mul3A_311 : i32
      %min3A_313 = arith.minsi %add3A_312, %mul3A_50 : i32
      %add3A_314 = arith.constant 1 : i32
      %add3A_315 = arith.addi %mul3A_285, %add3A_314 : i32
      %mul3A_316 = arith.constant 1024 : i32
      %mul3A_317 = arith.muli %add3A_315, %mul3A_316 : i32
      %add3A_318 = arith.addi %mul3A_48, %mul3A_317 : i32
      %min3A_319 = arith.minsi %add3A_318, %mul3A_50 : i32
      %mul3A_320 = arith.constant 1024 : i32
      %mul3A_321 = arith.muli %mul3A_285, %mul3A_320 : i32
      %add3A_322 = arith.addi %mul3A_48, %mul3A_321 : i32
      %sub3A_323 = arith.constant 1024 : i32
      %sub3A_324 = arith.subi %mul3A_50, %sub3A_323 : i32
      %min3A_325 = arith.minsi %add3A_322, %sub3A_324 : i32
      %mul3A_326 = arith.constant 16 : i32
      %mul3A_327 = arith.muli %add3A, %mul3A_326 : i32
      %add3A_328 = arith.constant 49152 : i32
      %add3A_329 = arith.addi %add3A_328, %mul3A_327 : i32
      %add3A_330 = vector.broadcast %add3A_329 : i32 to vector<16xi32>
      %add3A_331 = arith.addi %add3A_330, %iota3A : vector<16xi32>
      %broadcast_in_dim3A = arith.constant 0 : i32
      %broadcast_in_dim3A_332 = vector.broadcast %broadcast_in_dim3A : i32 to vector<16xi32>
      %swap3A = arith.constant 0 : index
      %swap3A_333 = tpu.vector_load %arg11[%swap3A] {strides = array<i32>} : memref<256xi32, #tpu.memory_space<vmem>>, vector<16xi32>,
      tpu.vector_store %arg11[%swap3A], %broadcast_in_dim3A_332 {strides = array<i32>} : memref<256xi32, #tpu.memory_space<vmem>>, vector<16xi32>,
      %swap3A_334 = arith.constant 0 : index
      %swap3A_335 = tpu.vector_load %arg12[%swap3A_334] {strides = array<i32>} : memref<256xi32, #tpu.memory_space<vmem>>, vector<16xi32>,
      tpu.vector_store %arg12[%swap3A_334], %add3A_331 {strides = array<i32>} : memref<256xi32, #tpu.memory_space<vmem>>, vector<16xi32>,
      %broadcast_in_dim3A_336 = arith.constant 0 : i32
      %broadcast_in_dim3A_337 = vector.broadcast %broadcast_in_dim3A_336 : i32 to vector<16xi32>
      %swap3A_338 = arith.constant 16 : index
      %swap3A_339 = tpu.vector_load %arg11[%swap3A_338] {strides = array<i32>} : memref<256xi32, #tpu.memory_space<vmem>>, vector<16xi32>,
      tpu.vector_store %arg11[%swap3A_338], %broadcast_in_dim3A_337 {strides = array<i32>} : memref<256xi32, #tpu.memory_space<vmem>>, vector<16xi32>,
      %swap3A_340 = arith.constant 16 : index
      %swap3A_341 = tpu.vector_load %arg12[%swap3A_340] {strides = array<i32>} : memref<256xi32, #tpu.memory_space<vmem>>, vector<16xi32>,
      tpu.vector_store %arg12[%swap3A_340], %add3A_331 {strides = array<i32>} : memref<256xi32, #tpu.memory_space<vmem>>, vector<16xi32>,
      %broadcast_in_dim3A_342 = arith.constant 0 : i32
      %broadcast_in_dim3A_343 = vector.broadcast %broadcast_in_dim3A_342 : i32 to vector<16xi32>
      %swap3A_344 = arith.constant 32 : index
      %swap3A_345 = tpu.vector_load %arg11[%swap3A_344] {strides = array<i32>} : memref<256xi32, #tpu.memory_space<vmem>>, vector<16xi32>,
      tpu.vector_store %arg11[%swap3A_344], %broadcast_in_dim3A_343 {strides = array<i32>} : memref<256xi32, #tpu.memory_space<vmem>>, vector<16xi32>,
      %swap3A_346 = arith.constant 32 : index
      %swap3A_347 = tpu.vector_load %arg12[%swap3A_346] {strides = array<i32>} : memref<256xi32, #tpu.memory_space<vmem>>, vector<16xi32>,
      tpu.vector_store %arg12[%swap3A_346], %add3A_331 {strides = array<i32>} : memref<256xi32, #tpu.memory_space<vmem>>, vector<16xi32>,
      %broadcast_in_dim3A_348 = arith.constant 0 : i32
      %broadcast_in_dim3A_349 = vector.broadcast %broadcast_in_dim3A_348 : i32 to vector<16xi32>
      %swap3A_350 = arith.constant 48 : index
      %swap3A_351 = tpu.vector_load %arg11[%swap3A_350] {strides = array<i32>} : memref<256xi32, #tpu.memory_space<vmem>>, vector<16xi32>,
      tpu.vector_store %arg11[%swap3A_350], %broadcast_in_dim3A_349 {strides = array<i32>} : memref<256xi32, #tpu.memory_space<vmem>>, vector<16xi32>,
      %swap3A_352 = arith.constant 48 : index
      %swap3A_353 = tpu.vector_load %arg12[%swap3A_352] {strides = array<i32>} : memref<256xi32, #tpu.memory_space<vmem>>, vector<16xi32>,
      tpu.vector_store %arg12[%swap3A_352], %add3A_331 {strides = array<i32>} : memref<256xi32, #tpu.memory_space<vmem>>, vector<16xi32>,
      %broadcast_in_dim3A_354 = arith.constant 0 : i32
      %broadcast_in_dim3A_355 = vector.broadcast %broadcast_in_dim3A_354 : i32 to vector<16xi32>
      %swap3A_356 = arith.constant 64 : index
      %swap3A_357 = tpu.vector_load %arg11[%swap3A_356] {strides = array<i32>} : memref<256xi32, #tpu.memory_space<vmem>>, vector<16xi32>,
      tpu.vector_store %arg11[%swap3A_356], %broadcast_in_dim3A_355 {strides = array<i32>} : memref<256xi32, #tpu.memory_space<vmem>>, vector<16xi32>,
      %swap3A_358 = arith.constant 64 : index
      %swap3A_359 = tpu.vector_load %arg12[%swap3A_358] {strides = array<i32>} : memref<256xi32, #tpu.memory_space<vmem>>, vector<16xi32>,
      tpu.vector_store %arg12[%swap3A_358], %add3A_331 {strides = array<i32>} : memref<256xi32, #tpu.memory_space<vmem>>, vector<16xi32>,
      %broadcast_in_dim3A_360 = arith.constant 0 : i32
      %broadcast_in_dim3A_361 = vector.broadcast %broadcast_in_dim3A_360 : i32 to vector<16xi32>
      %swap3A_362 = arith.constant 80 : index
      %swap3A_363 = tpu.vector_load %arg11[%swap3A_362] {strides = array<i32>} : memref<256xi32, #tpu.memory_space<vmem>>, vector<16xi32>,
      tpu.vector_store %arg11[%swap3A_362], %broadcast_in_dim3A_361 {strides = array<i32>} : memref<256xi32, #tpu.memory_space<vmem>>, vector<16xi32>,
      %swap3A_364 = arith.constant 80 : index
      %swap3A_365 = tpu.vector_load %arg12[%swap3A_364] {strides = array<i32>} : memref<256xi32, #tpu.memory_space<vmem>>, vector<16xi32>,
      tpu.vector_store %arg12[%swap3A_364], %add3A_331 {strides = array<i32>} : memref<256xi32, #tpu.memory_space<vmem>>, vector<16xi32>,
      %broadcast_in_dim3A_366 = arith.constant 0 : i32
      %broadcast_in_dim3A_367 = vector.broadcast %broadcast_in_dim3A_366 : i32 to vector<16xi32>
      %swap3A_368 = arith.constant 96 : index
      %swap3A_369 = tpu.vector_load %arg11[%swap3A_368] {strides = array<i32>} : memref<256xi32, #tpu.memory_space<vmem>>, vector<16xi32>,
      tpu.vector_store %arg11[%swap3A_368], %broadcast_in_dim3A_367 {strides = array<i32>} : memref<256xi32, #tpu.memory_space<vmem>>, vector<16xi32>,
      %swap3A_370 = arith.constant 96 : index
      %swap3A_371 = tpu.vector_load %arg12[%swap3A_370] {strides = array<i32>} : memref<256xi32, #tpu.memory_space<vmem>>, vector<16xi32>,
      tpu.vector_store %arg12[%swap3A_370], %add3A_331 {strides = array<i32>} : memref<256xi32, #tpu.memory_space<vmem>>, vector<16xi32>,
      %broadcast_in_dim3A_372 = arith.constant 0 : i32
      %broadcast_in_dim3A_373 = vector.broadcast %broadcast_in_dim3A_372 : i32 to vector<16xi32>
      %swap3A_374 = arith.constant 112 : index
      %swap3A_375 = tpu.vector_load %arg11[%swap3A_374] {strides = array<i32>} : memref<256xi32, #tpu.memory_space<vmem>>, vector<16xi32>,
      tpu.vector_store %arg11[%swap3A_374], %broadcast_in_dim3A_373 {strides = array<i32>} : memref<256xi32, #tpu.memory_space<vmem>>, vector<16xi32>,
      %swap3A_376 = arith.constant 112 : index
      %swap3A_377 = tpu.vector_load %arg12[%swap3A_376] {strides = array<i32>} : memref<256xi32, #tpu.memory_space<vmem>>, vector<16xi32>,
      tpu.vector_store %arg12[%swap3A_376], %add3A_331 {strides = array<i32>} : memref<256xi32, #tpu.memory_space<vmem>>, vector<16xi32>,
      %broadcast_in_dim3A_378 = arith.constant 0 : i32
      %broadcast_in_dim3A_379 = vector.broadcast %broadcast_in_dim3A_378 : i32 to vector<16xi32>
      %swap3A_380 = arith.constant 128 : index
      %swap3A_381 = tpu.vector_load %arg11[%swap3A_380] {strides = array<i32>} : memref<256xi32, #tpu.memory_space<vmem>>, vector<16xi32>,
      tpu.vector_store %arg11[%swap3A_380], %broadcast_in_dim3A_379 {strides = array<i32>} : memref<256xi32, #tpu.memory_space<vmem>>, vector<16xi32>,
      %swap3A_382 = arith.constant 128 : index
      %swap3A_383 = tpu.vector_load %arg12[%swap3A_382] {strides = array<i32>} : memref<256xi32, #tpu.memory_space<vmem>>, vector<16xi32>,
      tpu.vector_store %arg12[%swap3A_382], %add3A_331 {strides = array<i32>} : memref<256xi32, #tpu.memory_space<vmem>>, vector<16xi32>,
      %broadcast_in_dim3A_384 = arith.constant 0 : i32
      %broadcast_in_dim3A_385 = vector.broadcast %broadcast_in_dim3A_384 : i32 to vector<16xi32>
      %swap3A_386 = arith.constant 144 : index
      %swap3A_387 = tpu.vector_load %arg11[%swap3A_386] {strides = array<i32>} : memref<256xi32, #tpu.memory_space<vmem>>, vector<16xi32>,
      tpu.vector_store %arg11[%swap3A_386], %broadcast_in_dim3A_385 {strides = array<i32>} : memref<256xi32, #tpu.memory_space<vmem>>, vector<16xi32>,
      %swap3A_388 = arith.constant 144 : index
      %swap3A_389 = tpu.vector_load %arg12[%swap3A_388] {strides = array<i32>} : memref<256xi32, #tpu.memory_space<vmem>>, vector<16xi32>,
      tpu.vector_store %arg12[%swap3A_388], %add3A_331 {strides = array<i32>} : memref<256xi32, #tpu.memory_space<vmem>>, vector<16xi32>,
      %broadcast_in_dim3A_390 = arith.constant 0 : i32
      %broadcast_in_dim3A_391 = vector.broadcast %broadcast_in_dim3A_390 : i32 to vector<16xi32>
      %swap3A_392 = arith.constant 160 : index
      %swap3A_393 = tpu.vector_load %arg11[%swap3A_392] {strides = array<i32>} : memref<256xi32, #tpu.memory_space<vmem>>, vector<16xi32>,
      tpu.vector_store %arg11[%swap3A_392], %broadcast_in_dim3A_391 {strides = array<i32>} : memref<256xi32, #tpu.memory_space<vmem>>, vector<16xi32>,
      %swap3A_394 = arith.constant 160 : index
      %swap3A_395 = tpu.vector_load %arg12[%swap3A_394] {strides = array<i32>} : memref<256xi32, #tpu.memory_space<vmem>>, vector<16xi32>,
      tpu.vector_store %arg12[%swap3A_394], %add3A_331 {strides = array<i32>} : memref<256xi32, #tpu.memory_space<vmem>>, vector<16xi32>,
      %broadcast_in_dim3A_396 = arith.constant 0 : i32
      %broadcast_in_dim3A_397 = vector.broadcast %broadcast_in_dim3A_396 : i32 to vector<16xi32>
      %swap3A_398 = arith.constant 176 : index
      %swap3A_399 = tpu.vector_load %arg11[%swap3A_398] {strides = array<i32>} : memref<256xi32, #tpu.memory_space<vmem>>, vector<16xi32>,
      tpu.vector_store %arg11[%swap3A_398], %broadcast_in_dim3A_397 {strides = array<i32>} : memref<256xi32, #tpu.memory_space<vmem>>, vector<16xi32>,
      %swap3A_400 = arith.constant 176 : index
      %swap3A_401 = tpu.vector_load %arg12[%swap3A_400] {strides = array<i32>} : memref<256xi32, #tpu.memory_space<vmem>>, vector<16xi32>,
      tpu.vector_store %arg12[%swap3A_400], %add3A_331 {strides = array<i32>} : memref<256xi32, #tpu.memory_space<vmem>>, vector<16xi32>,
      %broadcast_in_dim3A_402 = arith.constant 0 : i32
      %broadcast_in_dim3A_403 = vector.broadcast %broadcast_in_dim3A_402 : i32 to vector<16xi32>
      %swap3A_404 = arith.constant 192 : index
      %swap3A_405 = tpu.vector_load %arg11[%swap3A_404] {strides = array<i32>} : memref<256xi32, #tpu.memory_space<vmem>>, vector<16xi32>,
      tpu.vector_store %arg11[%swap3A_404], %broadcast_in_dim3A_403 {strides = array<i32>} : memref<256xi32, #tpu.memory_space<vmem>>, vector<16xi32>,
      %swap3A_406 = arith.constant 192 : index
      %swap3A_407 = tpu.vector_load %arg12[%swap3A_406] {strides = array<i32>} : memref<256xi32, #tpu.memory_space<vmem>>, vector<16xi32>,
      tpu.vector_store %arg12[%swap3A_406], %add3A_331 {strides = array<i32>} : memref<256xi32, #tpu.memory_space<vmem>>, vector<16xi32>,
      %broadcast_in_dim3A_408 = arith.constant 0 : i32
      %broadcast_in_dim3A_409 = vector.broadcast %broadcast_in_dim3A_408 : i32 to vector<16xi32>
      %swap3A_410 = arith.constant 208 : index
      %swap3A_411 = tpu.vector_load %arg11[%swap3A_410] {strides = array<i32>} : memref<256xi32, #tpu.memory_space<vmem>>, vector<16xi32>,
      tpu.vector_store %arg11[%swap3A_410], %broadcast_in_dim3A_409 {strides = array<i32>} : memref<256xi32, #tpu.memory_space<vmem>>, vector<16xi32>,
      %swap3A_412 = arith.constant 208 : index
      %swap3A_413 = tpu.vector_load %arg12[%swap3A_412] {strides = array<i32>} : memref<256xi32, #tpu.memory_space<vmem>>, vector<16xi32>,
      tpu.vector_store %arg12[%swap3A_412], %add3A_331 {strides = array<i32>} : memref<256xi32, #tpu.memory_space<vmem>>, vector<16xi32>,
      %broadcast_in_dim3A_414 = arith.constant 0 : i32
      %broadcast_in_dim3A_415 = vector.broadcast %broadcast_in_dim3A_414 : i32 to vector<16xi32>
      %swap3A_416 = arith.constant 224 : index
      %swap3A_417 = tpu.vector_load %arg11[%swap3A_416] {strides = array<i32>} : memref<256xi32, #tpu.memory_space<vmem>>, vector<16xi32>,
      tpu.vector_store %arg11[%swap3A_416], %broadcast_in_dim3A_415 {strides = array<i32>} : memref<256xi32, #tpu.memory_space<vmem>>, vector<16xi32>,
      %swap3A_418 = arith.constant 224 : index
      %swap3A_419 = tpu.vector_load %arg12[%swap3A_418] {strides = array<i32>} : memref<256xi32, #tpu.memory_space<vmem>>, vector<16xi32>,
      tpu.vector_store %arg12[%swap3A_418], %add3A_331 {strides = array<i32>} : memref<256xi32, #tpu.memory_space<vmem>>, vector<16xi32>,
      %broadcast_in_dim3A_420 = arith.constant 0 : i32
      %broadcast_in_dim3A_421 = vector.broadcast %broadcast_in_dim3A_420 : i32 to vector<16xi32>
      %swap3A_422 = arith.constant 240 : index
      %swap3A_423 = tpu.vector_load %arg11[%swap3A_422] {strides = array<i32>} : memref<256xi32, #tpu.memory_space<vmem>>, vector<16xi32>,
      tpu.vector_store %arg11[%swap3A_422], %broadcast_in_dim3A_421 {strides = array<i32>} : memref<256xi32, #tpu.memory_space<vmem>>, vector<16xi32>,
      %swap3A_424 = arith.constant 240 : index
      %swap3A_425 = tpu.vector_load %arg12[%swap3A_424] {strides = array<i32>} : memref<256xi32, #tpu.memory_space<vmem>>, vector<16xi32>,
      tpu.vector_store %arg12[%swap3A_424], %add3A_331 {strides = array<i32>} : memref<256xi32, #tpu.memory_space<vmem>>, vector<16xi32>,
      %add3A_426 = arith.constant 3 : i32
      %add3A_427 = arith.addi %select_n3A_239, %add3A_426 : i32
      %jit3A_428 = arith.constant 4 : i32
      %div3A_429 = arith.divsi %add3A_427, %jit3A_428 : i32
      %sign3A_430 = arith.constant 0 : i32
      %sign3A_431 = arith.cmpi sgt, %add3A_427, %sign3A_430 : i32
      %sign3A_432 = arith.extui %sign3A_431 : i1 to i32
      %sign3A_433 = arith.constant 0 : i32
      %sign3A_434 = arith.cmpi slt, %add3A_427, %sign3A_433 : i32
      %sign3A_435 = arith.extui %sign3A_434 : i1 to i32
      %sign3A_436 = arith.subi %sign3A_432, %sign3A_435 : i32
      %sign3A_437 = arith.constant 0 : i32
      %sign3A_438 = arith.cmpi sgt, %jit3A_428, %sign3A_437 : i32
      %sign3A_439 = arith.extui %sign3A_438 : i1 to i32
      %sign3A_440 = arith.constant 0 : i32
      %sign3A_441 = arith.cmpi slt, %jit3A_428, %sign3A_440 : i32
      %sign3A_442 = arith.extui %sign3A_441 : i1 to i32
      %sign3A_443 = arith.subi %sign3A_439, %sign3A_442 : i32
      %ne3A_444 = arith.cmpi ne, %sign3A_436, %sign3A_443 : i32
      %rem3A_445 = arith.remsi %add3A_427, %jit3A_428 : i32
      %ne3A_446 = arith.constant 0 : i32
      %ne3A_447 = arith.cmpi ne, %rem3A_445, %ne3A_446 : i32
      %and3A_448 = arith.andi %ne3A_444, %ne3A_447 : i1
      %sub3A_449 = arith.constant 1 : i32
      %sub3A_450 = arith.subi %div3A_429, %sub3A_449 : i32
      %select_n3A_451 = arith.select %and3A_448, %sub3A_450, %div3A_429 : i32
      %while3A_452 = arith.constant 0 : i32
      %while3A_453 = arith.constant 0 : i32
      %while3A_454 = arith.subi %select_n3A_451, %while3A_452 : i32
      %while3A_455 = arith.addi %while3A_452, %while3A_454 : i32
      %while3A_456 = arith.constant 1 : i32
      %while3A_457 = arith.divsi %while3A_454, %while3A_456 : i32
      %while3A_458 = arith.muli %while3A_457, %while3A_456 : i32
      %while3A_459 = arith.addi %while3A_452, %while3A_458 : i32
      %while3A_460 = arith.constant 1 : i32
      %while3A_461 = scf.for %while3A_1105 = %while3A_452 to %while3A_459 step %while3A_460 iter_args(%while3A_1106 = %while3A_453) -> (i32)  : i32 {
        %mul3A_1107 = arith.constant 4 : i32
        %mul3A_1108 = arith.muli %while3A_1105, %mul3A_1107 : i32
        %add3A_1109 = arith.constant 0 : i32
        %add3A_1110 = arith.addi %mul3A_1108, %add3A_1109 : i32
        %mul3A_1111 = arith.constant 16 : i32
        %mul3A_1112 = arith.muli %add3A_1110, %mul3A_1111 : i32
        %get3A_1113 = arith.index_cast %mul3A_1112 : i32 to index
        %get3A_1114 = tpu.vector_load %arg7[%get3A_1113] {strides = array<i32>} : memref<2112xi32, #tpu.memory_space<vmem>>, vector<16xi32>,
        %mul3A_1115 = arith.constant 4 : i32
        %mul3A_1116 = arith.muli %while3A_1105, %mul3A_1115 : i32
        %add3A_1117 = arith.constant 0 : i32
        %add3A_1118 = arith.addi %mul3A_1116, %add3A_1117 : i32
        %mul3A_1119 = arith.constant 16 : i32
        %mul3A_1120 = arith.muli %add3A_1118, %mul3A_1119 : i32
        %get3A_1121 = arith.index_cast %mul3A_1120 : i32 to index
        %get3A_1122 = tpu.vector_load %arg8[%get3A_1121] {strides = array<i32>} : memref<2112xi32, #tpu.memory_space<vmem>>, vector<16xi32>,
        %ge3A = vector.broadcast %min3A_313 : i32 to vector<16xi32>
        %ge3A_1123 = arith.cmpi sge, %get3A_1114, %ge3A : vector<16xi32>
        %lt3A_1124 = vector.broadcast %min3A_319 : i32 to vector<16xi32>
        %lt3A_1125 = arith.cmpi slt, %get3A_1114, %lt3A_1124 : vector<16xi32>
        %and3A_1126 = arith.andi %ge3A_1123, %lt3A_1125 : vector<16xi1>
        %jit3A_1127 = arith.constant 1 : i32
        %jit3A_1128 = arith.constant 0 : i32
        %broadcast_in_dim3A_1129 = vector.broadcast %jit3A_1127 : i32 to vector<16xi32>
        %broadcast_in_dim3A_1130 = vector.broadcast %jit3A_1128 : i32 to vector<16xi32>
        %select_n3A_1131 = arith.select %and3A_1126, %broadcast_in_dim3A_1129, %broadcast_in_dim3A_1130 : vector<16xi1>, vector<16xi32>
        %broadcast_in_dim3A_1132 = arith.constant true
        %broadcast_in_dim3A_1133 = vector.broadcast %broadcast_in_dim3A_1132 : i1 to vector<16xi1>
        %masked_cumsum3A = tpu.scan <sum>, %select_n3A_1131 masked %broadcast_in_dim3A_1133 : vector<16xi32>, vector<16xi1> -> vector<16xi32>
        %mul3A_1134 = arith.constant 4 : i32
        %mul3A_1135 = arith.muli %while3A_1105, %mul3A_1134 : i32
        %add3A_1136 = arith.constant 1 : i32
        %add3A_1137 = arith.addi %mul3A_1135, %add3A_1136 : i32
        %mul3A_1138 = arith.constant 16 : i32
        %mul3A_1139 = arith.muli %add3A_1137, %mul3A_1138 : i32
        %get3A_1140 = arith.index_cast %mul3A_1139 : i32 to index
        %get3A_1141 = tpu.vector_load %arg7[%get3A_1140] {strides = array<i32>} : memref<2112xi32, #tpu.memory_space<vmem>>, vector<16xi32>,
        %mul3A_1142 = arith.constant 4 : i32
        %mul3A_1143 = arith.muli %while3A_1105, %mul3A_1142 : i32
        %add3A_1144 = arith.constant 1 : i32
        %add3A_1145 = arith.addi %mul3A_1143, %add3A_1144 : i32
        %mul3A_1146 = arith.constant 16 : i32
        %mul3A_1147 = arith.muli %add3A_1145, %mul3A_1146 : i32
        %get3A_1148 = arith.index_cast %mul3A_1147 : i32 to index
        %get3A_1149 = tpu.vector_load %arg8[%get3A_1148] {strides = array<i32>} : memref<2112xi32, #tpu.memory_space<vmem>>, vector<16xi32>,
        %ge3A_1150 = vector.broadcast %min3A_313 : i32 to vector<16xi32>
        %ge3A_1151 = arith.cmpi sge, %get3A_1141, %ge3A_1150 : vector<16xi32>
        %lt3A_1152 = vector.broadcast %min3A_319 : i32 to vector<16xi32>
        %lt3A_1153 = arith.cmpi slt, %get3A_1141, %lt3A_1152 : vector<16xi32>
        %and3A_1154 = arith.andi %ge3A_1151, %lt3A_1153 : vector<16xi1>
        %jit3A_1155 = arith.constant 1 : i32
        %jit3A_1156 = arith.constant 0 : i32
        %broadcast_in_dim3A_1157 = vector.broadcast %jit3A_1155 : i32 to vector<16xi32>
        %broadcast_in_dim3A_1158 = vector.broadcast %jit3A_1156 : i32 to vector<16xi32>
        %select_n3A_1159 = arith.select %and3A_1154, %broadcast_in_dim3A_1157, %broadcast_in_dim3A_1158 : vector<16xi1>, vector<16xi32>
        %broadcast_in_dim3A_1160 = arith.constant true
        %broadcast_in_dim3A_1161 = vector.broadcast %broadcast_in_dim3A_1160 : i1 to vector<16xi1>
        %masked_cumsum3A_1162 = tpu.scan <sum>, %select_n3A_1159 masked %broadcast_in_dim3A_1161 : vector<16xi32>, vector<16xi1> -> vector<16xi32>
        %mul3A_1163 = arith.constant 4 : i32
        %mul3A_1164 = arith.muli %while3A_1105, %mul3A_1163 : i32
        %add3A_1165 = arith.constant 2 : i32
        %add3A_1166 = arith.addi %mul3A_1164, %add3A_1165 : i32
        %mul3A_1167 = arith.constant 16 : i32
        %mul3A_1168 = arith.muli %add3A_1166, %mul3A_1167 : i32
        %get3A_1169 = arith.index_cast %mul3A_1168 : i32 to index
        %get3A_1170 = tpu.vector_load %arg7[%get3A_1169] {strides = array<i32>} : memref<2112xi32, #tpu.memory_space<vmem>>, vector<16xi32>,
        %mul3A_1171 = arith.constant 4 : i32
        %mul3A_1172 = arith.muli %while3A_1105, %mul3A_1171 : i32
        %add3A_1173 = arith.constant 2 : i32
        %add3A_1174 = arith.addi %mul3A_1172, %add3A_1173 : i32
        %mul3A_1175 = arith.constant 16 : i32
        %mul3A_1176 = arith.muli %add3A_1174, %mul3A_1175 : i32
        %get3A_1177 = arith.index_cast %mul3A_1176 : i32 to index
        %get3A_1178 = tpu.vector_load %arg8[%get3A_1177] {strides = array<i32>} : memref<2112xi32, #tpu.memory_space<vmem>>, vector<16xi32>,
        %ge3A_1179 = vector.broadcast %min3A_313 : i32 to vector<16xi32>
        %ge3A_1180 = arith.cmpi sge, %get3A_1170, %ge3A_1179 : vector<16xi32>
        %lt3A_1181 = vector.broadcast %min3A_319 : i32 to vector<16xi32>
        %lt3A_1182 = arith.cmpi slt, %get3A_1170, %lt3A_1181 : vector<16xi32>
        %and3A_1183 = arith.andi %ge3A_1180, %lt3A_1182 : vector<16xi1>
        %jit3A_1184 = arith.constant 1 : i32
        %jit3A_1185 = arith.constant 0 : i32
        %broadcast_in_dim3A_1186 = vector.broadcast %jit3A_1184 : i32 to vector<16xi32>
        %broadcast_in_dim3A_1187 = vector.broadcast %jit3A_1185 : i32 to vector<16xi32>
        %select_n3A_1188 = arith.select %and3A_1183, %broadcast_in_dim3A_1186, %broadcast_in_dim3A_1187 : vector<16xi1>, vector<16xi32>
        %broadcast_in_dim3A_1189 = arith.constant true
        %broadcast_in_dim3A_1190 = vector.broadcast %broadcast_in_dim3A_1189 : i1 to vector<16xi1>
        %masked_cumsum3A_1191 = tpu.scan <sum>, %select_n3A_1188 masked %broadcast_in_dim3A_1190 : vector<16xi32>, vector<16xi1> -> vector<16xi32>
        %mul3A_1192 = arith.constant 4 : i32
        %mul3A_1193 = arith.muli %while3A_1105, %mul3A_1192 : i32
        %add3A_1194 = arith.constant 3 : i32
        %add3A_1195 = arith.addi %mul3A_1193, %add3A_1194 : i32
        %mul3A_1196 = arith.constant 16 : i32
        %mul3A_1197 = arith.muli %add3A_1195, %mul3A_1196 : i32
        %get3A_1198 = arith.index_cast %mul3A_1197 : i32 to index
        %get3A_1199 = tpu.vector_load %arg7[%get3A_1198] {strides = array<i32>} : memref<2112xi32, #tpu.memory_space<vmem>>, vector<16xi32>,
        %mul3A_1200 = arith.constant 4 : i32
        %mul3A_1201 = arith.muli %while3A_1105, %mul3A_1200 : i32
        %add3A_1202 = arith.constant 3 : i32
        %add3A_1203 = arith.addi %mul3A_1201, %add3A_1202 : i32
        %mul3A_1204 = arith.constant 16 : i32
        %mul3A_1205 = arith.muli %add3A_1203, %mul3A_1204 : i32
        %get3A_1206 = arith.index_cast %mul3A_1205 : i32 to index
        %get3A_1207 = tpu.vector_load %arg8[%get3A_1206] {strides = array<i32>} : memref<2112xi32, #tpu.memory_space<vmem>>, vector<16xi32>,
        %ge3A_1208 = vector.broadcast %min3A_313 : i32 to vector<16xi32>
        %ge3A_1209 = arith.cmpi sge, %get3A_1199, %ge3A_1208 : vector<16xi32>
        %lt3A_1210 = vector.broadcast %min3A_319 : i32 to vector<16xi32>
        %lt3A_1211 = arith.cmpi slt, %get3A_1199, %lt3A_1210 : vector<16xi32>
        %and3A_1212 = arith.andi %ge3A_1209, %lt3A_1211 : vector<16xi1>
        %jit3A_1213 = arith.constant 1 : i32
        %jit3A_1214 = arith.constant 0 : i32
        %broadcast_in_dim3A_1215 = vector.broadcast %jit3A_1213 : i32 to vector<16xi32>
        %broadcast_in_dim3A_1216 = vector.broadcast %jit3A_1214 : i32 to vector<16xi32>
        %select_n3A_1217 = arith.select %and3A_1212, %broadcast_in_dim3A_1215, %broadcast_in_dim3A_1216 : vector<16xi1>, vector<16xi32>
        %broadcast_in_dim3A_1218 = arith.constant true
        %broadcast_in_dim3A_1219 = vector.broadcast %broadcast_in_dim3A_1218 : i1 to vector<16xi1>
        %masked_cumsum3A_1220 = tpu.scan <sum>, %select_n3A_1217 masked %broadcast_in_dim3A_1219 : vector<16xi32>, vector<16xi1> -> vector<16xi32>
        %add3A_1221 = vector.broadcast %while3A_1106 : i32 to vector<16xi32>
        %add3A_1222 = arith.addi %add3A_1221, %masked_cumsum3A : vector<16xi32>
        %sub3A_1223 = arith.constant 1 : i32
        %sub3A_1224 = vector.broadcast %sub3A_1223 : i32 to vector<16xi32>
        %sub3A_1225 = arith.subi %add3A_1222, %sub3A_1224 : vector<16xi32>
        %sub3A_1226 = vector.broadcast %min3A_325 : i32 to vector<16xi32>
        %sub3A_1227 = arith.subi %get3A_1114, %sub3A_1226 : vector<16xi32>
        tpu.vector_store_idx %arg11[%sub3A_1225], %sub3A_1227 masked %and3A_1126 : memref<256xi32, #tpu.memory_space<vmem>>[vector<16xi32>], vector<16xi32>, vector<16xi1>
        tpu.vector_store_idx %arg12[%sub3A_1225], %get3A_1122 masked %and3A_1126 : memref<256xi32, #tpu.memory_space<vmem>>[vector<16xi32>], vector<16xi32>, vector<16xi1>
        %slice3A = vector.extract_strided_slice %masked_cumsum3A {offsets = [15], sizes = [1], strides = [1]} : vector<16xi32> to vector<1xi32>
        %squeeze3A = vector.extract %slice3A[0] : i32 from vector<1xi32>
        %add3A_1228 = arith.addi %while3A_1106, %squeeze3A : i32
        %add3A_1229 = vector.broadcast %add3A_1228 : i32 to vector<16xi32>
        %add3A_1230 = arith.addi %add3A_1229, %masked_cumsum3A_1162 : vector<16xi32>
        %sub3A_1231 = arith.constant 1 : i32
        %sub3A_1232 = vector.broadcast %sub3A_1231 : i32 to vector<16xi32>
        %sub3A_1233 = arith.subi %add3A_1230, %sub3A_1232 : vector<16xi32>
        %sub3A_1234 = vector.broadcast %min3A_325 : i32 to vector<16xi32>
        %sub3A_1235 = arith.subi %get3A_1141, %sub3A_1234 : vector<16xi32>
        tpu.vector_store_idx %arg11[%sub3A_1233], %sub3A_1235 masked %and3A_1154 : memref<256xi32, #tpu.memory_space<vmem>>[vector<16xi32>], vector<16xi32>, vector<16xi1>
        tpu.vector_store_idx %arg12[%sub3A_1233], %get3A_1149 masked %and3A_1154 : memref<256xi32, #tpu.memory_space<vmem>>[vector<16xi32>], vector<16xi32>, vector<16xi1>
        %slice3A_1236 = vector.extract_strided_slice %masked_cumsum3A_1162 {offsets = [15], sizes = [1], strides = [1]} : vector<16xi32> to vector<1xi32>
        %squeeze3A_1237 = vector.extract %slice3A_1236[0] : i32 from vector<1xi32>
        %add3A_1238 = arith.addi %add3A_1228, %squeeze3A_1237 : i32
        %add3A_1239 = vector.broadcast %add3A_1238 : i32 to vector<16xi32>
        %add3A_1240 = arith.addi %add3A_1239, %masked_cumsum3A_1191 : vector<16xi32>
        %sub3A_1241 = arith.constant 1 : i32
        %sub3A_1242 = vector.broadcast %sub3A_1241 : i32 to vector<16xi32>
        %sub3A_1243 = arith.subi %add3A_1240, %sub3A_1242 : vector<16xi32>
        %sub3A_1244 = vector.broadcast %min3A_325 : i32 to vector<16xi32>
        %sub3A_1245 = arith.subi %get3A_1170, %sub3A_1244 : vector<16xi32>
        tpu.vector_store_idx %arg11[%sub3A_1243], %sub3A_1245 masked %and3A_1183 : memref<256xi32, #tpu.memory_space<vmem>>[vector<16xi32>], vector<16xi32>, vector<16xi1>
        tpu.vector_store_idx %arg12[%sub3A_1243], %get3A_1178 masked %and3A_1183 : memref<256xi32, #tpu.memory_space<vmem>>[vector<16xi32>], vector<16xi32>, vector<16xi1>
        %slice3A_1246 = vector.extract_strided_slice %masked_cumsum3A_1191 {offsets = [15], sizes = [1], strides = [1]} : vector<16xi32> to vector<1xi32>
        %squeeze3A_1247 = vector.extract %slice3A_1246[0] : i32 from vector<1xi32>
        %add3A_1248 = arith.addi %add3A_1238, %squeeze3A_1247 : i32
        %add3A_1249 = vector.broadcast %add3A_1248 : i32 to vector<16xi32>
        %add3A_1250 = arith.addi %add3A_1249, %masked_cumsum3A_1220 : vector<16xi32>
        %sub3A_1251 = arith.constant 1 : i32
        %sub3A_1252 = vector.broadcast %sub3A_1251 : i32 to vector<16xi32>
        %sub3A_1253 = arith.subi %add3A_1250, %sub3A_1252 : vector<16xi32>
        %sub3A_1254 = vector.broadcast %min3A_325 : i32 to vector<16xi32>
        %sub3A_1255 = arith.subi %get3A_1199, %sub3A_1254 : vector<16xi32>
        tpu.vector_store_idx %arg11[%sub3A_1253], %sub3A_1255 masked %and3A_1212 : memref<256xi32, #tpu.memory_space<vmem>>[vector<16xi32>], vector<16xi32>, vector<16xi1>
        tpu.vector_store_idx %arg12[%sub3A_1253], %get3A_1207 masked %and3A_1212 : memref<256xi32, #tpu.memory_space<vmem>>[vector<16xi32>], vector<16xi32>, vector<16xi1>
        %slice3A_1256 = vector.extract_strided_slice %masked_cumsum3A_1220 {offsets = [15], sizes = [1], strides = [1]} : vector<16xi32> to vector<1xi32>
        %squeeze3A_1257 = vector.extract %slice3A_1256[0] : i32 from vector<1xi32>
        %add3A_1258 = arith.addi %add3A_1248, %squeeze3A_1257 : i32
        scf.yield %add3A_1258 : i32
      }
      %while3A_462 = arith.constant 1 : i32
      %while3A_463 = scf.for %while3A_1105 = %while3A_459 to %while3A_455 step %while3A_462 iter_args(%while3A_1106 = %while3A_461) -> (i32)  : i32 {
        %mul3A_1107 = arith.constant 4 : i32
        %mul3A_1108 = arith.muli %while3A_1105, %mul3A_1107 : i32
        %add3A_1109 = arith.constant 0 : i32
        %add3A_1110 = arith.addi %mul3A_1108, %add3A_1109 : i32
        %mul3A_1111 = arith.constant 16 : i32
        %mul3A_1112 = arith.muli %add3A_1110, %mul3A_1111 : i32
        %get3A_1113 = arith.index_cast %mul3A_1112 : i32 to index
        %get3A_1114 = tpu.vector_load %arg7[%get3A_1113] {strides = array<i32>} : memref<2112xi32, #tpu.memory_space<vmem>>, vector<16xi32>,
        %mul3A_1115 = arith.constant 4 : i32
        %mul3A_1116 = arith.muli %while3A_1105, %mul3A_1115 : i32
        %add3A_1117 = arith.constant 0 : i32
        %add3A_1118 = arith.addi %mul3A_1116, %add3A_1117 : i32
        %mul3A_1119 = arith.constant 16 : i32
        %mul3A_1120 = arith.muli %add3A_1118, %mul3A_1119 : i32
        %get3A_1121 = arith.index_cast %mul3A_1120 : i32 to index
        %get3A_1122 = tpu.vector_load %arg8[%get3A_1121] {strides = array<i32>} : memref<2112xi32, #tpu.memory_space<vmem>>, vector<16xi32>,
        %ge3A = vector.broadcast %min3A_313 : i32 to vector<16xi32>
        %ge3A_1123 = arith.cmpi sge, %get3A_1114, %ge3A : vector<16xi32>
        %lt3A_1124 = vector.broadcast %min3A_319 : i32 to vector<16xi32>
        %lt3A_1125 = arith.cmpi slt, %get3A_1114, %lt3A_1124 : vector<16xi32>
        %and3A_1126 = arith.andi %ge3A_1123, %lt3A_1125 : vector<16xi1>
        %jit3A_1127 = arith.constant 1 : i32
        %jit3A_1128 = arith.constant 0 : i32
        %broadcast_in_dim3A_1129 = vector.broadcast %jit3A_1127 : i32 to vector<16xi32>
        %broadcast_in_dim3A_1130 = vector.broadcast %jit3A_1128 : i32 to vector<16xi32>
        %select_n3A_1131 = arith.select %and3A_1126, %broadcast_in_dim3A_1129, %broadcast_in_dim3A_1130 : vector<16xi1>, vector<16xi32>
        %broadcast_in_dim3A_1132 = arith.constant true
        %broadcast_in_dim3A_1133 = vector.broadcast %broadcast_in_dim3A_1132 : i1 to vector<16xi1>
        %masked_cumsum3A = tpu.scan <sum>, %select_n3A_1131 masked %broadcast_in_dim3A_1133 : vector<16xi32>, vector<16xi1> -> vector<16xi32>
        %mul3A_1134 = arith.constant 4 : i32
        %mul3A_1135 = arith.muli %while3A_1105, %mul3A_1134 : i32
        %add3A_1136 = arith.constant 1 : i32
        %add3A_1137 = arith.addi %mul3A_1135, %add3A_1136 : i32
        %mul3A_1138 = arith.constant 16 : i32
        %mul3A_1139 = arith.muli %add3A_1137, %mul3A_1138 : i32
        %get3A_1140 = arith.index_cast %mul3A_1139 : i32 to index
        %get3A_1141 = tpu.vector_load %arg7[%get3A_1140] {strides = array<i32>} : memref<2112xi32, #tpu.memory_space<vmem>>, vector<16xi32>,
        %mul3A_1142 = arith.constant 4 : i32
        %mul3A_1143 = arith.muli %while3A_1105, %mul3A_1142 : i32
        %add3A_1144 = arith.constant 1 : i32
        %add3A_1145 = arith.addi %mul3A_1143, %add3A_1144 : i32
        %mul3A_1146 = arith.constant 16 : i32
        %mul3A_1147 = arith.muli %add3A_1145, %mul3A_1146 : i32
        %get3A_1148 = arith.index_cast %mul3A_1147 : i32 to index
        %get3A_1149 = tpu.vector_load %arg8[%get3A_1148] {strides = array<i32>} : memref<2112xi32, #tpu.memory_space<vmem>>, vector<16xi32>,
        %ge3A_1150 = vector.broadcast %min3A_313 : i32 to vector<16xi32>
        %ge3A_1151 = arith.cmpi sge, %get3A_1141, %ge3A_1150 : vector<16xi32>
        %lt3A_1152 = vector.broadcast %min3A_319 : i32 to vector<16xi32>
        %lt3A_1153 = arith.cmpi slt, %get3A_1141, %lt3A_1152 : vector<16xi32>
        %and3A_1154 = arith.andi %ge3A_1151, %lt3A_1153 : vector<16xi1>
        %jit3A_1155 = arith.constant 1 : i32
        %jit3A_1156 = arith.constant 0 : i32
        %broadcast_in_dim3A_1157 = vector.broadcast %jit3A_1155 : i32 to vector<16xi32>
        %broadcast_in_dim3A_1158 = vector.broadcast %jit3A_1156 : i32 to vector<16xi32>
        %select_n3A_1159 = arith.select %and3A_1154, %broadcast_in_dim3A_1157, %broadcast_in_dim3A_1158 : vector<16xi1>, vector<16xi32>
        %broadcast_in_dim3A_1160 = arith.constant true
        %broadcast_in_dim3A_1161 = vector.broadcast %broadcast_in_dim3A_1160 : i1 to vector<16xi1>
        %masked_cumsum3A_1162 = tpu.scan <sum>, %select_n3A_1159 masked %broadcast_in_dim3A_1161 : vector<16xi32>, vector<16xi1> -> vector<16xi32>
        %mul3A_1163 = arith.constant 4 : i32
        %mul3A_1164 = arith.muli %while3A_1105, %mul3A_1163 : i32
        %add3A_1165 = arith.constant 2 : i32
        %add3A_1166 = arith.addi %mul3A_1164, %add3A_1165 : i32
        %mul3A_1167 = arith.constant 16 : i32
        %mul3A_1168 = arith.muli %add3A_1166, %mul3A_1167 : i32
        %get3A_1169 = arith.index_cast %mul3A_1168 : i32 to index
        %get3A_1170 = tpu.vector_load %arg7[%get3A_1169] {strides = array<i32>} : memref<2112xi32, #tpu.memory_space<vmem>>, vector<16xi32>,
        %mul3A_1171 = arith.constant 4 : i32
        %mul3A_1172 = arith.muli %while3A_1105, %mul3A_1171 : i32
        %add3A_1173 = arith.constant 2 : i32
        %add3A_1174 = arith.addi %mul3A_1172, %add3A_1173 : i32
        %mul3A_1175 = arith.constant 16 : i32
        %mul3A_1176 = arith.muli %add3A_1174, %mul3A_1175 : i32
        %get3A_1177 = arith.index_cast %mul3A_1176 : i32 to index
        %get3A_1178 = tpu.vector_load %arg8[%get3A_1177] {strides = array<i32>} : memref<2112xi32, #tpu.memory_space<vmem>>, vector<16xi32>,
        %ge3A_1179 = vector.broadcast %min3A_313 : i32 to vector<16xi32>
        %ge3A_1180 = arith.cmpi sge, %get3A_1170, %ge3A_1179 : vector<16xi32>
        %lt3A_1181 = vector.broadcast %min3A_319 : i32 to vector<16xi32>
        %lt3A_1182 = arith.cmpi slt, %get3A_1170, %lt3A_1181 : vector<16xi32>
        %and3A_1183 = arith.andi %ge3A_1180, %lt3A_1182 : vector<16xi1>
        %jit3A_1184 = arith.constant 1 : i32
        %jit3A_1185 = arith.constant 0 : i32
        %broadcast_in_dim3A_1186 = vector.broadcast %jit3A_1184 : i32 to vector<16xi32>
        %broadcast_in_dim3A_1187 = vector.broadcast %jit3A_1185 : i32 to vector<16xi32>
        %select_n3A_1188 = arith.select %and3A_1183, %broadcast_in_dim3A_1186, %broadcast_in_dim3A_1187 : vector<16xi1>, vector<16xi32>
        %broadcast_in_dim3A_1189 = arith.constant true
        %broadcast_in_dim3A_1190 = vector.broadcast %broadcast_in_dim3A_1189 : i1 to vector<16xi1>
        %masked_cumsum3A_1191 = tpu.scan <sum>, %select_n3A_1188 masked %broadcast_in_dim3A_1190 : vector<16xi32>, vector<16xi1> -> vector<16xi32>
        %mul3A_1192 = arith.constant 4 : i32
        %mul3A_1193 = arith.muli %while3A_1105, %mul3A_1192 : i32
        %add3A_1194 = arith.constant 3 : i32
        %add3A_1195 = arith.addi %mul3A_1193, %add3A_1194 : i32
        %mul3A_1196 = arith.constant 16 : i32
        %mul3A_1197 = arith.muli %add3A_1195, %mul3A_1196 : i32
        %get3A_1198 = arith.index_cast %mul3A_1197 : i32 to index
        %get3A_1199 = tpu.vector_load %arg7[%get3A_1198] {strides = array<i32>} : memref<2112xi32, #tpu.memory_space<vmem>>, vector<16xi32>,
        %mul3A_1200 = arith.constant 4 : i32
        %mul3A_1201 = arith.muli %while3A_1105, %mul3A_1200 : i32
        %add3A_1202 = arith.constant 3 : i32
        %add3A_1203 = arith.addi %mul3A_1201, %add3A_1202 : i32
        %mul3A_1204 = arith.constant 16 : i32
        %mul3A_1205 = arith.muli %add3A_1203, %mul3A_1204 : i32
        %get3A_1206 = arith.index_cast %mul3A_1205 : i32 to index
        %get3A_1207 = tpu.vector_load %arg8[%get3A_1206] {strides = array<i32>} : memref<2112xi32, #tpu.memory_space<vmem>>, vector<16xi32>,
        %ge3A_1208 = vector.broadcast %min3A_313 : i32 to vector<16xi32>
        %ge3A_1209 = arith.cmpi sge, %get3A_1199, %ge3A_1208 : vector<16xi32>
        %lt3A_1210 = vector.broadcast %min3A_319 : i32 to vector<16xi32>
        %lt3A_1211 = arith.cmpi slt, %get3A_1199, %lt3A_1210 : vector<16xi32>
        %and3A_1212 = arith.andi %ge3A_1209, %lt3A_1211 : vector<16xi1>
        %jit3A_1213 = arith.constant 1 : i32
        %jit3A_1214 = arith.constant 0 : i32
        %broadcast_in_dim3A_1215 = vector.broadcast %jit3A_1213 : i32 to vector<16xi32>
        %broadcast_in_dim3A_1216 = vector.broadcast %jit3A_1214 : i32 to vector<16xi32>
        %select_n3A_1217 = arith.select %and3A_1212, %broadcast_in_dim3A_1215, %broadcast_in_dim3A_1216 : vector<16xi1>, vector<16xi32>
        %broadcast_in_dim3A_1218 = arith.constant true
        %broadcast_in_dim3A_1219 = vector.broadcast %broadcast_in_dim3A_1218 : i1 to vector<16xi1>
        %masked_cumsum3A_1220 = tpu.scan <sum>, %select_n3A_1217 masked %broadcast_in_dim3A_1219 : vector<16xi32>, vector<16xi1> -> vector<16xi32>
        %add3A_1221 = vector.broadcast %while3A_1106 : i32 to vector<16xi32>
        %add3A_1222 = arith.addi %add3A_1221, %masked_cumsum3A : vector<16xi32>
        %sub3A_1223 = arith.constant 1 : i32
        %sub3A_1224 = vector.broadcast %sub3A_1223 : i32 to vector<16xi32>
        %sub3A_1225 = arith.subi %add3A_1222, %sub3A_1224 : vector<16xi32>
        %sub3A_1226 = vector.broadcast %min3A_325 : i32 to vector<16xi32>
        %sub3A_1227 = arith.subi %get3A_1114, %sub3A_1226 : vector<16xi32>
        tpu.vector_store_idx %arg11[%sub3A_1225], %sub3A_1227 masked %and3A_1126 : memref<256xi32, #tpu.memory_space<vmem>>[vector<16xi32>], vector<16xi32>, vector<16xi1>
        tpu.vector_store_idx %arg12[%sub3A_1225], %get3A_1122 masked %and3A_1126 : memref<256xi32, #tpu.memory_space<vmem>>[vector<16xi32>], vector<16xi32>, vector<16xi1>
        %slice3A = vector.extract_strided_slice %masked_cumsum3A {offsets = [15], sizes = [1], strides = [1]} : vector<16xi32> to vector<1xi32>
        %squeeze3A = vector.extract %slice3A[0] : i32 from vector<1xi32>
        %add3A_1228 = arith.addi %while3A_1106, %squeeze3A : i32
        %add3A_1229 = vector.broadcast %add3A_1228 : i32 to vector<16xi32>
        %add3A_1230 = arith.addi %add3A_1229, %masked_cumsum3A_1162 : vector<16xi32>
        %sub3A_1231 = arith.constant 1 : i32
        %sub3A_1232 = vector.broadcast %sub3A_1231 : i32 to vector<16xi32>
        %sub3A_1233 = arith.subi %add3A_1230, %sub3A_1232 : vector<16xi32>
        %sub3A_1234 = vector.broadcast %min3A_325 : i32 to vector<16xi32>
        %sub3A_1235 = arith.subi %get3A_1141, %sub3A_1234 : vector<16xi32>
        tpu.vector_store_idx %arg11[%sub3A_1233], %sub3A_1235 masked %and3A_1154 : memref<256xi32, #tpu.memory_space<vmem>>[vector<16xi32>], vector<16xi32>, vector<16xi1>
        tpu.vector_store_idx %arg12[%sub3A_1233], %get3A_1149 masked %and3A_1154 : memref<256xi32, #tpu.memory_space<vmem>>[vector<16xi32>], vector<16xi32>, vector<16xi1>
        %slice3A_1236 = vector.extract_strided_slice %masked_cumsum3A_1162 {offsets = [15], sizes = [1], strides = [1]} : vector<16xi32> to vector<1xi32>
        %squeeze3A_1237 = vector.extract %slice3A_1236[0] : i32 from vector<1xi32>
        %add3A_1238 = arith.addi %add3A_1228, %squeeze3A_1237 : i32
        %add3A_1239 = vector.broadcast %add3A_1238 : i32 to vector<16xi32>
        %add3A_1240 = arith.addi %add3A_1239, %masked_cumsum3A_1191 : vector<16xi32>
        %sub3A_1241 = arith.constant 1 : i32
        %sub3A_1242 = vector.broadcast %sub3A_1241 : i32 to vector<16xi32>
        %sub3A_1243 = arith.subi %add3A_1240, %sub3A_1242 : vector<16xi32>
        %sub3A_1244 = vector.broadcast %min3A_325 : i32 to vector<16xi32>
        %sub3A_1245 = arith.subi %get3A_1170, %sub3A_1244 : vector<16xi32>
        tpu.vector_store_idx %arg11[%sub3A_1243], %sub3A_1245 masked %and3A_1183 : memref<256xi32, #tpu.memory_space<vmem>>[vector<16xi32>], vector<16xi32>, vector<16xi1>
        tpu.vector_store_idx %arg12[%sub3A_1243], %get3A_1178 masked %and3A_1183 : memref<256xi32, #tpu.memory_space<vmem>>[vector<16xi32>], vector<16xi32>, vector<16xi1>
        %slice3A_1246 = vector.extract_strided_slice %masked_cumsum3A_1191 {offsets = [15], sizes = [1], strides = [1]} : vector<16xi32> to vector<1xi32>
        %squeeze3A_1247 = vector.extract %slice3A_1246[0] : i32 from vector<1xi32>
        %add3A_1248 = arith.addi %add3A_1238, %squeeze3A_1247 : i32
        %add3A_1249 = vector.broadcast %add3A_1248 : i32 to vector<16xi32>
        %add3A_1250 = arith.addi %add3A_1249, %masked_cumsum3A_1220 : vector<16xi32>
        %sub3A_1251 = arith.constant 1 : i32
        %sub3A_1252 = vector.broadcast %sub3A_1251 : i32 to vector<16xi32>
        %sub3A_1253 = arith.subi %add3A_1250, %sub3A_1252 : vector<16xi32>
        %sub3A_1254 = vector.broadcast %min3A_325 : i32 to vector<16xi32>
        %sub3A_1255 = arith.subi %get3A_1199, %sub3A_1254 : vector<16xi32>
        tpu.vector_store_idx %arg11[%sub3A_1253], %sub3A_1255 masked %and3A_1212 : memref<256xi32, #tpu.memory_space<vmem>>[vector<16xi32>], vector<16xi32>, vector<16xi1>
        tpu.vector_store_idx %arg12[%sub3A_1253], %get3A_1207 masked %and3A_1212 : memref<256xi32, #tpu.memory_space<vmem>>[vector<16xi32>], vector<16xi32>, vector<16xi1>
        %slice3A_1256 = vector.extract_strided_slice %masked_cumsum3A_1220 {offsets = [15], sizes = [1], strides = [1]} : vector<16xi32> to vector<1xi32>
        %squeeze3A_1257 = vector.extract %slice3A_1256[0] : i32 from vector<1xi32>
        %add3A_1258 = arith.addi %add3A_1248, %squeeze3A_1257 : i32
        scf.yield %add3A_1258 : i32
      }
      %get3A = arith.constant 0 : index
      %get3A_464 = tpu.vector_load %arg12[%get3A] {strides = array<i32>} : memref<256xi32, #tpu.memory_space<vmem>>, vector<16xi32>,
      %swap3A_465 = arith.constant 0 : i32
      %swap3A_466 = arith.index_cast %swap3A_465 : i32 to index
      %swap3A_467 = arith.constant 0 : index
      %swap3A_468 = tpu.vector_load %arg13[%swap3A_466, %swap3A_467] {strides = array<i32>} : memref<16x16xi32, #tpu.memory_space<vmem>>, vector<16xi32>,
      tpu.vector_store %arg13[%swap3A_466, %swap3A_467], %get3A_464 {strides = array<i32>} : memref<16x16xi32, #tpu.memory_space<vmem>>, vector<16xi32>,
      %get3A_469 = arith.constant 16 : index
      %get3A_470 = tpu.vector_load %arg12[%get3A_469] {strides = array<i32>} : memref<256xi32, #tpu.memory_space<vmem>>, vector<16xi32>,
      %swap3A_471 = arith.constant 1 : i32
      %swap3A_472 = arith.index_cast %swap3A_471 : i32 to index
      %swap3A_473 = arith.constant 0 : index
      %swap3A_474 = tpu.vector_load %arg13[%swap3A_472, %swap3A_473] {strides = array<i32>} : memref<16x16xi32, #tpu.memory_space<vmem>>, vector<16xi32>,
      tpu.vector_store %arg13[%swap3A_472, %swap3A_473], %get3A_470 {strides = array<i32>} : memref<16x16xi32, #tpu.memory_space<vmem>>, vector<16xi32>,
      %get3A_475 = arith.constant 32 : index
      %get3A_476 = tpu.vector_load %arg12[%get3A_475] {strides = array<i32>} : memref<256xi32, #tpu.memory_space<vmem>>, vector<16xi32>,
      %swap3A_477 = arith.constant 2 : i32
      %swap3A_478 = arith.index_cast %swap3A_477 : i32 to index
      %swap3A_479 = arith.constant 0 : index
      %swap3A_480 = tpu.vector_load %arg13[%swap3A_478, %swap3A_479] {strides = array<i32>} : memref<16x16xi32, #tpu.memory_space<vmem>>, vector<16xi32>,
      tpu.vector_store %arg13[%swap3A_478, %swap3A_479], %get3A_476 {strides = array<i32>} : memref<16x16xi32, #tpu.memory_space<vmem>>, vector<16xi32>,
      %get3A_481 = arith.constant 48 : index
      %get3A_482 = tpu.vector_load %arg12[%get3A_481] {strides = array<i32>} : memref<256xi32, #tpu.memory_space<vmem>>, vector<16xi32>,
      %swap3A_483 = arith.constant 3 : i32
      %swap3A_484 = arith.index_cast %swap3A_483 : i32 to index
      %swap3A_485 = arith.constant 0 : index
      %swap3A_486 = tpu.vector_load %arg13[%swap3A_484, %swap3A_485] {strides = array<i32>} : memref<16x16xi32, #tpu.memory_space<vmem>>, vector<16xi32>,
      tpu.vector_store %arg13[%swap3A_484, %swap3A_485], %get3A_482 {strides = array<i32>} : memref<16x16xi32, #tpu.memory_space<vmem>>, vector<16xi32>,
      %get3A_487 = arith.constant 64 : index
      %get3A_488 = tpu.vector_load %arg12[%get3A_487] {strides = array<i32>} : memref<256xi32, #tpu.memory_space<vmem>>, vector<16xi32>,
      %swap3A_489 = arith.constant 4 : i32
      %swap3A_490 = arith.index_cast %swap3A_489 : i32 to index
      %swap3A_491 = arith.constant 0 : index
      %swap3A_492 = tpu.vector_load %arg13[%swap3A_490, %swap3A_491] {strides = array<i32>} : memref<16x16xi32, #tpu.memory_space<vmem>>, vector<16xi32>,
      tpu.vector_store %arg13[%swap3A_490, %swap3A_491], %get3A_488 {strides = array<i32>} : memref<16x16xi32, #tpu.memory_space<vmem>>, vector<16xi32>,
      %get3A_493 = arith.constant 80 : index
      %get3A_494 = tpu.vector_load %arg12[%get3A_493] {strides = array<i32>} : memref<256xi32, #tpu.memory_space<vmem>>, vector<16xi32>,
      %swap3A_495 = arith.constant 5 : i32
      %swap3A_496 = arith.index_cast %swap3A_495 : i32 to index
      %swap3A_497 = arith.constant 0 : index
      %swap3A_498 = tpu.vector_load %arg13[%swap3A_496, %swap3A_497] {strides = array<i32>} : memref<16x16xi32, #tpu.memory_space<vmem>>, vector<16xi32>,
      tpu.vector_store %arg13[%swap3A_496, %swap3A_497], %get3A_494 {strides = array<i32>} : memref<16x16xi32, #tpu.memory_space<vmem>>, vector<16xi32>,
      %get3A_499 = arith.constant 96 : index
      %get3A_500 = tpu.vector_load %arg12[%get3A_499] {strides = array<i32>} : memref<256xi32, #tpu.memory_space<vmem>>, vector<16xi32>,
      %swap3A_501 = arith.constant 6 : i32
      %swap3A_502 = arith.index_cast %swap3A_501 : i32 to index
      %swap3A_503 = arith.constant 0 : index
      %swap3A_504 = tpu.vector_load %arg13[%swap3A_502, %swap3A_503] {strides = array<i32>} : memref<16x16xi32, #tpu.memory_space<vmem>>, vector<16xi32>,
      tpu.vector_store %arg13[%swap3A_502, %swap3A_503], %get3A_500 {strides = array<i32>} : memref<16x16xi32, #tpu.memory_space<vmem>>, vector<16xi32>,
      %get3A_505 = arith.constant 112 : index
      %get3A_506 = tpu.vector_load %arg12[%get3A_505] {strides = array<i32>} : memref<256xi32, #tpu.memory_space<vmem>>, vector<16xi32>,
      %swap3A_507 = arith.constant 7 : i32
      %swap3A_508 = arith.index_cast %swap3A_507 : i32 to index
      %swap3A_509 = arith.constant 0 : index
      %swap3A_510 = tpu.vector_load %arg13[%swap3A_508, %swap3A_509] {strides = array<i32>} : memref<16x16xi32, #tpu.memory_space<vmem>>, vector<16xi32>,
      tpu.vector_store %arg13[%swap3A_508, %swap3A_509], %get3A_506 {strides = array<i32>} : memref<16x16xi32, #tpu.memory_space<vmem>>, vector<16xi32>,
      %get3A_511 = arith.constant 128 : index
      %get3A_512 = tpu.vector_load %arg12[%get3A_511] {strides = array<i32>} : memref<256xi32, #tpu.memory_space<vmem>>, vector<16xi32>,
      %swap3A_513 = arith.constant 8 : i32
      %swap3A_514 = arith.index_cast %swap3A_513 : i32 to index
      %swap3A_515 = arith.constant 0 : index
      %swap3A_516 = tpu.vector_load %arg13[%swap3A_514, %swap3A_515] {strides = array<i32>} : memref<16x16xi32, #tpu.memory_space<vmem>>, vector<16xi32>,
      tpu.vector_store %arg13[%swap3A_514, %swap3A_515], %get3A_512 {strides = array<i32>} : memref<16x16xi32, #tpu.memory_space<vmem>>, vector<16xi32>,
      %get3A_517 = arith.constant 144 : index
      %get3A_518 = tpu.vector_load %arg12[%get3A_517] {strides = array<i32>} : memref<256xi32, #tpu.memory_space<vmem>>, vector<16xi32>,
      %swap3A_519 = arith.constant 9 : i32
      %swap3A_520 = arith.index_cast %swap3A_519 : i32 to index
      %swap3A_521 = arith.constant 0 : index
      %swap3A_522 = tpu.vector_load %arg13[%swap3A_520, %swap3A_521] {strides = array<i32>} : memref<16x16xi32, #tpu.memory_space<vmem>>, vector<16xi32>,
      tpu.vector_store %arg13[%swap3A_520, %swap3A_521], %get3A_518 {strides = array<i32>} : memref<16x16xi32, #tpu.memory_space<vmem>>, vector<16xi32>,
      %get3A_523 = arith.constant 160 : index
      %get3A_524 = tpu.vector_load %arg12[%get3A_523] {strides = array<i32>} : memref<256xi32, #tpu.memory_space<vmem>>, vector<16xi32>,
      %swap3A_525 = arith.constant 10 : i32
      %swap3A_526 = arith.index_cast %swap3A_525 : i32 to index
      %swap3A_527 = arith.constant 0 : index
      %swap3A_528 = tpu.vector_load %arg13[%swap3A_526, %swap3A_527] {strides = array<i32>} : memref<16x16xi32, #tpu.memory_space<vmem>>, vector<16xi32>,
      tpu.vector_store %arg13[%swap3A_526, %swap3A_527], %get3A_524 {strides = array<i32>} : memref<16x16xi32, #tpu.memory_space<vmem>>, vector<16xi32>,
      %get3A_529 = arith.constant 176 : index
      %get3A_530 = tpu.vector_load %arg12[%get3A_529] {strides = array<i32>} : memref<256xi32, #tpu.memory_space<vmem>>, vector<16xi32>,
      %swap3A_531 = arith.constant 11 : i32
      %swap3A_532 = arith.index_cast %swap3A_531 : i32 to index
      %swap3A_533 = arith.constant 0 : index
      %swap3A_534 = tpu.vector_load %arg13[%swap3A_532, %swap3A_533] {strides = array<i32>} : memref<16x16xi32, #tpu.memory_space<vmem>>, vector<16xi32>,
      tpu.vector_store %arg13[%swap3A_532, %swap3A_533], %get3A_530 {strides = array<i32>} : memref<16x16xi32, #tpu.memory_space<vmem>>, vector<16xi32>,
      %get3A_535 = arith.constant 192 : index
      %get3A_536 = tpu.vector_load %arg12[%get3A_535] {strides = array<i32>} : memref<256xi32, #tpu.memory_space<vmem>>, vector<16xi32>,
      %swap3A_537 = arith.constant 12 : i32
      %swap3A_538 = arith.index_cast %swap3A_537 : i32 to index
      %swap3A_539 = arith.constant 0 : index
      %swap3A_540 = tpu.vector_load %arg13[%swap3A_538, %swap3A_539] {strides = array<i32>} : memref<16x16xi32, #tpu.memory_space<vmem>>, vector<16xi32>,
      tpu.vector_store %arg13[%swap3A_538, %swap3A_539], %get3A_536 {strides = array<i32>} : memref<16x16xi32, #tpu.memory_space<vmem>>, vector<16xi32>,
      %get3A_541 = arith.constant 208 : index
      %get3A_542 = tpu.vector_load %arg12[%get3A_541] {strides = array<i32>} : memref<256xi32, #tpu.memory_space<vmem>>, vector<16xi32>,
      %swap3A_543 = arith.constant 13 : i32
      %swap3A_544 = arith.index_cast %swap3A_543 : i32 to index
      %swap3A_545 = arith.constant 0 : index
      %swap3A_546 = tpu.vector_load %arg13[%swap3A_544, %swap3A_545] {strides = array<i32>} : memref<16x16xi32, #tpu.memory_space<vmem>>, vector<16xi32>,
      tpu.vector_store %arg13[%swap3A_544, %swap3A_545], %get3A_542 {strides = array<i32>} : memref<16x16xi32, #tpu.memory_space<vmem>>, vector<16xi32>,
      %get3A_547 = arith.constant 224 : index
      %get3A_548 = tpu.vector_load %arg12[%get3A_547] {strides = array<i32>} : memref<256xi32, #tpu.memory_space<vmem>>, vector<16xi32>,
      %swap3A_549 = arith.constant 14 : i32
      %swap3A_550 = arith.index_cast %swap3A_549 : i32 to index
      %swap3A_551 = arith.constant 0 : index
      %swap3A_552 = tpu.vector_load %arg13[%swap3A_550, %swap3A_551] {strides = array<i32>} : memref<16x16xi32, #tpu.memory_space<vmem>>, vector<16xi32>,
      tpu.vector_store %arg13[%swap3A_550, %swap3A_551], %get3A_548 {strides = array<i32>} : memref<16x16xi32, #tpu.memory_space<vmem>>, vector<16xi32>,
      %get3A_553 = arith.constant 240 : index
      %get3A_554 = tpu.vector_load %arg12[%get3A_553] {strides = array<i32>} : memref<256xi32, #tpu.memory_space<vmem>>, vector<16xi32>,
      %swap3A_555 = arith.constant 15 : i32
      %swap3A_556 = arith.index_cast %swap3A_555 : i32 to index
      %swap3A_557 = arith.constant 0 : index
      %swap3A_558 = tpu.vector_load %arg13[%swap3A_556, %swap3A_557] {strides = array<i32>} : memref<16x16xi32, #tpu.memory_space<vmem>>, vector<16xi32>,
      tpu.vector_store %arg13[%swap3A_556, %swap3A_557], %get3A_554 {strides = array<i32>} : memref<16x16xi32, #tpu.memory_space<vmem>>, vector<16xi32>,
      %jit3A_559 = arith.constant 2 : i32
      %eq3A_560 = arith.constant 0 : i32
      %eq3A_561 = arith.cmpi eq, %jit3A_559, %eq3A_560 : i32
      %jit3A_562 = arith.constant 1 : i32
      %select_n3A_563 = arith.select %eq3A_561, %jit3A_562, %jit3A_559 : i32
      %rem3A_564 = arith.remsi %mul3A_285, %select_n3A_563 : i32
      %ne3A_565 = arith.constant 0 : i32
      %ne3A_566 = arith.cmpi ne, %rem3A_564, %ne3A_565 : i32
      %lt3A_567 = arith.constant 0 : i32
      %lt3A_568 = arith.cmpi slt, %rem3A_564, %lt3A_567 : i32
      %lt3A_569 = arith.constant 0 : i32
      %lt3A_570 = arith.cmpi slt, %select_n3A_563, %lt3A_569 : i32
      %ne3A_571 = arith.xori %lt3A_568, %lt3A_570 : i1
      %and3A_572 = arith.andi %ne3A_571, %ne3A_566 : i1
      %add3A_573 = arith.addi %rem3A_564, %select_n3A_563 : i32
      %select_n3A_574 = arith.select %and3A_572, %add3A_573, %rem3A_564 : i32
      %mul3A_575 = arith.constant 32 : i32
      %mul3A_576 = arith.muli %select_n3A_574, %mul3A_575 : i32
      %add3A_577 = arith.constant 15 : i32
      %add3A_578 = arith.addi %while3A_463, %add3A_577 : i32
      %jit3A_579 = arith.constant 16 : i32
      %div3A_580 = arith.divsi %add3A_578, %jit3A_579 : i32
      %sign3A_581 = arith.constant 0 : i32
      %sign3A_582 = arith.cmpi sgt, %add3A_578, %sign3A_581 : i32
      %sign3A_583 = arith.extui %sign3A_582 : i1 to i32
      %sign3A_584 = arith.constant 0 : i32
      %sign3A_585 = arith.cmpi slt, %add3A_578, %sign3A_584 : i32
      %sign3A_586 = arith.extui %sign3A_585 : i1 to i32
      %sign3A_587 = arith.subi %sign3A_583, %sign3A_586 : i32
      %sign3A_588 = arith.constant 0 : i32
      %sign3A_589 = arith.cmpi sgt, %jit3A_579, %sign3A_588 : i32
      %sign3A_590 = arith.extui %sign3A_589 : i1 to i32
      %sign3A_591 = arith.constant 0 : i32
      %sign3A_592 = arith.cmpi slt, %jit3A_579, %sign3A_591 : i32
      %sign3A_593 = arith.extui %sign3A_592 : i1 to i32
      %sign3A_594 = arith.subi %sign3A_590, %sign3A_593 : i32
      %ne3A_595 = arith.cmpi ne, %sign3A_587, %sign3A_594 : i32
      %rem3A_596 = arith.remsi %add3A_578, %jit3A_579 : i32
      %ne3A_597 = arith.constant 0 : i32
      %ne3A_598 = arith.cmpi ne, %rem3A_596, %ne3A_597 : i32
      %and3A_599 = arith.andi %ne3A_595, %ne3A_598 : i1
      %sub3A_600 = arith.constant 1 : i32
      %sub3A_601 = arith.subi %div3A_580, %sub3A_600 : i32
      %select_n3A_602 = arith.select %and3A_599, %sub3A_601, %div3A_580 : i32
      %while3A_603 = arith.constant 0 : i32
      %while3A_604 = arith.constant 0 : i32
      %while3A_605 = arith.subi %select_n3A_602, %while3A_603 : i32
      %while3A_606 = arith.addi %while3A_603, %while3A_605 : i32
      %while3A_607 = arith.constant 1 : i32
      %while3A_608 = arith.divsi %while3A_605, %while3A_607 : i32
      %while3A_609 = arith.muli %while3A_608, %while3A_607 : i32
      %while3A_610 = arith.addi %while3A_603, %while3A_609 : i32
      %while3A_611 = arith.constant 1 : i32
      %while3A_612 = scf.for %while3A_1105 = %while3A_603 to %while3A_610 step %while3A_611 iter_args(%while3A_1106 = %while3A_604) -> (i32)  : i32 {
        %mul3A_1107 = arith.constant 16 : i32
        %mul3A_1108 = arith.muli %while3A_1105, %mul3A_1107 : i32
        %get3A_1109 = arith.index_cast %mul3A_1108 : i32 to index
        %get3A_1110 = tpu.vector_load %arg11[%get3A_1109] {strides = array<i32>} : memref<256xi32, #tpu.memory_space<vmem>>, vector<16xi32>,
        %mul3A_1111 = arith.constant 16 : i32
        %mul3A_1112 = arith.muli %while3A_1105, %mul3A_1111 : i32
        %add3A_1113 = vector.broadcast %mul3A_1112 : i32 to vector<16xi32>
        %add3A_1114 = arith.addi %add3A_1113, %iota3A : vector<16xi32>
        %broadcast_in_dim3A_1115 = arith.constant 0 : i32
        %broadcast_in_dim3A_1116 = vector.broadcast %broadcast_in_dim3A_1115 : i32 to vector<16xi32>
        %add3A_1117 = vector.broadcast %mul3A_576 : i32 to vector<16xi32>
        %add3A_1118 = arith.addi %add3A_1117, %broadcast_in_dim3A_1116 : vector<16xi32>
        %gather3A = tpu.vector_load_idx %arg9[%add3A_1118, %get3A_1110] : memref<64x1024xf32, #tpu.memory_space<vmem>>[vector<16xi32>, vector<16xi32>], vector<16xf32>,
        tpu.vector_store_idx %arg14[%add3A_1114, %broadcast_in_dim3A_1116], %gather3A : memref<256x128xf32, #tpu.memory_space<vmem>>[vector<16xi32>, vector<16xi32>], vector<16xf32>,
        %broadcast_in_dim3A_1119 = arith.constant 1 : i32
        %broadcast_in_dim3A_1120 = vector.broadcast %broadcast_in_dim3A_1119 : i32 to vector<16xi32>
        %add3A_1121 = vector.broadcast %mul3A_576 : i32 to vector<16xi32>
        %add3A_1122 = arith.addi %add3A_1121, %broadcast_in_dim3A_1120 : vector<16xi32>
        %gather3A_1123 = tpu.vector_load_idx %arg9[%add3A_1122, %get3A_1110] : memref<64x1024xf32, #tpu.memory_space<vmem>>[vector<16xi32>, vector<16xi32>], vector<16xf32>,
        tpu.vector_store_idx %arg14[%add3A_1114, %broadcast_in_dim3A_1120], %gather3A_1123 : memref<256x128xf32, #tpu.memory_space<vmem>>[vector<16xi32>, vector<16xi32>], vector<16xf32>,
        %broadcast_in_dim3A_1124 = arith.constant 2 : i32
        %broadcast_in_dim3A_1125 = vector.broadcast %broadcast_in_dim3A_1124 : i32 to vector<16xi32>
        %add3A_1126 = vector.broadcast %mul3A_576 : i32 to vector<16xi32>
        %add3A_1127 = arith.addi %add3A_1126, %broadcast_in_dim3A_1125 : vector<16xi32>
        %gather3A_1128 = tpu.vector_load_idx %arg9[%add3A_1127, %get3A_1110] : memref<64x1024xf32, #tpu.memory_space<vmem>>[vector<16xi32>, vector<16xi32>], vector<16xf32>,
        tpu.vector_store_idx %arg14[%add3A_1114, %broadcast_in_dim3A_1125], %gather3A_1128 : memref<256x128xf32, #tpu.memory_space<vmem>>[vector<16xi32>, vector<16xi32>], vector<16xf32>,
        %broadcast_in_dim3A_1129 = arith.constant 3 : i32
        %broadcast_in_dim3A_1130 = vector.broadcast %broadcast_in_dim3A_1129 : i32 to vector<16xi32>
        %add3A_1131 = vector.broadcast %mul3A_576 : i32 to vector<16xi32>
        %add3A_1132 = arith.addi %add3A_1131, %broadcast_in_dim3A_1130 : vector<16xi32>
        %gather3A_1133 = tpu.vector_load_idx %arg9[%add3A_1132, %get3A_1110] : memref<64x1024xf32, #tpu.memory_space<vmem>>[vector<16xi32>, vector<16xi32>], vector<16xf32>,
        tpu.vector_store_idx %arg14[%add3A_1114, %broadcast_in_dim3A_1130], %gather3A_1133 : memref<256x128xf32, #tpu.memory_space<vmem>>[vector<16xi32>, vector<16xi32>], vector<16xf32>,
        %broadcast_in_dim3A_1134 = arith.constant 4 : i32
        %broadcast_in_dim3A_1135 = vector.broadcast %broadcast_in_dim3A_1134 : i32 to vector<16xi32>
        %add3A_1136 = vector.broadcast %mul3A_576 : i32 to vector<16xi32>
        %add3A_1137 = arith.addi %add3A_1136, %broadcast_in_dim3A_1135 : vector<16xi32>
        %gather3A_1138 = tpu.vector_load_idx %arg9[%add3A_1137, %get3A_1110] : memref<64x1024xf32, #tpu.memory_space<vmem>>[vector<16xi32>, vector<16xi32>], vector<16xf32>,
        tpu.vector_store_idx %arg14[%add3A_1114, %broadcast_in_dim3A_1135], %gather3A_1138 : memref<256x128xf32, #tpu.memory_space<vmem>>[vector<16xi32>, vector<16xi32>], vector<16xf32>,
        %broadcast_in_dim3A_1139 = arith.constant 5 : i32
        %broadcast_in_dim3A_1140 = vector.broadcast %broadcast_in_dim3A_1139 : i32 to vector<16xi32>
        %add3A_1141 = vector.broadcast %mul3A_576 : i32 to vector<16xi32>
        %add3A_1142 = arith.addi %add3A_1141, %broadcast_in_dim3A_1140 : vector<16xi32>
        %gather3A_1143 = tpu.vector_load_idx %arg9[%add3A_1142, %get3A_1110] : memref<64x1024xf32, #tpu.memory_space<vmem>>[vector<16xi32>, vector<16xi32>], vector<16xf32>,
        tpu.vector_store_idx %arg14[%add3A_1114, %broadcast_in_dim3A_1140], %gather3A_1143 : memref<256x128xf32, #tpu.memory_space<vmem>>[vector<16xi32>, vector<16xi32>], vector<16xf32>,
        %broadcast_in_dim3A_1144 = arith.constant 6 : i32
        %broadcast_in_dim3A_1145 = vector.broadcast %broadcast_in_dim3A_1144 : i32 to vector<16xi32>
        %add3A_1146 = vector.broadcast %mul3A_576 : i32 to vector<16xi32>
        %add3A_1147 = arith.addi %add3A_1146, %broadcast_in_dim3A_1145 : vector<16xi32>
        %gather3A_1148 = tpu.vector_load_idx %arg9[%add3A_1147, %get3A_1110] : memref<64x1024xf32, #tpu.memory_space<vmem>>[vector<16xi32>, vector<16xi32>], vector<16xf32>,
        tpu.vector_store_idx %arg14[%add3A_1114, %broadcast_in_dim3A_1145], %gather3A_1148 : memref<256x128xf32, #tpu.memory_space<vmem>>[vector<16xi32>, vector<16xi32>], vector<16xf32>,
        %broadcast_in_dim3A_1149 = arith.constant 7 : i32
        %broadcast_in_dim3A_1150 = vector.broadcast %broadcast_in_dim3A_1149 : i32 to vector<16xi32>
        %add3A_1151 = vector.broadcast %mul3A_576 : i32 to vector<16xi32>
        %add3A_1152 = arith.addi %add3A_1151, %broadcast_in_dim3A_1150 : vector<16xi32>
        %gather3A_1153 = tpu.vector_load_idx %arg9[%add3A_1152, %get3A_1110] : memref<64x1024xf32, #tpu.memory_space<vmem>>[vector<16xi32>, vector<16xi32>], vector<16xf32>,
        tpu.vector_store_idx %arg14[%add3A_1114, %broadcast_in_dim3A_1150], %gather3A_1153 : memref<256x128xf32, #tpu.memory_space<vmem>>[vector<16xi32>, vector<16xi32>], vector<16xf32>,
        %broadcast_in_dim3A_1154 = arith.constant 8 : i32
        %broadcast_in_dim3A_1155 = vector.broadcast %broadcast_in_dim3A_1154 : i32 to vector<16xi32>
        %add3A_1156 = vector.broadcast %mul3A_576 : i32 to vector<16xi32>
        %add3A_1157 = arith.addi %add3A_1156, %broadcast_in_dim3A_1155 : vector<16xi32>
        %gather3A_1158 = tpu.vector_load_idx %arg9[%add3A_1157, %get3A_1110] : memref<64x1024xf32, #tpu.memory_space<vmem>>[vector<16xi32>, vector<16xi32>], vector<16xf32>,
        tpu.vector_store_idx %arg14[%add3A_1114, %broadcast_in_dim3A_1155], %gather3A_1158 : memref<256x128xf32, #tpu.memory_space<vmem>>[vector<16xi32>, vector<16xi32>], vector<16xf32>,
        %broadcast_in_dim3A_1159 = arith.constant 9 : i32
        %broadcast_in_dim3A_1160 = vector.broadcast %broadcast_in_dim3A_1159 : i32 to vector<16xi32>
        %add3A_1161 = vector.broadcast %mul3A_576 : i32 to vector<16xi32>
        %add3A_1162 = arith.addi %add3A_1161, %broadcast_in_dim3A_1160 : vector<16xi32>
        %gather3A_1163 = tpu.vector_load_idx %arg9[%add3A_1162, %get3A_1110] : memref<64x1024xf32, #tpu.memory_space<vmem>>[vector<16xi32>, vector<16xi32>], vector<16xf32>,
        tpu.vector_store_idx %arg14[%add3A_1114, %broadcast_in_dim3A_1160], %gather3A_1163 : memref<256x128xf32, #tpu.memory_space<vmem>>[vector<16xi32>, vector<16xi32>], vector<16xf32>,
        %broadcast_in_dim3A_1164 = arith.constant 10 : i32
        %broadcast_in_dim3A_1165 = vector.broadcast %broadcast_in_dim3A_1164 : i32 to vector<16xi32>
        %add3A_1166 = vector.broadcast %mul3A_576 : i32 to vector<16xi32>
        %add3A_1167 = arith.addi %add3A_1166, %broadcast_in_dim3A_1165 : vector<16xi32>
        %gather3A_1168 = tpu.vector_load_idx %arg9[%add3A_1167, %get3A_1110] : memref<64x1024xf32, #tpu.memory_space<vmem>>[vector<16xi32>, vector<16xi32>], vector<16xf32>,
        tpu.vector_store_idx %arg14[%add3A_1114, %broadcast_in_dim3A_1165], %gather3A_1168 : memref<256x128xf32, #tpu.memory_space<vmem>>[vector<16xi32>, vector<16xi32>], vector<16xf32>,
        %broadcast_in_dim3A_1169 = arith.constant 11 : i32
        %broadcast_in_dim3A_1170 = vector.broadcast %broadcast_in_dim3A_1169 : i32 to vector<16xi32>
        %add3A_1171 = vector.broadcast %mul3A_576 : i32 to vector<16xi32>
        %add3A_1172 = arith.addi %add3A_1171, %broadcast_in_dim3A_1170 : vector<16xi32>
        %gather3A_1173 = tpu.vector_load_idx %arg9[%add3A_1172, %get3A_1110] : memref<64x1024xf32, #tpu.memory_space<vmem>>[vector<16xi32>, vector<16xi32>], vector<16xf32>,
        tpu.vector_store_idx %arg14[%add3A_1114, %broadcast_in_dim3A_1170], %gather3A_1173 : memref<256x128xf32, #tpu.memory_space<vmem>>[vector<16xi32>, vector<16xi32>], vector<16xf32>,
        %broadcast_in_dim3A_1174 = arith.constant 12 : i32
        %broadcast_in_dim3A_1175 = vector.broadcast %broadcast_in_dim3A_1174 : i32 to vector<16xi32>
        %add3A_1176 = vector.broadcast %mul3A_576 : i32 to vector<16xi32>
        %add3A_1177 = arith.addi %add3A_1176, %broadcast_in_dim3A_1175 : vector<16xi32>
        %gather3A_1178 = tpu.vector_load_idx %arg9[%add3A_1177, %get3A_1110] : memref<64x1024xf32, #tpu.memory_space<vmem>>[vector<16xi32>, vector<16xi32>], vector<16xf32>,
        tpu.vector_store_idx %arg14[%add3A_1114, %broadcast_in_dim3A_1175], %gather3A_1178 : memref<256x128xf32, #tpu.memory_space<vmem>>[vector<16xi32>, vector<16xi32>], vector<16xf32>,
        %broadcast_in_dim3A_1179 = arith.constant 13 : i32
        %broadcast_in_dim3A_1180 = vector.broadcast %broadcast_in_dim3A_1179 : i32 to vector<16xi32>
        %add3A_1181 = vector.broadcast %mul3A_576 : i32 to vector<16xi32>
        %add3A_1182 = arith.addi %add3A_1181, %broadcast_in_dim3A_1180 : vector<16xi32>
        %gather3A_1183 = tpu.vector_load_idx %arg9[%add3A_1182, %get3A_1110] : memref<64x1024xf32, #tpu.memory_space<vmem>>[vector<16xi32>, vector<16xi32>], vector<16xf32>,
        tpu.vector_store_idx %arg14[%add3A_1114, %broadcast_in_dim3A_1180], %gather3A_1183 : memref<256x128xf32, #tpu.memory_space<vmem>>[vector<16xi32>, vector<16xi32>], vector<16xf32>,
        %broadcast_in_dim3A_1184 = arith.constant 14 : i32
        %broadcast_in_dim3A_1185 = vector.broadcast %broadcast_in_dim3A_1184 : i32 to vector<16xi32>
        %add3A_1186 = vector.broadcast %mul3A_576 : i32 to vector<16xi32>
        %add3A_1187 = arith.addi %add3A_1186, %broadcast_in_dim3A_1185 : vector<16xi32>
        %gather3A_1188 = tpu.vector_load_idx %arg9[%add3A_1187, %get3A_1110] : memref<64x1024xf32, #tpu.memory_space<vmem>>[vector<16xi32>, vector<16xi32>], vector<16xf32>,
        tpu.vector_store_idx %arg14[%add3A_1114, %broadcast_in_dim3A_1185], %gather3A_1188 : memref<256x128xf32, #tpu.memory_space<vmem>>[vector<16xi32>, vector<16xi32>], vector<16xf32>,
        %broadcast_in_dim3A_1189 = arith.constant 15 : i32
        %broadcast_in_dim3A_1190 = vector.broadcast %broadcast_in_dim3A_1189 : i32 to vector<16xi32>
        %add3A_1191 = vector.broadcast %mul3A_576 : i32 to vector<16xi32>
        %add3A_1192 = arith.addi %add3A_1191, %broadcast_in_dim3A_1190 : vector<16xi32>
        %gather3A_1193 = tpu.vector_load_idx %arg9[%add3A_1192, %get3A_1110] : memref<64x1024xf32, #tpu.memory_space<vmem>>[vector<16xi32>, vector<16xi32>], vector<16xf32>,
        tpu.vector_store_idx %arg14[%add3A_1114, %broadcast_in_dim3A_1190], %gather3A_1193 : memref<256x128xf32, #tpu.memory_space<vmem>>[vector<16xi32>, vector<16xi32>], vector<16xf32>,
        %broadcast_in_dim3A_1194 = arith.constant 16 : i32
        %broadcast_in_dim3A_1195 = vector.broadcast %broadcast_in_dim3A_1194 : i32 to vector<16xi32>
        %add3A_1196 = vector.broadcast %mul3A_576 : i32 to vector<16xi32>
        %add3A_1197 = arith.addi %add3A_1196, %broadcast_in_dim3A_1195 : vector<16xi32>
        %gather3A_1198 = tpu.vector_load_idx %arg9[%add3A_1197, %get3A_1110] : memref<64x1024xf32, #tpu.memory_space<vmem>>[vector<16xi32>, vector<16xi32>], vector<16xf32>,
        tpu.vector_store_idx %arg14[%add3A_1114, %broadcast_in_dim3A_1195], %gather3A_1198 : memref<256x128xf32, #tpu.memory_space<vmem>>[vector<16xi32>, vector<16xi32>], vector<16xf32>,
        %broadcast_in_dim3A_1199 = arith.constant 17 : i32
        %broadcast_in_dim3A_1200 = vector.broadcast %broadcast_in_dim3A_1199 : i32 to vector<16xi32>
        %add3A_1201 = vector.broadcast %mul3A_576 : i32 to vector<16xi32>
        %add3A_1202 = arith.addi %add3A_1201, %broadcast_in_dim3A_1200 : vector<16xi32>
        %gather3A_1203 = tpu.vector_load_idx %arg9[%add3A_1202, %get3A_1110] : memref<64x1024xf32, #tpu.memory_space<vmem>>[vector<16xi32>, vector<16xi32>], vector<16xf32>,
        tpu.vector_store_idx %arg14[%add3A_1114, %broadcast_in_dim3A_1200], %gather3A_1203 : memref<256x128xf32, #tpu.memory_space<vmem>>[vector<16xi32>, vector<16xi32>], vector<16xf32>,
        %broadcast_in_dim3A_1204 = arith.constant 18 : i32
        %broadcast_in_dim3A_1205 = vector.broadcast %broadcast_in_dim3A_1204 : i32 to vector<16xi32>
        %add3A_1206 = vector.broadcast %mul3A_576 : i32 to vector<16xi32>
        %add3A_1207 = arith.addi %add3A_1206, %broadcast_in_dim3A_1205 : vector<16xi32>
        %gather3A_1208 = tpu.vector_load_idx %arg9[%add3A_1207, %get3A_1110] : memref<64x1024xf32, #tpu.memory_space<vmem>>[vector<16xi32>, vector<16xi32>], vector<16xf32>,
        tpu.vector_store_idx %arg14[%add3A_1114, %broadcast_in_dim3A_1205], %gather3A_1208 : memref<256x128xf32, #tpu.memory_space<vmem>>[vector<16xi32>, vector<16xi32>], vector<16xf32>,
        %broadcast_in_dim3A_1209 = arith.constant 19 : i32
        %broadcast_in_dim3A_1210 = vector.broadcast %broadcast_in_dim3A_1209 : i32 to vector<16xi32>
        %add3A_1211 = vector.broadcast %mul3A_576 : i32 to vector<16xi32>
        %add3A_1212 = arith.addi %add3A_1211, %broadcast_in_dim3A_1210 : vector<16xi32>
        %gather3A_1213 = tpu.vector_load_idx %arg9[%add3A_1212, %get3A_1110] : memref<64x1024xf32, #tpu.memory_space<vmem>>[vector<16xi32>, vector<16xi32>], vector<16xf32>,
        tpu.vector_store_idx %arg14[%add3A_1114, %broadcast_in_dim3A_1210], %gather3A_1213 : memref<256x128xf32, #tpu.memory_space<vmem>>[vector<16xi32>, vector<16xi32>], vector<16xf32>,
        %broadcast_in_dim3A_1214 = arith.constant 20 : i32
        %broadcast_in_dim3A_1215 = vector.broadcast %broadcast_in_dim3A_1214 : i32 to vector<16xi32>
        %add3A_1216 = vector.broadcast %mul3A_576 : i32 to vector<16xi32>
        %add3A_1217 = arith.addi %add3A_1216, %broadcast_in_dim3A_1215 : vector<16xi32>
        %gather3A_1218 = tpu.vector_load_idx %arg9[%add3A_1217, %get3A_1110] : memref<64x1024xf32, #tpu.memory_space<vmem>>[vector<16xi32>, vector<16xi32>], vector<16xf32>,
        tpu.vector_store_idx %arg14[%add3A_1114, %broadcast_in_dim3A_1215], %gather3A_1218 : memref<256x128xf32, #tpu.memory_space<vmem>>[vector<16xi32>, vector<16xi32>], vector<16xf32>,
        %broadcast_in_dim3A_1219 = arith.constant 21 : i32
        %broadcast_in_dim3A_1220 = vector.broadcast %broadcast_in_dim3A_1219 : i32 to vector<16xi32>
        %add3A_1221 = vector.broadcast %mul3A_576 : i32 to vector<16xi32>
        %add3A_1222 = arith.addi %add3A_1221, %broadcast_in_dim3A_1220 : vector<16xi32>
        %gather3A_1223 = tpu.vector_load_idx %arg9[%add3A_1222, %get3A_1110] : memref<64x1024xf32, #tpu.memory_space<vmem>>[vector<16xi32>, vector<16xi32>], vector<16xf32>,
        tpu.vector_store_idx %arg14[%add3A_1114, %broadcast_in_dim3A_1220], %gather3A_1223 : memref<256x128xf32, #tpu.memory_space<vmem>>[vector<16xi32>, vector<16xi32>], vector<16xf32>,
        %broadcast_in_dim3A_1224 = arith.constant 22 : i32
        %broadcast_in_dim3A_1225 = vector.broadcast %broadcast_in_dim3A_1224 : i32 to vector<16xi32>
        %add3A_1226 = vector.broadcast %mul3A_576 : i32 to vector<16xi32>
        %add3A_1227 = arith.addi %add3A_1226, %broadcast_in_dim3A_1225 : vector<16xi32>
        %gather3A_1228 = tpu.vector_load_idx %arg9[%add3A_1227, %get3A_1110] : memref<64x1024xf32, #tpu.memory_space<vmem>>[vector<16xi32>, vector<16xi32>], vector<16xf32>,
        tpu.vector_store_idx %arg14[%add3A_1114, %broadcast_in_dim3A_1225], %gather3A_1228 : memref<256x128xf32, #tpu.memory_space<vmem>>[vector<16xi32>, vector<16xi32>], vector<16xf32>,
        %broadcast_in_dim3A_1229 = arith.constant 23 : i32
        %broadcast_in_dim3A_1230 = vector.broadcast %broadcast_in_dim3A_1229 : i32 to vector<16xi32>
        %add3A_1231 = vector.broadcast %mul3A_576 : i32 to vector<16xi32>
        %add3A_1232 = arith.addi %add3A_1231, %broadcast_in_dim3A_1230 : vector<16xi32>
        %gather3A_1233 = tpu.vector_load_idx %arg9[%add3A_1232, %get3A_1110] : memref<64x1024xf32, #tpu.memory_space<vmem>>[vector<16xi32>, vector<16xi32>], vector<16xf32>,
        tpu.vector_store_idx %arg14[%add3A_1114, %broadcast_in_dim3A_1230], %gather3A_1233 : memref<256x128xf32, #tpu.memory_space<vmem>>[vector<16xi32>, vector<16xi32>], vector<16xf32>,
        %broadcast_in_dim3A_1234 = arith.constant 24 : i32
        %broadcast_in_dim3A_1235 = vector.broadcast %broadcast_in_dim3A_1234 : i32 to vector<16xi32>
        %add3A_1236 = vector.broadcast %mul3A_576 : i32 to vector<16xi32>
        %add3A_1237 = arith.addi %add3A_1236, %broadcast_in_dim3A_1235 : vector<16xi32>
        %gather3A_1238 = tpu.vector_load_idx %arg9[%add3A_1237, %get3A_1110] : memref<64x1024xf32, #tpu.memory_space<vmem>>[vector<16xi32>, vector<16xi32>], vector<16xf32>,
        tpu.vector_store_idx %arg14[%add3A_1114, %broadcast_in_dim3A_1235], %gather3A_1238 : memref<256x128xf32, #tpu.memory_space<vmem>>[vector<16xi32>, vector<16xi32>], vector<16xf32>,
        %broadcast_in_dim3A_1239 = arith.constant 25 : i32
        %broadcast_in_dim3A_1240 = vector.broadcast %broadcast_in_dim3A_1239 : i32 to vector<16xi32>
        %add3A_1241 = vector.broadcast %mul3A_576 : i32 to vector<16xi32>
        %add3A_1242 = arith.addi %add3A_1241, %broadcast_in_dim3A_1240 : vector<16xi32>
        %gather3A_1243 = tpu.vector_load_idx %arg9[%add3A_1242, %get3A_1110] : memref<64x1024xf32, #tpu.memory_space<vmem>>[vector<16xi32>, vector<16xi32>], vector<16xf32>,
        tpu.vector_store_idx %arg14[%add3A_1114, %broadcast_in_dim3A_1240], %gather3A_1243 : memref<256x128xf32, #tpu.memory_space<vmem>>[vector<16xi32>, vector<16xi32>], vector<16xf32>,
        %broadcast_in_dim3A_1244 = arith.constant 26 : i32
        %broadcast_in_dim3A_1245 = vector.broadcast %broadcast_in_dim3A_1244 : i32 to vector<16xi32>
        %add3A_1246 = vector.broadcast %mul3A_576 : i32 to vector<16xi32>
        %add3A_1247 = arith.addi %add3A_1246, %broadcast_in_dim3A_1245 : vector<16xi32>
        %gather3A_1248 = tpu.vector_load_idx %arg9[%add3A_1247, %get3A_1110] : memref<64x1024xf32, #tpu.memory_space<vmem>>[vector<16xi32>, vector<16xi32>], vector<16xf32>,
        tpu.vector_store_idx %arg14[%add3A_1114, %broadcast_in_dim3A_1245], %gather3A_1248 : memref<256x128xf32, #tpu.memory_space<vmem>>[vector<16xi32>, vector<16xi32>], vector<16xf32>,
        %broadcast_in_dim3A_1249 = arith.constant 27 : i32
        %broadcast_in_dim3A_1250 = vector.broadcast %broadcast_in_dim3A_1249 : i32 to vector<16xi32>
        %add3A_1251 = vector.broadcast %mul3A_576 : i32 to vector<16xi32>
        %add3A_1252 = arith.addi %add3A_1251, %broadcast_in_dim3A_1250 : vector<16xi32>
        %gather3A_1253 = tpu.vector_load_idx %arg9[%add3A_1252, %get3A_1110] : memref<64x1024xf32, #tpu.memory_space<vmem>>[vector<16xi32>, vector<16xi32>], vector<16xf32>,
        tpu.vector_store_idx %arg14[%add3A_1114, %broadcast_in_dim3A_1250], %gather3A_1253 : memref<256x128xf32, #tpu.memory_space<vmem>>[vector<16xi32>, vector<16xi32>], vector<16xf32>,
        %broadcast_in_dim3A_1254 = arith.constant 28 : i32
        %broadcast_in_dim3A_1255 = vector.broadcast %broadcast_in_dim3A_1254 : i32 to vector<16xi32>
        %add3A_1256 = vector.broadcast %mul3A_576 : i32 to vector<16xi32>
        %add3A_1257 = arith.addi %add3A_1256, %broadcast_in_dim3A_1255 : vector<16xi32>
        %gather3A_1258 = tpu.vector_load_idx %arg9[%add3A_1257, %get3A_1110] : memref<64x1024xf32, #tpu.memory_space<vmem>>[vector<16xi32>, vector<16xi32>], vector<16xf32>,
        tpu.vector_store_idx %arg14[%add3A_1114, %broadcast_in_dim3A_1255], %gather3A_1258 : memref<256x128xf32, #tpu.memory_space<vmem>>[vector<16xi32>, vector<16xi32>], vector<16xf32>,
        %broadcast_in_dim3A_1259 = arith.constant 29 : i32
        %broadcast_in_dim3A_1260 = vector.broadcast %broadcast_in_dim3A_1259 : i32 to vector<16xi32>
        %add3A_1261 = vector.broadcast %mul3A_576 : i32 to vector<16xi32>
        %add3A_1262 = arith.addi %add3A_1261, %broadcast_in_dim3A_1260 : vector<16xi32>
        %gather3A_1263 = tpu.vector_load_idx %arg9[%add3A_1262, %get3A_1110] : memref<64x1024xf32, #tpu.memory_space<vmem>>[vector<16xi32>, vector<16xi32>], vector<16xf32>,
        tpu.vector_store_idx %arg14[%add3A_1114, %broadcast_in_dim3A_1260], %gather3A_1263 : memref<256x128xf32, #tpu.memory_space<vmem>>[vector<16xi32>, vector<16xi32>], vector<16xf32>,
        %broadcast_in_dim3A_1264 = arith.constant 30 : i32
        %broadcast_in_dim3A_1265 = vector.broadcast %broadcast_in_dim3A_1264 : i32 to vector<16xi32>
        %add3A_1266 = vector.broadcast %mul3A_576 : i32 to vector<16xi32>
        %add3A_1267 = arith.addi %add3A_1266, %broadcast_in_dim3A_1265 : vector<16xi32>
        %gather3A_1268 = tpu.vector_load_idx %arg9[%add3A_1267, %get3A_1110] : memref<64x1024xf32, #tpu.memory_space<vmem>>[vector<16xi32>, vector<16xi32>], vector<16xf32>,
        tpu.vector_store_idx %arg14[%add3A_1114, %broadcast_in_dim3A_1265], %gather3A_1268 : memref<256x128xf32, #tpu.memory_space<vmem>>[vector<16xi32>, vector<16xi32>], vector<16xf32>,
        %broadcast_in_dim3A_1269 = arith.constant 31 : i32
        %broadcast_in_dim3A_1270 = vector.broadcast %broadcast_in_dim3A_1269 : i32 to vector<16xi32>
        %add3A_1271 = vector.broadcast %mul3A_576 : i32 to vector<16xi32>
        %add3A_1272 = arith.addi %add3A_1271, %broadcast_in_dim3A_1270 : vector<16xi32>
        %gather3A_1273 = tpu.vector_load_idx %arg9[%add3A_1272, %get3A_1110] : memref<64x1024xf32, #tpu.memory_space<vmem>>[vector<16xi32>, vector<16xi32>], vector<16xf32>,
        tpu.vector_store_idx %arg14[%add3A_1114, %broadcast_in_dim3A_1270], %gather3A_1273 : memref<256x128xf32, #tpu.memory_space<vmem>>[vector<16xi32>, vector<16xi32>], vector<16xf32>,
        %while3A_1274 = arith.constant 0 : i32
        scf.yield %while3A_1274 : i32
      }
      %while3A_613 = arith.constant 1 : i32
      %while3A_614 = scf.for %while3A_1105 = %while3A_610 to %while3A_606 step %while3A_613 iter_args(%while3A_1106 = %while3A_612) -> (i32)  : i32 {
        %mul3A_1107 = arith.constant 16 : i32
        %mul3A_1108 = arith.muli %while3A_1105, %mul3A_1107 : i32
        %get3A_1109 = arith.index_cast %mul3A_1108 : i32 to index
        %get3A_1110 = tpu.vector_load %arg11[%get3A_1109] {strides = array<i32>} : memref<256xi32, #tpu.memory_space<vmem>>, vector<16xi32>,
        %mul3A_1111 = arith.constant 16 : i32
        %mul3A_1112 = arith.muli %while3A_1105, %mul3A_1111 : i32
        %add3A_1113 = vector.broadcast %mul3A_1112 : i32 to vector<16xi32>
        %add3A_1114 = arith.addi %add3A_1113, %iota3A : vector<16xi32>
        %broadcast_in_dim3A_1115 = arith.constant 0 : i32
        %broadcast_in_dim3A_1116 = vector.broadcast %broadcast_in_dim3A_1115 : i32 to vector<16xi32>
        %add3A_1117 = vector.broadcast %mul3A_576 : i32 to vector<16xi32>
        %add3A_1118 = arith.addi %add3A_1117, %broadcast_in_dim3A_1116 : vector<16xi32>
        %gather3A = tpu.vector_load_idx %arg9[%add3A_1118, %get3A_1110] : memref<64x1024xf32, #tpu.memory_space<vmem>>[vector<16xi32>, vector<16xi32>], vector<16xf32>,
        tpu.vector_store_idx %arg14[%add3A_1114, %broadcast_in_dim3A_1116], %gather3A : memref<256x128xf32, #tpu.memory_space<vmem>>[vector<16xi32>, vector<16xi32>], vector<16xf32>,
        %broadcast_in_dim3A_1119 = arith.constant 1 : i32
        %broadcast_in_dim3A_1120 = vector.broadcast %broadcast_in_dim3A_1119 : i32 to vector<16xi32>
        %add3A_1121 = vector.broadcast %mul3A_576 : i32 to vector<16xi32>
        %add3A_1122 = arith.addi %add3A_1121, %broadcast_in_dim3A_1120 : vector<16xi32>
        %gather3A_1123 = tpu.vector_load_idx %arg9[%add3A_1122, %get3A_1110] : memref<64x1024xf32, #tpu.memory_space<vmem>>[vector<16xi32>, vector<16xi32>], vector<16xf32>,
        tpu.vector_store_idx %arg14[%add3A_1114, %broadcast_in_dim3A_1120], %gather3A_1123 : memref<256x128xf32, #tpu.memory_space<vmem>>[vector<16xi32>, vector<16xi32>], vector<16xf32>,
        %broadcast_in_dim3A_1124 = arith.constant 2 : i32
        %broadcast_in_dim3A_1125 = vector.broadcast %broadcast_in_dim3A_1124 : i32 to vector<16xi32>
        %add3A_1126 = vector.broadcast %mul3A_576 : i32 to vector<16xi32>
        %add3A_1127 = arith.addi %add3A_1126, %broadcast_in_dim3A_1125 : vector<16xi32>
        %gather3A_1128 = tpu.vector_load_idx %arg9[%add3A_1127, %get3A_1110] : memref<64x1024xf32, #tpu.memory_space<vmem>>[vector<16xi32>, vector<16xi32>], vector<16xf32>,
        tpu.vector_store_idx %arg14[%add3A_1114, %broadcast_in_dim3A_1125], %gather3A_1128 : memref<256x128xf32, #tpu.memory_space<vmem>>[vector<16xi32>, vector<16xi32>], vector<16xf32>,
        %broadcast_in_dim3A_1129 = arith.constant 3 : i32
        %broadcast_in_dim3A_1130 = vector.broadcast %broadcast_in_dim3A_1129 : i32 to vector<16xi32>
        %add3A_1131 = vector.broadcast %mul3A_576 : i32 to vector<16xi32>
        %add3A_1132 = arith.addi %add3A_1131, %broadcast_in_dim3A_1130 : vector<16xi32>
        %gather3A_1133 = tpu.vector_load_idx %arg9[%add3A_1132, %get3A_1110] : memref<64x1024xf32, #tpu.memory_space<vmem>>[vector<16xi32>, vector<16xi32>], vector<16xf32>,
        tpu.vector_store_idx %arg14[%add3A_1114, %broadcast_in_dim3A_1130], %gather3A_1133 : memref<256x128xf32, #tpu.memory_space<vmem>>[vector<16xi32>, vector<16xi32>], vector<16xf32>,
        %broadcast_in_dim3A_1134 = arith.constant 4 : i32
        %broadcast_in_dim3A_1135 = vector.broadcast %broadcast_in_dim3A_1134 : i32 to vector<16xi32>
        %add3A_1136 = vector.broadcast %mul3A_576 : i32 to vector<16xi32>
        %add3A_1137 = arith.addi %add3A_1136, %broadcast_in_dim3A_1135 : vector<16xi32>
        %gather3A_1138 = tpu.vector_load_idx %arg9[%add3A_1137, %get3A_1110] : memref<64x1024xf32, #tpu.memory_space<vmem>>[vector<16xi32>, vector<16xi32>], vector<16xf32>,
        tpu.vector_store_idx %arg14[%add3A_1114, %broadcast_in_dim3A_1135], %gather3A_1138 : memref<256x128xf32, #tpu.memory_space<vmem>>[vector<16xi32>, vector<16xi32>], vector<16xf32>,
        %broadcast_in_dim3A_1139 = arith.constant 5 : i32
        %broadcast_in_dim3A_1140 = vector.broadcast %broadcast_in_dim3A_1139 : i32 to vector<16xi32>
        %add3A_1141 = vector.broadcast %mul3A_576 : i32 to vector<16xi32>
        %add3A_1142 = arith.addi %add3A_1141, %broadcast_in_dim3A_1140 : vector<16xi32>
        %gather3A_1143 = tpu.vector_load_idx %arg9[%add3A_1142, %get3A_1110] : memref<64x1024xf32, #tpu.memory_space<vmem>>[vector<16xi32>, vector<16xi32>], vector<16xf32>,
        tpu.vector_store_idx %arg14[%add3A_1114, %broadcast_in_dim3A_1140], %gather3A_1143 : memref<256x128xf32, #tpu.memory_space<vmem>>[vector<16xi32>, vector<16xi32>], vector<16xf32>,
        %broadcast_in_dim3A_1144 = arith.constant 6 : i32
        %broadcast_in_dim3A_1145 = vector.broadcast %broadcast_in_dim3A_1144 : i32 to vector<16xi32>
        %add3A_1146 = vector.broadcast %mul3A_576 : i32 to vector<16xi32>
        %add3A_1147 = arith.addi %add3A_1146, %broadcast_in_dim3A_1145 : vector<16xi32>
        %gather3A_1148 = tpu.vector_load_idx %arg9[%add3A_1147, %get3A_1110] : memref<64x1024xf32, #tpu.memory_space<vmem>>[vector<16xi32>, vector<16xi32>], vector<16xf32>,
        tpu.vector_store_idx %arg14[%add3A_1114, %broadcast_in_dim3A_1145], %gather3A_1148 : memref<256x128xf32, #tpu.memory_space<vmem>>[vector<16xi32>, vector<16xi32>], vector<16xf32>,
        %broadcast_in_dim3A_1149 = arith.constant 7 : i32
        %broadcast_in_dim3A_1150 = vector.broadcast %broadcast_in_dim3A_1149 : i32 to vector<16xi32>
        %add3A_1151 = vector.broadcast %mul3A_576 : i32 to vector<16xi32>
        %add3A_1152 = arith.addi %add3A_1151, %broadcast_in_dim3A_1150 : vector<16xi32>
        %gather3A_1153 = tpu.vector_load_idx %arg9[%add3A_1152, %get3A_1110] : memref<64x1024xf32, #tpu.memory_space<vmem>>[vector<16xi32>, vector<16xi32>], vector<16xf32>,
        tpu.vector_store_idx %arg14[%add3A_1114, %broadcast_in_dim3A_1150], %gather3A_1153 : memref<256x128xf32, #tpu.memory_space<vmem>>[vector<16xi32>, vector<16xi32>], vector<16xf32>,
        %broadcast_in_dim3A_1154 = arith.constant 8 : i32
        %broadcast_in_dim3A_1155 = vector.broadcast %broadcast_in_dim3A_1154 : i32 to vector<16xi32>
        %add3A_1156 = vector.broadcast %mul3A_576 : i32 to vector<16xi32>
        %add3A_1157 = arith.addi %add3A_1156, %broadcast_in_dim3A_1155 : vector<16xi32>
        %gather3A_1158 = tpu.vector_load_idx %arg9[%add3A_1157, %get3A_1110] : memref<64x1024xf32, #tpu.memory_space<vmem>>[vector<16xi32>, vector<16xi32>], vector<16xf32>,
        tpu.vector_store_idx %arg14[%add3A_1114, %broadcast_in_dim3A_1155], %gather3A_1158 : memref<256x128xf32, #tpu.memory_space<vmem>>[vector<16xi32>, vector<16xi32>], vector<16xf32>,
        %broadcast_in_dim3A_1159 = arith.constant 9 : i32
        %broadcast_in_dim3A_1160 = vector.broadcast %broadcast_in_dim3A_1159 : i32 to vector<16xi32>
        %add3A_1161 = vector.broadcast %mul3A_576 : i32 to vector<16xi32>
        %add3A_1162 = arith.addi %add3A_1161, %broadcast_in_dim3A_1160 : vector<16xi32>
        %gather3A_1163 = tpu.vector_load_idx %arg9[%add3A_1162, %get3A_1110] : memref<64x1024xf32, #tpu.memory_space<vmem>>[vector<16xi32>, vector<16xi32>], vector<16xf32>,
        tpu.vector_store_idx %arg14[%add3A_1114, %broadcast_in_dim3A_1160], %gather3A_1163 : memref<256x128xf32, #tpu.memory_space<vmem>>[vector<16xi32>, vector<16xi32>], vector<16xf32>,
        %broadcast_in_dim3A_1164 = arith.constant 10 : i32
        %broadcast_in_dim3A_1165 = vector.broadcast %broadcast_in_dim3A_1164 : i32 to vector<16xi32>
        %add3A_1166 = vector.broadcast %mul3A_576 : i32 to vector<16xi32>
        %add3A_1167 = arith.addi %add3A_1166, %broadcast_in_dim3A_1165 : vector<16xi32>
        %gather3A_1168 = tpu.vector_load_idx %arg9[%add3A_1167, %get3A_1110] : memref<64x1024xf32, #tpu.memory_space<vmem>>[vector<16xi32>, vector<16xi32>], vector<16xf32>,
        tpu.vector_store_idx %arg14[%add3A_1114, %broadcast_in_dim3A_1165], %gather3A_1168 : memref<256x128xf32, #tpu.memory_space<vmem>>[vector<16xi32>, vector<16xi32>], vector<16xf32>,
        %broadcast_in_dim3A_1169 = arith.constant 11 : i32
        %broadcast_in_dim3A_1170 = vector.broadcast %broadcast_in_dim3A_1169 : i32 to vector<16xi32>
        %add3A_1171 = vector.broadcast %mul3A_576 : i32 to vector<16xi32>
        %add3A_1172 = arith.addi %add3A_1171, %broadcast_in_dim3A_1170 : vector<16xi32>
        %gather3A_1173 = tpu.vector_load_idx %arg9[%add3A_1172, %get3A_1110] : memref<64x1024xf32, #tpu.memory_space<vmem>>[vector<16xi32>, vector<16xi32>], vector<16xf32>,
        tpu.vector_store_idx %arg14[%add3A_1114, %broadcast_in_dim3A_1170], %gather3A_1173 : memref<256x128xf32, #tpu.memory_space<vmem>>[vector<16xi32>, vector<16xi32>], vector<16xf32>,
        %broadcast_in_dim3A_1174 = arith.constant 12 : i32
        %broadcast_in_dim3A_1175 = vector.broadcast %broadcast_in_dim3A_1174 : i32 to vector<16xi32>
        %add3A_1176 = vector.broadcast %mul3A_576 : i32 to vector<16xi32>
        %add3A_1177 = arith.addi %add3A_1176, %broadcast_in_dim3A_1175 : vector<16xi32>
        %gather3A_1178 = tpu.vector_load_idx %arg9[%add3A_1177, %get3A_1110] : memref<64x1024xf32, #tpu.memory_space<vmem>>[vector<16xi32>, vector<16xi32>], vector<16xf32>,
        tpu.vector_store_idx %arg14[%add3A_1114, %broadcast_in_dim3A_1175], %gather3A_1178 : memref<256x128xf32, #tpu.memory_space<vmem>>[vector<16xi32>, vector<16xi32>], vector<16xf32>,
        %broadcast_in_dim3A_1179 = arith.constant 13 : i32
        %broadcast_in_dim3A_1180 = vector.broadcast %broadcast_in_dim3A_1179 : i32 to vector<16xi32>
        %add3A_1181 = vector.broadcast %mul3A_576 : i32 to vector<16xi32>
        %add3A_1182 = arith.addi %add3A_1181, %broadcast_in_dim3A_1180 : vector<16xi32>
        %gather3A_1183 = tpu.vector_load_idx %arg9[%add3A_1182, %get3A_1110] : memref<64x1024xf32, #tpu.memory_space<vmem>>[vector<16xi32>, vector<16xi32>], vector<16xf32>,
        tpu.vector_store_idx %arg14[%add3A_1114, %broadcast_in_dim3A_1180], %gather3A_1183 : memref<256x128xf32, #tpu.memory_space<vmem>>[vector<16xi32>, vector<16xi32>], vector<16xf32>,
        %broadcast_in_dim3A_1184 = arith.constant 14 : i32
        %broadcast_in_dim3A_1185 = vector.broadcast %broadcast_in_dim3A_1184 : i32 to vector<16xi32>
        %add3A_1186 = vector.broadcast %mul3A_576 : i32 to vector<16xi32>
        %add3A_1187 = arith.addi %add3A_1186, %broadcast_in_dim3A_1185 : vector<16xi32>
        %gather3A_1188 = tpu.vector_load_idx %arg9[%add3A_1187, %get3A_1110] : memref<64x1024xf32, #tpu.memory_space<vmem>>[vector<16xi32>, vector<16xi32>], vector<16xf32>,
        tpu.vector_store_idx %arg14[%add3A_1114, %broadcast_in_dim3A_1185], %gather3A_1188 : memref<256x128xf32, #tpu.memory_space<vmem>>[vector<16xi32>, vector<16xi32>], vector<16xf32>,
        %broadcast_in_dim3A_1189 = arith.constant 15 : i32
        %broadcast_in_dim3A_1190 = vector.broadcast %broadcast_in_dim3A_1189 : i32 to vector<16xi32>
        %add3A_1191 = vector.broadcast %mul3A_576 : i32 to vector<16xi32>
        %add3A_1192 = arith.addi %add3A_1191, %broadcast_in_dim3A_1190 : vector<16xi32>
        %gather3A_1193 = tpu.vector_load_idx %arg9[%add3A_1192, %get3A_1110] : memref<64x1024xf32, #tpu.memory_space<vmem>>[vector<16xi32>, vector<16xi32>], vector<16xf32>,
        tpu.vector_store_idx %arg14[%add3A_1114, %broadcast_in_dim3A_1190], %gather3A_1193 : memref<256x128xf32, #tpu.memory_space<vmem>>[vector<16xi32>, vector<16xi32>], vector<16xf32>,
        %broadcast_in_dim3A_1194 = arith.constant 16 : i32
        %broadcast_in_dim3A_1195 = vector.broadcast %broadcast_in_dim3A_1194 : i32 to vector<16xi32>
        %add3A_1196 = vector.broadcast %mul3A_576 : i32 to vector<16xi32>
        %add3A_1197 = arith.addi %add3A_1196, %broadcast_in_dim3A_1195 : vector<16xi32>
        %gather3A_1198 = tpu.vector_load_idx %arg9[%add3A_1197, %get3A_1110] : memref<64x1024xf32, #tpu.memory_space<vmem>>[vector<16xi32>, vector<16xi32>], vector<16xf32>,
        tpu.vector_store_idx %arg14[%add3A_1114, %broadcast_in_dim3A_1195], %gather3A_1198 : memref<256x128xf32, #tpu.memory_space<vmem>>[vector<16xi32>, vector<16xi32>], vector<16xf32>,
        %broadcast_in_dim3A_1199 = arith.constant 17 : i32
        %broadcast_in_dim3A_1200 = vector.broadcast %broadcast_in_dim3A_1199 : i32 to vector<16xi32>
        %add3A_1201 = vector.broadcast %mul3A_576 : i32 to vector<16xi32>
        %add3A_1202 = arith.addi %add3A_1201, %broadcast_in_dim3A_1200 : vector<16xi32>
        %gather3A_1203 = tpu.vector_load_idx %arg9[%add3A_1202, %get3A_1110] : memref<64x1024xf32, #tpu.memory_space<vmem>>[vector<16xi32>, vector<16xi32>], vector<16xf32>,
        tpu.vector_store_idx %arg14[%add3A_1114, %broadcast_in_dim3A_1200], %gather3A_1203 : memref<256x128xf32, #tpu.memory_space<vmem>>[vector<16xi32>, vector<16xi32>], vector<16xf32>,
        %broadcast_in_dim3A_1204 = arith.constant 18 : i32
        %broadcast_in_dim3A_1205 = vector.broadcast %broadcast_in_dim3A_1204 : i32 to vector<16xi32>
        %add3A_1206 = vector.broadcast %mul3A_576 : i32 to vector<16xi32>
        %add3A_1207 = arith.addi %add3A_1206, %broadcast_in_dim3A_1205 : vector<16xi32>
        %gather3A_1208 = tpu.vector_load_idx %arg9[%add3A_1207, %get3A_1110] : memref<64x1024xf32, #tpu.memory_space<vmem>>[vector<16xi32>, vector<16xi32>], vector<16xf32>,
        tpu.vector_store_idx %arg14[%add3A_1114, %broadcast_in_dim3A_1205], %gather3A_1208 : memref<256x128xf32, #tpu.memory_space<vmem>>[vector<16xi32>, vector<16xi32>], vector<16xf32>,
        %broadcast_in_dim3A_1209 = arith.constant 19 : i32
        %broadcast_in_dim3A_1210 = vector.broadcast %broadcast_in_dim3A_1209 : i32 to vector<16xi32>
        %add3A_1211 = vector.broadcast %mul3A_576 : i32 to vector<16xi32>
        %add3A_1212 = arith.addi %add3A_1211, %broadcast_in_dim3A_1210 : vector<16xi32>
        %gather3A_1213 = tpu.vector_load_idx %arg9[%add3A_1212, %get3A_1110] : memref<64x1024xf32, #tpu.memory_space<vmem>>[vector<16xi32>, vector<16xi32>], vector<16xf32>,
        tpu.vector_store_idx %arg14[%add3A_1114, %broadcast_in_dim3A_1210], %gather3A_1213 : memref<256x128xf32, #tpu.memory_space<vmem>>[vector<16xi32>, vector<16xi32>], vector<16xf32>,
        %broadcast_in_dim3A_1214 = arith.constant 20 : i32
        %broadcast_in_dim3A_1215 = vector.broadcast %broadcast_in_dim3A_1214 : i32 to vector<16xi32>
        %add3A_1216 = vector.broadcast %mul3A_576 : i32 to vector<16xi32>
        %add3A_1217 = arith.addi %add3A_1216, %broadcast_in_dim3A_1215 : vector<16xi32>
        %gather3A_1218 = tpu.vector_load_idx %arg9[%add3A_1217, %get3A_1110] : memref<64x1024xf32, #tpu.memory_space<vmem>>[vector<16xi32>, vector<16xi32>], vector<16xf32>,
        tpu.vector_store_idx %arg14[%add3A_1114, %broadcast_in_dim3A_1215], %gather3A_1218 : memref<256x128xf32, #tpu.memory_space<vmem>>[vector<16xi32>, vector<16xi32>], vector<16xf32>,
        %broadcast_in_dim3A_1219 = arith.constant 21 : i32
        %broadcast_in_dim3A_1220 = vector.broadcast %broadcast_in_dim3A_1219 : i32 to vector<16xi32>
        %add3A_1221 = vector.broadcast %mul3A_576 : i32 to vector<16xi32>
        %add3A_1222 = arith.addi %add3A_1221, %broadcast_in_dim3A_1220 : vector<16xi32>
        %gather3A_1223 = tpu.vector_load_idx %arg9[%add3A_1222, %get3A_1110] : memref<64x1024xf32, #tpu.memory_space<vmem>>[vector<16xi32>, vector<16xi32>], vector<16xf32>,
        tpu.vector_store_idx %arg14[%add3A_1114, %broadcast_in_dim3A_1220], %gather3A_1223 : memref<256x128xf32, #tpu.memory_space<vmem>>[vector<16xi32>, vector<16xi32>], vector<16xf32>,
        %broadcast_in_dim3A_1224 = arith.constant 22 : i32
        %broadcast_in_dim3A_1225 = vector.broadcast %broadcast_in_dim3A_1224 : i32 to vector<16xi32>
        %add3A_1226 = vector.broadcast %mul3A_576 : i32 to vector<16xi32>
        %add3A_1227 = arith.addi %add3A_1226, %broadcast_in_dim3A_1225 : vector<16xi32>
        %gather3A_1228 = tpu.vector_load_idx %arg9[%add3A_1227, %get3A_1110] : memref<64x1024xf32, #tpu.memory_space<vmem>>[vector<16xi32>, vector<16xi32>], vector<16xf32>,
        tpu.vector_store_idx %arg14[%add3A_1114, %broadcast_in_dim3A_1225], %gather3A_1228 : memref<256x128xf32, #tpu.memory_space<vmem>>[vector<16xi32>, vector<16xi32>], vector<16xf32>,
        %broadcast_in_dim3A_1229 = arith.constant 23 : i32
        %broadcast_in_dim3A_1230 = vector.broadcast %broadcast_in_dim3A_1229 : i32 to vector<16xi32>
        %add3A_1231 = vector.broadcast %mul3A_576 : i32 to vector<16xi32>
        %add3A_1232 = arith.addi %add3A_1231, %broadcast_in_dim3A_1230 : vector<16xi32>
        %gather3A_1233 = tpu.vector_load_idx %arg9[%add3A_1232, %get3A_1110] : memref<64x1024xf32, #tpu.memory_space<vmem>>[vector<16xi32>, vector<16xi32>], vector<16xf32>,
        tpu.vector_store_idx %arg14[%add3A_1114, %broadcast_in_dim3A_1230], %gather3A_1233 : memref<256x128xf32, #tpu.memory_space<vmem>>[vector<16xi32>, vector<16xi32>], vector<16xf32>,
        %broadcast_in_dim3A_1234 = arith.constant 24 : i32
        %broadcast_in_dim3A_1235 = vector.broadcast %broadcast_in_dim3A_1234 : i32 to vector<16xi32>
        %add3A_1236 = vector.broadcast %mul3A_576 : i32 to vector<16xi32>
        %add3A_1237 = arith.addi %add3A_1236, %broadcast_in_dim3A_1235 : vector<16xi32>
        %gather3A_1238 = tpu.vector_load_idx %arg9[%add3A_1237, %get3A_1110] : memref<64x1024xf32, #tpu.memory_space<vmem>>[vector<16xi32>, vector<16xi32>], vector<16xf32>,
        tpu.vector_store_idx %arg14[%add3A_1114, %broadcast_in_dim3A_1235], %gather3A_1238 : memref<256x128xf32, #tpu.memory_space<vmem>>[vector<16xi32>, vector<16xi32>], vector<16xf32>,
        %broadcast_in_dim3A_1239 = arith.constant 25 : i32
        %broadcast_in_dim3A_1240 = vector.broadcast %broadcast_in_dim3A_1239 : i32 to vector<16xi32>
        %add3A_1241 = vector.broadcast %mul3A_576 : i32 to vector<16xi32>
        %add3A_1242 = arith.addi %add3A_1241, %broadcast_in_dim3A_1240 : vector<16xi32>
        %gather3A_1243 = tpu.vector_load_idx %arg9[%add3A_1242, %get3A_1110] : memref<64x1024xf32, #tpu.memory_space<vmem>>[vector<16xi32>, vector<16xi32>], vector<16xf32>,
        tpu.vector_store_idx %arg14[%add3A_1114, %broadcast_in_dim3A_1240], %gather3A_1243 : memref<256x128xf32, #tpu.memory_space<vmem>>[vector<16xi32>, vector<16xi32>], vector<16xf32>,
        %broadcast_in_dim3A_1244 = arith.constant 26 : i32
        %broadcast_in_dim3A_1245 = vector.broadcast %broadcast_in_dim3A_1244 : i32 to vector<16xi32>
        %add3A_1246 = vector.broadcast %mul3A_576 : i32 to vector<16xi32>
        %add3A_1247 = arith.addi %add3A_1246, %broadcast_in_dim3A_1245 : vector<16xi32>
        %gather3A_1248 = tpu.vector_load_idx %arg9[%add3A_1247, %get3A_1110] : memref<64x1024xf32, #tpu.memory_space<vmem>>[vector<16xi32>, vector<16xi32>], vector<16xf32>,
        tpu.vector_store_idx %arg14[%add3A_1114, %broadcast_in_dim3A_1245], %gather3A_1248 : memref<256x128xf32, #tpu.memory_space<vmem>>[vector<16xi32>, vector<16xi32>], vector<16xf32>,
        %broadcast_in_dim3A_1249 = arith.constant 27 : i32
        %broadcast_in_dim3A_1250 = vector.broadcast %broadcast_in_dim3A_1249 : i32 to vector<16xi32>
        %add3A_1251 = vector.broadcast %mul3A_576 : i32 to vector<16xi32>
        %add3A_1252 = arith.addi %add3A_1251, %broadcast_in_dim3A_1250 : vector<16xi32>
        %gather3A_1253 = tpu.vector_load_idx %arg9[%add3A_1252, %get3A_1110] : memref<64x1024xf32, #tpu.memory_space<vmem>>[vector<16xi32>, vector<16xi32>], vector<16xf32>,
        tpu.vector_store_idx %arg14[%add3A_1114, %broadcast_in_dim3A_1250], %gather3A_1253 : memref<256x128xf32, #tpu.memory_space<vmem>>[vector<16xi32>, vector<16xi32>], vector<16xf32>,
        %broadcast_in_dim3A_1254 = arith.constant 28 : i32
        %broadcast_in_dim3A_1255 = vector.broadcast %broadcast_in_dim3A_1254 : i32 to vector<16xi32>
        %add3A_1256 = vector.broadcast %mul3A_576 : i32 to vector<16xi32>
        %add3A_1257 = arith.addi %add3A_1256, %broadcast_in_dim3A_1255 : vector<16xi32>
        %gather3A_1258 = tpu.vector_load_idx %arg9[%add3A_1257, %get3A_1110] : memref<64x1024xf32, #tpu.memory_space<vmem>>[vector<16xi32>, vector<16xi32>], vector<16xf32>,
        tpu.vector_store_idx %arg14[%add3A_1114, %broadcast_in_dim3A_1255], %gather3A_1258 : memref<256x128xf32, #tpu.memory_space<vmem>>[vector<16xi32>, vector<16xi32>], vector<16xf32>,
        %broadcast_in_dim3A_1259 = arith.constant 29 : i32
        %broadcast_in_dim3A_1260 = vector.broadcast %broadcast_in_dim3A_1259 : i32 to vector<16xi32>
        %add3A_1261 = vector.broadcast %mul3A_576 : i32 to vector<16xi32>
        %add3A_1262 = arith.addi %add3A_1261, %broadcast_in_dim3A_1260 : vector<16xi32>
        %gather3A_1263 = tpu.vector_load_idx %arg9[%add3A_1262, %get3A_1110] : memref<64x1024xf32, #tpu.memory_space<vmem>>[vector<16xi32>, vector<16xi32>], vector<16xf32>,
        tpu.vector_store_idx %arg14[%add3A_1114, %broadcast_in_dim3A_1260], %gather3A_1263 : memref<256x128xf32, #tpu.memory_space<vmem>>[vector<16xi32>, vector<16xi32>], vector<16xf32>,
        %broadcast_in_dim3A_1264 = arith.constant 30 : i32
        %broadcast_in_dim3A_1265 = vector.broadcast %broadcast_in_dim3A_1264 : i32 to vector<16xi32>
        %add3A_1266 = vector.broadcast %mul3A_576 : i32 to vector<16xi32>
        %add3A_1267 = arith.addi %add3A_1266, %broadcast_in_dim3A_1265 : vector<16xi32>
        %gather3A_1268 = tpu.vector_load_idx %arg9[%add3A_1267, %get3A_1110] : memref<64x1024xf32, #tpu.memory_space<vmem>>[vector<16xi32>, vector<16xi32>], vector<16xf32>,
        tpu.vector_store_idx %arg14[%add3A_1114, %broadcast_in_dim3A_1265], %gather3A_1268 : memref<256x128xf32, #tpu.memory_space<vmem>>[vector<16xi32>, vector<16xi32>], vector<16xf32>,
        %broadcast_in_dim3A_1269 = arith.constant 31 : i32
        %broadcast_in_dim3A_1270 = vector.broadcast %broadcast_in_dim3A_1269 : i32 to vector<16xi32>
        %add3A_1271 = vector.broadcast %mul3A_576 : i32 to vector<16xi32>
        %add3A_1272 = arith.addi %add3A_1271, %broadcast_in_dim3A_1270 : vector<16xi32>
        %gather3A_1273 = tpu.vector_load_idx %arg9[%add3A_1272, %get3A_1110] : memref<64x1024xf32, #tpu.memory_space<vmem>>[vector<16xi32>, vector<16xi32>], vector<16xf32>,
        tpu.vector_store_idx %arg14[%add3A_1114, %broadcast_in_dim3A_1270], %gather3A_1273 : memref<256x128xf32, #tpu.memory_space<vmem>>[vector<16xi32>, vector<16xi32>], vector<16xf32>,
        %while3A_1274 = arith.constant 0 : i32
        scf.yield %while3A_1274 : i32
      }
      %while3A_615 = arith.constant 0 : i32
      %while3A_616 = arith.constant 0 : i32
      %while3A_617 = arith.subi %select_n3A_602, %while3A_615 : i32
      %while3A_618 = arith.addi %while3A_615, %while3A_617 : i32
      %while3A_619 = arith.constant 1 : i32
      %while3A_620 = arith.divsi %while3A_617, %while3A_619 : i32
      %while3A_621 = arith.muli %while3A_620, %while3A_619 : i32
      %while3A_622 = arith.addi %while3A_615, %while3A_621 : i32
      %while3A_623 = arith.constant 1 : i32
      %while3A_624 = scf.for %while3A_1105 = %while3A_615 to %while3A_622 step %while3A_623 iter_args(%while3A_1106 = %while3A_616) -> (i32)  : i32 {
        %mul3A_1107 = arith.constant 16 : i32
        %mul3A_1108 = arith.muli %while3A_1105, %mul3A_1107 : i32
        %dma_start3A_1109 = arith.constant 0 : i32
        %dma_start3A_1110 = tpu.memref_slice %arg14[%mul3A_1108, %dma_start3A_1109] : memref<256x128xf32, #tpu.memory_space<vmem>> -> memref<16x128xf32, #tpu.memory_space<vmem>>
        %dma_start3A_1111 = arith.constant 0 : i32
        %dma_start3A_1112 = tpu.memref_slice %arg13[%while3A_1105, %dma_start3A_1111] : memref<16x16xi32, #tpu.memory_space<vmem>> -> memref<1x16xi32, #tpu.memory_space<vmem>>
        %dma_start3A_1113 = tpu.memref_squeeze %dma_start3A_1112 : memref<1x16xi32, #tpu.memory_space<vmem>> -> memref<16xi32, #tpu.memory_space<vmem>>
        %dma_start3A_1114 = arith.constant 0 : i32
        %dma_start3A_1115 = arith.constant 0 : i32
        %dma_start3A_1116 = tpu.memref_slice %arg5[%dma_start3A_1114, %dma_start3A_1115] : memref<49664x128xf32, #tpu.memory_space<hbm>> -> memref<49664x128xf32, #tpu.memory_space<hbm>>
        tpu.enqueue_indirect_dma source(%dma_start3A_1110 : memref<16x128xf32, #tpu.memory_space<vmem>>) target(%dma_start3A_1116 : memref<49664x128xf32, #tpu.memory_space<hbm>>) offsets(%dma_start3A_1113 : memref<16xi32, #tpu.memory_space<vmem>>) semaphore(%arg17 : memref<!tpu.dma_semaphore, #tpu.memory_space<semaphore_mem>>)
        %while3A_1117 = arith.constant 0 : i32
        scf.yield %while3A_1117 : i32
      }
      %while3A_625 = arith.constant 1 : i32
      %while3A_626 = scf.for %while3A_1105 = %while3A_622 to %while3A_618 step %while3A_625 iter_args(%while3A_1106 = %while3A_624) -> (i32)  : i32 {
        %mul3A_1107 = arith.constant 16 : i32
        %mul3A_1108 = arith.muli %while3A_1105, %mul3A_1107 : i32
        %dma_start3A_1109 = arith.constant 0 : i32
        %dma_start3A_1110 = tpu.memref_slice %arg14[%mul3A_1108, %dma_start3A_1109] : memref<256x128xf32, #tpu.memory_space<vmem>> -> memref<16x128xf32, #tpu.memory_space<vmem>>
        %dma_start3A_1111 = arith.constant 0 : i32
        %dma_start3A_1112 = tpu.memref_slice %arg13[%while3A_1105, %dma_start3A_1111] : memref<16x16xi32, #tpu.memory_space<vmem>> -> memref<1x16xi32, #tpu.memory_space<vmem>>
        %dma_start3A_1113 = tpu.memref_squeeze %dma_start3A_1112 : memref<1x16xi32, #tpu.memory_space<vmem>> -> memref<16xi32, #tpu.memory_space<vmem>>
        %dma_start3A_1114 = arith.constant 0 : i32
        %dma_start3A_1115 = arith.constant 0 : i32
        %dma_start3A_1116 = tpu.memref_slice %arg5[%dma_start3A_1114, %dma_start3A_1115] : memref<49664x128xf32, #tpu.memory_space<hbm>> -> memref<49664x128xf32, #tpu.memory_space<hbm>>
        tpu.enqueue_indirect_dma source(%dma_start3A_1110 : memref<16x128xf32, #tpu.memory_space<vmem>>) target(%dma_start3A_1116 : memref<49664x128xf32, #tpu.memory_space<hbm>>) offsets(%dma_start3A_1113 : memref<16xi32, #tpu.memory_space<vmem>>) semaphore(%arg17 : memref<!tpu.dma_semaphore, #tpu.memory_space<semaphore_mem>>)
        %while3A_1117 = arith.constant 0 : i32
        scf.yield %while3A_1117 : i32
      }
      %add3A_627 = arith.constant 2 : i32
      %add3A_628 = arith.addi %mul3A_285, %add3A_627 : i32
      %mul3A_629 = arith.constant 1024 : i32
      %mul3A_630 = arith.muli %add3A_628, %mul3A_629 : i32
      %add3A_631 = arith.addi %mul3A_48, %mul3A_630 : i32
      %sub3A_632 = arith.constant 1024 : i32
      %sub3A_633 = arith.subi %mul3A_50, %sub3A_632 : i32
      %min3A_634 = arith.minsi %add3A_631, %sub3A_633 : i32
      %jit3A_635 = arith.constant 2 : i32
      %eq3A_636 = arith.constant 0 : i32
      %eq3A_637 = arith.cmpi eq, %jit3A_635, %eq3A_636 : i32
      %jit3A_638 = arith.constant 1 : i32
      %select_n3A_639 = arith.select %eq3A_637, %jit3A_638, %jit3A_635 : i32
      %rem3A_640 = arith.remsi %add3A_628, %select_n3A_639 : i32
      %ne3A_641 = arith.constant 0 : i32
      %ne3A_642 = arith.cmpi ne, %rem3A_640, %ne3A_641 : i32
      %lt3A_643 = arith.constant 0 : i32
      %lt3A_644 = arith.cmpi slt, %rem3A_640, %lt3A_643 : i32
      %lt3A_645 = arith.constant 0 : i32
      %lt3A_646 = arith.cmpi slt, %select_n3A_639, %lt3A_645 : i32
      %ne3A_647 = arith.xori %lt3A_644, %lt3A_646 : i1
      %and3A_648 = arith.andi %ne3A_647, %ne3A_642 : i1
      %add3A_649 = arith.addi %rem3A_640, %select_n3A_639 : i32
      %select_n3A_650 = arith.select %and3A_648, %add3A_649, %rem3A_640 : i32
      %mul3A_651 = arith.constant 32 : i32
      %mul3A_652 = arith.muli %select_n3A_650, %mul3A_651 : i32
      %add3A_653 = arith.constant 0 : i32
      %add3A_654 = arith.addi %mul3A_652, %add3A_653 : i32
      %dma_start3A_655 = arith.constant 0 : i32
      %dma_start3A_656 = tpu.memref_slice %arg9[%add3A_654, %dma_start3A_655] : memref<64x1024xf32, #tpu.memory_space<vmem>> -> memref<8x1024xf32, #tpu.memory_space<vmem>>
      %dma_start3A_657 = arith.constant 0 : i32
      %dma_start3A_658 = tpu.memref_slice %arg3[%dma_start3A_657, %min3A_634] : memref<32x1000000xf32, #tpu.memory_space<hbm>> -> memref<8x1024xf32, #tpu.memory_space<hbm>>
      %dma_start3A_659 = arith.constant 0 : i32
      %dma_start3A_660 = tpu.memref_slice %arg9[%add3A_654, %dma_start3A_659] : memref<64x1024xf32, #tpu.memory_space<vmem>> -> memref<8x1024xf32, #tpu.memory_space<vmem>>
      %dma_start3A_661 = arith.constant 0 : i32
      %dma_start3A_662 = tpu.memref_slice %arg3[%dma_start3A_661, %min3A_634] : memref<32x1000000xf32, #tpu.memory_space<hbm>> -> memref<8x1024xf32, #tpu.memory_space<hbm>>
      tpu.enqueue_dma source(%dma_start3A_662 : memref<8x1024xf32, #tpu.memory_space<hbm>>) target(%dma_start3A_660 : memref<8x1024xf32, #tpu.memory_space<vmem>>) target_semaphore(%arg15 : memref<!tpu.dma_semaphore, #tpu.memory_space<semaphore_mem>>)
      %add3A_663 = arith.constant 8 : i32
      %add3A_664 = arith.addi %mul3A_652, %add3A_663 : i32
      %dma_start3A_665 = arith.constant 0 : i32
      %dma_start3A_666 = tpu.memref_slice %arg9[%add3A_664, %dma_start3A_665] : memref<64x1024xf32, #tpu.memory_space<vmem>> -> memref<8x1024xf32, #tpu.memory_space<vmem>>
      %dma_start3A_667 = arith.constant 8 : i32
      %dma_start3A_668 = tpu.memref_slice %arg3[%dma_start3A_667, %min3A_634] : memref<32x1000000xf32, #tpu.memory_space<hbm>> -> memref<8x1024xf32, #tpu.memory_space<hbm>>
      %dma_start3A_669 = arith.constant 0 : i32
      %dma_start3A_670 = tpu.memref_slice %arg9[%add3A_664, %dma_start3A_669] : memref<64x1024xf32, #tpu.memory_space<vmem>> -> memref<8x1024xf32, #tpu.memory_space<vmem>>
      %dma_start3A_671 = arith.constant 8 : i32
      %dma_start3A_672 = tpu.memref_slice %arg3[%dma_start3A_671, %min3A_634] : memref<32x1000000xf32, #tpu.memory_space<hbm>> -> memref<8x1024xf32, #tpu.memory_space<hbm>>
      tpu.enqueue_dma source(%dma_start3A_672 : memref<8x1024xf32, #tpu.memory_space<hbm>>) target(%dma_start3A_670 : memref<8x1024xf32, #tpu.memory_space<vmem>>) target_semaphore(%arg15 : memref<!tpu.dma_semaphore, #tpu.memory_space<semaphore_mem>>)
      %add3A_673 = arith.constant 16 : i32
      %add3A_674 = arith.addi %mul3A_652, %add3A_673 : i32
      %dma_start3A_675 = arith.constant 0 : i32
      %dma_start3A_676 = tpu.memref_slice %arg9[%add3A_674, %dma_start3A_675] : memref<64x1024xf32, #tpu.memory_space<vmem>> -> memref<8x1024xf32, #tpu.memory_space<vmem>>
      %dma_start3A_677 = arith.constant 16 : i32
      %dma_start3A_678 = tpu.memref_slice %arg3[%dma_start3A_677, %min3A_634] : memref<32x1000000xf32, #tpu.memory_space<hbm>> -> memref<8x1024xf32, #tpu.memory_space<hbm>>
      %dma_start3A_679 = arith.constant 0 : i32
      %dma_start3A_680 = tpu.memref_slice %arg9[%add3A_674, %dma_start3A_679] : memref<64x1024xf32, #tpu.memory_space<vmem>> -> memref<8x1024xf32, #tpu.memory_space<vmem>>
      %dma_start3A_681 = arith.constant 16 : i32
      %dma_start3A_682 = tpu.memref_slice %arg3[%dma_start3A_681, %min3A_634] : memref<32x1000000xf32, #tpu.memory_space<hbm>> -> memref<8x1024xf32, #tpu.memory_space<hbm>>
      tpu.enqueue_dma source(%dma_start3A_682 : memref<8x1024xf32, #tpu.memory_space<hbm>>) target(%dma_start3A_680 : memref<8x1024xf32, #tpu.memory_space<vmem>>) target_semaphore(%arg15 : memref<!tpu.dma_semaphore, #tpu.memory_space<semaphore_mem>>)
      %add3A_683 = arith.constant 24 : i32
      %add3A_684 = arith.addi %mul3A_652, %add3A_683 : i32
      %dma_start3A_685 = arith.constant 0 : i32
      %dma_start3A_686 = tpu.memref_slice %arg9[%add3A_684, %dma_start3A_685] : memref<64x1024xf32, #tpu.memory_space<vmem>> -> memref<8x1024xf32, #tpu.memory_space<vmem>>
      %dma_start3A_687 = arith.constant 24 : i32
      %dma_start3A_688 = tpu.memref_slice %arg3[%dma_start3A_687, %min3A_634] : memref<32x1000000xf32, #tpu.memory_space<hbm>> -> memref<8x1024xf32, #tpu.memory_space<hbm>>
      %dma_start3A_689 = arith.constant 0 : i32
      %dma_start3A_690 = tpu.memref_slice %arg9[%add3A_684, %dma_start3A_689] : memref<64x1024xf32, #tpu.memory_space<vmem>> -> memref<8x1024xf32, #tpu.memory_space<vmem>>
      %dma_start3A_691 = arith.constant 24 : i32
      %dma_start3A_692 = tpu.memref_slice %arg3[%dma_start3A_691, %min3A_634] : memref<32x1000000xf32, #tpu.memory_space<hbm>> -> memref<8x1024xf32, #tpu.memory_space<hbm>>
      tpu.enqueue_dma source(%dma_start3A_692 : memref<8x1024xf32, #tpu.memory_space<hbm>>) target(%dma_start3A_690 : memref<8x1024xf32, #tpu.memory_space<vmem>>) target_semaphore(%arg15 : memref<!tpu.dma_semaphore, #tpu.memory_space<semaphore_mem>>)
      %add3A_693 = arith.constant 1 : i32
      %add3A_694 = arith.addi %mul3A_285, %add3A_693 : i32
      %dma_wait3A_695 = arith.constant 0 : i32
      %dma_wait3A_696 = arith.constant 0 : i32
      %dma_wait3A_697 = tpu.memref_slice %arg9[%dma_wait3A_695, %dma_wait3A_696] : memref<64x1024xf32, #tpu.memory_space<vmem>> -> memref<32x1024xf32, #tpu.memory_space<vmem>>
      %dma_wait3A_698 = arith.constant 0 : i32
      %dma_wait3A_699 = arith.constant 0 : i32
      %dma_wait3A_700 = tpu.memref_slice %arg3[%dma_wait3A_698, %dma_wait3A_699] : memref<32x1000000xf32, #tpu.memory_space<hbm>> -> memref<32x1024xf32, #tpu.memory_space<hbm>>
      %dma_wait3A_701 = arith.constant 0 : i32
      %dma_wait3A_702 = arith.constant 0 : i32
      %dma_wait3A_703 = tpu.memref_slice %arg9[%dma_wait3A_701, %dma_wait3A_702] : memref<64x1024xf32, #tpu.memory_space<vmem>> -> memref<32x1024xf32, #tpu.memory_space<vmem>>
      %dma_wait3A_704 = arith.constant 0 : i32
      %dma_wait3A_705 = arith.constant 0 : i32
      %dma_wait3A_706 = tpu.memref_slice %arg3[%dma_wait3A_704, %dma_wait3A_705] : memref<32x1000000xf32, #tpu.memory_space<hbm>> -> memref<32x1024xf32, #tpu.memory_space<hbm>>
      tpu.wait_dma2 semaphore(%arg16 : memref<!tpu.dma_semaphore, #tpu.memory_space<semaphore_mem>>) src(%dma_wait3A_706 : memref<32x1024xf32, #tpu.memory_space<hbm>>) dst(%dma_wait3A_703 : memref<32x1024xf32, #tpu.memory_space<vmem>>)
      %while3A_707 = arith.constant 0 : i32
      %while3A_708 = arith.constant 0 : i32
      %while3A_709 = arith.subi %select_n3A_602, %while3A_707 : i32
      %while3A_710 = arith.addi %while3A_707, %while3A_709 : i32
      %while3A_711 = arith.constant 1 : i32
      %while3A_712 = arith.divsi %while3A_709, %while3A_711 : i32
      %while3A_713 = arith.muli %while3A_712, %while3A_711 : i32
      %while3A_714 = arith.addi %while3A_707, %while3A_713 : i32
      %while3A_715 = arith.constant 1 : i32
      %while3A_716 = scf.for %while3A_1105 = %while3A_707 to %while3A_714 step %while3A_715 iter_args(%while3A_1106 = %while3A_708) -> (i32)  : i32 {
        %dma_wait3A_1107 = arith.constant 0 : i32
        %dma_wait3A_1108 = arith.constant 0 : i32
        %dma_wait3A_1109 = tpu.memref_slice %arg14[%dma_wait3A_1107, %dma_wait3A_1108] : memref<256x128xf32, #tpu.memory_space<vmem>> -> memref<16x128xf32, #tpu.memory_space<vmem>>
        %dma_wait3A_1110 = arith.constant 0 : i32
        %dma_wait3A_1111 = arith.constant 0 : i32
        %dma_wait3A_1112 = tpu.memref_slice %arg5[%dma_wait3A_1110, %dma_wait3A_1111] : memref<49664x128xf32, #tpu.memory_space<hbm>> -> memref<16x128xf32, #tpu.memory_space<hbm>>
        %dma_wait3A_1113 = arith.constant 0 : i32
        %dma_wait3A_1114 = arith.constant 0 : i32
        %dma_wait3A_1115 = tpu.memref_slice %arg14[%dma_wait3A_1113, %dma_wait3A_1114] : memref<256x128xf32, #tpu.memory_space<vmem>> -> memref<16x128xf32, #tpu.memory_space<vmem>>
        %dma_wait3A_1116 = arith.constant 0 : i32
        %dma_wait3A_1117 = arith.constant 0 : i32
        %dma_wait3A_1118 = tpu.memref_slice %arg5[%dma_wait3A_1116, %dma_wait3A_1117] : memref<49664x128xf32, #tpu.memory_space<hbm>> -> memref<16x128xf32, #tpu.memory_space<hbm>>
        tpu.wait_dma2 semaphore(%arg17 : memref<!tpu.dma_semaphore, #tpu.memory_space<semaphore_mem>>) src(%dma_wait3A_1118 : memref<16x128xf32, #tpu.memory_space<hbm>>) dst(%dma_wait3A_1115 : memref<16x128xf32, #tpu.memory_space<vmem>>)
        %while3A_1119 = arith.constant 0 : i32
        scf.yield %while3A_1119 : i32
      }
      %while3A_717 = arith.constant 1 : i32
      %while3A_718 = scf.for %while3A_1105 = %while3A_714 to %while3A_710 step %while3A_717 iter_args(%while3A_1106 = %while3A_716) -> (i32)  : i32 {
        %dma_wait3A_1107 = arith.constant 0 : i32
        %dma_wait3A_1108 = arith.constant 0 : i32
        %dma_wait3A_1109 = tpu.memref_slice %arg14[%dma_wait3A_1107, %dma_wait3A_1108] : memref<256x128xf32, #tpu.memory_space<vmem>> -> memref<16x128xf32, #tpu.memory_space<vmem>>
        %dma_wait3A_1110 = arith.constant 0 : i32
        %dma_wait3A_1111 = arith.constant 0 : i32
        %dma_wait3A_1112 = tpu.memref_slice %arg5[%dma_wait3A_1110, %dma_wait3A_1111] : memref<49664x128xf32, #tpu.memory_space<hbm>> -> memref<16x128xf32, #tpu.memory_space<hbm>>
        %dma_wait3A_1113 = arith.constant 0 : i32
        %dma_wait3A_1114 = arith.constant 0 : i32
        %dma_wait3A_1115 = tpu.memref_slice %arg14[%dma_wait3A_1113, %dma_wait3A_1114] : memref<256x128xf32, #tpu.memory_space<vmem>> -> memref<16x128xf32, #tpu.memory_space<vmem>>
        %dma_wait3A_1116 = arith.constant 0 : i32
        %dma_wait3A_1117 = arith.constant 0 : i32
        %dma_wait3A_1118 = tpu.memref_slice %arg5[%dma_wait3A_1116, %dma_wait3A_1117] : memref<49664x128xf32, #tpu.memory_space<hbm>> -> memref<16x128xf32, #tpu.memory_space<hbm>>
        tpu.wait_dma2 semaphore(%arg17 : memref<!tpu.dma_semaphore, #tpu.memory_space<semaphore_mem>>) src(%dma_wait3A_1118 : memref<16x128xf32, #tpu.memory_space<hbm>>) dst(%dma_wait3A_1115 : memref<16x128xf32, #tpu.memory_space<vmem>>)
        %while3A_1119 = arith.constant 0 : i32
        scf.yield %while3A_1119 : i32
      }
      %mul3A_719 = arith.constant 1024 : i32
      %mul3A_720 = arith.muli %add3A_694, %mul3A_719 : i32
      %add3A_721 = arith.addi %mul3A_48, %mul3A_720 : i32
      %min3A_722 = arith.minsi %add3A_721, %mul3A_50 : i32
      %add3A_723 = arith.constant 1 : i32
      %add3A_724 = arith.addi %add3A_694, %add3A_723 : i32
      %mul3A_725 = arith.constant 1024 : i32
      %mul3A_726 = arith.muli %add3A_724, %mul3A_725 : i32
      %add3A_727 = arith.addi %mul3A_48, %mul3A_726 : i32
      %min3A_728 = arith.minsi %add3A_727, %mul3A_50 : i32
      %mul3A_729 = arith.constant 1024 : i32
      %mul3A_730 = arith.muli %add3A_694, %mul3A_729 : i32
      %add3A_731 = arith.addi %mul3A_48, %mul3A_730 : i32
      %sub3A_732 = arith.constant 1024 : i32
      %sub3A_733 = arith.subi %mul3A_50, %sub3A_732 : i32
      %min3A_734 = arith.minsi %add3A_731, %sub3A_733 : i32
      %mul3A_735 = arith.constant 16 : i32
      %mul3A_736 = arith.muli %add3A, %mul3A_735 : i32
      %add3A_737 = arith.constant 49152 : i32
      %add3A_738 = arith.addi %add3A_737, %mul3A_736 : i32
      %add3A_739 = vector.broadcast %add3A_738 : i32 to vector<16xi32>
      %add3A_740 = arith.addi %add3A_739, %iota3A : vector<16xi32>
      %broadcast_in_dim3A_741 = arith.constant 0 : i32
      %broadcast_in_dim3A_742 = vector.broadcast %broadcast_in_dim3A_741 : i32 to vector<16xi32>
      %swap3A_743 = arith.constant 0 : index
      %swap3A_744 = tpu.vector_load %arg11[%swap3A_743] {strides = array<i32>} : memref<256xi32, #tpu.memory_space<vmem>>, vector<16xi32>,
      tpu.vector_store %arg11[%swap3A_743], %broadcast_in_dim3A_742 {strides = array<i32>} : memref<256xi32, #tpu.memory_space<vmem>>, vector<16xi32>,
      %swap3A_745 = arith.constant 0 : index
      %swap3A_746 = tpu.vector_load %arg12[%swap3A_745] {strides = array<i32>} : memref<256xi32, #tpu.memory_space<vmem>>, vector<16xi32>,
      tpu.vector_store %arg12[%swap3A_745], %add3A_740 {strides = array<i32>} : memref<256xi32, #tpu.memory_space<vmem>>, vector<16xi32>,
      %broadcast_in_dim3A_747 = arith.constant 0 : i32
      %broadcast_in_dim3A_748 = vector.broadcast %broadcast_in_dim3A_747 : i32 to vector<16xi32>
      %swap3A_749 = arith.constant 16 : index
      %swap3A_750 = tpu.vector_load %arg11[%swap3A_749] {strides = array<i32>} : memref<256xi32, #tpu.memory_space<vmem>>, vector<16xi32>,
      tpu.vector_store %arg11[%swap3A_749], %broadcast_in_dim3A_748 {strides = array<i32>} : memref<256xi32, #tpu.memory_space<vmem>>, vector<16xi32>,
      %swap3A_751 = arith.constant 16 : index
      %swap3A_752 = tpu.vector_load %arg12[%swap3A_751] {strides = array<i32>} : memref<256xi32, #tpu.memory_space<vmem>>, vector<16xi32>,
      tpu.vector_store %arg12[%swap3A_751], %add3A_740 {strides = array<i32>} : memref<256xi32, #tpu.memory_space<vmem>>, vector<16xi32>,
      %broadcast_in_dim3A_753 = arith.constant 0 : i32
      %broadcast_in_dim3A_754 = vector.broadcast %broadcast_in_dim3A_753 : i32 to vector<16xi32>
      %swap3A_755 = arith.constant 32 : index
      %swap3A_756 = tpu.vector_load %arg11[%swap3A_755] {strides = array<i32>} : memref<256xi32, #tpu.memory_space<vmem>>, vector<16xi32>,
      tpu.vector_store %arg11[%swap3A_755], %broadcast_in_dim3A_754 {strides = array<i32>} : memref<256xi32, #tpu.memory_space<vmem>>, vector<16xi32>,
      %swap3A_757 = arith.constant 32 : index
      %swap3A_758 = tpu.vector_load %arg12[%swap3A_757] {strides = array<i32>} : memref<256xi32, #tpu.memory_space<vmem>>, vector<16xi32>,
      tpu.vector_store %arg12[%swap3A_757], %add3A_740 {strides = array<i32>} : memref<256xi32, #tpu.memory_space<vmem>>, vector<16xi32>,
      %broadcast_in_dim3A_759 = arith.constant 0 : i32
      %broadcast_in_dim3A_760 = vector.broadcast %broadcast_in_dim3A_759 : i32 to vector<16xi32>
      %swap3A_761 = arith.constant 48 : index
      %swap3A_762 = tpu.vector_load %arg11[%swap3A_761] {strides = array<i32>} : memref<256xi32, #tpu.memory_space<vmem>>, vector<16xi32>,
      tpu.vector_store %arg11[%swap3A_761], %broadcast_in_dim3A_760 {strides = array<i32>} : memref<256xi32, #tpu.memory_space<vmem>>, vector<16xi32>,
      %swap3A_763 = arith.constant 48 : index
      %swap3A_764 = tpu.vector_load %arg12[%swap3A_763] {strides = array<i32>} : memref<256xi32, #tpu.memory_space<vmem>>, vector<16xi32>,
      tpu.vector_store %arg12[%swap3A_763], %add3A_740 {strides = array<i32>} : memref<256xi32, #tpu.memory_space<vmem>>, vector<16xi32>,
      %broadcast_in_dim3A_765 = arith.constant 0 : i32
      %broadcast_in_dim3A_766 = vector.broadcast %broadcast_in_dim3A_765 : i32 to vector<16xi32>
      %swap3A_767 = arith.constant 64 : index
      %swap3A_768 = tpu.vector_load %arg11[%swap3A_767] {strides = array<i32>} : memref<256xi32, #tpu.memory_space<vmem>>, vector<16xi32>,
      tpu.vector_store %arg11[%swap3A_767], %broadcast_in_dim3A_766 {strides = array<i32>} : memref<256xi32, #tpu.memory_space<vmem>>, vector<16xi32>,
      %swap3A_769 = arith.constant 64 : index
      %swap3A_770 = tpu.vector_load %arg12[%swap3A_769] {strides = array<i32>} : memref<256xi32, #tpu.memory_space<vmem>>, vector<16xi32>,
      tpu.vector_store %arg12[%swap3A_769], %add3A_740 {strides = array<i32>} : memref<256xi32, #tpu.memory_space<vmem>>, vector<16xi32>,
      %broadcast_in_dim3A_771 = arith.constant 0 : i32
      %broadcast_in_dim3A_772 = vector.broadcast %broadcast_in_dim3A_771 : i32 to vector<16xi32>
      %swap3A_773 = arith.constant 80 : index
      %swap3A_774 = tpu.vector_load %arg11[%swap3A_773] {strides = array<i32>} : memref<256xi32, #tpu.memory_space<vmem>>, vector<16xi32>,
      tpu.vector_store %arg11[%swap3A_773], %broadcast_in_dim3A_772 {strides = array<i32>} : memref<256xi32, #tpu.memory_space<vmem>>, vector<16xi32>,
      %swap3A_775 = arith.constant 80 : index
      %swap3A_776 = tpu.vector_load %arg12[%swap3A_775] {strides = array<i32>} : memref<256xi32, #tpu.memory_space<vmem>>, vector<16xi32>,
      tpu.vector_store %arg12[%swap3A_775], %add3A_740 {strides = array<i32>} : memref<256xi32, #tpu.memory_space<vmem>>, vector<16xi32>,
      %broadcast_in_dim3A_777 = arith.constant 0 : i32
      %broadcast_in_dim3A_778 = vector.broadcast %broadcast_in_dim3A_777 : i32 to vector<16xi32>
      %swap3A_779 = arith.constant 96 : index
      %swap3A_780 = tpu.vector_load %arg11[%swap3A_779] {strides = array<i32>} : memref<256xi32, #tpu.memory_space<vmem>>, vector<16xi32>,
      tpu.vector_store %arg11[%swap3A_779], %broadcast_in_dim3A_778 {strides = array<i32>} : memref<256xi32, #tpu.memory_space<vmem>>, vector<16xi32>,
      %swap3A_781 = arith.constant 96 : index
      %swap3A_782 = tpu.vector_load %arg12[%swap3A_781] {strides = array<i32>} : memref<256xi32, #tpu.memory_space<vmem>>, vector<16xi32>,
      tpu.vector_store %arg12[%swap3A_781], %add3A_740 {strides = array<i32>} : memref<256xi32, #tpu.memory_space<vmem>>, vector<16xi32>,
      %broadcast_in_dim3A_783 = arith.constant 0 : i32
      %broadcast_in_dim3A_784 = vector.broadcast %broadcast_in_dim3A_783 : i32 to vector<16xi32>
      %swap3A_785 = arith.constant 112 : index
      %swap3A_786 = tpu.vector_load %arg11[%swap3A_785] {strides = array<i32>} : memref<256xi32, #tpu.memory_space<vmem>>, vector<16xi32>,
      tpu.vector_store %arg11[%swap3A_785], %broadcast_in_dim3A_784 {strides = array<i32>} : memref<256xi32, #tpu.memory_space<vmem>>, vector<16xi32>,
      %swap3A_787 = arith.constant 112 : index
      %swap3A_788 = tpu.vector_load %arg12[%swap3A_787] {strides = array<i32>} : memref<256xi32, #tpu.memory_space<vmem>>, vector<16xi32>,
      tpu.vector_store %arg12[%swap3A_787], %add3A_740 {strides = array<i32>} : memref<256xi32, #tpu.memory_space<vmem>>, vector<16xi32>,
      %broadcast_in_dim3A_789 = arith.constant 0 : i32
      %broadcast_in_dim3A_790 = vector.broadcast %broadcast_in_dim3A_789 : i32 to vector<16xi32>
      %swap3A_791 = arith.constant 128 : index
      %swap3A_792 = tpu.vector_load %arg11[%swap3A_791] {strides = array<i32>} : memref<256xi32, #tpu.memory_space<vmem>>, vector<16xi32>,
      tpu.vector_store %arg11[%swap3A_791], %broadcast_in_dim3A_790 {strides = array<i32>} : memref<256xi32, #tpu.memory_space<vmem>>, vector<16xi32>,
      %swap3A_793 = arith.constant 128 : index
      %swap3A_794 = tpu.vector_load %arg12[%swap3A_793] {strides = array<i32>} : memref<256xi32, #tpu.memory_space<vmem>>, vector<16xi32>,
      tpu.vector_store %arg12[%swap3A_793], %add3A_740 {strides = array<i32>} : memref<256xi32, #tpu.memory_space<vmem>>, vector<16xi32>,
      %broadcast_in_dim3A_795 = arith.constant 0 : i32
      %broadcast_in_dim3A_796 = vector.broadcast %broadcast_in_dim3A_795 : i32 to vector<16xi32>
      %swap3A_797 = arith.constant 144 : index
      %swap3A_798 = tpu.vector_load %arg11[%swap3A_797] {strides = array<i32>} : memref<256xi32, #tpu.memory_space<vmem>>, vector<16xi32>,
      tpu.vector_store %arg11[%swap3A_797], %broadcast_in_dim3A_796 {strides = array<i32>} : memref<256xi32, #tpu.memory_space<vmem>>, vector<16xi32>,
      %swap3A_799 = arith.constant 144 : index
      %swap3A_800 = tpu.vector_load %arg12[%swap3A_799] {strides = array<i32>} : memref<256xi32, #tpu.memory_space<vmem>>, vector<16xi32>,
      tpu.vector_store %arg12[%swap3A_799], %add3A_740 {strides = array<i32>} : memref<256xi32, #tpu.memory_space<vmem>>, vector<16xi32>,
      %broadcast_in_dim3A_801 = arith.constant 0 : i32
      %broadcast_in_dim3A_802 = vector.broadcast %broadcast_in_dim3A_801 : i32 to vector<16xi32>
      %swap3A_803 = arith.constant 160 : index
      %swap3A_804 = tpu.vector_load %arg11[%swap3A_803] {strides = array<i32>} : memref<256xi32, #tpu.memory_space<vmem>>, vector<16xi32>,
      tpu.vector_store %arg11[%swap3A_803], %broadcast_in_dim3A_802 {strides = array<i32>} : memref<256xi32, #tpu.memory_space<vmem>>, vector<16xi32>,
      %swap3A_805 = arith.constant 160 : index
      %swap3A_806 = tpu.vector_load %arg12[%swap3A_805] {strides = array<i32>} : memref<256xi32, #tpu.memory_space<vmem>>, vector<16xi32>,
      tpu.vector_store %arg12[%swap3A_805], %add3A_740 {strides = array<i32>} : memref<256xi32, #tpu.memory_space<vmem>>, vector<16xi32>,
      %broadcast_in_dim3A_807 = arith.constant 0 : i32
      %broadcast_in_dim3A_808 = vector.broadcast %broadcast_in_dim3A_807 : i32 to vector<16xi32>
      %swap3A_809 = arith.constant 176 : index
      %swap3A_810 = tpu.vector_load %arg11[%swap3A_809] {strides = array<i32>} : memref<256xi32, #tpu.memory_space<vmem>>, vector<16xi32>,
      tpu.vector_store %arg11[%swap3A_809], %broadcast_in_dim3A_808 {strides = array<i32>} : memref<256xi32, #tpu.memory_space<vmem>>, vector<16xi32>,
      %swap3A_811 = arith.constant 176 : index
      %swap3A_812 = tpu.vector_load %arg12[%swap3A_811] {strides = array<i32>} : memref<256xi32, #tpu.memory_space<vmem>>, vector<16xi32>,
      tpu.vector_store %arg12[%swap3A_811], %add3A_740 {strides = array<i32>} : memref<256xi32, #tpu.memory_space<vmem>>, vector<16xi32>,
      %broadcast_in_dim3A_813 = arith.constant 0 : i32
      %broadcast_in_dim3A_814 = vector.broadcast %broadcast_in_dim3A_813 : i32 to vector<16xi32>
      %swap3A_815 = arith.constant 192 : index
      %swap3A_816 = tpu.vector_load %arg11[%swap3A_815] {strides = array<i32>} : memref<256xi32, #tpu.memory_space<vmem>>, vector<16xi32>,
      tpu.vector_store %arg11[%swap3A_815], %broadcast_in_dim3A_814 {strides = array<i32>} : memref<256xi32, #tpu.memory_space<vmem>>, vector<16xi32>,
      %swap3A_817 = arith.constant 192 : index
      %swap3A_818 = tpu.vector_load %arg12[%swap3A_817] {strides = array<i32>} : memref<256xi32, #tpu.memory_space<vmem>>, vector<16xi32>,
      tpu.vector_store %arg12[%swap3A_817], %add3A_740 {strides = array<i32>} : memref<256xi32, #tpu.memory_space<vmem>>, vector<16xi32>,
      %broadcast_in_dim3A_819 = arith.constant 0 : i32
      %broadcast_in_dim3A_820 = vector.broadcast %broadcast_in_dim3A_819 : i32 to vector<16xi32>
      %swap3A_821 = arith.constant 208 : index
      %swap3A_822 = tpu.vector_load %arg11[%swap3A_821] {strides = array<i32>} : memref<256xi32, #tpu.memory_space<vmem>>, vector<16xi32>,
      tpu.vector_store %arg11[%swap3A_821], %broadcast_in_dim3A_820 {strides = array<i32>} : memref<256xi32, #tpu.memory_space<vmem>>, vector<16xi32>,
      %swap3A_823 = arith.constant 208 : index
      %swap3A_824 = tpu.vector_load %arg12[%swap3A_823] {strides = array<i32>} : memref<256xi32, #tpu.memory_space<vmem>>, vector<16xi32>,
      tpu.vector_store %arg12[%swap3A_823], %add3A_740 {strides = array<i32>} : memref<256xi32, #tpu.memory_space<vmem>>, vector<16xi32>,
      %broadcast_in_dim3A_825 = arith.constant 0 : i32
      %broadcast_in_dim3A_826 = vector.broadcast %broadcast_in_dim3A_825 : i32 to vector<16xi32>
      %swap3A_827 = arith.constant 224 : index
      %swap3A_828 = tpu.vector_load %arg11[%swap3A_827] {strides = array<i32>} : memref<256xi32, #tpu.memory_space<vmem>>, vector<16xi32>,
      tpu.vector_store %arg11[%swap3A_827], %broadcast_in_dim3A_826 {strides = array<i32>} : memref<256xi32, #tpu.memory_space<vmem>>, vector<16xi32>,
      %swap3A_829 = arith.constant 224 : index
      %swap3A_830 = tpu.vector_load %arg12[%swap3A_829] {strides = array<i32>} : memref<256xi32, #tpu.memory_space<vmem>>, vector<16xi32>,
      tpu.vector_store %arg12[%swap3A_829], %add3A_740 {strides = array<i32>} : memref<256xi32, #tpu.memory_space<vmem>>, vector<16xi32>,
      %broadcast_in_dim3A_831 = arith.constant 0 : i32
      %broadcast_in_dim3A_832 = vector.broadcast %broadcast_in_dim3A_831 : i32 to vector<16xi32>
      %swap3A_833 = arith.constant 240 : index
      %swap3A_834 = tpu.vector_load %arg11[%swap3A_833] {strides = array<i32>} : memref<256xi32, #tpu.memory_space<vmem>>, vector<16xi32>,
      tpu.vector_store %arg11[%swap3A_833], %broadcast_in_dim3A_832 {strides = array<i32>} : memref<256xi32, #tpu.memory_space<vmem>>, vector<16xi32>,
      %swap3A_835 = arith.constant 240 : index
      %swap3A_836 = tpu.vector_load %arg12[%swap3A_835] {strides = array<i32>} : memref<256xi32, #tpu.memory_space<vmem>>, vector<16xi32>,
      tpu.vector_store %arg12[%swap3A_835], %add3A_740 {strides = array<i32>} : memref<256xi32, #tpu.memory_space<vmem>>, vector<16xi32>,
      %add3A_837 = arith.constant 3 : i32
      %add3A_838 = arith.addi %select_n3A_239, %add3A_837 : i32
      %jit3A_839 = arith.constant 4 : i32
      %div3A_840 = arith.divsi %add3A_838, %jit3A_839 : i32
      %sign3A_841 = arith.constant 0 : i32
      %sign3A_842 = arith.cmpi sgt, %add3A_838, %sign3A_841 : i32
      %sign3A_843 = arith.extui %sign3A_842 : i1 to i32
      %sign3A_844 = arith.constant 0 : i32
      %sign3A_845 = arith.cmpi slt, %add3A_838, %sign3A_844 : i32
      %sign3A_846 = arith.extui %sign3A_845 : i1 to i32
      %sign3A_847 = arith.subi %sign3A_843, %sign3A_846 : i32
      %sign3A_848 = arith.constant 0 : i32
      %sign3A_849 = arith.cmpi sgt, %jit3A_839, %sign3A_848 : i32
      %sign3A_850 = arith.extui %sign3A_849 : i1 to i32
      %sign3A_851 = arith.constant 0 : i32
      %sign3A_852 = arith.cmpi slt, %jit3A_839, %sign3A_851 : i32
      %sign3A_853 = arith.extui %sign3A_852 : i1 to i32
      %sign3A_854 = arith.subi %sign3A_850, %sign3A_853 : i32
      %ne3A_855 = arith.cmpi ne, %sign3A_847, %sign3A_854 : i32
      %rem3A_856 = arith.remsi %add3A_838, %jit3A_839 : i32
      %ne3A_857 = arith.constant 0 : i32
      %ne3A_858 = arith.cmpi ne, %rem3A_856, %ne3A_857 : i32
      %and3A_859 = arith.andi %ne3A_855, %ne3A_858 : i1
      %sub3A_860 = arith.constant 1 : i32
      %sub3A_861 = arith.subi %div3A_840, %sub3A_860 : i32
      %select_n3A_862 = arith.select %and3A_859, %sub3A_861, %div3A_840 : i32
      %while3A_863 = arith.constant 0 : i32
      %while3A_864 = arith.constant 0 : i32
      %while3A_865 = arith.subi %select_n3A_862, %while3A_863 : i32
      %while3A_866 = arith.addi %while3A_863, %while3A_865 : i32
      %while3A_867 = arith.constant 1 : i32
      %while3A_868 = arith.divsi %while3A_865, %while3A_867 : i32
      %while3A_869 = arith.muli %while3A_868, %while3A_867 : i32
      %while3A_870 = arith.addi %while3A_863, %while3A_869 : i32
      %while3A_871 = arith.constant 1 : i32
      %while3A_872 = scf.for %while3A_1105 = %while3A_863 to %while3A_870 step %while3A_871 iter_args(%while3A_1106 = %while3A_864) -> (i32)  : i32 {
        %mul3A_1107 = arith.constant 4 : i32
        %mul3A_1108 = arith.muli %while3A_1105, %mul3A_1107 : i32
        %add3A_1109 = arith.constant 0 : i32
        %add3A_1110 = arith.addi %mul3A_1108, %add3A_1109 : i32
        %mul3A_1111 = arith.constant 16 : i32
        %mul3A_1112 = arith.muli %add3A_1110, %mul3A_1111 : i32
        %get3A_1113 = arith.index_cast %mul3A_1112 : i32 to index
        %get3A_1114 = tpu.vector_load %arg7[%get3A_1113] {strides = array<i32>} : memref<2112xi32, #tpu.memory_space<vmem>>, vector<16xi32>,
        %mul3A_1115 = arith.constant 4 : i32
        %mul3A_1116 = arith.muli %while3A_1105, %mul3A_1115 : i32
        %add3A_1117 = arith.constant 0 : i32
        %add3A_1118 = arith.addi %mul3A_1116, %add3A_1117 : i32
        %mul3A_1119 = arith.constant 16 : i32
        %mul3A_1120 = arith.muli %add3A_1118, %mul3A_1119 : i32
        %get3A_1121 = arith.index_cast %mul3A_1120 : i32 to index
        %get3A_1122 = tpu.vector_load %arg8[%get3A_1121] {strides = array<i32>} : memref<2112xi32, #tpu.memory_space<vmem>>, vector<16xi32>,
        %ge3A = vector.broadcast %min3A_722 : i32 to vector<16xi32>
        %ge3A_1123 = arith.cmpi sge, %get3A_1114, %ge3A : vector<16xi32>
        %lt3A_1124 = vector.broadcast %min3A_728 : i32 to vector<16xi32>
        %lt3A_1125 = arith.cmpi slt, %get3A_1114, %lt3A_1124 : vector<16xi32>
        %and3A_1126 = arith.andi %ge3A_1123, %lt3A_1125 : vector<16xi1>
        %jit3A_1127 = arith.constant 1 : i32
        %jit3A_1128 = arith.constant 0 : i32
        %broadcast_in_dim3A_1129 = vector.broadcast %jit3A_1127 : i32 to vector<16xi32>
        %broadcast_in_dim3A_1130 = vector.broadcast %jit3A_1128 : i32 to vector<16xi32>
        %select_n3A_1131 = arith.select %and3A_1126, %broadcast_in_dim3A_1129, %broadcast_in_dim3A_1130 : vector<16xi1>, vector<16xi32>
        %broadcast_in_dim3A_1132 = arith.constant true
        %broadcast_in_dim3A_1133 = vector.broadcast %broadcast_in_dim3A_1132 : i1 to vector<16xi1>
        %masked_cumsum3A = tpu.scan <sum>, %select_n3A_1131 masked %broadcast_in_dim3A_1133 : vector<16xi32>, vector<16xi1> -> vector<16xi32>
        %mul3A_1134 = arith.constant 4 : i32
        %mul3A_1135 = arith.muli %while3A_1105, %mul3A_1134 : i32
        %add3A_1136 = arith.constant 1 : i32
        %add3A_1137 = arith.addi %mul3A_1135, %add3A_1136 : i32
        %mul3A_1138 = arith.constant 16 : i32
        %mul3A_1139 = arith.muli %add3A_1137, %mul3A_1138 : i32
        %get3A_1140 = arith.index_cast %mul3A_1139 : i32 to index
        %get3A_1141 = tpu.vector_load %arg7[%get3A_1140] {strides = array<i32>} : memref<2112xi32, #tpu.memory_space<vmem>>, vector<16xi32>,
        %mul3A_1142 = arith.constant 4 : i32
        %mul3A_1143 = arith.muli %while3A_1105, %mul3A_1142 : i32
        %add3A_1144 = arith.constant 1 : i32
        %add3A_1145 = arith.addi %mul3A_1143, %add3A_1144 : i32
        %mul3A_1146 = arith.constant 16 : i32
        %mul3A_1147 = arith.muli %add3A_1145, %mul3A_1146 : i32
        %get3A_1148 = arith.index_cast %mul3A_1147 : i32 to index
        %get3A_1149 = tpu.vector_load %arg8[%get3A_1148] {strides = array<i32>} : memref<2112xi32, #tpu.memory_space<vmem>>, vector<16xi32>,
        %ge3A_1150 = vector.broadcast %min3A_722 : i32 to vector<16xi32>
        %ge3A_1151 = arith.cmpi sge, %get3A_1141, %ge3A_1150 : vector<16xi32>
        %lt3A_1152 = vector.broadcast %min3A_728 : i32 to vector<16xi32>
        %lt3A_1153 = arith.cmpi slt, %get3A_1141, %lt3A_1152 : vector<16xi32>
        %and3A_1154 = arith.andi %ge3A_1151, %lt3A_1153 : vector<16xi1>
        %jit3A_1155 = arith.constant 1 : i32
        %jit3A_1156 = arith.constant 0 : i32
        %broadcast_in_dim3A_1157 = vector.broadcast %jit3A_1155 : i32 to vector<16xi32>
        %broadcast_in_dim3A_1158 = vector.broadcast %jit3A_1156 : i32 to vector<16xi32>
        %select_n3A_1159 = arith.select %and3A_1154, %broadcast_in_dim3A_1157, %broadcast_in_dim3A_1158 : vector<16xi1>, vector<16xi32>
        %broadcast_in_dim3A_1160 = arith.constant true
        %broadcast_in_dim3A_1161 = vector.broadcast %broadcast_in_dim3A_1160 : i1 to vector<16xi1>
        %masked_cumsum3A_1162 = tpu.scan <sum>, %select_n3A_1159 masked %broadcast_in_dim3A_1161 : vector<16xi32>, vector<16xi1> -> vector<16xi32>
        %mul3A_1163 = arith.constant 4 : i32
        %mul3A_1164 = arith.muli %while3A_1105, %mul3A_1163 : i32
        %add3A_1165 = arith.constant 2 : i32
        %add3A_1166 = arith.addi %mul3A_1164, %add3A_1165 : i32
        %mul3A_1167 = arith.constant 16 : i32
        %mul3A_1168 = arith.muli %add3A_1166, %mul3A_1167 : i32
        %get3A_1169 = arith.index_cast %mul3A_1168 : i32 to index
        %get3A_1170 = tpu.vector_load %arg7[%get3A_1169] {strides = array<i32>} : memref<2112xi32, #tpu.memory_space<vmem>>, vector<16xi32>,
        %mul3A_1171 = arith.constant 4 : i32
        %mul3A_1172 = arith.muli %while3A_1105, %mul3A_1171 : i32
        %add3A_1173 = arith.constant 2 : i32
        %add3A_1174 = arith.addi %mul3A_1172, %add3A_1173 : i32
        %mul3A_1175 = arith.constant 16 : i32
        %mul3A_1176 = arith.muli %add3A_1174, %mul3A_1175 : i32
        %get3A_1177 = arith.index_cast %mul3A_1176 : i32 to index
        %get3A_1178 = tpu.vector_load %arg8[%get3A_1177] {strides = array<i32>} : memref<2112xi32, #tpu.memory_space<vmem>>, vector<16xi32>,
        %ge3A_1179 = vector.broadcast %min3A_722 : i32 to vector<16xi32>
        %ge3A_1180 = arith.cmpi sge, %get3A_1170, %ge3A_1179 : vector<16xi32>
        %lt3A_1181 = vector.broadcast %min3A_728 : i32 to vector<16xi32>
        %lt3A_1182 = arith.cmpi slt, %get3A_1170, %lt3A_1181 : vector<16xi32>
        %and3A_1183 = arith.andi %ge3A_1180, %lt3A_1182 : vector<16xi1>
        %jit3A_1184 = arith.constant 1 : i32
        %jit3A_1185 = arith.constant 0 : i32
        %broadcast_in_dim3A_1186 = vector.broadcast %jit3A_1184 : i32 to vector<16xi32>
        %broadcast_in_dim3A_1187 = vector.broadcast %jit3A_1185 : i32 to vector<16xi32>
        %select_n3A_1188 = arith.select %and3A_1183, %broadcast_in_dim3A_1186, %broadcast_in_dim3A_1187 : vector<16xi1>, vector<16xi32>
        %broadcast_in_dim3A_1189 = arith.constant true
        %broadcast_in_dim3A_1190 = vector.broadcast %broadcast_in_dim3A_1189 : i1 to vector<16xi1>
        %masked_cumsum3A_1191 = tpu.scan <sum>, %select_n3A_1188 masked %broadcast_in_dim3A_1190 : vector<16xi32>, vector<16xi1> -> vector<16xi32>
        %mul3A_1192 = arith.constant 4 : i32
        %mul3A_1193 = arith.muli %while3A_1105, %mul3A_1192 : i32
        %add3A_1194 = arith.constant 3 : i32
        %add3A_1195 = arith.addi %mul3A_1193, %add3A_1194 : i32
        %mul3A_1196 = arith.constant 16 : i32
        %mul3A_1197 = arith.muli %add3A_1195, %mul3A_1196 : i32
        %get3A_1198 = arith.index_cast %mul3A_1197 : i32 to index
        %get3A_1199 = tpu.vector_load %arg7[%get3A_1198] {strides = array<i32>} : memref<2112xi32, #tpu.memory_space<vmem>>, vector<16xi32>,
        %mul3A_1200 = arith.constant 4 : i32
        %mul3A_1201 = arith.muli %while3A_1105, %mul3A_1200 : i32
        %add3A_1202 = arith.constant 3 : i32
        %add3A_1203 = arith.addi %mul3A_1201, %add3A_1202 : i32
        %mul3A_1204 = arith.constant 16 : i32
        %mul3A_1205 = arith.muli %add3A_1203, %mul3A_1204 : i32
        %get3A_1206 = arith.index_cast %mul3A_1205 : i32 to index
        %get3A_1207 = tpu.vector_load %arg8[%get3A_1206] {strides = array<i32>} : memref<2112xi32, #tpu.memory_space<vmem>>, vector<16xi32>,
        %ge3A_1208 = vector.broadcast %min3A_722 : i32 to vector<16xi32>
        %ge3A_1209 = arith.cmpi sge, %get3A_1199, %ge3A_1208 : vector<16xi32>
        %lt3A_1210 = vector.broadcast %min3A_728 : i32 to vector<16xi32>
        %lt3A_1211 = arith.cmpi slt, %get3A_1199, %lt3A_1210 : vector<16xi32>
        %and3A_1212 = arith.andi %ge3A_1209, %lt3A_1211 : vector<16xi1>
        %jit3A_1213 = arith.constant 1 : i32
        %jit3A_1214 = arith.constant 0 : i32
        %broadcast_in_dim3A_1215 = vector.broadcast %jit3A_1213 : i32 to vector<16xi32>
        %broadcast_in_dim3A_1216 = vector.broadcast %jit3A_1214 : i32 to vector<16xi32>
        %select_n3A_1217 = arith.select %and3A_1212, %broadcast_in_dim3A_1215, %broadcast_in_dim3A_1216 : vector<16xi1>, vector<16xi32>
        %broadcast_in_dim3A_1218 = arith.constant true
        %broadcast_in_dim3A_1219 = vector.broadcast %broadcast_in_dim3A_1218 : i1 to vector<16xi1>
        %masked_cumsum3A_1220 = tpu.scan <sum>, %select_n3A_1217 masked %broadcast_in_dim3A_1219 : vector<16xi32>, vector<16xi1> -> vector<16xi32>
        %add3A_1221 = vector.broadcast %while3A_1106 : i32 to vector<16xi32>
        %add3A_1222 = arith.addi %add3A_1221, %masked_cumsum3A : vector<16xi32>
        %sub3A_1223 = arith.constant 1 : i32
        %sub3A_1224 = vector.broadcast %sub3A_1223 : i32 to vector<16xi32>
        %sub3A_1225 = arith.subi %add3A_1222, %sub3A_1224 : vector<16xi32>
        %sub3A_1226 = vector.broadcast %min3A_734 : i32 to vector<16xi32>
        %sub3A_1227 = arith.subi %get3A_1114, %sub3A_1226 : vector<16xi32>
        tpu.vector_store_idx %arg11[%sub3A_1225], %sub3A_1227 masked %and3A_1126 : memref<256xi32, #tpu.memory_space<vmem>>[vector<16xi32>], vector<16xi32>, vector<16xi1>
        tpu.vector_store_idx %arg12[%sub3A_1225], %get3A_1122 masked %and3A_1126 : memref<256xi32, #tpu.memory_space<vmem>>[vector<16xi32>], vector<16xi32>, vector<16xi1>
        %slice3A = vector.extract_strided_slice %masked_cumsum3A {offsets = [15], sizes = [1], strides = [1]} : vector<16xi32> to vector<1xi32>
        %squeeze3A = vector.extract %slice3A[0] : i32 from vector<1xi32>
        %add3A_1228 = arith.addi %while3A_1106, %squeeze3A : i32
        %add3A_1229 = vector.broadcast %add3A_1228 : i32 to vector<16xi32>
        %add3A_1230 = arith.addi %add3A_1229, %masked_cumsum3A_1162 : vector<16xi32>
        %sub3A_1231 = arith.constant 1 : i32
        %sub3A_1232 = vector.broadcast %sub3A_1231 : i32 to vector<16xi32>
        %sub3A_1233 = arith.subi %add3A_1230, %sub3A_1232 : vector<16xi32>
        %sub3A_1234 = vector.broadcast %min3A_734 : i32 to vector<16xi32>
        %sub3A_1235 = arith.subi %get3A_1141, %sub3A_1234 : vector<16xi32>
        tpu.vector_store_idx %arg11[%sub3A_1233], %sub3A_1235 masked %and3A_1154 : memref<256xi32, #tpu.memory_space<vmem>>[vector<16xi32>], vector<16xi32>, vector<16xi1>
        tpu.vector_store_idx %arg12[%sub3A_1233], %get3A_1149 masked %and3A_1154 : memref<256xi32, #tpu.memory_space<vmem>>[vector<16xi32>], vector<16xi32>, vector<16xi1>
        %slice3A_1236 = vector.extract_strided_slice %masked_cumsum3A_1162 {offsets = [15], sizes = [1], strides = [1]} : vector<16xi32> to vector<1xi32>
        %squeeze3A_1237 = vector.extract %slice3A_1236[0] : i32 from vector<1xi32>
        %add3A_1238 = arith.addi %add3A_1228, %squeeze3A_1237 : i32
        %add3A_1239 = vector.broadcast %add3A_1238 : i32 to vector<16xi32>
        %add3A_1240 = arith.addi %add3A_1239, %masked_cumsum3A_1191 : vector<16xi32>
        %sub3A_1241 = arith.constant 1 : i32
        %sub3A_1242 = vector.broadcast %sub3A_1241 : i32 to vector<16xi32>
        %sub3A_1243 = arith.subi %add3A_1240, %sub3A_1242 : vector<16xi32>
        %sub3A_1244 = vector.broadcast %min3A_734 : i32 to vector<16xi32>
        %sub3A_1245 = arith.subi %get3A_1170, %sub3A_1244 : vector<16xi32>
        tpu.vector_store_idx %arg11[%sub3A_1243], %sub3A_1245 masked %and3A_1183 : memref<256xi32, #tpu.memory_space<vmem>>[vector<16xi32>], vector<16xi32>, vector<16xi1>
        tpu.vector_store_idx %arg12[%sub3A_1243], %get3A_1178 masked %and3A_1183 : memref<256xi32, #tpu.memory_space<vmem>>[vector<16xi32>], vector<16xi32>, vector<16xi1>
        %slice3A_1246 = vector.extract_strided_slice %masked_cumsum3A_1191 {offsets = [15], sizes = [1], strides = [1]} : vector<16xi32> to vector<1xi32>
        %squeeze3A_1247 = vector.extract %slice3A_1246[0] : i32 from vector<1xi32>
        %add3A_1248 = arith.addi %add3A_1238, %squeeze3A_1247 : i32
        %add3A_1249 = vector.broadcast %add3A_1248 : i32 to vector<16xi32>
        %add3A_1250 = arith.addi %add3A_1249, %masked_cumsum3A_1220 : vector<16xi32>
        %sub3A_1251 = arith.constant 1 : i32
        %sub3A_1252 = vector.broadcast %sub3A_1251 : i32 to vector<16xi32>
        %sub3A_1253 = arith.subi %add3A_1250, %sub3A_1252 : vector<16xi32>
        %sub3A_1254 = vector.broadcast %min3A_734 : i32 to vector<16xi32>
        %sub3A_1255 = arith.subi %get3A_1199, %sub3A_1254 : vector<16xi32>
        tpu.vector_store_idx %arg11[%sub3A_1253], %sub3A_1255 masked %and3A_1212 : memref<256xi32, #tpu.memory_space<vmem>>[vector<16xi32>], vector<16xi32>, vector<16xi1>
        tpu.vector_store_idx %arg12[%sub3A_1253], %get3A_1207 masked %and3A_1212 : memref<256xi32, #tpu.memory_space<vmem>>[vector<16xi32>], vector<16xi32>, vector<16xi1>
        %slice3A_1256 = vector.extract_strided_slice %masked_cumsum3A_1220 {offsets = [15], sizes = [1], strides = [1]} : vector<16xi32> to vector<1xi32>
        %squeeze3A_1257 = vector.extract %slice3A_1256[0] : i32 from vector<1xi32>
        %add3A_1258 = arith.addi %add3A_1248, %squeeze3A_1257 : i32
        scf.yield %add3A_1258 : i32
      }
      %while3A_873 = arith.constant 1 : i32
      %while3A_874 = scf.for %while3A_1105 = %while3A_870 to %while3A_866 step %while3A_873 iter_args(%while3A_1106 = %while3A_872) -> (i32)  : i32 {
        %mul3A_1107 = arith.constant 4 : i32
        %mul3A_1108 = arith.muli %while3A_1105, %mul3A_1107 : i32
        %add3A_1109 = arith.constant 0 : i32
        %add3A_1110 = arith.addi %mul3A_1108, %add3A_1109 : i32
        %mul3A_1111 = arith.constant 16 : i32
        %mul3A_1112 = arith.muli %add3A_1110, %mul3A_1111 : i32
        %get3A_1113 = arith.index_cast %mul3A_1112 : i32 to index
        %get3A_1114 = tpu.vector_load %arg7[%get3A_1113] {strides = array<i32>} : memref<2112xi32, #tpu.memory_space<vmem>>, vector<16xi32>,
        %mul3A_1115 = arith.constant 4 : i32
        %mul3A_1116 = arith.muli %while3A_1105, %mul3A_1115 : i32
        %add3A_1117 = arith.constant 0 : i32
        %add3A_1118 = arith.addi %mul3A_1116, %add3A_1117 : i32
        %mul3A_1119 = arith.constant 16 : i32
        %mul3A_1120 = arith.muli %add3A_1118, %mul3A_1119 : i32
        %get3A_1121 = arith.index_cast %mul3A_1120 : i32 to index
        %get3A_1122 = tpu.vector_load %arg8[%get3A_1121] {strides = array<i32>} : memref<2112xi32, #tpu.memory_space<vmem>>, vector<16xi32>,
        %ge3A = vector.broadcast %min3A_722 : i32 to vector<16xi32>
        %ge3A_1123 = arith.cmpi sge, %get3A_1114, %ge3A : vector<16xi32>
        %lt3A_1124 = vector.broadcast %min3A_728 : i32 to vector<16xi32>
        %lt3A_1125 = arith.cmpi slt, %get3A_1114, %lt3A_1124 : vector<16xi32>
        %and3A_1126 = arith.andi %ge3A_1123, %lt3A_1125 : vector<16xi1>
        %jit3A_1127 = arith.constant 1 : i32
        %jit3A_1128 = arith.constant 0 : i32
        %broadcast_in_dim3A_1129 = vector.broadcast %jit3A_1127 : i32 to vector<16xi32>
        %broadcast_in_dim3A_1130 = vector.broadcast %jit3A_1128 : i32 to vector<16xi32>
        %select_n3A_1131 = arith.select %and3A_1126, %broadcast_in_dim3A_1129, %broadcast_in_dim3A_1130 : vector<16xi1>, vector<16xi32>
        %broadcast_in_dim3A_1132 = arith.constant true
        %broadcast_in_dim3A_1133 = vector.broadcast %broadcast_in_dim3A_1132 : i1 to vector<16xi1>
        %masked_cumsum3A = tpu.scan <sum>, %select_n3A_1131 masked %broadcast_in_dim3A_1133 : vector<16xi32>, vector<16xi1> -> vector<16xi32>
        %mul3A_1134 = arith.constant 4 : i32
        %mul3A_1135 = arith.muli %while3A_1105, %mul3A_1134 : i32
        %add3A_1136 = arith.constant 1 : i32
        %add3A_1137 = arith.addi %mul3A_1135, %add3A_1136 : i32
        %mul3A_1138 = arith.constant 16 : i32
        %mul3A_1139 = arith.muli %add3A_1137, %mul3A_1138 : i32
        %get3A_1140 = arith.index_cast %mul3A_1139 : i32 to index
        %get3A_1141 = tpu.vector_load %arg7[%get3A_1140] {strides = array<i32>} : memref<2112xi32, #tpu.memory_space<vmem>>, vector<16xi32>,
        %mul3A_1142 = arith.constant 4 : i32
        %mul3A_1143 = arith.muli %while3A_1105, %mul3A_1142 : i32
        %add3A_1144 = arith.constant 1 : i32
        %add3A_1145 = arith.addi %mul3A_1143, %add3A_1144 : i32
        %mul3A_1146 = arith.constant 16 : i32
        %mul3A_1147 = arith.muli %add3A_1145, %mul3A_1146 : i32
        %get3A_1148 = arith.index_cast %mul3A_1147 : i32 to index
        %get3A_1149 = tpu.vector_load %arg8[%get3A_1148] {strides = array<i32>} : memref<2112xi32, #tpu.memory_space<vmem>>, vector<16xi32>,
        %ge3A_1150 = vector.broadcast %min3A_722 : i32 to vector<16xi32>
        %ge3A_1151 = arith.cmpi sge, %get3A_1141, %ge3A_1150 : vector<16xi32>
        %lt3A_1152 = vector.broadcast %min3A_728 : i32 to vector<16xi32>
        %lt3A_1153 = arith.cmpi slt, %get3A_1141, %lt3A_1152 : vector<16xi32>
        %and3A_1154 = arith.andi %ge3A_1151, %lt3A_1153 : vector<16xi1>
        %jit3A_1155 = arith.constant 1 : i32
        %jit3A_1156 = arith.constant 0 : i32
        %broadcast_in_dim3A_1157 = vector.broadcast %jit3A_1155 : i32 to vector<16xi32>
        %broadcast_in_dim3A_1158 = vector.broadcast %jit3A_1156 : i32 to vector<16xi32>
        %select_n3A_1159 = arith.select %and3A_1154, %broadcast_in_dim3A_1157, %broadcast_in_dim3A_1158 : vector<16xi1>, vector<16xi32>
        %broadcast_in_dim3A_1160 = arith.constant true
        %broadcast_in_dim3A_1161 = vector.broadcast %broadcast_in_dim3A_1160 : i1 to vector<16xi1>
        %masked_cumsum3A_1162 = tpu.scan <sum>, %select_n3A_1159 masked %broadcast_in_dim3A_1161 : vector<16xi32>, vector<16xi1> -> vector<16xi32>
        %mul3A_1163 = arith.constant 4 : i32
        %mul3A_1164 = arith.muli %while3A_1105, %mul3A_1163 : i32
        %add3A_1165 = arith.constant 2 : i32
        %add3A_1166 = arith.addi %mul3A_1164, %add3A_1165 : i32
        %mul3A_1167 = arith.constant 16 : i32
        %mul3A_1168 = arith.muli %add3A_1166, %mul3A_1167 : i32
        %get3A_1169 = arith.index_cast %mul3A_1168 : i32 to index
        %get3A_1170 = tpu.vector_load %arg7[%get3A_1169] {strides = array<i32>} : memref<2112xi32, #tpu.memory_space<vmem>>, vector<16xi32>,
        %mul3A_1171 = arith.constant 4 : i32
        %mul3A_1172 = arith.muli %while3A_1105, %mul3A_1171 : i32
        %add3A_1173 = arith.constant 2 : i32
        %add3A_1174 = arith.addi %mul3A_1172, %add3A_1173 : i32
        %mul3A_1175 = arith.constant 16 : i32
        %mul3A_1176 = arith.muli %add3A_1174, %mul3A_1175 : i32
        %get3A_1177 = arith.index_cast %mul3A_1176 : i32 to index
        %get3A_1178 = tpu.vector_load %arg8[%get3A_1177] {strides = array<i32>} : memref<2112xi32, #tpu.memory_space<vmem>>, vector<16xi32>,
        %ge3A_1179 = vector.broadcast %min3A_722 : i32 to vector<16xi32>
        %ge3A_1180 = arith.cmpi sge, %get3A_1170, %ge3A_1179 : vector<16xi32>
        %lt3A_1181 = vector.broadcast %min3A_728 : i32 to vector<16xi32>
        %lt3A_1182 = arith.cmpi slt, %get3A_1170, %lt3A_1181 : vector<16xi32>
        %and3A_1183 = arith.andi %ge3A_1180, %lt3A_1182 : vector<16xi1>
        %jit3A_1184 = arith.constant 1 : i32
        %jit3A_1185 = arith.constant 0 : i32
        %broadcast_in_dim3A_1186 = vector.broadcast %jit3A_1184 : i32 to vector<16xi32>
        %broadcast_in_dim3A_1187 = vector.broadcast %jit3A_1185 : i32 to vector<16xi32>
        %select_n3A_1188 = arith.select %and3A_1183, %broadcast_in_dim3A_1186, %broadcast_in_dim3A_1187 : vector<16xi1>, vector<16xi32>
        %broadcast_in_dim3A_1189 = arith.constant true
        %broadcast_in_dim3A_1190 = vector.broadcast %broadcast_in_dim3A_1189 : i1 to vector<16xi1>
        %masked_cumsum3A_1191 = tpu.scan <sum>, %select_n3A_1188 masked %broadcast_in_dim3A_1190 : vector<16xi32>, vector<16xi1> -> vector<16xi32>
        %mul3A_1192 = arith.constant 4 : i32
        %mul3A_1193 = arith.muli %while3A_1105, %mul3A_1192 : i32
        %add3A_1194 = arith.constant 3 : i32
        %add3A_1195 = arith.addi %mul3A_1193, %add3A_1194 : i32
        %mul3A_1196 = arith.constant 16 : i32
        %mul3A_1197 = arith.muli %add3A_1195, %mul3A_1196 : i32
        %get3A_1198 = arith.index_cast %mul3A_1197 : i32 to index
        %get3A_1199 = tpu.vector_load %arg7[%get3A_1198] {strides = array<i32>} : memref<2112xi32, #tpu.memory_space<vmem>>, vector<16xi32>,
        %mul3A_1200 = arith.constant 4 : i32
        %mul3A_1201 = arith.muli %while3A_1105, %mul3A_1200 : i32
        %add3A_1202 = arith.constant 3 : i32
        %add3A_1203 = arith.addi %mul3A_1201, %add3A_1202 : i32
        %mul3A_1204 = arith.constant 16 : i32
        %mul3A_1205 = arith.muli %add3A_1203, %mul3A_1204 : i32
        %get3A_1206 = arith.index_cast %mul3A_1205 : i32 to index
        %get3A_1207 = tpu.vector_load %arg8[%get3A_1206] {strides = array<i32>} : memref<2112xi32, #tpu.memory_space<vmem>>, vector<16xi32>,
        %ge3A_1208 = vector.broadcast %min3A_722 : i32 to vector<16xi32>
        %ge3A_1209 = arith.cmpi sge, %get3A_1199, %ge3A_1208 : vector<16xi32>
        %lt3A_1210 = vector.broadcast %min3A_728 : i32 to vector<16xi32>
        %lt3A_1211 = arith.cmpi slt, %get3A_1199, %lt3A_1210 : vector<16xi32>
        %and3A_1212 = arith.andi %ge3A_1209, %lt3A_1211 : vector<16xi1>
        %jit3A_1213 = arith.constant 1 : i32
        %jit3A_1214 = arith.constant 0 : i32
        %broadcast_in_dim3A_1215 = vector.broadcast %jit3A_1213 : i32 to vector<16xi32>
        %broadcast_in_dim3A_1216 = vector.broadcast %jit3A_1214 : i32 to vector<16xi32>
        %select_n3A_1217 = arith.select %and3A_1212, %broadcast_in_dim3A_1215, %broadcast_in_dim3A_1216 : vector<16xi1>, vector<16xi32>
        %broadcast_in_dim3A_1218 = arith.constant true
        %broadcast_in_dim3A_1219 = vector.broadcast %broadcast_in_dim3A_1218 : i1 to vector<16xi1>
        %masked_cumsum3A_1220 = tpu.scan <sum>, %select_n3A_1217 masked %broadcast_in_dim3A_1219 : vector<16xi32>, vector<16xi1> -> vector<16xi32>
        %add3A_1221 = vector.broadcast %while3A_1106 : i32 to vector<16xi32>
        %add3A_1222 = arith.addi %add3A_1221, %masked_cumsum3A : vector<16xi32>
        %sub3A_1223 = arith.constant 1 : i32
        %sub3A_1224 = vector.broadcast %sub3A_1223 : i32 to vector<16xi32>
        %sub3A_1225 = arith.subi %add3A_1222, %sub3A_1224 : vector<16xi32>
        %sub3A_1226 = vector.broadcast %min3A_734 : i32 to vector<16xi32>
        %sub3A_1227 = arith.subi %get3A_1114, %sub3A_1226 : vector<16xi32>
        tpu.vector_store_idx %arg11[%sub3A_1225], %sub3A_1227 masked %and3A_1126 : memref<256xi32, #tpu.memory_space<vmem>>[vector<16xi32>], vector<16xi32>, vector<16xi1>
        tpu.vector_store_idx %arg12[%sub3A_1225], %get3A_1122 masked %and3A_1126 : memref<256xi32, #tpu.memory_space<vmem>>[vector<16xi32>], vector<16xi32>, vector<16xi1>
        %slice3A = vector.extract_strided_slice %masked_cumsum3A {offsets = [15], sizes = [1], strides = [1]} : vector<16xi32> to vector<1xi32>
        %squeeze3A = vector.extract %slice3A[0] : i32 from vector<1xi32>
        %add3A_1228 = arith.addi %while3A_1106, %squeeze3A : i32
        %add3A_1229 = vector.broadcast %add3A_1228 : i32 to vector<16xi32>
        %add3A_1230 = arith.addi %add3A_1229, %masked_cumsum3A_1162 : vector<16xi32>
        %sub3A_1231 = arith.constant 1 : i32
        %sub3A_1232 = vector.broadcast %sub3A_1231 : i32 to vector<16xi32>
        %sub3A_1233 = arith.subi %add3A_1230, %sub3A_1232 : vector<16xi32>
        %sub3A_1234 = vector.broadcast %min3A_734 : i32 to vector<16xi32>
        %sub3A_1235 = arith.subi %get3A_1141, %sub3A_1234 : vector<16xi32>
        tpu.vector_store_idx %arg11[%sub3A_1233], %sub3A_1235 masked %and3A_1154 : memref<256xi32, #tpu.memory_space<vmem>>[vector<16xi32>], vector<16xi32>, vector<16xi1>
        tpu.vector_store_idx %arg12[%sub3A_1233], %get3A_1149 masked %and3A_1154 : memref<256xi32, #tpu.memory_space<vmem>>[vector<16xi32>], vector<16xi32>, vector<16xi1>
        %slice3A_1236 = vector.extract_strided_slice %masked_cumsum3A_1162 {offsets = [15], sizes = [1], strides = [1]} : vector<16xi32> to vector<1xi32>
        %squeeze3A_1237 = vector.extract %slice3A_1236[0] : i32 from vector<1xi32>
        %add3A_1238 = arith.addi %add3A_1228, %squeeze3A_1237 : i32
        %add3A_1239 = vector.broadcast %add3A_1238 : i32 to vector<16xi32>
        %add3A_1240 = arith.addi %add3A_1239, %masked_cumsum3A_1191 : vector<16xi32>
        %sub3A_1241 = arith.constant 1 : i32
        %sub3A_1242 = vector.broadcast %sub3A_1241 : i32 to vector<16xi32>
        %sub3A_1243 = arith.subi %add3A_1240, %sub3A_1242 : vector<16xi32>
        %sub3A_1244 = vector.broadcast %min3A_734 : i32 to vector<16xi32>
        %sub3A_1245 = arith.subi %get3A_1170, %sub3A_1244 : vector<16xi32>
        tpu.vector_store_idx %arg11[%sub3A_1243], %sub3A_1245 masked %and3A_1183 : memref<256xi32, #tpu.memory_space<vmem>>[vector<16xi32>], vector<16xi32>, vector<16xi1>
        tpu.vector_store_idx %arg12[%sub3A_1243], %get3A_1178 masked %and3A_1183 : memref<256xi32, #tpu.memory_space<vmem>>[vector<16xi32>], vector<16xi32>, vector<16xi1>
        %slice3A_1246 = vector.extract_strided_slice %masked_cumsum3A_1191 {offsets = [15], sizes = [1], strides = [1]} : vector<16xi32> to vector<1xi32>
        %squeeze3A_1247 = vector.extract %slice3A_1246[0] : i32 from vector<1xi32>
        %add3A_1248 = arith.addi %add3A_1238, %squeeze3A_1247 : i32
        %add3A_1249 = vector.broadcast %add3A_1248 : i32 to vector<16xi32>
        %add3A_1250 = arith.addi %add3A_1249, %masked_cumsum3A_1220 : vector<16xi32>
        %sub3A_1251 = arith.constant 1 : i32
        %sub3A_1252 = vector.broadcast %sub3A_1251 : i32 to vector<16xi32>
        %sub3A_1253 = arith.subi %add3A_1250, %sub3A_1252 : vector<16xi32>
        %sub3A_1254 = vector.broadcast %min3A_734 : i32 to vector<16xi32>
        %sub3A_1255 = arith.subi %get3A_1199, %sub3A_1254 : vector<16xi32>
        tpu.vector_store_idx %arg11[%sub3A_1253], %sub3A_1255 masked %and3A_1212 : memref<256xi32, #tpu.memory_space<vmem>>[vector<16xi32>], vector<16xi32>, vector<16xi1>
        tpu.vector_store_idx %arg12[%sub3A_1253], %get3A_1207 masked %and3A_1212 : memref<256xi32, #tpu.memory_space<vmem>>[vector<16xi32>], vector<16xi32>, vector<16xi1>
        %slice3A_1256 = vector.extract_strided_slice %masked_cumsum3A_1220 {offsets = [15], sizes = [1], strides = [1]} : vector<16xi32> to vector<1xi32>
        %squeeze3A_1257 = vector.extract %slice3A_1256[0] : i32 from vector<1xi32>
        %add3A_1258 = arith.addi %add3A_1248, %squeeze3A_1257 : i32
        scf.yield %add3A_1258 : i32
      }
      %get3A_875 = arith.constant 0 : index
      %get3A_876 = tpu.vector_load %arg12[%get3A_875] {strides = array<i32>} : memref<256xi32, #tpu.memory_space<vmem>>, vector<16xi32>,
      %swap3A_877 = arith.constant 0 : i32
      %swap3A_878 = arith.index_cast %swap3A_877 : i32 to index
      %swap3A_879 = arith.constant 0 : index
      %swap3A_880 = tpu.vector_load %arg13[%swap3A_878, %swap3A_879] {strides = array<i32>} : memref<16x16xi32, #tpu.memory_space<vmem>>, vector<16xi32>,
      tpu.vector_store %arg13[%swap3A_878, %swap3A_879], %get3A_876 {strides = array<i32>} : memref<16x16xi32, #tpu.memory_space<vmem>>, vector<16xi32>,
      %get3A_881 = arith.constant 16 : index
      %get3A_882 = tpu.vector_load %arg12[%get3A_881] {strides = array<i32>} : memref<256xi32, #tpu.memory_space<vmem>>, vector<16xi32>,
      %swap3A_883 = arith.constant 1 : i32
      %swap3A_884 = arith.index_cast %swap3A_883 : i32 to index
      %swap3A_885 = arith.constant 0 : index
      %swap3A_886 = tpu.vector_load %arg13[%swap3A_884, %swap3A_885] {strides = array<i32>} : memref<16x16xi32, #tpu.memory_space<vmem>>, vector<16xi32>,
      tpu.vector_store %arg13[%swap3A_884, %swap3A_885], %get3A_882 {strides = array<i32>} : memref<16x16xi32, #tpu.memory_space<vmem>>, vector<16xi32>,
      %get3A_887 = arith.constant 32 : index
      %get3A_888 = tpu.vector_load %arg12[%get3A_887] {strides = array<i32>} : memref<256xi32, #tpu.memory_space<vmem>>, vector<16xi32>,
      %swap3A_889 = arith.constant 2 : i32
      %swap3A_890 = arith.index_cast %swap3A_889 : i32 to index
      %swap3A_891 = arith.constant 0 : index
      %swap3A_892 = tpu.vector_load %arg13[%swap3A_890, %swap3A_891] {strides = array<i32>} : memref<16x16xi32, #tpu.memory_space<vmem>>, vector<16xi32>,
      tpu.vector_store %arg13[%swap3A_890, %swap3A_891], %get3A_888 {strides = array<i32>} : memref<16x16xi32, #tpu.memory_space<vmem>>, vector<16xi32>,
      %get3A_893 = arith.constant 48 : index
      %get3A_894 = tpu.vector_load %arg12[%get3A_893] {strides = array<i32>} : memref<256xi32, #tpu.memory_space<vmem>>, vector<16xi32>,
      %swap3A_895 = arith.constant 3 : i32
      %swap3A_896 = arith.index_cast %swap3A_895 : i32 to index
      %swap3A_897 = arith.constant 0 : index
      %swap3A_898 = tpu.vector_load %arg13[%swap3A_896, %swap3A_897] {strides = array<i32>} : memref<16x16xi32, #tpu.memory_space<vmem>>, vector<16xi32>,
      tpu.vector_store %arg13[%swap3A_896, %swap3A_897], %get3A_894 {strides = array<i32>} : memref<16x16xi32, #tpu.memory_space<vmem>>, vector<16xi32>,
      %get3A_899 = arith.constant 64 : index
      %get3A_900 = tpu.vector_load %arg12[%get3A_899] {strides = array<i32>} : memref<256xi32, #tpu.memory_space<vmem>>, vector<16xi32>,
      %swap3A_901 = arith.constant 4 : i32
      %swap3A_902 = arith.index_cast %swap3A_901 : i32 to index
      %swap3A_903 = arith.constant 0 : index
      %swap3A_904 = tpu.vector_load %arg13[%swap3A_902, %swap3A_903] {strides = array<i32>} : memref<16x16xi32, #tpu.memory_space<vmem>>, vector<16xi32>,
      tpu.vector_store %arg13[%swap3A_902, %swap3A_903], %get3A_900 {strides = array<i32>} : memref<16x16xi32, #tpu.memory_space<vmem>>, vector<16xi32>,
      %get3A_905 = arith.constant 80 : index
      %get3A_906 = tpu.vector_load %arg12[%get3A_905] {strides = array<i32>} : memref<256xi32, #tpu.memory_space<vmem>>, vector<16xi32>,
      %swap3A_907 = arith.constant 5 : i32
      %swap3A_908 = arith.index_cast %swap3A_907 : i32 to index
      %swap3A_909 = arith.constant 0 : index
      %swap3A_910 = tpu.vector_load %arg13[%swap3A_908, %swap3A_909] {strides = array<i32>} : memref<16x16xi32, #tpu.memory_space<vmem>>, vector<16xi32>,
      tpu.vector_store %arg13[%swap3A_908, %swap3A_909], %get3A_906 {strides = array<i32>} : memref<16x16xi32, #tpu.memory_space<vmem>>, vector<16xi32>,
      %get3A_911 = arith.constant 96 : index
      %get3A_912 = tpu.vector_load %arg12[%get3A_911] {strides = array<i32>} : memref<256xi32, #tpu.memory_space<vmem>>, vector<16xi32>,
      %swap3A_913 = arith.constant 6 : i32
      %swap3A_914 = arith.index_cast %swap3A_913 : i32 to index
      %swap3A_915 = arith.constant 0 : index
      %swap3A_916 = tpu.vector_load %arg13[%swap3A_914, %swap3A_915] {strides = array<i32>} : memref<16x16xi32, #tpu.memory_space<vmem>>, vector<16xi32>,
      tpu.vector_store %arg13[%swap3A_914, %swap3A_915], %get3A_912 {strides = array<i32>} : memref<16x16xi32, #tpu.memory_space<vmem>>, vector<16xi32>,
      %get3A_917 = arith.constant 112 : index
      %get3A_918 = tpu.vector_load %arg12[%get3A_917] {strides = array<i32>} : memref<256xi32, #tpu.memory_space<vmem>>, vector<16xi32>,
      %swap3A_919 = arith.constant 7 : i32
      %swap3A_920 = arith.index_cast %swap3A_919 : i32 to index
      %swap3A_921 = arith.constant 0 : index
      %swap3A_922 = tpu.vector_load %arg13[%swap3A_920, %swap3A_921] {strides = array<i32>} : memref<16x16xi32, #tpu.memory_space<vmem>>, vector<16xi32>,
      tpu.vector_store %arg13[%swap3A_920, %swap3A_921], %get3A_918 {strides = array<i32>} : memref<16x16xi32, #tpu.memory_space<vmem>>, vector<16xi32>,
      %get3A_923 = arith.constant 128 : index
      %get3A_924 = tpu.vector_load %arg12[%get3A_923] {strides = array<i32>} : memref<256xi32, #tpu.memory_space<vmem>>, vector<16xi32>,
      %swap3A_925 = arith.constant 8 : i32
      %swap3A_926 = arith.index_cast %swap3A_925 : i32 to index
      %swap3A_927 = arith.constant 0 : index
      %swap3A_928 = tpu.vector_load %arg13[%swap3A_926, %swap3A_927] {strides = array<i32>} : memref<16x16xi32, #tpu.memory_space<vmem>>, vector<16xi32>,
      tpu.vector_store %arg13[%swap3A_926, %swap3A_927], %get3A_924 {strides = array<i32>} : memref<16x16xi32, #tpu.memory_space<vmem>>, vector<16xi32>,
      %get3A_929 = arith.constant 144 : index
      %get3A_930 = tpu.vector_load %arg12[%get3A_929] {strides = array<i32>} : memref<256xi32, #tpu.memory_space<vmem>>, vector<16xi32>,
      %swap3A_931 = arith.constant 9 : i32
      %swap3A_932 = arith.index_cast %swap3A_931 : i32 to index
      %swap3A_933 = arith.constant 0 : index
      %swap3A_934 = tpu.vector_load %arg13[%swap3A_932, %swap3A_933] {strides = array<i32>} : memref<16x16xi32, #tpu.memory_space<vmem>>, vector<16xi32>,
      tpu.vector_store %arg13[%swap3A_932, %swap3A_933], %get3A_930 {strides = array<i32>} : memref<16x16xi32, #tpu.memory_space<vmem>>, vector<16xi32>,
      %get3A_935 = arith.constant 160 : index
      %get3A_936 = tpu.vector_load %arg12[%get3A_935] {strides = array<i32>} : memref<256xi32, #tpu.memory_space<vmem>>, vector<16xi32>,
      %swap3A_937 = arith.constant 10 : i32
      %swap3A_938 = arith.index_cast %swap3A_937 : i32 to index
      %swap3A_939 = arith.constant 0 : index
      %swap3A_940 = tpu.vector_load %arg13[%swap3A_938, %swap3A_939] {strides = array<i32>} : memref<16x16xi32, #tpu.memory_space<vmem>>, vector<16xi32>,
      tpu.vector_store %arg13[%swap3A_938, %swap3A_939], %get3A_936 {strides = array<i32>} : memref<16x16xi32, #tpu.memory_space<vmem>>, vector<16xi32>,
      %get3A_941 = arith.constant 176 : index
      %get3A_942 = tpu.vector_load %arg12[%get3A_941] {strides = array<i32>} : memref<256xi32, #tpu.memory_space<vmem>>, vector<16xi32>,
      %swap3A_943 = arith.constant 11 : i32
      %swap3A_944 = arith.index_cast %swap3A_943 : i32 to index
      %swap3A_945 = arith.constant 0 : index
      %swap3A_946 = tpu.vector_load %arg13[%swap3A_944, %swap3A_945] {strides = array<i32>} : memref<16x16xi32, #tpu.memory_space<vmem>>, vector<16xi32>,
      tpu.vector_store %arg13[%swap3A_944, %swap3A_945], %get3A_942 {strides = array<i32>} : memref<16x16xi32, #tpu.memory_space<vmem>>, vector<16xi32>,
      %get3A_947 = arith.constant 192 : index
      %get3A_948 = tpu.vector_load %arg12[%get3A_947] {strides = array<i32>} : memref<256xi32, #tpu.memory_space<vmem>>, vector<16xi32>,
      %swap3A_949 = arith.constant 12 : i32
      %swap3A_950 = arith.index_cast %swap3A_949 : i32 to index
      %swap3A_951 = arith.constant 0 : index
      %swap3A_952 = tpu.vector_load %arg13[%swap3A_950, %swap3A_951] {strides = array<i32>} : memref<16x16xi32, #tpu.memory_space<vmem>>, vector<16xi32>,
      tpu.vector_store %arg13[%swap3A_950, %swap3A_951], %get3A_948 {strides = array<i32>} : memref<16x16xi32, #tpu.memory_space<vmem>>, vector<16xi32>,
      %get3A_953 = arith.constant 208 : index
      %get3A_954 = tpu.vector_load %arg12[%get3A_953] {strides = array<i32>} : memref<256xi32, #tpu.memory_space<vmem>>, vector<16xi32>,
      %swap3A_955 = arith.constant 13 : i32
      %swap3A_956 = arith.index_cast %swap3A_955 : i32 to index
      %swap3A_957 = arith.constant 0 : index
      %swap3A_958 = tpu.vector_load %arg13[%swap3A_956, %swap3A_957] {strides = array<i32>} : memref<16x16xi32, #tpu.memory_space<vmem>>, vector<16xi32>,
      tpu.vector_store %arg13[%swap3A_956, %swap3A_957], %get3A_954 {strides = array<i32>} : memref<16x16xi32, #tpu.memory_space<vmem>>, vector<16xi32>,
      %get3A_959 = arith.constant 224 : index
      %get3A_960 = tpu.vector_load %arg12[%get3A_959] {strides = array<i32>} : memref<256xi32, #tpu.memory_space<vmem>>, vector<16xi32>,
      %swap3A_961 = arith.constant 14 : i32
      %swap3A_962 = arith.index_cast %swap3A_961 : i32 to index
      %swap3A_963 = arith.constant 0 : index
      %swap3A_964 = tpu.vector_load %arg13[%swap3A_962, %swap3A_963] {strides = array<i32>} : memref<16x16xi32, #tpu.memory_space<vmem>>, vector<16xi32>,
      tpu.vector_store %arg13[%swap3A_962, %swap3A_963], %get3A_960 {strides = array<i32>} : memref<16x16xi32, #tpu.memory_space<vmem>>, vector<16xi32>,
      %get3A_965 = arith.constant 240 : index
      %get3A_966 = tpu.vector_load %arg12[%get3A_965] {strides = array<i32>} : memref<256xi32, #tpu.memory_space<vmem>>, vector<16xi32>,
      %swap3A_967 = arith.constant 15 : i32
      %swap3A_968 = arith.index_cast %swap3A_967 : i32 to index
      %swap3A_969 = arith.constant 0 : index
      %swap3A_970 = tpu.vector_load %arg13[%swap3A_968, %swap3A_969] {strides = array<i32>} : memref<16x16xi32, #tpu.memory_space<vmem>>, vector<16xi32>,
      tpu.vector_store %arg13[%swap3A_968, %swap3A_969], %get3A_966 {strides = array<i32>} : memref<16x16xi32, #tpu.memory_space<vmem>>, vector<16xi32>,
      %jit3A_971 = arith.constant 2 : i32
      %eq3A_972 = arith.constant 0 : i32
      %eq3A_973 = arith.cmpi eq, %jit3A_971, %eq3A_972 : i32
      %jit3A_974 = arith.constant 1 : i32
      %select_n3A_975 = arith.select %eq3A_973, %jit3A_974, %jit3A_971 : i32
      %rem3A_976 = arith.remsi %add3A_694, %select_n3A_975 : i32
      %ne3A_977 = arith.constant 0 : i32
      %ne3A_978 = arith.cmpi ne, %rem3A_976, %ne3A_977 : i32
      %lt3A_979 = arith.constant 0 : i32
      %lt3A_980 = arith.cmpi slt, %rem3A_976, %lt3A_979 : i32
      %lt3A_981 = arith.constant 0 : i32
      %lt3A_982 = arith.cmpi slt, %select_n3A_975, %lt3A_981 : i32
      %ne3A_983 = arith.xori %lt3A_980, %lt3A_982 : i1
      %and3A_984 = arith.andi %ne3A_983, %ne3A_978 : i1
      %add3A_985 = arith.addi %rem3A_976, %select_n3A_975 : i32
      %select_n3A_986 = arith.select %and3A_984, %add3A_985, %rem3A_976 : i32
      %mul3A_987 = arith.constant 32 : i32
      %mul3A_988 = arith.muli %select_n3A_986, %mul3A_987 : i32
      %add3A_989 = arith.constant 15 : i32
      %add3A_990 = arith.addi %while3A_874, %add3A_989 : i32
      %jit3A_991 = arith.constant 16 : i32
      %div3A_992 = arith.divsi %add3A_990, %jit3A_991 : i32
      %sign3A_993 = arith.constant 0 : i32
      %sign3A_994 = arith.cmpi sgt, %add3A_990, %sign3A_993 : i32
      %sign3A_995 = arith.extui %sign3A_994 : i1 to i32
      %sign3A_996 = arith.constant 0 : i32
      %sign3A_997 = arith.cmpi slt, %add3A_990, %sign3A_996 : i32
      %sign3A_998 = arith.extui %sign3A_997 : i1 to i32
      %sign3A_999 = arith.subi %sign3A_995, %sign3A_998 : i32
      %sign3A_1000 = arith.constant 0 : i32
      %sign3A_1001 = arith.cmpi sgt, %jit3A_991, %sign3A_1000 : i32
      %sign3A_1002 = arith.extui %sign3A_1001 : i1 to i32
      %sign3A_1003 = arith.constant 0 : i32
      %sign3A_1004 = arith.cmpi slt, %jit3A_991, %sign3A_1003 : i32
      %sign3A_1005 = arith.extui %sign3A_1004 : i1 to i32
      %sign3A_1006 = arith.subi %sign3A_1002, %sign3A_1005 : i32
      %ne3A_1007 = arith.cmpi ne, %sign3A_999, %sign3A_1006 : i32
      %rem3A_1008 = arith.remsi %add3A_990, %jit3A_991 : i32
      %ne3A_1009 = arith.constant 0 : i32
      %ne3A_1010 = arith.cmpi ne, %rem3A_1008, %ne3A_1009 : i32
      %and3A_1011 = arith.andi %ne3A_1007, %ne3A_1010 : i1
      %sub3A_1012 = arith.constant 1 : i32
      %sub3A_1013 = arith.subi %div3A_992, %sub3A_1012 : i32
      %select_n3A_1014 = arith.select %and3A_1011, %sub3A_1013, %div3A_992 : i32
      %while3A_1015 = arith.constant 0 : i32
      %while3A_1016 = arith.constant 0 : i32
      %while3A_1017 = arith.subi %select_n3A_1014, %while3A_1015 : i32
      %while3A_1018 = arith.addi %while3A_1015, %while3A_1017 : i32
      %while3A_1019 = arith.constant 1 : i32
      %while3A_1020 = arith.divsi %while3A_1017, %while3A_1019 : i32
      %while3A_1021 = arith.muli %while3A_1020, %while3A_1019 : i32
      %while3A_1022 = arith.addi %while3A_1015, %while3A_1021 : i32
      %while3A_1023 = arith.constant 1 : i32
      %while3A_1024 = scf.for %while3A_1105 = %while3A_1015 to %while3A_1022 step %while3A_1023 iter_args(%while3A_1106 = %while3A_1016) -> (i32)  : i32 {
        %mul3A_1107 = arith.constant 16 : i32
        %mul3A_1108 = arith.muli %while3A_1105, %mul3A_1107 : i32
        %get3A_1109 = arith.index_cast %mul3A_1108 : i32 to index
        %get3A_1110 = tpu.vector_load %arg11[%get3A_1109] {strides = array<i32>} : memref<256xi32, #tpu.memory_space<vmem>>, vector<16xi32>,
        %mul3A_1111 = arith.constant 16 : i32
        %mul3A_1112 = arith.muli %while3A_1105, %mul3A_1111 : i32
        %add3A_1113 = vector.broadcast %mul3A_1112 : i32 to vector<16xi32>
        %add3A_1114 = arith.addi %add3A_1113, %iota3A : vector<16xi32>
        %broadcast_in_dim3A_1115 = arith.constant 0 : i32
        %broadcast_in_dim3A_1116 = vector.broadcast %broadcast_in_dim3A_1115 : i32 to vector<16xi32>
        %add3A_1117 = vector.broadcast %mul3A_988 : i32 to vector<16xi32>
        %add3A_1118 = arith.addi %add3A_1117, %broadcast_in_dim3A_1116 : vector<16xi32>
        %gather3A = tpu.vector_load_idx %arg9[%add3A_1118, %get3A_1110] : memref<64x1024xf32, #tpu.memory_space<vmem>>[vector<16xi32>, vector<16xi32>], vector<16xf32>,
        tpu.vector_store_idx %arg14[%add3A_1114, %broadcast_in_dim3A_1116], %gather3A : memref<256x128xf32, #tpu.memory_space<vmem>>[vector<16xi32>, vector<16xi32>], vector<16xf32>,
        %broadcast_in_dim3A_1119 = arith.constant 1 : i32
        %broadcast_in_dim3A_1120 = vector.broadcast %broadcast_in_dim3A_1119 : i32 to vector<16xi32>
        %add3A_1121 = vector.broadcast %mul3A_988 : i32 to vector<16xi32>
        %add3A_1122 = arith.addi %add3A_1121, %broadcast_in_dim3A_1120 : vector<16xi32>
        %gather3A_1123 = tpu.vector_load_idx %arg9[%add3A_1122, %get3A_1110] : memref<64x1024xf32, #tpu.memory_space<vmem>>[vector<16xi32>, vector<16xi32>], vector<16xf32>,
        tpu.vector_store_idx %arg14[%add3A_1114, %broadcast_in_dim3A_1120], %gather3A_1123 : memref<256x128xf32, #tpu.memory_space<vmem>>[vector<16xi32>, vector<16xi32>], vector<16xf32>,
        %broadcast_in_dim3A_1124 = arith.constant 2 : i32
        %broadcast_in_dim3A_1125 = vector.broadcast %broadcast_in_dim3A_1124 : i32 to vector<16xi32>
        %add3A_1126 = vector.broadcast %mul3A_988 : i32 to vector<16xi32>
        %add3A_1127 = arith.addi %add3A_1126, %broadcast_in_dim3A_1125 : vector<16xi32>
        %gather3A_1128 = tpu.vector_load_idx %arg9[%add3A_1127, %get3A_1110] : memref<64x1024xf32, #tpu.memory_space<vmem>>[vector<16xi32>, vector<16xi32>], vector<16xf32>,
        tpu.vector_store_idx %arg14[%add3A_1114, %broadcast_in_dim3A_1125], %gather3A_1128 : memref<256x128xf32, #tpu.memory_space<vmem>>[vector<16xi32>, vector<16xi32>], vector<16xf32>,
        %broadcast_in_dim3A_1129 = arith.constant 3 : i32
        %broadcast_in_dim3A_1130 = vector.broadcast %broadcast_in_dim3A_1129 : i32 to vector<16xi32>
        %add3A_1131 = vector.broadcast %mul3A_988 : i32 to vector<16xi32>
        %add3A_1132 = arith.addi %add3A_1131, %broadcast_in_dim3A_1130 : vector<16xi32>
        %gather3A_1133 = tpu.vector_load_idx %arg9[%add3A_1132, %get3A_1110] : memref<64x1024xf32, #tpu.memory_space<vmem>>[vector<16xi32>, vector<16xi32>], vector<16xf32>,
        tpu.vector_store_idx %arg14[%add3A_1114, %broadcast_in_dim3A_1130], %gather3A_1133 : memref<256x128xf32, #tpu.memory_space<vmem>>[vector<16xi32>, vector<16xi32>], vector<16xf32>,
        %broadcast_in_dim3A_1134 = arith.constant 4 : i32
        %broadcast_in_dim3A_1135 = vector.broadcast %broadcast_in_dim3A_1134 : i32 to vector<16xi32>
        %add3A_1136 = vector.broadcast %mul3A_988 : i32 to vector<16xi32>
        %add3A_1137 = arith.addi %add3A_1136, %broadcast_in_dim3A_1135 : vector<16xi32>
        %gather3A_1138 = tpu.vector_load_idx %arg9[%add3A_1137, %get3A_1110] : memref<64x1024xf32, #tpu.memory_space<vmem>>[vector<16xi32>, vector<16xi32>], vector<16xf32>,
        tpu.vector_store_idx %arg14[%add3A_1114, %broadcast_in_dim3A_1135], %gather3A_1138 : memref<256x128xf32, #tpu.memory_space<vmem>>[vector<16xi32>, vector<16xi32>], vector<16xf32>,
        %broadcast_in_dim3A_1139 = arith.constant 5 : i32
        %broadcast_in_dim3A_1140 = vector.broadcast %broadcast_in_dim3A_1139 : i32 to vector<16xi32>
        %add3A_1141 = vector.broadcast %mul3A_988 : i32 to vector<16xi32>
        %add3A_1142 = arith.addi %add3A_1141, %broadcast_in_dim3A_1140 : vector<16xi32>
        %gather3A_1143 = tpu.vector_load_idx %arg9[%add3A_1142, %get3A_1110] : memref<64x1024xf32, #tpu.memory_space<vmem>>[vector<16xi32>, vector<16xi32>], vector<16xf32>,
        tpu.vector_store_idx %arg14[%add3A_1114, %broadcast_in_dim3A_1140], %gather3A_1143 : memref<256x128xf32, #tpu.memory_space<vmem>>[vector<16xi32>, vector<16xi32>], vector<16xf32>,
        %broadcast_in_dim3A_1144 = arith.constant 6 : i32
        %broadcast_in_dim3A_1145 = vector.broadcast %broadcast_in_dim3A_1144 : i32 to vector<16xi32>
        %add3A_1146 = vector.broadcast %mul3A_988 : i32 to vector<16xi32>
        %add3A_1147 = arith.addi %add3A_1146, %broadcast_in_dim3A_1145 : vector<16xi32>
        %gather3A_1148 = tpu.vector_load_idx %arg9[%add3A_1147, %get3A_1110] : memref<64x1024xf32, #tpu.memory_space<vmem>>[vector<16xi32>, vector<16xi32>], vector<16xf32>,
        tpu.vector_store_idx %arg14[%add3A_1114, %broadcast_in_dim3A_1145], %gather3A_1148 : memref<256x128xf32, #tpu.memory_space<vmem>>[vector<16xi32>, vector<16xi32>], vector<16xf32>,
        %broadcast_in_dim3A_1149 = arith.constant 7 : i32
        %broadcast_in_dim3A_1150 = vector.broadcast %broadcast_in_dim3A_1149 : i32 to vector<16xi32>
        %add3A_1151 = vector.broadcast %mul3A_988 : i32 to vector<16xi32>
        %add3A_1152 = arith.addi %add3A_1151, %broadcast_in_dim3A_1150 : vector<16xi32>
        %gather3A_1153 = tpu.vector_load_idx %arg9[%add3A_1152, %get3A_1110] : memref<64x1024xf32, #tpu.memory_space<vmem>>[vector<16xi32>, vector<16xi32>], vector<16xf32>,
        tpu.vector_store_idx %arg14[%add3A_1114, %broadcast_in_dim3A_1150], %gather3A_1153 : memref<256x128xf32, #tpu.memory_space<vmem>>[vector<16xi32>, vector<16xi32>], vector<16xf32>,
        %broadcast_in_dim3A_1154 = arith.constant 8 : i32
        %broadcast_in_dim3A_1155 = vector.broadcast %broadcast_in_dim3A_1154 : i32 to vector<16xi32>
        %add3A_1156 = vector.broadcast %mul3A_988 : i32 to vector<16xi32>
        %add3A_1157 = arith.addi %add3A_1156, %broadcast_in_dim3A_1155 : vector<16xi32>
        %gather3A_1158 = tpu.vector_load_idx %arg9[%add3A_1157, %get3A_1110] : memref<64x1024xf32, #tpu.memory_space<vmem>>[vector<16xi32>, vector<16xi32>], vector<16xf32>,
        tpu.vector_store_idx %arg14[%add3A_1114, %broadcast_in_dim3A_1155], %gather3A_1158 : memref<256x128xf32, #tpu.memory_space<vmem>>[vector<16xi32>, vector<16xi32>], vector<16xf32>,
        %broadcast_in_dim3A_1159 = arith.constant 9 : i32
        %broadcast_in_dim3A_1160 = vector.broadcast %broadcast_in_dim3A_1159 : i32 to vector<16xi32>
        %add3A_1161 = vector.broadcast %mul3A_988 : i32 to vector<16xi32>
        %add3A_1162 = arith.addi %add3A_1161, %broadcast_in_dim3A_1160 : vector<16xi32>
        %gather3A_1163 = tpu.vector_load_idx %arg9[%add3A_1162, %get3A_1110] : memref<64x1024xf32, #tpu.memory_space<vmem>>[vector<16xi32>, vector<16xi32>], vector<16xf32>,
        tpu.vector_store_idx %arg14[%add3A_1114, %broadcast_in_dim3A_1160], %gather3A_1163 : memref<256x128xf32, #tpu.memory_space<vmem>>[vector<16xi32>, vector<16xi32>], vector<16xf32>,
        %broadcast_in_dim3A_1164 = arith.constant 10 : i32
        %broadcast_in_dim3A_1165 = vector.broadcast %broadcast_in_dim3A_1164 : i32 to vector<16xi32>
        %add3A_1166 = vector.broadcast %mul3A_988 : i32 to vector<16xi32>
        %add3A_1167 = arith.addi %add3A_1166, %broadcast_in_dim3A_1165 : vector<16xi32>
        %gather3A_1168 = tpu.vector_load_idx %arg9[%add3A_1167, %get3A_1110] : memref<64x1024xf32, #tpu.memory_space<vmem>>[vector<16xi32>, vector<16xi32>], vector<16xf32>,
        tpu.vector_store_idx %arg14[%add3A_1114, %broadcast_in_dim3A_1165], %gather3A_1168 : memref<256x128xf32, #tpu.memory_space<vmem>>[vector<16xi32>, vector<16xi32>], vector<16xf32>,
        %broadcast_in_dim3A_1169 = arith.constant 11 : i32
        %broadcast_in_dim3A_1170 = vector.broadcast %broadcast_in_dim3A_1169 : i32 to vector<16xi32>
        %add3A_1171 = vector.broadcast %mul3A_988 : i32 to vector<16xi32>
        %add3A_1172 = arith.addi %add3A_1171, %broadcast_in_dim3A_1170 : vector<16xi32>
        %gather3A_1173 = tpu.vector_load_idx %arg9[%add3A_1172, %get3A_1110] : memref<64x1024xf32, #tpu.memory_space<vmem>>[vector<16xi32>, vector<16xi32>], vector<16xf32>,
        tpu.vector_store_idx %arg14[%add3A_1114, %broadcast_in_dim3A_1170], %gather3A_1173 : memref<256x128xf32, #tpu.memory_space<vmem>>[vector<16xi32>, vector<16xi32>], vector<16xf32>,
        %broadcast_in_dim3A_1174 = arith.constant 12 : i32
        %broadcast_in_dim3A_1175 = vector.broadcast %broadcast_in_dim3A_1174 : i32 to vector<16xi32>
        %add3A_1176 = vector.broadcast %mul3A_988 : i32 to vector<16xi32>
        %add3A_1177 = arith.addi %add3A_1176, %broadcast_in_dim3A_1175 : vector<16xi32>
        %gather3A_1178 = tpu.vector_load_idx %arg9[%add3A_1177, %get3A_1110] : memref<64x1024xf32, #tpu.memory_space<vmem>>[vector<16xi32>, vector<16xi32>], vector<16xf32>,
        tpu.vector_store_idx %arg14[%add3A_1114, %broadcast_in_dim3A_1175], %gather3A_1178 : memref<256x128xf32, #tpu.memory_space<vmem>>[vector<16xi32>, vector<16xi32>], vector<16xf32>,
        %broadcast_in_dim3A_1179 = arith.constant 13 : i32
        %broadcast_in_dim3A_1180 = vector.broadcast %broadcast_in_dim3A_1179 : i32 to vector<16xi32>
        %add3A_1181 = vector.broadcast %mul3A_988 : i32 to vector<16xi32>
        %add3A_1182 = arith.addi %add3A_1181, %broadcast_in_dim3A_1180 : vector<16xi32>
        %gather3A_1183 = tpu.vector_load_idx %arg9[%add3A_1182, %get3A_1110] : memref<64x1024xf32, #tpu.memory_space<vmem>>[vector<16xi32>, vector<16xi32>], vector<16xf32>,
        tpu.vector_store_idx %arg14[%add3A_1114, %broadcast_in_dim3A_1180], %gather3A_1183 : memref<256x128xf32, #tpu.memory_space<vmem>>[vector<16xi32>, vector<16xi32>], vector<16xf32>,
        %broadcast_in_dim3A_1184 = arith.constant 14 : i32
        %broadcast_in_dim3A_1185 = vector.broadcast %broadcast_in_dim3A_1184 : i32 to vector<16xi32>
        %add3A_1186 = vector.broadcast %mul3A_988 : i32 to vector<16xi32>
        %add3A_1187 = arith.addi %add3A_1186, %broadcast_in_dim3A_1185 : vector<16xi32>
        %gather3A_1188 = tpu.vector_load_idx %arg9[%add3A_1187, %get3A_1110] : memref<64x1024xf32, #tpu.memory_space<vmem>>[vector<16xi32>, vector<16xi32>], vector<16xf32>,
        tpu.vector_store_idx %arg14[%add3A_1114, %broadcast_in_dim3A_1185], %gather3A_1188 : memref<256x128xf32, #tpu.memory_space<vmem>>[vector<16xi32>, vector<16xi32>], vector<16xf32>,
        %broadcast_in_dim3A_1189 = arith.constant 15 : i32
        %broadcast_in_dim3A_1190 = vector.broadcast %broadcast_in_dim3A_1189 : i32 to vector<16xi32>
        %add3A_1191 = vector.broadcast %mul3A_988 : i32 to vector<16xi32>
        %add3A_1192 = arith.addi %add3A_1191, %broadcast_in_dim3A_1190 : vector<16xi32>
        %gather3A_1193 = tpu.vector_load_idx %arg9[%add3A_1192, %get3A_1110] : memref<64x1024xf32, #tpu.memory_space<vmem>>[vector<16xi32>, vector<16xi32>], vector<16xf32>,
        tpu.vector_store_idx %arg14[%add3A_1114, %broadcast_in_dim3A_1190], %gather3A_1193 : memref<256x128xf32, #tpu.memory_space<vmem>>[vector<16xi32>, vector<16xi32>], vector<16xf32>,
        %broadcast_in_dim3A_1194 = arith.constant 16 : i32
        %broadcast_in_dim3A_1195 = vector.broadcast %broadcast_in_dim3A_1194 : i32 to vector<16xi32>
        %add3A_1196 = vector.broadcast %mul3A_988 : i32 to vector<16xi32>
        %add3A_1197 = arith.addi %add3A_1196, %broadcast_in_dim3A_1195 : vector<16xi32>
        %gather3A_1198 = tpu.vector_load_idx %arg9[%add3A_1197, %get3A_1110] : memref<64x1024xf32, #tpu.memory_space<vmem>>[vector<16xi32>, vector<16xi32>], vector<16xf32>,
        tpu.vector_store_idx %arg14[%add3A_1114, %broadcast_in_dim3A_1195], %gather3A_1198 : memref<256x128xf32, #tpu.memory_space<vmem>>[vector<16xi32>, vector<16xi32>], vector<16xf32>,
        %broadcast_in_dim3A_1199 = arith.constant 17 : i32
        %broadcast_in_dim3A_1200 = vector.broadcast %broadcast_in_dim3A_1199 : i32 to vector<16xi32>
        %add3A_1201 = vector.broadcast %mul3A_988 : i32 to vector<16xi32>
        %add3A_1202 = arith.addi %add3A_1201, %broadcast_in_dim3A_1200 : vector<16xi32>
        %gather3A_1203 = tpu.vector_load_idx %arg9[%add3A_1202, %get3A_1110] : memref<64x1024xf32, #tpu.memory_space<vmem>>[vector<16xi32>, vector<16xi32>], vector<16xf32>,
        tpu.vector_store_idx %arg14[%add3A_1114, %broadcast_in_dim3A_1200], %gather3A_1203 : memref<256x128xf32, #tpu.memory_space<vmem>>[vector<16xi32>, vector<16xi32>], vector<16xf32>,
        %broadcast_in_dim3A_1204 = arith.constant 18 : i32
        %broadcast_in_dim3A_1205 = vector.broadcast %broadcast_in_dim3A_1204 : i32 to vector<16xi32>
        %add3A_1206 = vector.broadcast %mul3A_988 : i32 to vector<16xi32>
        %add3A_1207 = arith.addi %add3A_1206, %broadcast_in_dim3A_1205 : vector<16xi32>
        %gather3A_1208 = tpu.vector_load_idx %arg9[%add3A_1207, %get3A_1110] : memref<64x1024xf32, #tpu.memory_space<vmem>>[vector<16xi32>, vector<16xi32>], vector<16xf32>,
        tpu.vector_store_idx %arg14[%add3A_1114, %broadcast_in_dim3A_1205], %gather3A_1208 : memref<256x128xf32, #tpu.memory_space<vmem>>[vector<16xi32>, vector<16xi32>], vector<16xf32>,
        %broadcast_in_dim3A_1209 = arith.constant 19 : i32
        %broadcast_in_dim3A_1210 = vector.broadcast %broadcast_in_dim3A_1209 : i32 to vector<16xi32>
        %add3A_1211 = vector.broadcast %mul3A_988 : i32 to vector<16xi32>
        %add3A_1212 = arith.addi %add3A_1211, %broadcast_in_dim3A_1210 : vector<16xi32>
        %gather3A_1213 = tpu.vector_load_idx %arg9[%add3A_1212, %get3A_1110] : memref<64x1024xf32, #tpu.memory_space<vmem>>[vector<16xi32>, vector<16xi32>], vector<16xf32>,
        tpu.vector_store_idx %arg14[%add3A_1114, %broadcast_in_dim3A_1210], %gather3A_1213 : memref<256x128xf32, #tpu.memory_space<vmem>>[vector<16xi32>, vector<16xi32>], vector<16xf32>,
        %broadcast_in_dim3A_1214 = arith.constant 20 : i32
        %broadcast_in_dim3A_1215 = vector.broadcast %broadcast_in_dim3A_1214 : i32 to vector<16xi32>
        %add3A_1216 = vector.broadcast %mul3A_988 : i32 to vector<16xi32>
        %add3A_1217 = arith.addi %add3A_1216, %broadcast_in_dim3A_1215 : vector<16xi32>
        %gather3A_1218 = tpu.vector_load_idx %arg9[%add3A_1217, %get3A_1110] : memref<64x1024xf32, #tpu.memory_space<vmem>>[vector<16xi32>, vector<16xi32>], vector<16xf32>,
        tpu.vector_store_idx %arg14[%add3A_1114, %broadcast_in_dim3A_1215], %gather3A_1218 : memref<256x128xf32, #tpu.memory_space<vmem>>[vector<16xi32>, vector<16xi32>], vector<16xf32>,
        %broadcast_in_dim3A_1219 = arith.constant 21 : i32
        %broadcast_in_dim3A_1220 = vector.broadcast %broadcast_in_dim3A_1219 : i32 to vector<16xi32>
        %add3A_1221 = vector.broadcast %mul3A_988 : i32 to vector<16xi32>
        %add3A_1222 = arith.addi %add3A_1221, %broadcast_in_dim3A_1220 : vector<16xi32>
        %gather3A_1223 = tpu.vector_load_idx %arg9[%add3A_1222, %get3A_1110] : memref<64x1024xf32, #tpu.memory_space<vmem>>[vector<16xi32>, vector<16xi32>], vector<16xf32>,
        tpu.vector_store_idx %arg14[%add3A_1114, %broadcast_in_dim3A_1220], %gather3A_1223 : memref<256x128xf32, #tpu.memory_space<vmem>>[vector<16xi32>, vector<16xi32>], vector<16xf32>,
        %broadcast_in_dim3A_1224 = arith.constant 22 : i32
        %broadcast_in_dim3A_1225 = vector.broadcast %broadcast_in_dim3A_1224 : i32 to vector<16xi32>
        %add3A_1226 = vector.broadcast %mul3A_988 : i32 to vector<16xi32>
        %add3A_1227 = arith.addi %add3A_1226, %broadcast_in_dim3A_1225 : vector<16xi32>
        %gather3A_1228 = tpu.vector_load_idx %arg9[%add3A_1227, %get3A_1110] : memref<64x1024xf32, #tpu.memory_space<vmem>>[vector<16xi32>, vector<16xi32>], vector<16xf32>,
        tpu.vector_store_idx %arg14[%add3A_1114, %broadcast_in_dim3A_1225], %gather3A_1228 : memref<256x128xf32, #tpu.memory_space<vmem>>[vector<16xi32>, vector<16xi32>], vector<16xf32>,
        %broadcast_in_dim3A_1229 = arith.constant 23 : i32
        %broadcast_in_dim3A_1230 = vector.broadcast %broadcast_in_dim3A_1229 : i32 to vector<16xi32>
        %add3A_1231 = vector.broadcast %mul3A_988 : i32 to vector<16xi32>
        %add3A_1232 = arith.addi %add3A_1231, %broadcast_in_dim3A_1230 : vector<16xi32>
        %gather3A_1233 = tpu.vector_load_idx %arg9[%add3A_1232, %get3A_1110] : memref<64x1024xf32, #tpu.memory_space<vmem>>[vector<16xi32>, vector<16xi32>], vector<16xf32>,
        tpu.vector_store_idx %arg14[%add3A_1114, %broadcast_in_dim3A_1230], %gather3A_1233 : memref<256x128xf32, #tpu.memory_space<vmem>>[vector<16xi32>, vector<16xi32>], vector<16xf32>,
        %broadcast_in_dim3A_1234 = arith.constant 24 : i32
        %broadcast_in_dim3A_1235 = vector.broadcast %broadcast_in_dim3A_1234 : i32 to vector<16xi32>
        %add3A_1236 = vector.broadcast %mul3A_988 : i32 to vector<16xi32>
        %add3A_1237 = arith.addi %add3A_1236, %broadcast_in_dim3A_1235 : vector<16xi32>
        %gather3A_1238 = tpu.vector_load_idx %arg9[%add3A_1237, %get3A_1110] : memref<64x1024xf32, #tpu.memory_space<vmem>>[vector<16xi32>, vector<16xi32>], vector<16xf32>,
        tpu.vector_store_idx %arg14[%add3A_1114, %broadcast_in_dim3A_1235], %gather3A_1238 : memref<256x128xf32, #tpu.memory_space<vmem>>[vector<16xi32>, vector<16xi32>], vector<16xf32>,
        %broadcast_in_dim3A_1239 = arith.constant 25 : i32
        %broadcast_in_dim3A_1240 = vector.broadcast %broadcast_in_dim3A_1239 : i32 to vector<16xi32>
        %add3A_1241 = vector.broadcast %mul3A_988 : i32 to vector<16xi32>
        %add3A_1242 = arith.addi %add3A_1241, %broadcast_in_dim3A_1240 : vector<16xi32>
        %gather3A_1243 = tpu.vector_load_idx %arg9[%add3A_1242, %get3A_1110] : memref<64x1024xf32, #tpu.memory_space<vmem>>[vector<16xi32>, vector<16xi32>], vector<16xf32>,
        tpu.vector_store_idx %arg14[%add3A_1114, %broadcast_in_dim3A_1240], %gather3A_1243 : memref<256x128xf32, #tpu.memory_space<vmem>>[vector<16xi32>, vector<16xi32>], vector<16xf32>,
        %broadcast_in_dim3A_1244 = arith.constant 26 : i32
        %broadcast_in_dim3A_1245 = vector.broadcast %broadcast_in_dim3A_1244 : i32 to vector<16xi32>
        %add3A_1246 = vector.broadcast %mul3A_988 : i32 to vector<16xi32>
        %add3A_1247 = arith.addi %add3A_1246, %broadcast_in_dim3A_1245 : vector<16xi32>
        %gather3A_1248 = tpu.vector_load_idx %arg9[%add3A_1247, %get3A_1110] : memref<64x1024xf32, #tpu.memory_space<vmem>>[vector<16xi32>, vector<16xi32>], vector<16xf32>,
        tpu.vector_store_idx %arg14[%add3A_1114, %broadcast_in_dim3A_1245], %gather3A_1248 : memref<256x128xf32, #tpu.memory_space<vmem>>[vector<16xi32>, vector<16xi32>], vector<16xf32>,
        %broadcast_in_dim3A_1249 = arith.constant 27 : i32
        %broadcast_in_dim3A_1250 = vector.broadcast %broadcast_in_dim3A_1249 : i32 to vector<16xi32>
        %add3A_1251 = vector.broadcast %mul3A_988 : i32 to vector<16xi32>
        %add3A_1252 = arith.addi %add3A_1251, %broadcast_in_dim3A_1250 : vector<16xi32>
        %gather3A_1253 = tpu.vector_load_idx %arg9[%add3A_1252, %get3A_1110] : memref<64x1024xf32, #tpu.memory_space<vmem>>[vector<16xi32>, vector<16xi32>], vector<16xf32>,
        tpu.vector_store_idx %arg14[%add3A_1114, %broadcast_in_dim3A_1250], %gather3A_1253 : memref<256x128xf32, #tpu.memory_space<vmem>>[vector<16xi32>, vector<16xi32>], vector<16xf32>,
        %broadcast_in_dim3A_1254 = arith.constant 28 : i32
        %broadcast_in_dim3A_1255 = vector.broadcast %broadcast_in_dim3A_1254 : i32 to vector<16xi32>
        %add3A_1256 = vector.broadcast %mul3A_988 : i32 to vector<16xi32>
        %add3A_1257 = arith.addi %add3A_1256, %broadcast_in_dim3A_1255 : vector<16xi32>
        %gather3A_1258 = tpu.vector_load_idx %arg9[%add3A_1257, %get3A_1110] : memref<64x1024xf32, #tpu.memory_space<vmem>>[vector<16xi32>, vector<16xi32>], vector<16xf32>,
        tpu.vector_store_idx %arg14[%add3A_1114, %broadcast_in_dim3A_1255], %gather3A_1258 : memref<256x128xf32, #tpu.memory_space<vmem>>[vector<16xi32>, vector<16xi32>], vector<16xf32>,
        %broadcast_in_dim3A_1259 = arith.constant 29 : i32
        %broadcast_in_dim3A_1260 = vector.broadcast %broadcast_in_dim3A_1259 : i32 to vector<16xi32>
        %add3A_1261 = vector.broadcast %mul3A_988 : i32 to vector<16xi32>
        %add3A_1262 = arith.addi %add3A_1261, %broadcast_in_dim3A_1260 : vector<16xi32>
        %gather3A_1263 = tpu.vector_load_idx %arg9[%add3A_1262, %get3A_1110] : memref<64x1024xf32, #tpu.memory_space<vmem>>[vector<16xi32>, vector<16xi32>], vector<16xf32>,
        tpu.vector_store_idx %arg14[%add3A_1114, %broadcast_in_dim3A_1260], %gather3A_1263 : memref<256x128xf32, #tpu.memory_space<vmem>>[vector<16xi32>, vector<16xi32>], vector<16xf32>,
        %broadcast_in_dim3A_1264 = arith.constant 30 : i32
        %broadcast_in_dim3A_1265 = vector.broadcast %broadcast_in_dim3A_1264 : i32 to vector<16xi32>
        %add3A_1266 = vector.broadcast %mul3A_988 : i32 to vector<16xi32>
        %add3A_1267 = arith.addi %add3A_1266, %broadcast_in_dim3A_1265 : vector<16xi32>
        %gather3A_1268 = tpu.vector_load_idx %arg9[%add3A_1267, %get3A_1110] : memref<64x1024xf32, #tpu.memory_space<vmem>>[vector<16xi32>, vector<16xi32>], vector<16xf32>,
        tpu.vector_store_idx %arg14[%add3A_1114, %broadcast_in_dim3A_1265], %gather3A_1268 : memref<256x128xf32, #tpu.memory_space<vmem>>[vector<16xi32>, vector<16xi32>], vector<16xf32>,
        %broadcast_in_dim3A_1269 = arith.constant 31 : i32
        %broadcast_in_dim3A_1270 = vector.broadcast %broadcast_in_dim3A_1269 : i32 to vector<16xi32>
        %add3A_1271 = vector.broadcast %mul3A_988 : i32 to vector<16xi32>
        %add3A_1272 = arith.addi %add3A_1271, %broadcast_in_dim3A_1270 : vector<16xi32>
        %gather3A_1273 = tpu.vector_load_idx %arg9[%add3A_1272, %get3A_1110] : memref<64x1024xf32, #tpu.memory_space<vmem>>[vector<16xi32>, vector<16xi32>], vector<16xf32>,
        tpu.vector_store_idx %arg14[%add3A_1114, %broadcast_in_dim3A_1270], %gather3A_1273 : memref<256x128xf32, #tpu.memory_space<vmem>>[vector<16xi32>, vector<16xi32>], vector<16xf32>,
        %while3A_1274 = arith.constant 0 : i32
        scf.yield %while3A_1274 : i32
      }
      %while3A_1025 = arith.constant 1 : i32
      %while3A_1026 = scf.for %while3A_1105 = %while3A_1022 to %while3A_1018 step %while3A_1025 iter_args(%while3A_1106 = %while3A_1024) -> (i32)  : i32 {
        %mul3A_1107 = arith.constant 16 : i32
        %mul3A_1108 = arith.muli %while3A_1105, %mul3A_1107 : i32
        %get3A_1109 = arith.index_cast %mul3A_1108 : i32 to index
        %get3A_1110 = tpu.vector_load %arg11[%get3A_1109] {strides = array<i32>} : memref<256xi32, #tpu.memory_space<vmem>>, vector<16xi32>,
        %mul3A_1111 = arith.constant 16 : i32
        %mul3A_1112 = arith.muli %while3A_1105, %mul3A_1111 : i32
        %add3A_1113 = vector.broadcast %mul3A_1112 : i32 to vector<16xi32>
        %add3A_1114 = arith.addi %add3A_1113, %iota3A : vector<16xi32>
        %broadcast_in_dim3A_1115 = arith.constant 0 : i32
        %broadcast_in_dim3A_1116 = vector.broadcast %broadcast_in_dim3A_1115 : i32 to vector<16xi32>
        %add3A_1117 = vector.broadcast %mul3A_988 : i32 to vector<16xi32>
        %add3A_1118 = arith.addi %add3A_1117, %broadcast_in_dim3A_1116 : vector<16xi32>
        %gather3A = tpu.vector_load_idx %arg9[%add3A_1118, %get3A_1110] : memref<64x1024xf32, #tpu.memory_space<vmem>>[vector<16xi32>, vector<16xi32>], vector<16xf32>,
        tpu.vector_store_idx %arg14[%add3A_1114, %broadcast_in_dim3A_1116], %gather3A : memref<256x128xf32, #tpu.memory_space<vmem>>[vector<16xi32>, vector<16xi32>], vector<16xf32>,
        %broadcast_in_dim3A_1119 = arith.constant 1 : i32
        %broadcast_in_dim3A_1120 = vector.broadcast %broadcast_in_dim3A_1119 : i32 to vector<16xi32>
        %add3A_1121 = vector.broadcast %mul3A_988 : i32 to vector<16xi32>
        %add3A_1122 = arith.addi %add3A_1121, %broadcast_in_dim3A_1120 : vector<16xi32>
        %gather3A_1123 = tpu.vector_load_idx %arg9[%add3A_1122, %get3A_1110] : memref<64x1024xf32, #tpu.memory_space<vmem>>[vector<16xi32>, vector<16xi32>], vector<16xf32>,
        tpu.vector_store_idx %arg14[%add3A_1114, %broadcast_in_dim3A_1120], %gather3A_1123 : memref<256x128xf32, #tpu.memory_space<vmem>>[vector<16xi32>, vector<16xi32>], vector<16xf32>,
        %broadcast_in_dim3A_1124 = arith.constant 2 : i32
        %broadcast_in_dim3A_1125 = vector.broadcast %broadcast_in_dim3A_1124 : i32 to vector<16xi32>
        %add3A_1126 = vector.broadcast %mul3A_988 : i32 to vector<16xi32>
        %add3A_1127 = arith.addi %add3A_1126, %broadcast_in_dim3A_1125 : vector<16xi32>
        %gather3A_1128 = tpu.vector_load_idx %arg9[%add3A_1127, %get3A_1110] : memref<64x1024xf32, #tpu.memory_space<vmem>>[vector<16xi32>, vector<16xi32>], vector<16xf32>,
        tpu.vector_store_idx %arg14[%add3A_1114, %broadcast_in_dim3A_1125], %gather3A_1128 : memref<256x128xf32, #tpu.memory_space<vmem>>[vector<16xi32>, vector<16xi32>], vector<16xf32>,
        %broadcast_in_dim3A_1129 = arith.constant 3 : i32
        %broadcast_in_dim3A_1130 = vector.broadcast %broadcast_in_dim3A_1129 : i32 to vector<16xi32>
        %add3A_1131 = vector.broadcast %mul3A_988 : i32 to vector<16xi32>
        %add3A_1132 = arith.addi %add3A_1131, %broadcast_in_dim3A_1130 : vector<16xi32>
        %gather3A_1133 = tpu.vector_load_idx %arg9[%add3A_1132, %get3A_1110] : memref<64x1024xf32, #tpu.memory_space<vmem>>[vector<16xi32>, vector<16xi32>], vector<16xf32>,
        tpu.vector_store_idx %arg14[%add3A_1114, %broadcast_in_dim3A_1130], %gather3A_1133 : memref<256x128xf32, #tpu.memory_space<vmem>>[vector<16xi32>, vector<16xi32>], vector<16xf32>,
        %broadcast_in_dim3A_1134 = arith.constant 4 : i32
        %broadcast_in_dim3A_1135 = vector.broadcast %broadcast_in_dim3A_1134 : i32 to vector<16xi32>
        %add3A_1136 = vector.broadcast %mul3A_988 : i32 to vector<16xi32>
        %add3A_1137 = arith.addi %add3A_1136, %broadcast_in_dim3A_1135 : vector<16xi32>
        %gather3A_1138 = tpu.vector_load_idx %arg9[%add3A_1137, %get3A_1110] : memref<64x1024xf32, #tpu.memory_space<vmem>>[vector<16xi32>, vector<16xi32>], vector<16xf32>,
        tpu.vector_store_idx %arg14[%add3A_1114, %broadcast_in_dim3A_1135], %gather3A_1138 : memref<256x128xf32, #tpu.memory_space<vmem>>[vector<16xi32>, vector<16xi32>], vector<16xf32>,
        %broadcast_in_dim3A_1139 = arith.constant 5 : i32
        %broadcast_in_dim3A_1140 = vector.broadcast %broadcast_in_dim3A_1139 : i32 to vector<16xi32>
        %add3A_1141 = vector.broadcast %mul3A_988 : i32 to vector<16xi32>
        %add3A_1142 = arith.addi %add3A_1141, %broadcast_in_dim3A_1140 : vector<16xi32>
        %gather3A_1143 = tpu.vector_load_idx %arg9[%add3A_1142, %get3A_1110] : memref<64x1024xf32, #tpu.memory_space<vmem>>[vector<16xi32>, vector<16xi32>], vector<16xf32>,
        tpu.vector_store_idx %arg14[%add3A_1114, %broadcast_in_dim3A_1140], %gather3A_1143 : memref<256x128xf32, #tpu.memory_space<vmem>>[vector<16xi32>, vector<16xi32>], vector<16xf32>,
        %broadcast_in_dim3A_1144 = arith.constant 6 : i32
        %broadcast_in_dim3A_1145 = vector.broadcast %broadcast_in_dim3A_1144 : i32 to vector<16xi32>
        %add3A_1146 = vector.broadcast %mul3A_988 : i32 to vector<16xi32>
        %add3A_1147 = arith.addi %add3A_1146, %broadcast_in_dim3A_1145 : vector<16xi32>
        %gather3A_1148 = tpu.vector_load_idx %arg9[%add3A_1147, %get3A_1110] : memref<64x1024xf32, #tpu.memory_space<vmem>>[vector<16xi32>, vector<16xi32>], vector<16xf32>,
        tpu.vector_store_idx %arg14[%add3A_1114, %broadcast_in_dim3A_1145], %gather3A_1148 : memref<256x128xf32, #tpu.memory_space<vmem>>[vector<16xi32>, vector<16xi32>], vector<16xf32>,
        %broadcast_in_dim3A_1149 = arith.constant 7 : i32
        %broadcast_in_dim3A_1150 = vector.broadcast %broadcast_in_dim3A_1149 : i32 to vector<16xi32>
        %add3A_1151 = vector.broadcast %mul3A_988 : i32 to vector<16xi32>
        %add3A_1152 = arith.addi %add3A_1151, %broadcast_in_dim3A_1150 : vector<16xi32>
        %gather3A_1153 = tpu.vector_load_idx %arg9[%add3A_1152, %get3A_1110] : memref<64x1024xf32, #tpu.memory_space<vmem>>[vector<16xi32>, vector<16xi32>], vector<16xf32>,
        tpu.vector_store_idx %arg14[%add3A_1114, %broadcast_in_dim3A_1150], %gather3A_1153 : memref<256x128xf32, #tpu.memory_space<vmem>>[vector<16xi32>, vector<16xi32>], vector<16xf32>,
        %broadcast_in_dim3A_1154 = arith.constant 8 : i32
        %broadcast_in_dim3A_1155 = vector.broadcast %broadcast_in_dim3A_1154 : i32 to vector<16xi32>
        %add3A_1156 = vector.broadcast %mul3A_988 : i32 to vector<16xi32>
        %add3A_1157 = arith.addi %add3A_1156, %broadcast_in_dim3A_1155 : vector<16xi32>
        %gather3A_1158 = tpu.vector_load_idx %arg9[%add3A_1157, %get3A_1110] : memref<64x1024xf32, #tpu.memory_space<vmem>>[vector<16xi32>, vector<16xi32>], vector<16xf32>,
        tpu.vector_store_idx %arg14[%add3A_1114, %broadcast_in_dim3A_1155], %gather3A_1158 : memref<256x128xf32, #tpu.memory_space<vmem>>[vector<16xi32>, vector<16xi32>], vector<16xf32>,
        %broadcast_in_dim3A_1159 = arith.constant 9 : i32
        %broadcast_in_dim3A_1160 = vector.broadcast %broadcast_in_dim3A_1159 : i32 to vector<16xi32>
        %add3A_1161 = vector.broadcast %mul3A_988 : i32 to vector<16xi32>
        %add3A_1162 = arith.addi %add3A_1161, %broadcast_in_dim3A_1160 : vector<16xi32>
        %gather3A_1163 = tpu.vector_load_idx %arg9[%add3A_1162, %get3A_1110] : memref<64x1024xf32, #tpu.memory_space<vmem>>[vector<16xi32>, vector<16xi32>], vector<16xf32>,
        tpu.vector_store_idx %arg14[%add3A_1114, %broadcast_in_dim3A_1160], %gather3A_1163 : memref<256x128xf32, #tpu.memory_space<vmem>>[vector<16xi32>, vector<16xi32>], vector<16xf32>,
        %broadcast_in_dim3A_1164 = arith.constant 10 : i32
        %broadcast_in_dim3A_1165 = vector.broadcast %broadcast_in_dim3A_1164 : i32 to vector<16xi32>
        %add3A_1166 = vector.broadcast %mul3A_988 : i32 to vector<16xi32>
        %add3A_1167 = arith.addi %add3A_1166, %broadcast_in_dim3A_1165 : vector<16xi32>
        %gather3A_1168 = tpu.vector_load_idx %arg9[%add3A_1167, %get3A_1110] : memref<64x1024xf32, #tpu.memory_space<vmem>>[vector<16xi32>, vector<16xi32>], vector<16xf32>,
        tpu.vector_store_idx %arg14[%add3A_1114, %broadcast_in_dim3A_1165], %gather3A_1168 : memref<256x128xf32, #tpu.memory_space<vmem>>[vector<16xi32>, vector<16xi32>], vector<16xf32>,
        %broadcast_in_dim3A_1169 = arith.constant 11 : i32
        %broadcast_in_dim3A_1170 = vector.broadcast %broadcast_in_dim3A_1169 : i32 to vector<16xi32>
        %add3A_1171 = vector.broadcast %mul3A_988 : i32 to vector<16xi32>
        %add3A_1172 = arith.addi %add3A_1171, %broadcast_in_dim3A_1170 : vector<16xi32>
        %gather3A_1173 = tpu.vector_load_idx %arg9[%add3A_1172, %get3A_1110] : memref<64x1024xf32, #tpu.memory_space<vmem>>[vector<16xi32>, vector<16xi32>], vector<16xf32>,
        tpu.vector_store_idx %arg14[%add3A_1114, %broadcast_in_dim3A_1170], %gather3A_1173 : memref<256x128xf32, #tpu.memory_space<vmem>>[vector<16xi32>, vector<16xi32>], vector<16xf32>,
        %broadcast_in_dim3A_1174 = arith.constant 12 : i32
        %broadcast_in_dim3A_1175 = vector.broadcast %broadcast_in_dim3A_1174 : i32 to vector<16xi32>
        %add3A_1176 = vector.broadcast %mul3A_988 : i32 to vector<16xi32>
        %add3A_1177 = arith.addi %add3A_1176, %broadcast_in_dim3A_1175 : vector<16xi32>
        %gather3A_1178 = tpu.vector_load_idx %arg9[%add3A_1177, %get3A_1110] : memref<64x1024xf32, #tpu.memory_space<vmem>>[vector<16xi32>, vector<16xi32>], vector<16xf32>,
        tpu.vector_store_idx %arg14[%add3A_1114, %broadcast_in_dim3A_1175], %gather3A_1178 : memref<256x128xf32, #tpu.memory_space<vmem>>[vector<16xi32>, vector<16xi32>], vector<16xf32>,
        %broadcast_in_dim3A_1179 = arith.constant 13 : i32
        %broadcast_in_dim3A_1180 = vector.broadcast %broadcast_in_dim3A_1179 : i32 to vector<16xi32>
        %add3A_1181 = vector.broadcast %mul3A_988 : i32 to vector<16xi32>
        %add3A_1182 = arith.addi %add3A_1181, %broadcast_in_dim3A_1180 : vector<16xi32>
        %gather3A_1183 = tpu.vector_load_idx %arg9[%add3A_1182, %get3A_1110] : memref<64x1024xf32, #tpu.memory_space<vmem>>[vector<16xi32>, vector<16xi32>], vector<16xf32>,
        tpu.vector_store_idx %arg14[%add3A_1114, %broadcast_in_dim3A_1180], %gather3A_1183 : memref<256x128xf32, #tpu.memory_space<vmem>>[vector<16xi32>, vector<16xi32>], vector<16xf32>,
        %broadcast_in_dim3A_1184 = arith.constant 14 : i32
        %broadcast_in_dim3A_1185 = vector.broadcast %broadcast_in_dim3A_1184 : i32 to vector<16xi32>
        %add3A_1186 = vector.broadcast %mul3A_988 : i32 to vector<16xi32>
        %add3A_1187 = arith.addi %add3A_1186, %broadcast_in_dim3A_1185 : vector<16xi32>
        %gather3A_1188 = tpu.vector_load_idx %arg9[%add3A_1187, %get3A_1110] : memref<64x1024xf32, #tpu.memory_space<vmem>>[vector<16xi32>, vector<16xi32>], vector<16xf32>,
        tpu.vector_store_idx %arg14[%add3A_1114, %broadcast_in_dim3A_1185], %gather3A_1188 : memref<256x128xf32, #tpu.memory_space<vmem>>[vector<16xi32>, vector<16xi32>], vector<16xf32>,
        %broadcast_in_dim3A_1189 = arith.constant 15 : i32
        %broadcast_in_dim3A_1190 = vector.broadcast %broadcast_in_dim3A_1189 : i32 to vector<16xi32>
        %add3A_1191 = vector.broadcast %mul3A_988 : i32 to vector<16xi32>
        %add3A_1192 = arith.addi %add3A_1191, %broadcast_in_dim3A_1190 : vector<16xi32>
        %gather3A_1193 = tpu.vector_load_idx %arg9[%add3A_1192, %get3A_1110] : memref<64x1024xf32, #tpu.memory_space<vmem>>[vector<16xi32>, vector<16xi32>], vector<16xf32>,
        tpu.vector_store_idx %arg14[%add3A_1114, %broadcast_in_dim3A_1190], %gather3A_1193 : memref<256x128xf32, #tpu.memory_space<vmem>>[vector<16xi32>, vector<16xi32>], vector<16xf32>,
        %broadcast_in_dim3A_1194 = arith.constant 16 : i32
        %broadcast_in_dim3A_1195 = vector.broadcast %broadcast_in_dim3A_1194 : i32 to vector<16xi32>
        %add3A_1196 = vector.broadcast %mul3A_988 : i32 to vector<16xi32>
        %add3A_1197 = arith.addi %add3A_1196, %broadcast_in_dim3A_1195 : vector<16xi32>
        %gather3A_1198 = tpu.vector_load_idx %arg9[%add3A_1197, %get3A_1110] : memref<64x1024xf32, #tpu.memory_space<vmem>>[vector<16xi32>, vector<16xi32>], vector<16xf32>,
        tpu.vector_store_idx %arg14[%add3A_1114, %broadcast_in_dim3A_1195], %gather3A_1198 : memref<256x128xf32, #tpu.memory_space<vmem>>[vector<16xi32>, vector<16xi32>], vector<16xf32>,
        %broadcast_in_dim3A_1199 = arith.constant 17 : i32
        %broadcast_in_dim3A_1200 = vector.broadcast %broadcast_in_dim3A_1199 : i32 to vector<16xi32>
        %add3A_1201 = vector.broadcast %mul3A_988 : i32 to vector<16xi32>
        %add3A_1202 = arith.addi %add3A_1201, %broadcast_in_dim3A_1200 : vector<16xi32>
        %gather3A_1203 = tpu.vector_load_idx %arg9[%add3A_1202, %get3A_1110] : memref<64x1024xf32, #tpu.memory_space<vmem>>[vector<16xi32>, vector<16xi32>], vector<16xf32>,
        tpu.vector_store_idx %arg14[%add3A_1114, %broadcast_in_dim3A_1200], %gather3A_1203 : memref<256x128xf32, #tpu.memory_space<vmem>>[vector<16xi32>, vector<16xi32>], vector<16xf32>,
        %broadcast_in_dim3A_1204 = arith.constant 18 : i32
        %broadcast_in_dim3A_1205 = vector.broadcast %broadcast_in_dim3A_1204 : i32 to vector<16xi32>
        %add3A_1206 = vector.broadcast %mul3A_988 : i32 to vector<16xi32>
        %add3A_1207 = arith.addi %add3A_1206, %broadcast_in_dim3A_1205 : vector<16xi32>
        %gather3A_1208 = tpu.vector_load_idx %arg9[%add3A_1207, %get3A_1110] : memref<64x1024xf32, #tpu.memory_space<vmem>>[vector<16xi32>, vector<16xi32>], vector<16xf32>,
        tpu.vector_store_idx %arg14[%add3A_1114, %broadcast_in_dim3A_1205], %gather3A_1208 : memref<256x128xf32, #tpu.memory_space<vmem>>[vector<16xi32>, vector<16xi32>], vector<16xf32>,
        %broadcast_in_dim3A_1209 = arith.constant 19 : i32
        %broadcast_in_dim3A_1210 = vector.broadcast %broadcast_in_dim3A_1209 : i32 to vector<16xi32>
        %add3A_1211 = vector.broadcast %mul3A_988 : i32 to vector<16xi32>
        %add3A_1212 = arith.addi %add3A_1211, %broadcast_in_dim3A_1210 : vector<16xi32>
        %gather3A_1213 = tpu.vector_load_idx %arg9[%add3A_1212, %get3A_1110] : memref<64x1024xf32, #tpu.memory_space<vmem>>[vector<16xi32>, vector<16xi32>], vector<16xf32>,
        tpu.vector_store_idx %arg14[%add3A_1114, %broadcast_in_dim3A_1210], %gather3A_1213 : memref<256x128xf32, #tpu.memory_space<vmem>>[vector<16xi32>, vector<16xi32>], vector<16xf32>,
        %broadcast_in_dim3A_1214 = arith.constant 20 : i32
        %broadcast_in_dim3A_1215 = vector.broadcast %broadcast_in_dim3A_1214 : i32 to vector<16xi32>
        %add3A_1216 = vector.broadcast %mul3A_988 : i32 to vector<16xi32>
        %add3A_1217 = arith.addi %add3A_1216, %broadcast_in_dim3A_1215 : vector<16xi32>
        %gather3A_1218 = tpu.vector_load_idx %arg9[%add3A_1217, %get3A_1110] : memref<64x1024xf32, #tpu.memory_space<vmem>>[vector<16xi32>, vector<16xi32>], vector<16xf32>,
        tpu.vector_store_idx %arg14[%add3A_1114, %broadcast_in_dim3A_1215], %gather3A_1218 : memref<256x128xf32, #tpu.memory_space<vmem>>[vector<16xi32>, vector<16xi32>], vector<16xf32>,
        %broadcast_in_dim3A_1219 = arith.constant 21 : i32
        %broadcast_in_dim3A_1220 = vector.broadcast %broadcast_in_dim3A_1219 : i32 to vector<16xi32>
        %add3A_1221 = vector.broadcast %mul3A_988 : i32 to vector<16xi32>
        %add3A_1222 = arith.addi %add3A_1221, %broadcast_in_dim3A_1220 : vector<16xi32>
        %gather3A_1223 = tpu.vector_load_idx %arg9[%add3A_1222, %get3A_1110] : memref<64x1024xf32, #tpu.memory_space<vmem>>[vector<16xi32>, vector<16xi32>], vector<16xf32>,
        tpu.vector_store_idx %arg14[%add3A_1114, %broadcast_in_dim3A_1220], %gather3A_1223 : memref<256x128xf32, #tpu.memory_space<vmem>>[vector<16xi32>, vector<16xi32>], vector<16xf32>,
        %broadcast_in_dim3A_1224 = arith.constant 22 : i32
        %broadcast_in_dim3A_1225 = vector.broadcast %broadcast_in_dim3A_1224 : i32 to vector<16xi32>
        %add3A_1226 = vector.broadcast %mul3A_988 : i32 to vector<16xi32>
        %add3A_1227 = arith.addi %add3A_1226, %broadcast_in_dim3A_1225 : vector<16xi32>
        %gather3A_1228 = tpu.vector_load_idx %arg9[%add3A_1227, %get3A_1110] : memref<64x1024xf32, #tpu.memory_space<vmem>>[vector<16xi32>, vector<16xi32>], vector<16xf32>,
        tpu.vector_store_idx %arg14[%add3A_1114, %broadcast_in_dim3A_1225], %gather3A_1228 : memref<256x128xf32, #tpu.memory_space<vmem>>[vector<16xi32>, vector<16xi32>], vector<16xf32>,
        %broadcast_in_dim3A_1229 = arith.constant 23 : i32
        %broadcast_in_dim3A_1230 = vector.broadcast %broadcast_in_dim3A_1229 : i32 to vector<16xi32>
        %add3A_1231 = vector.broadcast %mul3A_988 : i32 to vector<16xi32>
        %add3A_1232 = arith.addi %add3A_1231, %broadcast_in_dim3A_1230 : vector<16xi32>
        %gather3A_1233 = tpu.vector_load_idx %arg9[%add3A_1232, %get3A_1110] : memref<64x1024xf32, #tpu.memory_space<vmem>>[vector<16xi32>, vector<16xi32>], vector<16xf32>,
        tpu.vector_store_idx %arg14[%add3A_1114, %broadcast_in_dim3A_1230], %gather3A_1233 : memref<256x128xf32, #tpu.memory_space<vmem>>[vector<16xi32>, vector<16xi32>], vector<16xf32>,
        %broadcast_in_dim3A_1234 = arith.constant 24 : i32
        %broadcast_in_dim3A_1235 = vector.broadcast %broadcast_in_dim3A_1234 : i32 to vector<16xi32>
        %add3A_1236 = vector.broadcast %mul3A_988 : i32 to vector<16xi32>
        %add3A_1237 = arith.addi %add3A_1236, %broadcast_in_dim3A_1235 : vector<16xi32>
        %gather3A_1238 = tpu.vector_load_idx %arg9[%add3A_1237, %get3A_1110] : memref<64x1024xf32, #tpu.memory_space<vmem>>[vector<16xi32>, vector<16xi32>], vector<16xf32>,
        tpu.vector_store_idx %arg14[%add3A_1114, %broadcast_in_dim3A_1235], %gather3A_1238 : memref<256x128xf32, #tpu.memory_space<vmem>>[vector<16xi32>, vector<16xi32>], vector<16xf32>,
        %broadcast_in_dim3A_1239 = arith.constant 25 : i32
        %broadcast_in_dim3A_1240 = vector.broadcast %broadcast_in_dim3A_1239 : i32 to vector<16xi32>
        %add3A_1241 = vector.broadcast %mul3A_988 : i32 to vector<16xi32>
        %add3A_1242 = arith.addi %add3A_1241, %broadcast_in_dim3A_1240 : vector<16xi32>
        %gather3A_1243 = tpu.vector_load_idx %arg9[%add3A_1242, %get3A_1110] : memref<64x1024xf32, #tpu.memory_space<vmem>>[vector<16xi32>, vector<16xi32>], vector<16xf32>,
        tpu.vector_store_idx %arg14[%add3A_1114, %broadcast_in_dim3A_1240], %gather3A_1243 : memref<256x128xf32, #tpu.memory_space<vmem>>[vector<16xi32>, vector<16xi32>], vector<16xf32>,
        %broadcast_in_dim3A_1244 = arith.constant 26 : i32
        %broadcast_in_dim3A_1245 = vector.broadcast %broadcast_in_dim3A_1244 : i32 to vector<16xi32>
        %add3A_1246 = vector.broadcast %mul3A_988 : i32 to vector<16xi32>
        %add3A_1247 = arith.addi %add3A_1246, %broadcast_in_dim3A_1245 : vector<16xi32>
        %gather3A_1248 = tpu.vector_load_idx %arg9[%add3A_1247, %get3A_1110] : memref<64x1024xf32, #tpu.memory_space<vmem>>[vector<16xi32>, vector<16xi32>], vector<16xf32>,
        tpu.vector_store_idx %arg14[%add3A_1114, %broadcast_in_dim3A_1245], %gather3A_1248 : memref<256x128xf32, #tpu.memory_space<vmem>>[vector<16xi32>, vector<16xi32>], vector<16xf32>,
        %broadcast_in_dim3A_1249 = arith.constant 27 : i32
        %broadcast_in_dim3A_1250 = vector.broadcast %broadcast_in_dim3A_1249 : i32 to vector<16xi32>
        %add3A_1251 = vector.broadcast %mul3A_988 : i32 to vector<16xi32>
        %add3A_1252 = arith.addi %add3A_1251, %broadcast_in_dim3A_1250 : vector<16xi32>
        %gather3A_1253 = tpu.vector_load_idx %arg9[%add3A_1252, %get3A_1110] : memref<64x1024xf32, #tpu.memory_space<vmem>>[vector<16xi32>, vector<16xi32>], vector<16xf32>,
        tpu.vector_store_idx %arg14[%add3A_1114, %broadcast_in_dim3A_1250], %gather3A_1253 : memref<256x128xf32, #tpu.memory_space<vmem>>[vector<16xi32>, vector<16xi32>], vector<16xf32>,
        %broadcast_in_dim3A_1254 = arith.constant 28 : i32
        %broadcast_in_dim3A_1255 = vector.broadcast %broadcast_in_dim3A_1254 : i32 to vector<16xi32>
        %add3A_1256 = vector.broadcast %mul3A_988 : i32 to vector<16xi32>
        %add3A_1257 = arith.addi %add3A_1256, %broadcast_in_dim3A_1255 : vector<16xi32>
        %gather3A_1258 = tpu.vector_load_idx %arg9[%add3A_1257, %get3A_1110] : memref<64x1024xf32, #tpu.memory_space<vmem>>[vector<16xi32>, vector<16xi32>], vector<16xf32>,
        tpu.vector_store_idx %arg14[%add3A_1114, %broadcast_in_dim3A_1255], %gather3A_1258 : memref<256x128xf32, #tpu.memory_space<vmem>>[vector<16xi32>, vector<16xi32>], vector<16xf32>,
        %broadcast_in_dim3A_1259 = arith.constant 29 : i32
        %broadcast_in_dim3A_1260 = vector.broadcast %broadcast_in_dim3A_1259 : i32 to vector<16xi32>
        %add3A_1261 = vector.broadcast %mul3A_988 : i32 to vector<16xi32>
        %add3A_1262 = arith.addi %add3A_1261, %broadcast_in_dim3A_1260 : vector<16xi32>
        %gather3A_1263 = tpu.vector_load_idx %arg9[%add3A_1262, %get3A_1110] : memref<64x1024xf32, #tpu.memory_space<vmem>>[vector<16xi32>, vector<16xi32>], vector<16xf32>,
        tpu.vector_store_idx %arg14[%add3A_1114, %broadcast_in_dim3A_1260], %gather3A_1263 : memref<256x128xf32, #tpu.memory_space<vmem>>[vector<16xi32>, vector<16xi32>], vector<16xf32>,
        %broadcast_in_dim3A_1264 = arith.constant 30 : i32
        %broadcast_in_dim3A_1265 = vector.broadcast %broadcast_in_dim3A_1264 : i32 to vector<16xi32>
        %add3A_1266 = vector.broadcast %mul3A_988 : i32 to vector<16xi32>
        %add3A_1267 = arith.addi %add3A_1266, %broadcast_in_dim3A_1265 : vector<16xi32>
        %gather3A_1268 = tpu.vector_load_idx %arg9[%add3A_1267, %get3A_1110] : memref<64x1024xf32, #tpu.memory_space<vmem>>[vector<16xi32>, vector<16xi32>], vector<16xf32>,
        tpu.vector_store_idx %arg14[%add3A_1114, %broadcast_in_dim3A_1265], %gather3A_1268 : memref<256x128xf32, #tpu.memory_space<vmem>>[vector<16xi32>, vector<16xi32>], vector<16xf32>,
        %broadcast_in_dim3A_1269 = arith.constant 31 : i32
        %broadcast_in_dim3A_1270 = vector.broadcast %broadcast_in_dim3A_1269 : i32 to vector<16xi32>
        %add3A_1271 = vector.broadcast %mul3A_988 : i32 to vector<16xi32>
        %add3A_1272 = arith.addi %add3A_1271, %broadcast_in_dim3A_1270 : vector<16xi32>
        %gather3A_1273 = tpu.vector_load_idx %arg9[%add3A_1272, %get3A_1110] : memref<64x1024xf32, #tpu.memory_space<vmem>>[vector<16xi32>, vector<16xi32>], vector<16xf32>,
        tpu.vector_store_idx %arg14[%add3A_1114, %broadcast_in_dim3A_1270], %gather3A_1273 : memref<256x128xf32, #tpu.memory_space<vmem>>[vector<16xi32>, vector<16xi32>], vector<16xf32>,
        %while3A_1274 = arith.constant 0 : i32
        scf.yield %while3A_1274 : i32
      }
      %while3A_1027 = arith.constant 0 : i32
      %while3A_1028 = arith.constant 0 : i32
      %while3A_1029 = arith.subi %select_n3A_1014, %while3A_1027 : i32
      %while3A_1030 = arith.addi %while3A_1027, %while3A_1029 : i32
      %while3A_1031 = arith.constant 1 : i32
      %while3A_1032 = arith.divsi %while3A_1029, %while3A_1031 : i32
      %while3A_1033 = arith.muli %while3A_1032, %while3A_1031 : i32
      %while3A_1034 = arith.addi %while3A_1027, %while3A_1033 : i32
      %while3A_1035 = arith.constant 1 : i32
      %while3A_1036 = scf.for %while3A_1105 = %while3A_1027 to %while3A_1034 step %while3A_1035 iter_args(%while3A_1106 = %while3A_1028) -> (i32)  : i32 {
        %mul3A_1107 = arith.constant 16 : i32
        %mul3A_1108 = arith.muli %while3A_1105, %mul3A_1107 : i32
        %dma_start3A_1109 = arith.constant 0 : i32
        %dma_start3A_1110 = tpu.memref_slice %arg14[%mul3A_1108, %dma_start3A_1109] : memref<256x128xf32, #tpu.memory_space<vmem>> -> memref<16x128xf32, #tpu.memory_space<vmem>>
        %dma_start3A_1111 = arith.constant 0 : i32
        %dma_start3A_1112 = tpu.memref_slice %arg13[%while3A_1105, %dma_start3A_1111] : memref<16x16xi32, #tpu.memory_space<vmem>> -> memref<1x16xi32, #tpu.memory_space<vmem>>
        %dma_start3A_1113 = tpu.memref_squeeze %dma_start3A_1112 : memref<1x16xi32, #tpu.memory_space<vmem>> -> memref<16xi32, #tpu.memory_space<vmem>>
        %dma_start3A_1114 = arith.constant 0 : i32
        %dma_start3A_1115 = arith.constant 0 : i32
        %dma_start3A_1116 = tpu.memref_slice %arg5[%dma_start3A_1114, %dma_start3A_1115] : memref<49664x128xf32, #tpu.memory_space<hbm>> -> memref<49664x128xf32, #tpu.memory_space<hbm>>
        tpu.enqueue_indirect_dma source(%dma_start3A_1110 : memref<16x128xf32, #tpu.memory_space<vmem>>) target(%dma_start3A_1116 : memref<49664x128xf32, #tpu.memory_space<hbm>>) offsets(%dma_start3A_1113 : memref<16xi32, #tpu.memory_space<vmem>>) semaphore(%arg17 : memref<!tpu.dma_semaphore, #tpu.memory_space<semaphore_mem>>)
        %while3A_1117 = arith.constant 0 : i32
        scf.yield %while3A_1117 : i32
      }
      %while3A_1037 = arith.constant 1 : i32
      %while3A_1038 = scf.for %while3A_1105 = %while3A_1034 to %while3A_1030 step %while3A_1037 iter_args(%while3A_1106 = %while3A_1036) -> (i32)  : i32 {
        %mul3A_1107 = arith.constant 16 : i32
        %mul3A_1108 = arith.muli %while3A_1105, %mul3A_1107 : i32
        %dma_start3A_1109 = arith.constant 0 : i32
        %dma_start3A_1110 = tpu.memref_slice %arg14[%mul3A_1108, %dma_start3A_1109] : memref<256x128xf32, #tpu.memory_space<vmem>> -> memref<16x128xf32, #tpu.memory_space<vmem>>
        %dma_start3A_1111 = arith.constant 0 : i32
        %dma_start3A_1112 = tpu.memref_slice %arg13[%while3A_1105, %dma_start3A_1111] : memref<16x16xi32, #tpu.memory_space<vmem>> -> memref<1x16xi32, #tpu.memory_space<vmem>>
        %dma_start3A_1113 = tpu.memref_squeeze %dma_start3A_1112 : memref<1x16xi32, #tpu.memory_space<vmem>> -> memref<16xi32, #tpu.memory_space<vmem>>
        %dma_start3A_1114 = arith.constant 0 : i32
        %dma_start3A_1115 = arith.constant 0 : i32
        %dma_start3A_1116 = tpu.memref_slice %arg5[%dma_start3A_1114, %dma_start3A_1115] : memref<49664x128xf32, #tpu.memory_space<hbm>> -> memref<49664x128xf32, #tpu.memory_space<hbm>>
        tpu.enqueue_indirect_dma source(%dma_start3A_1110 : memref<16x128xf32, #tpu.memory_space<vmem>>) target(%dma_start3A_1116 : memref<49664x128xf32, #tpu.memory_space<hbm>>) offsets(%dma_start3A_1113 : memref<16xi32, #tpu.memory_space<vmem>>) semaphore(%arg17 : memref<!tpu.dma_semaphore, #tpu.memory_space<semaphore_mem>>)
        %while3A_1117 = arith.constant 0 : i32
        scf.yield %while3A_1117 : i32
      }
      %add3A_1039 = arith.constant 2 : i32
      %add3A_1040 = arith.addi %add3A_694, %add3A_1039 : i32
      %mul3A_1041 = arith.constant 1024 : i32
      %mul3A_1042 = arith.muli %add3A_1040, %mul3A_1041 : i32
      %add3A_1043 = arith.addi %mul3A_48, %mul3A_1042 : i32
      %sub3A_1044 = arith.constant 1024 : i32
      %sub3A_1045 = arith.subi %mul3A_50, %sub3A_1044 : i32
      %min3A_1046 = arith.minsi %add3A_1043, %sub3A_1045 : i32
      %jit3A_1047 = arith.constant 2 : i32
      %eq3A_1048 = arith.constant 0 : i32
      %eq3A_1049 = arith.cmpi eq, %jit3A_1047, %eq3A_1048 : i32
      %jit3A_1050 = arith.constant 1 : i32
      %select_n3A_1051 = arith.select %eq3A_1049, %jit3A_1050, %jit3A_1047 : i32
      %rem3A_1052 = arith.remsi %add3A_1040, %select_n3A_1051 : i32
      %ne3A_1053 = arith.constant 0 : i32
      %ne3A_1054 = arith.cmpi ne, %rem3A_1052, %ne3A_1053 : i32
      %lt3A_1055 = arith.constant 0 : i32
      %lt3A_1056 = arith.cmpi slt, %rem3A_1052, %lt3A_1055 : i32
      %lt3A_1057 = arith.constant 0 : i32
      %lt3A_1058 = arith.cmpi slt, %select_n3A_1051, %lt3A_1057 : i32
      %ne3A_1059 = arith.xori %lt3A_1056, %lt3A_1058 : i1
      %and3A_1060 = arith.andi %ne3A_1059, %ne3A_1054 : i1
      %add3A_1061 = arith.addi %rem3A_1052, %select_n3A_1051 : i32
      %select_n3A_1062 = arith.select %and3A_1060, %add3A_1061, %rem3A_1052 : i32
      %mul3A_1063 = arith.constant 32 : i32
      %mul3A_1064 = arith.muli %select_n3A_1062, %mul3A_1063 : i32
      %add3A_1065 = arith.constant 0 : i32
      %add3A_1066 = arith.addi %mul3A_1064, %add3A_1065 : i32
      %dma_start3A_1067 = arith.constant 0 : i32
      %dma_start3A_1068 = tpu.memref_slice %arg9[%add3A_1066, %dma_start3A_1067] : memref<64x1024xf32, #tpu.memory_space<vmem>> -> memref<8x1024xf32, #tpu.memory_space<vmem>>
      %dma_start3A_1069 = arith.constant 0 : i32
      %dma_start3A_1070 = tpu.memref_slice %arg3[%dma_start3A_1069, %min3A_1046] : memref<32x1000000xf32, #tpu.memory_space<hbm>> -> memref<8x1024xf32, #tpu.memory_space<hbm>>
      %dma_start3A_1071 = arith.constant 0 : i32
      %dma_start3A_1072 = tpu.memref_slice %arg9[%add3A_1066, %dma_start3A_1071] : memref<64x1024xf32, #tpu.memory_space<vmem>> -> memref<8x1024xf32, #tpu.memory_space<vmem>>
      %dma_start3A_1073 = arith.constant 0 : i32
      %dma_start3A_1074 = tpu.memref_slice %arg3[%dma_start3A_1073, %min3A_1046] : memref<32x1000000xf32, #tpu.memory_space<hbm>> -> memref<8x1024xf32, #tpu.memory_space<hbm>>
      tpu.enqueue_dma source(%dma_start3A_1074 : memref<8x1024xf32, #tpu.memory_space<hbm>>) target(%dma_start3A_1072 : memref<8x1024xf32, #tpu.memory_space<vmem>>) target_semaphore(%arg16 : memref<!tpu.dma_semaphore, #tpu.memory_space<semaphore_mem>>)
      %add3A_1075 = arith.constant 8 : i32
      %add3A_1076 = arith.addi %mul3A_1064, %add3A_1075 : i32
      %dma_start3A_1077 = arith.constant 0 : i32
      %dma_start3A_1078 = tpu.memref_slice %arg9[%add3A_1076, %dma_start3A_1077] : memref<64x1024xf32, #tpu.memory_space<vmem>> -> memref<8x1024xf32, #tpu.memory_space<vmem>>
      %dma_start3A_1079 = arith.constant 8 : i32
      %dma_start3A_1080 = tpu.memref_slice %arg3[%dma_start3A_1079, %min3A_1046] : memref<32x1000000xf32, #tpu.memory_space<hbm>> -> memref<8x1024xf32, #tpu.memory_space<hbm>>
      %dma_start3A_1081 = arith.constant 0 : i32
      %dma_start3A_1082 = tpu.memref_slice %arg9[%add3A_1076, %dma_start3A_1081] : memref<64x1024xf32, #tpu.memory_space<vmem>> -> memref<8x1024xf32, #tpu.memory_space<vmem>>
      %dma_start3A_1083 = arith.constant 8 : i32
      %dma_start3A_1084 = tpu.memref_slice %arg3[%dma_start3A_1083, %min3A_1046] : memref<32x1000000xf32, #tpu.memory_space<hbm>> -> memref<8x1024xf32, #tpu.memory_space<hbm>>
      tpu.enqueue_dma source(%dma_start3A_1084 : memref<8x1024xf32, #tpu.memory_space<hbm>>) target(%dma_start3A_1082 : memref<8x1024xf32, #tpu.memory_space<vmem>>) target_semaphore(%arg16 : memref<!tpu.dma_semaphore, #tpu.memory_space<semaphore_mem>>)
      %add3A_1085 = arith.constant 16 : i32
      %add3A_1086 = arith.addi %mul3A_1064, %add3A_1085 : i32
      %dma_start3A_1087 = arith.constant 0 : i32
      %dma_start3A_1088 = tpu.memref_slice %arg9[%add3A_1086, %dma_start3A_1087] : memref<64x1024xf32, #tpu.memory_space<vmem>> -> memref<8x1024xf32, #tpu.memory_space<vmem>>
      %dma_start3A_1089 = arith.constant 16 : i32
      %dma_start3A_1090 = tpu.memref_slice %arg3[%dma_start3A_1089, %min3A_1046] : memref<32x1000000xf32, #tpu.memory_space<hbm>> -> memref<8x1024xf32, #tpu.memory_space<hbm>>
      %dma_start3A_1091 = arith.constant 0 : i32
      %dma_start3A_1092 = tpu.memref_slice %arg9[%add3A_1086, %dma_start3A_1091] : memref<64x1024xf32, #tpu.memory_space<vmem>> -> memref<8x1024xf32, #tpu.memory_space<vmem>>
      %dma_start3A_1093 = arith.constant 16 : i32
      %dma_start3A_1094 = tpu.memref_slice %arg3[%dma_start3A_1093, %min3A_1046] : memref<32x1000000xf32, #tpu.memory_space<hbm>> -> memref<8x1024xf32, #tpu.memory_space<hbm>>
      tpu.enqueue_dma source(%dma_start3A_1094 : memref<8x1024xf32, #tpu.memory_space<hbm>>) target(%dma_start3A_1092 : memref<8x1024xf32, #tpu.memory_space<vmem>>) target_semaphore(%arg16 : memref<!tpu.dma_semaphore, #tpu.memory_space<semaphore_mem>>)
      %add3A_1095 = arith.constant 24 : i32
      %add3A_1096 = arith.addi %mul3A_1064, %add3A_1095 : i32
      %dma_start3A_1097 = arith.constant 0 : i32
      %dma_start3A_1098 = tpu.memref_slice %arg9[%add3A_1096, %dma_start3A_1097] : memref<64x1024xf32, #tpu.memory_space<vmem>> -> memref<8x1024xf32, #tpu.memory_space<vmem>>
      %dma_start3A_1099 = arith.constant 24 : i32
      %dma_start3A_1100 = tpu.memref_slice %arg3[%dma_start3A_1099, %min3A_1046] : memref<32x1000000xf32, #tpu.memory_space<hbm>> -> memref<8x1024xf32, #tpu.memory_space<hbm>>
      %dma_start3A_1101 = arith.constant 0 : i32
      %dma_start3A_1102 = tpu.memref_slice %arg9[%add3A_1096, %dma_start3A_1101] : memref<64x1024xf32, #tpu.memory_space<vmem>> -> memref<8x1024xf32, #tpu.memory_space<vmem>>
      %dma_start3A_1103 = arith.constant 24 : i32
      %dma_start3A_1104 = tpu.memref_slice %arg3[%dma_start3A_1103, %min3A_1046] : memref<32x1000000xf32, #tpu.memory_space<hbm>> -> memref<8x1024xf32, #tpu.memory_space<hbm>>
      tpu.enqueue_dma source(%dma_start3A_1104 : memref<8x1024xf32, #tpu.memory_space<hbm>>) target(%dma_start3A_1102 : memref<8x1024xf32, #tpu.memory_space<vmem>>) target_semaphore(%arg16 : memref<!tpu.dma_semaphore, #tpu.memory_space<semaphore_mem>>)
      scf.yield %select_n3A_1014 : i32
    }
    %scan3A_246 = arith.constant 16 : i32
    %dma_wait3A = arith.constant 0 : i32
    %dma_wait3A_247 = arith.constant 0 : i32
    %dma_wait3A_248 = tpu.memref_slice %arg9[%dma_wait3A, %dma_wait3A_247] : memref<64x1024xf32, #tpu.memory_space<vmem>> -> memref<32x1024xf32, #tpu.memory_space<vmem>>
    %dma_wait3A_249 = arith.constant 0 : i32
    %dma_wait3A_250 = arith.constant 0 : i32
    %dma_wait3A_251 = tpu.memref_slice %arg3[%dma_wait3A_249, %dma_wait3A_250] : memref<32x1000000xf32, #tpu.memory_space<hbm>> -> memref<32x1024xf32, #tpu.memory_space<hbm>>
    %dma_wait3A_252 = arith.constant 0 : i32
    %dma_wait3A_253 = arith.constant 0 : i32
    %dma_wait3A_254 = tpu.memref_slice %arg9[%dma_wait3A_252, %dma_wait3A_253] : memref<64x1024xf32, #tpu.memory_space<vmem>> -> memref<32x1024xf32, #tpu.memory_space<vmem>>
    %dma_wait3A_255 = arith.constant 0 : i32
    %dma_wait3A_256 = arith.constant 0 : i32
    %dma_wait3A_257 = tpu.memref_slice %arg3[%dma_wait3A_255, %dma_wait3A_256] : memref<32x1000000xf32, #tpu.memory_space<hbm>> -> memref<32x1024xf32, #tpu.memory_space<hbm>>
    tpu.wait_dma2 semaphore(%arg15 : memref<!tpu.dma_semaphore, #tpu.memory_space<semaphore_mem>>) src(%dma_wait3A_257 : memref<32x1024xf32, #tpu.memory_space<hbm>>) dst(%dma_wait3A_254 : memref<32x1024xf32, #tpu.memory_space<vmem>>)
    %dma_wait3A_258 = arith.constant 0 : i32
    %dma_wait3A_259 = arith.constant 0 : i32
    %dma_wait3A_260 = tpu.memref_slice %arg9[%dma_wait3A_258, %dma_wait3A_259] : memref<64x1024xf32, #tpu.memory_space<vmem>> -> memref<32x1024xf32, #tpu.memory_space<vmem>>
    %dma_wait3A_261 = arith.constant 0 : i32
    %dma_wait3A_262 = arith.constant 0 : i32
    %dma_wait3A_263 = tpu.memref_slice %arg3[%dma_wait3A_261, %dma_wait3A_262] : memref<32x1000000xf32, #tpu.memory_space<hbm>> -> memref<32x1024xf32, #tpu.memory_space<hbm>>
    %dma_wait3A_264 = arith.constant 0 : i32
    %dma_wait3A_265 = arith.constant 0 : i32
    %dma_wait3A_266 = tpu.memref_slice %arg9[%dma_wait3A_264, %dma_wait3A_265] : memref<64x1024xf32, #tpu.memory_space<vmem>> -> memref<32x1024xf32, #tpu.memory_space<vmem>>
    %dma_wait3A_267 = arith.constant 0 : i32
    %dma_wait3A_268 = arith.constant 0 : i32
    %dma_wait3A_269 = tpu.memref_slice %arg3[%dma_wait3A_267, %dma_wait3A_268] : memref<32x1000000xf32, #tpu.memory_space<hbm>> -> memref<32x1024xf32, #tpu.memory_space<hbm>>
    tpu.wait_dma2 semaphore(%arg16 : memref<!tpu.dma_semaphore, #tpu.memory_space<semaphore_mem>>) src(%dma_wait3A_269 : memref<32x1024xf32, #tpu.memory_space<hbm>>) dst(%dma_wait3A_266 : memref<32x1024xf32, #tpu.memory_space<vmem>>)
    %while3A = arith.constant 0 : i32
    %while3A_270 = arith.constant 0 : i32
    %while3A_271 = arith.subi %scan3A_245, %while3A : i32
    %while3A_272 = arith.addi %while3A, %while3A_271 : i32
    %while3A_273 = arith.constant 1 : i32
    %while3A_274 = arith.divsi %while3A_271, %while3A_273 : i32
    %while3A_275 = arith.muli %while3A_274, %while3A_273 : i32
    %while3A_276 = arith.addi %while3A, %while3A_275 : i32
    %while3A_277 = arith.constant 1 : i32
    %while3A_278 = scf.for %while3A_282 = %while3A to %while3A_276 step %while3A_277 iter_args(%while3A_283 = %while3A_270) -> (i32)  : i32 {
      %dma_wait3A_284 = arith.constant 0 : i32
      %dma_wait3A_285 = arith.constant 0 : i32
      %dma_wait3A_286 = tpu.memref_slice %arg14[%dma_wait3A_284, %dma_wait3A_285] : memref<256x128xf32, #tpu.memory_space<vmem>> -> memref<16x128xf32, #tpu.memory_space<vmem>>
      %dma_wait3A_287 = arith.constant 0 : i32
      %dma_wait3A_288 = arith.constant 0 : i32
      %dma_wait3A_289 = tpu.memref_slice %arg5[%dma_wait3A_287, %dma_wait3A_288] : memref<49664x128xf32, #tpu.memory_space<hbm>> -> memref<16x128xf32, #tpu.memory_space<hbm>>
      %dma_wait3A_290 = arith.constant 0 : i32
      %dma_wait3A_291 = arith.constant 0 : i32
      %dma_wait3A_292 = tpu.memref_slice %arg14[%dma_wait3A_290, %dma_wait3A_291] : memref<256x128xf32, #tpu.memory_space<vmem>> -> memref<16x128xf32, #tpu.memory_space<vmem>>
      %dma_wait3A_293 = arith.constant 0 : i32
      %dma_wait3A_294 = arith.constant 0 : i32
      %dma_wait3A_295 = tpu.memref_slice %arg5[%dma_wait3A_293, %dma_wait3A_294] : memref<49664x128xf32, #tpu.memory_space<hbm>> -> memref<16x128xf32, #tpu.memory_space<hbm>>
      tpu.wait_dma2 semaphore(%arg17 : memref<!tpu.dma_semaphore, #tpu.memory_space<semaphore_mem>>) src(%dma_wait3A_295 : memref<16x128xf32, #tpu.memory_space<hbm>>) dst(%dma_wait3A_292 : memref<16x128xf32, #tpu.memory_space<vmem>>)
      %while3A_296 = arith.constant 0 : i32
      scf.yield %while3A_296 : i32
    }
    %while3A_279 = arith.constant 1 : i32
    %while3A_280 = scf.for %while3A_282 = %while3A_276 to %while3A_272 step %while3A_279 iter_args(%while3A_283 = %while3A_278) -> (i32)  : i32 {
      %dma_wait3A_284 = arith.constant 0 : i32
      %dma_wait3A_285 = arith.constant 0 : i32
      %dma_wait3A_286 = tpu.memref_slice %arg14[%dma_wait3A_284, %dma_wait3A_285] : memref<256x128xf32, #tpu.memory_space<vmem>> -> memref<16x128xf32, #tpu.memory_space<vmem>>
      %dma_wait3A_287 = arith.constant 0 : i32
      %dma_wait3A_288 = arith.constant 0 : i32
      %dma_wait3A_289 = tpu.memref_slice %arg5[%dma_wait3A_287, %dma_wait3A_288] : memref<49664x128xf32, #tpu.memory_space<hbm>> -> memref<16x128xf32, #tpu.memory_space<hbm>>
      %dma_wait3A_290 = arith.constant 0 : i32
      %dma_wait3A_291 = arith.constant 0 : i32
      %dma_wait3A_292 = tpu.memref_slice %arg14[%dma_wait3A_290, %dma_wait3A_291] : memref<256x128xf32, #tpu.memory_space<vmem>> -> memref<16x128xf32, #tpu.memory_space<vmem>>
      %dma_wait3A_293 = arith.constant 0 : i32
      %dma_wait3A_294 = arith.constant 0 : i32
      %dma_wait3A_295 = tpu.memref_slice %arg5[%dma_wait3A_293, %dma_wait3A_294] : memref<49664x128xf32, #tpu.memory_space<hbm>> -> memref<16x128xf32, #tpu.memory_space<hbm>>
      tpu.wait_dma2 semaphore(%arg17 : memref<!tpu.dma_semaphore, #tpu.memory_space<semaphore_mem>>) src(%dma_wait3A_295 : memref<16x128xf32, #tpu.memory_space<hbm>>) dst(%dma_wait3A_292 : memref<16x128xf32, #tpu.memory_space<vmem>>)
      %while3A_296 = arith.constant 0 : i32
      scf.yield %while3A_296 : i32
    }
    %gt3A = arith.cmpi sgt, %select_n3A_53, %mul3A_50 : i32
    %convert_element_type3A = arith.extui %gt3A : i1 to i32
    %cond3A = arith.constant 0 : i32
    %cond3A_281 = arith.cmpi ne, %convert_element_type3A, %cond3A : i32
    scf.if %cond3A_281 {
      "tpu.region"() ({
        %run_scoped3A = tpu.sem_alloc : memref<!tpu.dma_semaphore, #tpu.memory_space<semaphore_mem>>
        tpu.enqueue_dma source(%arg4 : memref<2048xf32, #tpu.memory_space<hbm>>) target(%arg10 : memref<2048xf32, #tpu.memory_space<vmem>>) target_semaphore(%run_scoped3A : memref<!tpu.dma_semaphore, #tpu.memory_space<semaphore_mem>>)
        tpu.wait_dma2 semaphore(%run_scoped3A : memref<!tpu.dma_semaphore, #tpu.memory_space<semaphore_mem>>) src(%arg4 : memref<2048xf32, #tpu.memory_space<hbm>>) dst(%arg10 : memref<2048xf32, #tpu.memory_space<vmem>>)
        tpu.yield
      }) : () -> ()
      %mul3A_282 = arith.constant 16 : i32
      %mul3A_283 = arith.muli %add3A, %mul3A_282 : i32
      %add3A_284 = arith.constant 49152 : i32
      %add3A_285 = arith.addi %add3A_284, %mul3A_283 : i32
      %add3A_286 = vector.broadcast %add3A_285 : i32 to vector<16xi32>
      %add3A_287 = arith.addi %add3A_286, %iota3A : vector<16xi32>
      %broadcast_in_dim3A = arith.constant 0 : i32
      %broadcast_in_dim3A_288 = vector.broadcast %broadcast_in_dim3A : i32 to vector<16xi32>
      %swap3A = arith.constant 0 : index
      %swap3A_289 = tpu.vector_load %arg11[%swap3A] {strides = array<i32>} : memref<256xi32, #tpu.memory_space<vmem>>, vector<16xi32>,
      tpu.vector_store %arg11[%swap3A], %broadcast_in_dim3A_288 {strides = array<i32>} : memref<256xi32, #tpu.memory_space<vmem>>, vector<16xi32>,
      %swap3A_290 = arith.constant 0 : index
      %swap3A_291 = tpu.vector_load %arg12[%swap3A_290] {strides = array<i32>} : memref<256xi32, #tpu.memory_space<vmem>>, vector<16xi32>,
      tpu.vector_store %arg12[%swap3A_290], %add3A_287 {strides = array<i32>} : memref<256xi32, #tpu.memory_space<vmem>>, vector<16xi32>,
      %broadcast_in_dim3A_292 = arith.constant 0 : i32
      %broadcast_in_dim3A_293 = vector.broadcast %broadcast_in_dim3A_292 : i32 to vector<16xi32>
      %swap3A_294 = arith.constant 16 : index
      %swap3A_295 = tpu.vector_load %arg11[%swap3A_294] {strides = array<i32>} : memref<256xi32, #tpu.memory_space<vmem>>, vector<16xi32>,
      tpu.vector_store %arg11[%swap3A_294], %broadcast_in_dim3A_293 {strides = array<i32>} : memref<256xi32, #tpu.memory_space<vmem>>, vector<16xi32>,
      %swap3A_296 = arith.constant 16 : index
      %swap3A_297 = tpu.vector_load %arg12[%swap3A_296] {strides = array<i32>} : memref<256xi32, #tpu.memory_space<vmem>>, vector<16xi32>,
      tpu.vector_store %arg12[%swap3A_296], %add3A_287 {strides = array<i32>} : memref<256xi32, #tpu.memory_space<vmem>>, vector<16xi32>,
      %broadcast_in_dim3A_298 = arith.constant 0 : i32
      %broadcast_in_dim3A_299 = vector.broadcast %broadcast_in_dim3A_298 : i32 to vector<16xi32>
      %swap3A_300 = arith.constant 32 : index
      %swap3A_301 = tpu.vector_load %arg11[%swap3A_300] {strides = array<i32>} : memref<256xi32, #tpu.memory_space<vmem>>, vector<16xi32>,
      tpu.vector_store %arg11[%swap3A_300], %broadcast_in_dim3A_299 {strides = array<i32>} : memref<256xi32, #tpu.memory_space<vmem>>, vector<16xi32>,
      %swap3A_302 = arith.constant 32 : index
      %swap3A_303 = tpu.vector_load %arg12[%swap3A_302] {strides = array<i32>} : memref<256xi32, #tpu.memory_space<vmem>>, vector<16xi32>,
      tpu.vector_store %arg12[%swap3A_302], %add3A_287 {strides = array<i32>} : memref<256xi32, #tpu.memory_space<vmem>>, vector<16xi32>,
      %broadcast_in_dim3A_304 = arith.constant 0 : i32
      %broadcast_in_dim3A_305 = vector.broadcast %broadcast_in_dim3A_304 : i32 to vector<16xi32>
      %swap3A_306 = arith.constant 48 : index
      %swap3A_307 = tpu.vector_load %arg11[%swap3A_306] {strides = array<i32>} : memref<256xi32, #tpu.memory_space<vmem>>, vector<16xi32>,
      tpu.vector_store %arg11[%swap3A_306], %broadcast_in_dim3A_305 {strides = array<i32>} : memref<256xi32, #tpu.memory_space<vmem>>, vector<16xi32>,
      %swap3A_308 = arith.constant 48 : index
      %swap3A_309 = tpu.vector_load %arg12[%swap3A_308] {strides = array<i32>} : memref<256xi32, #tpu.memory_space<vmem>>, vector<16xi32>,
      tpu.vector_store %arg12[%swap3A_308], %add3A_287 {strides = array<i32>} : memref<256xi32, #tpu.memory_space<vmem>>, vector<16xi32>,
      %broadcast_in_dim3A_310 = arith.constant 0 : i32
      %broadcast_in_dim3A_311 = vector.broadcast %broadcast_in_dim3A_310 : i32 to vector<16xi32>
      %swap3A_312 = arith.constant 64 : index
      %swap3A_313 = tpu.vector_load %arg11[%swap3A_312] {strides = array<i32>} : memref<256xi32, #tpu.memory_space<vmem>>, vector<16xi32>,
      tpu.vector_store %arg11[%swap3A_312], %broadcast_in_dim3A_311 {strides = array<i32>} : memref<256xi32, #tpu.memory_space<vmem>>, vector<16xi32>,
      %swap3A_314 = arith.constant 64 : index
      %swap3A_315 = tpu.vector_load %arg12[%swap3A_314] {strides = array<i32>} : memref<256xi32, #tpu.memory_space<vmem>>, vector<16xi32>,
      tpu.vector_store %arg12[%swap3A_314], %add3A_287 {strides = array<i32>} : memref<256xi32, #tpu.memory_space<vmem>>, vector<16xi32>,
      %broadcast_in_dim3A_316 = arith.constant 0 : i32
      %broadcast_in_dim3A_317 = vector.broadcast %broadcast_in_dim3A_316 : i32 to vector<16xi32>
      %swap3A_318 = arith.constant 80 : index
      %swap3A_319 = tpu.vector_load %arg11[%swap3A_318] {strides = array<i32>} : memref<256xi32, #tpu.memory_space<vmem>>, vector<16xi32>,
      tpu.vector_store %arg11[%swap3A_318], %broadcast_in_dim3A_317 {strides = array<i32>} : memref<256xi32, #tpu.memory_space<vmem>>, vector<16xi32>,
      %swap3A_320 = arith.constant 80 : index
      %swap3A_321 = tpu.vector_load %arg12[%swap3A_320] {strides = array<i32>} : memref<256xi32, #tpu.memory_space<vmem>>, vector<16xi32>,
      tpu.vector_store %arg12[%swap3A_320], %add3A_287 {strides = array<i32>} : memref<256xi32, #tpu.memory_space<vmem>>, vector<16xi32>,
      %broadcast_in_dim3A_322 = arith.constant 0 : i32
      %broadcast_in_dim3A_323 = vector.broadcast %broadcast_in_dim3A_322 : i32 to vector<16xi32>
      %swap3A_324 = arith.constant 96 : index
      %swap3A_325 = tpu.vector_load %arg11[%swap3A_324] {strides = array<i32>} : memref<256xi32, #tpu.memory_space<vmem>>, vector<16xi32>,
      tpu.vector_store %arg11[%swap3A_324], %broadcast_in_dim3A_323 {strides = array<i32>} : memref<256xi32, #tpu.memory_space<vmem>>, vector<16xi32>,
      %swap3A_326 = arith.constant 96 : index
      %swap3A_327 = tpu.vector_load %arg12[%swap3A_326] {strides = array<i32>} : memref<256xi32, #tpu.memory_space<vmem>>, vector<16xi32>,
      tpu.vector_store %arg12[%swap3A_326], %add3A_287 {strides = array<i32>} : memref<256xi32, #tpu.memory_space<vmem>>, vector<16xi32>,
      %broadcast_in_dim3A_328 = arith.constant 0 : i32
      %broadcast_in_dim3A_329 = vector.broadcast %broadcast_in_dim3A_328 : i32 to vector<16xi32>
      %swap3A_330 = arith.constant 112 : index
      %swap3A_331 = tpu.vector_load %arg11[%swap3A_330] {strides = array<i32>} : memref<256xi32, #tpu.memory_space<vmem>>, vector<16xi32>,
      tpu.vector_store %arg11[%swap3A_330], %broadcast_in_dim3A_329 {strides = array<i32>} : memref<256xi32, #tpu.memory_space<vmem>>, vector<16xi32>,
      %swap3A_332 = arith.constant 112 : index
      %swap3A_333 = tpu.vector_load %arg12[%swap3A_332] {strides = array<i32>} : memref<256xi32, #tpu.memory_space<vmem>>, vector<16xi32>,
      tpu.vector_store %arg12[%swap3A_332], %add3A_287 {strides = array<i32>} : memref<256xi32, #tpu.memory_space<vmem>>, vector<16xi32>,
      %broadcast_in_dim3A_334 = arith.constant 0 : i32
      %broadcast_in_dim3A_335 = vector.broadcast %broadcast_in_dim3A_334 : i32 to vector<16xi32>
      %swap3A_336 = arith.constant 128 : index
      %swap3A_337 = tpu.vector_load %arg11[%swap3A_336] {strides = array<i32>} : memref<256xi32, #tpu.memory_space<vmem>>, vector<16xi32>,
      tpu.vector_store %arg11[%swap3A_336], %broadcast_in_dim3A_335 {strides = array<i32>} : memref<256xi32, #tpu.memory_space<vmem>>, vector<16xi32>,
      %swap3A_338 = arith.constant 128 : index
      %swap3A_339 = tpu.vector_load %arg12[%swap3A_338] {strides = array<i32>} : memref<256xi32, #tpu.memory_space<vmem>>, vector<16xi32>,
      tpu.vector_store %arg12[%swap3A_338], %add3A_287 {strides = array<i32>} : memref<256xi32, #tpu.memory_space<vmem>>, vector<16xi32>,
      %broadcast_in_dim3A_340 = arith.constant 0 : i32
      %broadcast_in_dim3A_341 = vector.broadcast %broadcast_in_dim3A_340 : i32 to vector<16xi32>
      %swap3A_342 = arith.constant 144 : index
      %swap3A_343 = tpu.vector_load %arg11[%swap3A_342] {strides = array<i32>} : memref<256xi32, #tpu.memory_space<vmem>>, vector<16xi32>,
      tpu.vector_store %arg11[%swap3A_342], %broadcast_in_dim3A_341 {strides = array<i32>} : memref<256xi32, #tpu.memory_space<vmem>>, vector<16xi32>,
      %swap3A_344 = arith.constant 144 : index
      %swap3A_345 = tpu.vector_load %arg12[%swap3A_344] {strides = array<i32>} : memref<256xi32, #tpu.memory_space<vmem>>, vector<16xi32>,
      tpu.vector_store %arg12[%swap3A_344], %add3A_287 {strides = array<i32>} : memref<256xi32, #tpu.memory_space<vmem>>, vector<16xi32>,
      %broadcast_in_dim3A_346 = arith.constant 0 : i32
      %broadcast_in_dim3A_347 = vector.broadcast %broadcast_in_dim3A_346 : i32 to vector<16xi32>
      %swap3A_348 = arith.constant 160 : index
      %swap3A_349 = tpu.vector_load %arg11[%swap3A_348] {strides = array<i32>} : memref<256xi32, #tpu.memory_space<vmem>>, vector<16xi32>,
      tpu.vector_store %arg11[%swap3A_348], %broadcast_in_dim3A_347 {strides = array<i32>} : memref<256xi32, #tpu.memory_space<vmem>>, vector<16xi32>,
      %swap3A_350 = arith.constant 160 : index
      %swap3A_351 = tpu.vector_load %arg12[%swap3A_350] {strides = array<i32>} : memref<256xi32, #tpu.memory_space<vmem>>, vector<16xi32>,
      tpu.vector_store %arg12[%swap3A_350], %add3A_287 {strides = array<i32>} : memref<256xi32, #tpu.memory_space<vmem>>, vector<16xi32>,
      %broadcast_in_dim3A_352 = arith.constant 0 : i32
      %broadcast_in_dim3A_353 = vector.broadcast %broadcast_in_dim3A_352 : i32 to vector<16xi32>
      %swap3A_354 = arith.constant 176 : index
      %swap3A_355 = tpu.vector_load %arg11[%swap3A_354] {strides = array<i32>} : memref<256xi32, #tpu.memory_space<vmem>>, vector<16xi32>,
      tpu.vector_store %arg11[%swap3A_354], %broadcast_in_dim3A_353 {strides = array<i32>} : memref<256xi32, #tpu.memory_space<vmem>>, vector<16xi32>,
      %swap3A_356 = arith.constant 176 : index
      %swap3A_357 = tpu.vector_load %arg12[%swap3A_356] {strides = array<i32>} : memref<256xi32, #tpu.memory_space<vmem>>, vector<16xi32>,
      tpu.vector_store %arg12[%swap3A_356], %add3A_287 {strides = array<i32>} : memref<256xi32, #tpu.memory_space<vmem>>, vector<16xi32>,
      %broadcast_in_dim3A_358 = arith.constant 0 : i32
      %broadcast_in_dim3A_359 = vector.broadcast %broadcast_in_dim3A_358 : i32 to vector<16xi32>
      %swap3A_360 = arith.constant 192 : index
      %swap3A_361 = tpu.vector_load %arg11[%swap3A_360] {strides = array<i32>} : memref<256xi32, #tpu.memory_space<vmem>>, vector<16xi32>,
      tpu.vector_store %arg11[%swap3A_360], %broadcast_in_dim3A_359 {strides = array<i32>} : memref<256xi32, #tpu.memory_space<vmem>>, vector<16xi32>,
      %swap3A_362 = arith.constant 192 : index
      %swap3A_363 = tpu.vector_load %arg12[%swap3A_362] {strides = array<i32>} : memref<256xi32, #tpu.memory_space<vmem>>, vector<16xi32>,
      tpu.vector_store %arg12[%swap3A_362], %add3A_287 {strides = array<i32>} : memref<256xi32, #tpu.memory_space<vmem>>, vector<16xi32>,
      %broadcast_in_dim3A_364 = arith.constant 0 : i32
      %broadcast_in_dim3A_365 = vector.broadcast %broadcast_in_dim3A_364 : i32 to vector<16xi32>
      %swap3A_366 = arith.constant 208 : index
      %swap3A_367 = tpu.vector_load %arg11[%swap3A_366] {strides = array<i32>} : memref<256xi32, #tpu.memory_space<vmem>>, vector<16xi32>,
      tpu.vector_store %arg11[%swap3A_366], %broadcast_in_dim3A_365 {strides = array<i32>} : memref<256xi32, #tpu.memory_space<vmem>>, vector<16xi32>,
      %swap3A_368 = arith.constant 208 : index
      %swap3A_369 = tpu.vector_load %arg12[%swap3A_368] {strides = array<i32>} : memref<256xi32, #tpu.memory_space<vmem>>, vector<16xi32>,
      tpu.vector_store %arg12[%swap3A_368], %add3A_287 {strides = array<i32>} : memref<256xi32, #tpu.memory_space<vmem>>, vector<16xi32>,
      %broadcast_in_dim3A_370 = arith.constant 0 : i32
      %broadcast_in_dim3A_371 = vector.broadcast %broadcast_in_dim3A_370 : i32 to vector<16xi32>
      %swap3A_372 = arith.constant 224 : index
      %swap3A_373 = tpu.vector_load %arg11[%swap3A_372] {strides = array<i32>} : memref<256xi32, #tpu.memory_space<vmem>>, vector<16xi32>,
      tpu.vector_store %arg11[%swap3A_372], %broadcast_in_dim3A_371 {strides = array<i32>} : memref<256xi32, #tpu.memory_space<vmem>>, vector<16xi32>,
      %swap3A_374 = arith.constant 224 : index
      %swap3A_375 = tpu.vector_load %arg12[%swap3A_374] {strides = array<i32>} : memref<256xi32, #tpu.memory_space<vmem>>, vector<16xi32>,
      tpu.vector_store %arg12[%swap3A_374], %add3A_287 {strides = array<i32>} : memref<256xi32, #tpu.memory_space<vmem>>, vector<16xi32>,
      %broadcast_in_dim3A_376 = arith.constant 0 : i32
      %broadcast_in_dim3A_377 = vector.broadcast %broadcast_in_dim3A_376 : i32 to vector<16xi32>
      %swap3A_378 = arith.constant 240 : index
      %swap3A_379 = tpu.vector_load %arg11[%swap3A_378] {strides = array<i32>} : memref<256xi32, #tpu.memory_space<vmem>>, vector<16xi32>,
      tpu.vector_store %arg11[%swap3A_378], %broadcast_in_dim3A_377 {strides = array<i32>} : memref<256xi32, #tpu.memory_space<vmem>>, vector<16xi32>,
      %swap3A_380 = arith.constant 240 : index
      %swap3A_381 = tpu.vector_load %arg12[%swap3A_380] {strides = array<i32>} : memref<256xi32, #tpu.memory_space<vmem>>, vector<16xi32>,
      tpu.vector_store %arg12[%swap3A_380], %add3A_287 {strides = array<i32>} : memref<256xi32, #tpu.memory_space<vmem>>, vector<16xi32>,
      %add3A_382 = arith.constant 3 : i32
      %add3A_383 = arith.addi %select_n3A_239, %add3A_382 : i32
      %jit3A_384 = arith.constant 4 : i32
      %div3A_385 = arith.divsi %add3A_383, %jit3A_384 : i32
      %sign3A_386 = arith.constant 0 : i32
      %sign3A_387 = arith.cmpi sgt, %add3A_383, %sign3A_386 : i32
      %sign3A_388 = arith.extui %sign3A_387 : i1 to i32
      %sign3A_389 = arith.constant 0 : i32
      %sign3A_390 = arith.cmpi slt, %add3A_383, %sign3A_389 : i32
      %sign3A_391 = arith.extui %sign3A_390 : i1 to i32
      %sign3A_392 = arith.subi %sign3A_388, %sign3A_391 : i32
      %sign3A_393 = arith.constant 0 : i32
      %sign3A_394 = arith.cmpi sgt, %jit3A_384, %sign3A_393 : i32
      %sign3A_395 = arith.extui %sign3A_394 : i1 to i32
      %sign3A_396 = arith.constant 0 : i32
      %sign3A_397 = arith.cmpi slt, %jit3A_384, %sign3A_396 : i32
      %sign3A_398 = arith.extui %sign3A_397 : i1 to i32
      %sign3A_399 = arith.subi %sign3A_395, %sign3A_398 : i32
      %ne3A_400 = arith.cmpi ne, %sign3A_392, %sign3A_399 : i32
      %rem3A_401 = arith.remsi %add3A_383, %jit3A_384 : i32
      %ne3A_402 = arith.constant 0 : i32
      %ne3A_403 = arith.cmpi ne, %rem3A_401, %ne3A_402 : i32
      %and3A_404 = arith.andi %ne3A_400, %ne3A_403 : i1
      %sub3A_405 = arith.constant 1 : i32
      %sub3A_406 = arith.subi %div3A_385, %sub3A_405 : i32
      %select_n3A_407 = arith.select %and3A_404, %sub3A_406, %div3A_385 : i32
      %while3A_408 = arith.constant 999936 : i32
      %while3A_409 = arith.constant 1000000 : i32
      %while3A_410 = arith.constant 999936 : i32
      %while3A_411 = arith.constant 0 : i32
      %while3A_412 = arith.constant 0 : i32
      %while3A_413 = arith.subi %select_n3A_407, %while3A_411 : i32
      %while3A_414 = arith.addi %while3A_411, %while3A_413 : i32
      %while3A_415 = arith.constant 1 : i32
      %while3A_416 = arith.divsi %while3A_413, %while3A_415 : i32
      %while3A_417 = arith.muli %while3A_416, %while3A_415 : i32
      %while3A_418 = arith.addi %while3A_411, %while3A_417 : i32
      %while3A_419 = arith.constant 1 : i32
      %while3A_420 = scf.for %while3A_580 = %while3A_411 to %while3A_418 step %while3A_419 iter_args(%while3A_581 = %while3A_412) -> (i32)  : i32 {
        %mul3A_582 = arith.constant 4 : i32
        %mul3A_583 = arith.muli %while3A_580, %mul3A_582 : i32
        %add3A_584 = arith.constant 0 : i32
        %add3A_585 = arith.addi %mul3A_583, %add3A_584 : i32
        %mul3A_586 = arith.constant 16 : i32
        %mul3A_587 = arith.muli %add3A_585, %mul3A_586 : i32
        %get3A_588 = arith.index_cast %mul3A_587 : i32 to index
        %get3A_589 = tpu.vector_load %arg7[%get3A_588] {strides = array<i32>} : memref<2112xi32, #tpu.memory_space<vmem>>, vector<16xi32>,
        %mul3A_590 = arith.constant 4 : i32
        %mul3A_591 = arith.muli %while3A_580, %mul3A_590 : i32
        %add3A_592 = arith.constant 0 : i32
        %add3A_593 = arith.addi %mul3A_591, %add3A_592 : i32
        %mul3A_594 = arith.constant 16 : i32
        %mul3A_595 = arith.muli %add3A_593, %mul3A_594 : i32
        %get3A_596 = arith.index_cast %mul3A_595 : i32 to index
        %get3A_597 = tpu.vector_load %arg8[%get3A_596] {strides = array<i32>} : memref<2112xi32, #tpu.memory_space<vmem>>, vector<16xi32>,
        %ge3A = vector.broadcast %while3A_408 : i32 to vector<16xi32>
        %ge3A_598 = arith.cmpi sge, %get3A_589, %ge3A : vector<16xi32>
        %lt3A_599 = vector.broadcast %while3A_409 : i32 to vector<16xi32>
        %lt3A_600 = arith.cmpi slt, %get3A_589, %lt3A_599 : vector<16xi32>
        %and3A_601 = arith.andi %ge3A_598, %lt3A_600 : vector<16xi1>
        %jit3A_602 = arith.constant 1 : i32
        %jit3A_603 = arith.constant 0 : i32
        %broadcast_in_dim3A_604 = vector.broadcast %jit3A_602 : i32 to vector<16xi32>
        %broadcast_in_dim3A_605 = vector.broadcast %jit3A_603 : i32 to vector<16xi32>
        %select_n3A_606 = arith.select %and3A_601, %broadcast_in_dim3A_604, %broadcast_in_dim3A_605 : vector<16xi1>, vector<16xi32>
        %broadcast_in_dim3A_607 = arith.constant true
        %broadcast_in_dim3A_608 = vector.broadcast %broadcast_in_dim3A_607 : i1 to vector<16xi1>
        %masked_cumsum3A = tpu.scan <sum>, %select_n3A_606 masked %broadcast_in_dim3A_608 : vector<16xi32>, vector<16xi1> -> vector<16xi32>
        %mul3A_609 = arith.constant 4 : i32
        %mul3A_610 = arith.muli %while3A_580, %mul3A_609 : i32
        %add3A_611 = arith.constant 1 : i32
        %add3A_612 = arith.addi %mul3A_610, %add3A_611 : i32
        %mul3A_613 = arith.constant 16 : i32
        %mul3A_614 = arith.muli %add3A_612, %mul3A_613 : i32
        %get3A_615 = arith.index_cast %mul3A_614 : i32 to index
        %get3A_616 = tpu.vector_load %arg7[%get3A_615] {strides = array<i32>} : memref<2112xi32, #tpu.memory_space<vmem>>, vector<16xi32>,
        %mul3A_617 = arith.constant 4 : i32
        %mul3A_618 = arith.muli %while3A_580, %mul3A_617 : i32
        %add3A_619 = arith.constant 1 : i32
        %add3A_620 = arith.addi %mul3A_618, %add3A_619 : i32
        %mul3A_621 = arith.constant 16 : i32
        %mul3A_622 = arith.muli %add3A_620, %mul3A_621 : i32
        %get3A_623 = arith.index_cast %mul3A_622 : i32 to index
        %get3A_624 = tpu.vector_load %arg8[%get3A_623] {strides = array<i32>} : memref<2112xi32, #tpu.memory_space<vmem>>, vector<16xi32>,
        %ge3A_625 = vector.broadcast %while3A_408 : i32 to vector<16xi32>
        %ge3A_626 = arith.cmpi sge, %get3A_616, %ge3A_625 : vector<16xi32>
        %lt3A_627 = vector.broadcast %while3A_409 : i32 to vector<16xi32>
        %lt3A_628 = arith.cmpi slt, %get3A_616, %lt3A_627 : vector<16xi32>
        %and3A_629 = arith.andi %ge3A_626, %lt3A_628 : vector<16xi1>
        %jit3A_630 = arith.constant 1 : i32
        %jit3A_631 = arith.constant 0 : i32
        %broadcast_in_dim3A_632 = vector.broadcast %jit3A_630 : i32 to vector<16xi32>
        %broadcast_in_dim3A_633 = vector.broadcast %jit3A_631 : i32 to vector<16xi32>
        %select_n3A_634 = arith.select %and3A_629, %broadcast_in_dim3A_632, %broadcast_in_dim3A_633 : vector<16xi1>, vector<16xi32>
        %broadcast_in_dim3A_635 = arith.constant true
        %broadcast_in_dim3A_636 = vector.broadcast %broadcast_in_dim3A_635 : i1 to vector<16xi1>
        %masked_cumsum3A_637 = tpu.scan <sum>, %select_n3A_634 masked %broadcast_in_dim3A_636 : vector<16xi32>, vector<16xi1> -> vector<16xi32>
        %mul3A_638 = arith.constant 4 : i32
        %mul3A_639 = arith.muli %while3A_580, %mul3A_638 : i32
        %add3A_640 = arith.constant 2 : i32
        %add3A_641 = arith.addi %mul3A_639, %add3A_640 : i32
        %mul3A_642 = arith.constant 16 : i32
        %mul3A_643 = arith.muli %add3A_641, %mul3A_642 : i32
        %get3A_644 = arith.index_cast %mul3A_643 : i32 to index
        %get3A_645 = tpu.vector_load %arg7[%get3A_644] {strides = array<i32>} : memref<2112xi32, #tpu.memory_space<vmem>>, vector<16xi32>,
        %mul3A_646 = arith.constant 4 : i32
        %mul3A_647 = arith.muli %while3A_580, %mul3A_646 : i32
        %add3A_648 = arith.constant 2 : i32
        %add3A_649 = arith.addi %mul3A_647, %add3A_648 : i32
        %mul3A_650 = arith.constant 16 : i32
        %mul3A_651 = arith.muli %add3A_649, %mul3A_650 : i32
        %get3A_652 = arith.index_cast %mul3A_651 : i32 to index
        %get3A_653 = tpu.vector_load %arg8[%get3A_652] {strides = array<i32>} : memref<2112xi32, #tpu.memory_space<vmem>>, vector<16xi32>,
        %ge3A_654 = vector.broadcast %while3A_408 : i32 to vector<16xi32>
        %ge3A_655 = arith.cmpi sge, %get3A_645, %ge3A_654 : vector<16xi32>
        %lt3A_656 = vector.broadcast %while3A_409 : i32 to vector<16xi32>
        %lt3A_657 = arith.cmpi slt, %get3A_645, %lt3A_656 : vector<16xi32>
        %and3A_658 = arith.andi %ge3A_655, %lt3A_657 : vector<16xi1>
        %jit3A_659 = arith.constant 1 : i32
        %jit3A_660 = arith.constant 0 : i32
        %broadcast_in_dim3A_661 = vector.broadcast %jit3A_659 : i32 to vector<16xi32>
        %broadcast_in_dim3A_662 = vector.broadcast %jit3A_660 : i32 to vector<16xi32>
        %select_n3A_663 = arith.select %and3A_658, %broadcast_in_dim3A_661, %broadcast_in_dim3A_662 : vector<16xi1>, vector<16xi32>
        %broadcast_in_dim3A_664 = arith.constant true
        %broadcast_in_dim3A_665 = vector.broadcast %broadcast_in_dim3A_664 : i1 to vector<16xi1>
        %masked_cumsum3A_666 = tpu.scan <sum>, %select_n3A_663 masked %broadcast_in_dim3A_665 : vector<16xi32>, vector<16xi1> -> vector<16xi32>
        %mul3A_667 = arith.constant 4 : i32
        %mul3A_668 = arith.muli %while3A_580, %mul3A_667 : i32
        %add3A_669 = arith.constant 3 : i32
        %add3A_670 = arith.addi %mul3A_668, %add3A_669 : i32
        %mul3A_671 = arith.constant 16 : i32
        %mul3A_672 = arith.muli %add3A_670, %mul3A_671 : i32
        %get3A_673 = arith.index_cast %mul3A_672 : i32 to index
        %get3A_674 = tpu.vector_load %arg7[%get3A_673] {strides = array<i32>} : memref<2112xi32, #tpu.memory_space<vmem>>, vector<16xi32>,
        %mul3A_675 = arith.constant 4 : i32
        %mul3A_676 = arith.muli %while3A_580, %mul3A_675 : i32
        %add3A_677 = arith.constant 3 : i32
        %add3A_678 = arith.addi %mul3A_676, %add3A_677 : i32
        %mul3A_679 = arith.constant 16 : i32
        %mul3A_680 = arith.muli %add3A_678, %mul3A_679 : i32
        %get3A_681 = arith.index_cast %mul3A_680 : i32 to index
        %get3A_682 = tpu.vector_load %arg8[%get3A_681] {strides = array<i32>} : memref<2112xi32, #tpu.memory_space<vmem>>, vector<16xi32>,
        %ge3A_683 = vector.broadcast %while3A_408 : i32 to vector<16xi32>
        %ge3A_684 = arith.cmpi sge, %get3A_674, %ge3A_683 : vector<16xi32>
        %lt3A_685 = vector.broadcast %while3A_409 : i32 to vector<16xi32>
        %lt3A_686 = arith.cmpi slt, %get3A_674, %lt3A_685 : vector<16xi32>
        %and3A_687 = arith.andi %ge3A_684, %lt3A_686 : vector<16xi1>
        %jit3A_688 = arith.constant 1 : i32
        %jit3A_689 = arith.constant 0 : i32
        %broadcast_in_dim3A_690 = vector.broadcast %jit3A_688 : i32 to vector<16xi32>
        %broadcast_in_dim3A_691 = vector.broadcast %jit3A_689 : i32 to vector<16xi32>
        %select_n3A_692 = arith.select %and3A_687, %broadcast_in_dim3A_690, %broadcast_in_dim3A_691 : vector<16xi1>, vector<16xi32>
        %broadcast_in_dim3A_693 = arith.constant true
        %broadcast_in_dim3A_694 = vector.broadcast %broadcast_in_dim3A_693 : i1 to vector<16xi1>
        %masked_cumsum3A_695 = tpu.scan <sum>, %select_n3A_692 masked %broadcast_in_dim3A_694 : vector<16xi32>, vector<16xi1> -> vector<16xi32>
        %add3A_696 = vector.broadcast %while3A_581 : i32 to vector<16xi32>
        %add3A_697 = arith.addi %add3A_696, %masked_cumsum3A : vector<16xi32>
        %sub3A_698 = arith.constant 1 : i32
        %sub3A_699 = vector.broadcast %sub3A_698 : i32 to vector<16xi32>
        %sub3A_700 = arith.subi %add3A_697, %sub3A_699 : vector<16xi32>
        %sub3A_701 = vector.broadcast %while3A_410 : i32 to vector<16xi32>
        %sub3A_702 = arith.subi %get3A_589, %sub3A_701 : vector<16xi32>
        tpu.vector_store_idx %arg11[%sub3A_700], %sub3A_702 masked %and3A_601 : memref<256xi32, #tpu.memory_space<vmem>>[vector<16xi32>], vector<16xi32>, vector<16xi1>
        tpu.vector_store_idx %arg12[%sub3A_700], %get3A_597 masked %and3A_601 : memref<256xi32, #tpu.memory_space<vmem>>[vector<16xi32>], vector<16xi32>, vector<16xi1>
        %slice3A = vector.extract_strided_slice %masked_cumsum3A {offsets = [15], sizes = [1], strides = [1]} : vector<16xi32> to vector<1xi32>
        %squeeze3A = vector.extract %slice3A[0] : i32 from vector<1xi32>
        %add3A_703 = arith.addi %while3A_581, %squeeze3A : i32
        %add3A_704 = vector.broadcast %add3A_703 : i32 to vector<16xi32>
        %add3A_705 = arith.addi %add3A_704, %masked_cumsum3A_637 : vector<16xi32>
        %sub3A_706 = arith.constant 1 : i32
        %sub3A_707 = vector.broadcast %sub3A_706 : i32 to vector<16xi32>
        %sub3A_708 = arith.subi %add3A_705, %sub3A_707 : vector<16xi32>
        %sub3A_709 = vector.broadcast %while3A_410 : i32 to vector<16xi32>
        %sub3A_710 = arith.subi %get3A_616, %sub3A_709 : vector<16xi32>
        tpu.vector_store_idx %arg11[%sub3A_708], %sub3A_710 masked %and3A_629 : memref<256xi32, #tpu.memory_space<vmem>>[vector<16xi32>], vector<16xi32>, vector<16xi1>
        tpu.vector_store_idx %arg12[%sub3A_708], %get3A_624 masked %and3A_629 : memref<256xi32, #tpu.memory_space<vmem>>[vector<16xi32>], vector<16xi32>, vector<16xi1>
        %slice3A_711 = vector.extract_strided_slice %masked_cumsum3A_637 {offsets = [15], sizes = [1], strides = [1]} : vector<16xi32> to vector<1xi32>
        %squeeze3A_712 = vector.extract %slice3A_711[0] : i32 from vector<1xi32>
        %add3A_713 = arith.addi %add3A_703, %squeeze3A_712 : i32
        %add3A_714 = vector.broadcast %add3A_713 : i32 to vector<16xi32>
        %add3A_715 = arith.addi %add3A_714, %masked_cumsum3A_666 : vector<16xi32>
        %sub3A_716 = arith.constant 1 : i32
        %sub3A_717 = vector.broadcast %sub3A_716 : i32 to vector<16xi32>
        %sub3A_718 = arith.subi %add3A_715, %sub3A_717 : vector<16xi32>
        %sub3A_719 = vector.broadcast %while3A_410 : i32 to vector<16xi32>
        %sub3A_720 = arith.subi %get3A_645, %sub3A_719 : vector<16xi32>
        tpu.vector_store_idx %arg11[%sub3A_718], %sub3A_720 masked %and3A_658 : memref<256xi32, #tpu.memory_space<vmem>>[vector<16xi32>], vector<16xi32>, vector<16xi1>
        tpu.vector_store_idx %arg12[%sub3A_718], %get3A_653 masked %and3A_658 : memref<256xi32, #tpu.memory_space<vmem>>[vector<16xi32>], vector<16xi32>, vector<16xi1>
        %slice3A_721 = vector.extract_strided_slice %masked_cumsum3A_666 {offsets = [15], sizes = [1], strides = [1]} : vector<16xi32> to vector<1xi32>
        %squeeze3A_722 = vector.extract %slice3A_721[0] : i32 from vector<1xi32>
        %add3A_723 = arith.addi %add3A_713, %squeeze3A_722 : i32
        %add3A_724 = vector.broadcast %add3A_723 : i32 to vector<16xi32>
        %add3A_725 = arith.addi %add3A_724, %masked_cumsum3A_695 : vector<16xi32>
        %sub3A_726 = arith.constant 1 : i32
        %sub3A_727 = vector.broadcast %sub3A_726 : i32 to vector<16xi32>
        %sub3A_728 = arith.subi %add3A_725, %sub3A_727 : vector<16xi32>
        %sub3A_729 = vector.broadcast %while3A_410 : i32 to vector<16xi32>
        %sub3A_730 = arith.subi %get3A_674, %sub3A_729 : vector<16xi32>
        tpu.vector_store_idx %arg11[%sub3A_728], %sub3A_730 masked %and3A_687 : memref<256xi32, #tpu.memory_space<vmem>>[vector<16xi32>], vector<16xi32>, vector<16xi1>
        tpu.vector_store_idx %arg12[%sub3A_728], %get3A_682 masked %and3A_687 : memref<256xi32, #tpu.memory_space<vmem>>[vector<16xi32>], vector<16xi32>, vector<16xi1>
        %slice3A_731 = vector.extract_strided_slice %masked_cumsum3A_695 {offsets = [15], sizes = [1], strides = [1]} : vector<16xi32> to vector<1xi32>
        %squeeze3A_732 = vector.extract %slice3A_731[0] : i32 from vector<1xi32>
        %add3A_733 = arith.addi %add3A_723, %squeeze3A_732 : i32
        scf.yield %add3A_733 : i32
      }
      %while3A_421 = arith.constant 1 : i32
      %while3A_422 = scf.for %while3A_580 = %while3A_418 to %while3A_414 step %while3A_421 iter_args(%while3A_581 = %while3A_420) -> (i32)  : i32 {
        %mul3A_582 = arith.constant 4 : i32
        %mul3A_583 = arith.muli %while3A_580, %mul3A_582 : i32
        %add3A_584 = arith.constant 0 : i32
        %add3A_585 = arith.addi %mul3A_583, %add3A_584 : i32
        %mul3A_586 = arith.constant 16 : i32
        %mul3A_587 = arith.muli %add3A_585, %mul3A_586 : i32
        %get3A_588 = arith.index_cast %mul3A_587 : i32 to index
        %get3A_589 = tpu.vector_load %arg7[%get3A_588] {strides = array<i32>} : memref<2112xi32, #tpu.memory_space<vmem>>, vector<16xi32>,
        %mul3A_590 = arith.constant 4 : i32
        %mul3A_591 = arith.muli %while3A_580, %mul3A_590 : i32
        %add3A_592 = arith.constant 0 : i32
        %add3A_593 = arith.addi %mul3A_591, %add3A_592 : i32
        %mul3A_594 = arith.constant 16 : i32
        %mul3A_595 = arith.muli %add3A_593, %mul3A_594 : i32
        %get3A_596 = arith.index_cast %mul3A_595 : i32 to index
        %get3A_597 = tpu.vector_load %arg8[%get3A_596] {strides = array<i32>} : memref<2112xi32, #tpu.memory_space<vmem>>, vector<16xi32>,
        %ge3A = vector.broadcast %while3A_408 : i32 to vector<16xi32>
        %ge3A_598 = arith.cmpi sge, %get3A_589, %ge3A : vector<16xi32>
        %lt3A_599 = vector.broadcast %while3A_409 : i32 to vector<16xi32>
        %lt3A_600 = arith.cmpi slt, %get3A_589, %lt3A_599 : vector<16xi32>
        %and3A_601 = arith.andi %ge3A_598, %lt3A_600 : vector<16xi1>
        %jit3A_602 = arith.constant 1 : i32
        %jit3A_603 = arith.constant 0 : i32
        %broadcast_in_dim3A_604 = vector.broadcast %jit3A_602 : i32 to vector<16xi32>
        %broadcast_in_dim3A_605 = vector.broadcast %jit3A_603 : i32 to vector<16xi32>
        %select_n3A_606 = arith.select %and3A_601, %broadcast_in_dim3A_604, %broadcast_in_dim3A_605 : vector<16xi1>, vector<16xi32>
        %broadcast_in_dim3A_607 = arith.constant true
        %broadcast_in_dim3A_608 = vector.broadcast %broadcast_in_dim3A_607 : i1 to vector<16xi1>
        %masked_cumsum3A = tpu.scan <sum>, %select_n3A_606 masked %broadcast_in_dim3A_608 : vector<16xi32>, vector<16xi1> -> vector<16xi32>
        %mul3A_609 = arith.constant 4 : i32
        %mul3A_610 = arith.muli %while3A_580, %mul3A_609 : i32
        %add3A_611 = arith.constant 1 : i32
        %add3A_612 = arith.addi %mul3A_610, %add3A_611 : i32
        %mul3A_613 = arith.constant 16 : i32
        %mul3A_614 = arith.muli %add3A_612, %mul3A_613 : i32
        %get3A_615 = arith.index_cast %mul3A_614 : i32 to index
        %get3A_616 = tpu.vector_load %arg7[%get3A_615] {strides = array<i32>} : memref<2112xi32, #tpu.memory_space<vmem>>, vector<16xi32>,
        %mul3A_617 = arith.constant 4 : i32
        %mul3A_618 = arith.muli %while3A_580, %mul3A_617 : i32
        %add3A_619 = arith.constant 1 : i32
        %add3A_620 = arith.addi %mul3A_618, %add3A_619 : i32
        %mul3A_621 = arith.constant 16 : i32
        %mul3A_622 = arith.muli %add3A_620, %mul3A_621 : i32
        %get3A_623 = arith.index_cast %mul3A_622 : i32 to index
        %get3A_624 = tpu.vector_load %arg8[%get3A_623] {strides = array<i32>} : memref<2112xi32, #tpu.memory_space<vmem>>, vector<16xi32>,
        %ge3A_625 = vector.broadcast %while3A_408 : i32 to vector<16xi32>
        %ge3A_626 = arith.cmpi sge, %get3A_616, %ge3A_625 : vector<16xi32>
        %lt3A_627 = vector.broadcast %while3A_409 : i32 to vector<16xi32>
        %lt3A_628 = arith.cmpi slt, %get3A_616, %lt3A_627 : vector<16xi32>
        %and3A_629 = arith.andi %ge3A_626, %lt3A_628 : vector<16xi1>
        %jit3A_630 = arith.constant 1 : i32
        %jit3A_631 = arith.constant 0 : i32
        %broadcast_in_dim3A_632 = vector.broadcast %jit3A_630 : i32 to vector<16xi32>
        %broadcast_in_dim3A_633 = vector.broadcast %jit3A_631 : i32 to vector<16xi32>
        %select_n3A_634 = arith.select %and3A_629, %broadcast_in_dim3A_632, %broadcast_in_dim3A_633 : vector<16xi1>, vector<16xi32>
        %broadcast_in_dim3A_635 = arith.constant true
        %broadcast_in_dim3A_636 = vector.broadcast %broadcast_in_dim3A_635 : i1 to vector<16xi1>
        %masked_cumsum3A_637 = tpu.scan <sum>, %select_n3A_634 masked %broadcast_in_dim3A_636 : vector<16xi32>, vector<16xi1> -> vector<16xi32>
        %mul3A_638 = arith.constant 4 : i32
        %mul3A_639 = arith.muli %while3A_580, %mul3A_638 : i32
        %add3A_640 = arith.constant 2 : i32
        %add3A_641 = arith.addi %mul3A_639, %add3A_640 : i32
        %mul3A_642 = arith.constant 16 : i32
        %mul3A_643 = arith.muli %add3A_641, %mul3A_642 : i32
        %get3A_644 = arith.index_cast %mul3A_643 : i32 to index
        %get3A_645 = tpu.vector_load %arg7[%get3A_644] {strides = array<i32>} : memref<2112xi32, #tpu.memory_space<vmem>>, vector<16xi32>,
        %mul3A_646 = arith.constant 4 : i32
        %mul3A_647 = arith.muli %while3A_580, %mul3A_646 : i32
        %add3A_648 = arith.constant 2 : i32
        %add3A_649 = arith.addi %mul3A_647, %add3A_648 : i32
        %mul3A_650 = arith.constant 16 : i32
        %mul3A_651 = arith.muli %add3A_649, %mul3A_650 : i32
        %get3A_652 = arith.index_cast %mul3A_651 : i32 to index
        %get3A_653 = tpu.vector_load %arg8[%get3A_652] {strides = array<i32>} : memref<2112xi32, #tpu.memory_space<vmem>>, vector<16xi32>,
        %ge3A_654 = vector.broadcast %while3A_408 : i32 to vector<16xi32>
        %ge3A_655 = arith.cmpi sge, %get3A_645, %ge3A_654 : vector<16xi32>
        %lt3A_656 = vector.broadcast %while3A_409 : i32 to vector<16xi32>
        %lt3A_657 = arith.cmpi slt, %get3A_645, %lt3A_656 : vector<16xi32>
        %and3A_658 = arith.andi %ge3A_655, %lt3A_657 : vector<16xi1>
        %jit3A_659 = arith.constant 1 : i32
        %jit3A_660 = arith.constant 0 : i32
        %broadcast_in_dim3A_661 = vector.broadcast %jit3A_659 : i32 to vector<16xi32>
        %broadcast_in_dim3A_662 = vector.broadcast %jit3A_660 : i32 to vector<16xi32>
        %select_n3A_663 = arith.select %and3A_658, %broadcast_in_dim3A_661, %broadcast_in_dim3A_662 : vector<16xi1>, vector<16xi32>
        %broadcast_in_dim3A_664 = arith.constant true
        %broadcast_in_dim3A_665 = vector.broadcast %broadcast_in_dim3A_664 : i1 to vector<16xi1>
        %masked_cumsum3A_666 = tpu.scan <sum>, %select_n3A_663 masked %broadcast_in_dim3A_665 : vector<16xi32>, vector<16xi1> -> vector<16xi32>
        %mul3A_667 = arith.constant 4 : i32
        %mul3A_668 = arith.muli %while3A_580, %mul3A_667 : i32
        %add3A_669 = arith.constant 3 : i32
        %add3A_670 = arith.addi %mul3A_668, %add3A_669 : i32
        %mul3A_671 = arith.constant 16 : i32
        %mul3A_672 = arith.muli %add3A_670, %mul3A_671 : i32
        %get3A_673 = arith.index_cast %mul3A_672 : i32 to index
        %get3A_674 = tpu.vector_load %arg7[%get3A_673] {strides = array<i32>} : memref<2112xi32, #tpu.memory_space<vmem>>, vector<16xi32>,
        %mul3A_675 = arith.constant 4 : i32
        %mul3A_676 = arith.muli %while3A_580, %mul3A_675 : i32
        %add3A_677 = arith.constant 3 : i32
        %add3A_678 = arith.addi %mul3A_676, %add3A_677 : i32
        %mul3A_679 = arith.constant 16 : i32
        %mul3A_680 = arith.muli %add3A_678, %mul3A_679 : i32
        %get3A_681 = arith.index_cast %mul3A_680 : i32 to index
        %get3A_682 = tpu.vector_load %arg8[%get3A_681] {strides = array<i32>} : memref<2112xi32, #tpu.memory_space<vmem>>, vector<16xi32>,
        %ge3A_683 = vector.broadcast %while3A_408 : i32 to vector<16xi32>
        %ge3A_684 = arith.cmpi sge, %get3A_674, %ge3A_683 : vector<16xi32>
        %lt3A_685 = vector.broadcast %while3A_409 : i32 to vector<16xi32>
        %lt3A_686 = arith.cmpi slt, %get3A_674, %lt3A_685 : vector<16xi32>
        %and3A_687 = arith.andi %ge3A_684, %lt3A_686 : vector<16xi1>
        %jit3A_688 = arith.constant 1 : i32
        %jit3A_689 = arith.constant 0 : i32
        %broadcast_in_dim3A_690 = vector.broadcast %jit3A_688 : i32 to vector<16xi32>
        %broadcast_in_dim3A_691 = vector.broadcast %jit3A_689 : i32 to vector<16xi32>
        %select_n3A_692 = arith.select %and3A_687, %broadcast_in_dim3A_690, %broadcast_in_dim3A_691 : vector<16xi1>, vector<16xi32>
        %broadcast_in_dim3A_693 = arith.constant true
        %broadcast_in_dim3A_694 = vector.broadcast %broadcast_in_dim3A_693 : i1 to vector<16xi1>
        %masked_cumsum3A_695 = tpu.scan <sum>, %select_n3A_692 masked %broadcast_in_dim3A_694 : vector<16xi32>, vector<16xi1> -> vector<16xi32>
        %add3A_696 = vector.broadcast %while3A_581 : i32 to vector<16xi32>
        %add3A_697 = arith.addi %add3A_696, %masked_cumsum3A : vector<16xi32>
        %sub3A_698 = arith.constant 1 : i32
        %sub3A_699 = vector.broadcast %sub3A_698 : i32 to vector<16xi32>
        %sub3A_700 = arith.subi %add3A_697, %sub3A_699 : vector<16xi32>
        %sub3A_701 = vector.broadcast %while3A_410 : i32 to vector<16xi32>
        %sub3A_702 = arith.subi %get3A_589, %sub3A_701 : vector<16xi32>
        tpu.vector_store_idx %arg11[%sub3A_700], %sub3A_702 masked %and3A_601 : memref<256xi32, #tpu.memory_space<vmem>>[vector<16xi32>], vector<16xi32>, vector<16xi1>
        tpu.vector_store_idx %arg12[%sub3A_700], %get3A_597 masked %and3A_601 : memref<256xi32, #tpu.memory_space<vmem>>[vector<16xi32>], vector<16xi32>, vector<16xi1>
        %slice3A = vector.extract_strided_slice %masked_cumsum3A {offsets = [15], sizes = [1], strides = [1]} : vector<16xi32> to vector<1xi32>
        %squeeze3A = vector.extract %slice3A[0] : i32 from vector<1xi32>
        %add3A_703 = arith.addi %while3A_581, %squeeze3A : i32
        %add3A_704 = vector.broadcast %add3A_703 : i32 to vector<16xi32>
        %add3A_705 = arith.addi %add3A_704, %masked_cumsum3A_637 : vector<16xi32>
        %sub3A_706 = arith.constant 1 : i32
        %sub3A_707 = vector.broadcast %sub3A_706 : i32 to vector<16xi32>
        %sub3A_708 = arith.subi %add3A_705, %sub3A_707 : vector<16xi32>
        %sub3A_709 = vector.broadcast %while3A_410 : i32 to vector<16xi32>
        %sub3A_710 = arith.subi %get3A_616, %sub3A_709 : vector<16xi32>
        tpu.vector_store_idx %arg11[%sub3A_708], %sub3A_710 masked %and3A_629 : memref<256xi32, #tpu.memory_space<vmem>>[vector<16xi32>], vector<16xi32>, vector<16xi1>
        tpu.vector_store_idx %arg12[%sub3A_708], %get3A_624 masked %and3A_629 : memref<256xi32, #tpu.memory_space<vmem>>[vector<16xi32>], vector<16xi32>, vector<16xi1>
        %slice3A_711 = vector.extract_strided_slice %masked_cumsum3A_637 {offsets = [15], sizes = [1], strides = [1]} : vector<16xi32> to vector<1xi32>
        %squeeze3A_712 = vector.extract %slice3A_711[0] : i32 from vector<1xi32>
        %add3A_713 = arith.addi %add3A_703, %squeeze3A_712 : i32
        %add3A_714 = vector.broadcast %add3A_713 : i32 to vector<16xi32>
        %add3A_715 = arith.addi %add3A_714, %masked_cumsum3A_666 : vector<16xi32>
        %sub3A_716 = arith.constant 1 : i32
        %sub3A_717 = vector.broadcast %sub3A_716 : i32 to vector<16xi32>
        %sub3A_718 = arith.subi %add3A_715, %sub3A_717 : vector<16xi32>
        %sub3A_719 = vector.broadcast %while3A_410 : i32 to vector<16xi32>
        %sub3A_720 = arith.subi %get3A_645, %sub3A_719 : vector<16xi32>
        tpu.vector_store_idx %arg11[%sub3A_718], %sub3A_720 masked %and3A_658 : memref<256xi32, #tpu.memory_space<vmem>>[vector<16xi32>], vector<16xi32>, vector<16xi1>
        tpu.vector_store_idx %arg12[%sub3A_718], %get3A_653 masked %and3A_658 : memref<256xi32, #tpu.memory_space<vmem>>[vector<16xi32>], vector<16xi32>, vector<16xi1>
        %slice3A_721 = vector.extract_strided_slice %masked_cumsum3A_666 {offsets = [15], sizes = [1], strides = [1]} : vector<16xi32> to vector<1xi32>
        %squeeze3A_722 = vector.extract %slice3A_721[0] : i32 from vector<1xi32>
        %add3A_723 = arith.addi %add3A_713, %squeeze3A_722 : i32
        %add3A_724 = vector.broadcast %add3A_723 : i32 to vector<16xi32>
        %add3A_725 = arith.addi %add3A_724, %masked_cumsum3A_695 : vector<16xi32>
        %sub3A_726 = arith.constant 1 : i32
        %sub3A_727 = vector.broadcast %sub3A_726 : i32 to vector<16xi32>
        %sub3A_728 = arith.subi %add3A_725, %sub3A_727 : vector<16xi32>
        %sub3A_729 = vector.broadcast %while3A_410 : i32 to vector<16xi32>
        %sub3A_730 = arith.subi %get3A_674, %sub3A_729 : vector<16xi32>
        tpu.vector_store_idx %arg11[%sub3A_728], %sub3A_730 masked %and3A_687 : memref<256xi32, #tpu.memory_space<vmem>>[vector<16xi32>], vector<16xi32>, vector<16xi1>
        tpu.vector_store_idx %arg12[%sub3A_728], %get3A_682 masked %and3A_687 : memref<256xi32, #tpu.memory_space<vmem>>[vector<16xi32>], vector<16xi32>, vector<16xi1>
        %slice3A_731 = vector.extract_strided_slice %masked_cumsum3A_695 {offsets = [15], sizes = [1], strides = [1]} : vector<16xi32> to vector<1xi32>
        %squeeze3A_732 = vector.extract %slice3A_731[0] : i32 from vector<1xi32>
        %add3A_733 = arith.addi %add3A_723, %squeeze3A_732 : i32
        scf.yield %add3A_733 : i32
      }
      %get3A = arith.constant 0 : index
      %get3A_423 = tpu.vector_load %arg12[%get3A] {strides = array<i32>} : memref<256xi32, #tpu.memory_space<vmem>>, vector<16xi32>,
      %swap3A_424 = arith.constant 0 : i32
      %swap3A_425 = arith.index_cast %swap3A_424 : i32 to index
      %swap3A_426 = arith.constant 0 : index
      %swap3A_427 = tpu.vector_load %arg13[%swap3A_425, %swap3A_426] {strides = array<i32>} : memref<16x16xi32, #tpu.memory_space<vmem>>, vector<16xi32>,
      tpu.vector_store %arg13[%swap3A_425, %swap3A_426], %get3A_423 {strides = array<i32>} : memref<16x16xi32, #tpu.memory_space<vmem>>, vector<16xi32>,
      %get3A_428 = arith.constant 16 : index
      %get3A_429 = tpu.vector_load %arg12[%get3A_428] {strides = array<i32>} : memref<256xi32, #tpu.memory_space<vmem>>, vector<16xi32>,
      %swap3A_430 = arith.constant 1 : i32
      %swap3A_431 = arith.index_cast %swap3A_430 : i32 to index
      %swap3A_432 = arith.constant 0 : index
      %swap3A_433 = tpu.vector_load %arg13[%swap3A_431, %swap3A_432] {strides = array<i32>} : memref<16x16xi32, #tpu.memory_space<vmem>>, vector<16xi32>,
      tpu.vector_store %arg13[%swap3A_431, %swap3A_432], %get3A_429 {strides = array<i32>} : memref<16x16xi32, #tpu.memory_space<vmem>>, vector<16xi32>,
      %get3A_434 = arith.constant 32 : index
      %get3A_435 = tpu.vector_load %arg12[%get3A_434] {strides = array<i32>} : memref<256xi32, #tpu.memory_space<vmem>>, vector<16xi32>,
      %swap3A_436 = arith.constant 2 : i32
      %swap3A_437 = arith.index_cast %swap3A_436 : i32 to index
      %swap3A_438 = arith.constant 0 : index
      %swap3A_439 = tpu.vector_load %arg13[%swap3A_437, %swap3A_438] {strides = array<i32>} : memref<16x16xi32, #tpu.memory_space<vmem>>, vector<16xi32>,
      tpu.vector_store %arg13[%swap3A_437, %swap3A_438], %get3A_435 {strides = array<i32>} : memref<16x16xi32, #tpu.memory_space<vmem>>, vector<16xi32>,
      %get3A_440 = arith.constant 48 : index
      %get3A_441 = tpu.vector_load %arg12[%get3A_440] {strides = array<i32>} : memref<256xi32, #tpu.memory_space<vmem>>, vector<16xi32>,
      %swap3A_442 = arith.constant 3 : i32
      %swap3A_443 = arith.index_cast %swap3A_442 : i32 to index
      %swap3A_444 = arith.constant 0 : index
      %swap3A_445 = tpu.vector_load %arg13[%swap3A_443, %swap3A_444] {strides = array<i32>} : memref<16x16xi32, #tpu.memory_space<vmem>>, vector<16xi32>,
      tpu.vector_store %arg13[%swap3A_443, %swap3A_444], %get3A_441 {strides = array<i32>} : memref<16x16xi32, #tpu.memory_space<vmem>>, vector<16xi32>,
      %get3A_446 = arith.constant 64 : index
      %get3A_447 = tpu.vector_load %arg12[%get3A_446] {strides = array<i32>} : memref<256xi32, #tpu.memory_space<vmem>>, vector<16xi32>,
      %swap3A_448 = arith.constant 4 : i32
      %swap3A_449 = arith.index_cast %swap3A_448 : i32 to index
      %swap3A_450 = arith.constant 0 : index
      %swap3A_451 = tpu.vector_load %arg13[%swap3A_449, %swap3A_450] {strides = array<i32>} : memref<16x16xi32, #tpu.memory_space<vmem>>, vector<16xi32>,
      tpu.vector_store %arg13[%swap3A_449, %swap3A_450], %get3A_447 {strides = array<i32>} : memref<16x16xi32, #tpu.memory_space<vmem>>, vector<16xi32>,
      %get3A_452 = arith.constant 80 : index
      %get3A_453 = tpu.vector_load %arg12[%get3A_452] {strides = array<i32>} : memref<256xi32, #tpu.memory_space<vmem>>, vector<16xi32>,
      %swap3A_454 = arith.constant 5 : i32
      %swap3A_455 = arith.index_cast %swap3A_454 : i32 to index
      %swap3A_456 = arith.constant 0 : index
      %swap3A_457 = tpu.vector_load %arg13[%swap3A_455, %swap3A_456] {strides = array<i32>} : memref<16x16xi32, #tpu.memory_space<vmem>>, vector<16xi32>,
      tpu.vector_store %arg13[%swap3A_455, %swap3A_456], %get3A_453 {strides = array<i32>} : memref<16x16xi32, #tpu.memory_space<vmem>>, vector<16xi32>,
      %get3A_458 = arith.constant 96 : index
      %get3A_459 = tpu.vector_load %arg12[%get3A_458] {strides = array<i32>} : memref<256xi32, #tpu.memory_space<vmem>>, vector<16xi32>,
      %swap3A_460 = arith.constant 6 : i32
      %swap3A_461 = arith.index_cast %swap3A_460 : i32 to index
      %swap3A_462 = arith.constant 0 : index
      %swap3A_463 = tpu.vector_load %arg13[%swap3A_461, %swap3A_462] {strides = array<i32>} : memref<16x16xi32, #tpu.memory_space<vmem>>, vector<16xi32>,
      tpu.vector_store %arg13[%swap3A_461, %swap3A_462], %get3A_459 {strides = array<i32>} : memref<16x16xi32, #tpu.memory_space<vmem>>, vector<16xi32>,
      %get3A_464 = arith.constant 112 : index
      %get3A_465 = tpu.vector_load %arg12[%get3A_464] {strides = array<i32>} : memref<256xi32, #tpu.memory_space<vmem>>, vector<16xi32>,
      %swap3A_466 = arith.constant 7 : i32
      %swap3A_467 = arith.index_cast %swap3A_466 : i32 to index
      %swap3A_468 = arith.constant 0 : index
      %swap3A_469 = tpu.vector_load %arg13[%swap3A_467, %swap3A_468] {strides = array<i32>} : memref<16x16xi32, #tpu.memory_space<vmem>>, vector<16xi32>,
      tpu.vector_store %arg13[%swap3A_467, %swap3A_468], %get3A_465 {strides = array<i32>} : memref<16x16xi32, #tpu.memory_space<vmem>>, vector<16xi32>,
      %get3A_470 = arith.constant 128 : index
      %get3A_471 = tpu.vector_load %arg12[%get3A_470] {strides = array<i32>} : memref<256xi32, #tpu.memory_space<vmem>>, vector<16xi32>,
      %swap3A_472 = arith.constant 8 : i32
      %swap3A_473 = arith.index_cast %swap3A_472 : i32 to index
      %swap3A_474 = arith.constant 0 : index
      %swap3A_475 = tpu.vector_load %arg13[%swap3A_473, %swap3A_474] {strides = array<i32>} : memref<16x16xi32, #tpu.memory_space<vmem>>, vector<16xi32>,
      tpu.vector_store %arg13[%swap3A_473, %swap3A_474], %get3A_471 {strides = array<i32>} : memref<16x16xi32, #tpu.memory_space<vmem>>, vector<16xi32>,
      %get3A_476 = arith.constant 144 : index
      %get3A_477 = tpu.vector_load %arg12[%get3A_476] {strides = array<i32>} : memref<256xi32, #tpu.memory_space<vmem>>, vector<16xi32>,
      %swap3A_478 = arith.constant 9 : i32
      %swap3A_479 = arith.index_cast %swap3A_478 : i32 to index
      %swap3A_480 = arith.constant 0 : index
      %swap3A_481 = tpu.vector_load %arg13[%swap3A_479, %swap3A_480] {strides = array<i32>} : memref<16x16xi32, #tpu.memory_space<vmem>>, vector<16xi32>,
      tpu.vector_store %arg13[%swap3A_479, %swap3A_480], %get3A_477 {strides = array<i32>} : memref<16x16xi32, #tpu.memory_space<vmem>>, vector<16xi32>,
      %get3A_482 = arith.constant 160 : index
      %get3A_483 = tpu.vector_load %arg12[%get3A_482] {strides = array<i32>} : memref<256xi32, #tpu.memory_space<vmem>>, vector<16xi32>,
      %swap3A_484 = arith.constant 10 : i32
      %swap3A_485 = arith.index_cast %swap3A_484 : i32 to index
      %swap3A_486 = arith.constant 0 : index
      %swap3A_487 = tpu.vector_load %arg13[%swap3A_485, %swap3A_486] {strides = array<i32>} : memref<16x16xi32, #tpu.memory_space<vmem>>, vector<16xi32>,
      tpu.vector_store %arg13[%swap3A_485, %swap3A_486], %get3A_483 {strides = array<i32>} : memref<16x16xi32, #tpu.memory_space<vmem>>, vector<16xi32>,
      %get3A_488 = arith.constant 176 : index
      %get3A_489 = tpu.vector_load %arg12[%get3A_488] {strides = array<i32>} : memref<256xi32, #tpu.memory_space<vmem>>, vector<16xi32>,
      %swap3A_490 = arith.constant 11 : i32
      %swap3A_491 = arith.index_cast %swap3A_490 : i32 to index
      %swap3A_492 = arith.constant 0 : index
      %swap3A_493 = tpu.vector_load %arg13[%swap3A_491, %swap3A_492] {strides = array<i32>} : memref<16x16xi32, #tpu.memory_space<vmem>>, vector<16xi32>,
      tpu.vector_store %arg13[%swap3A_491, %swap3A_492], %get3A_489 {strides = array<i32>} : memref<16x16xi32, #tpu.memory_space<vmem>>, vector<16xi32>,
      %get3A_494 = arith.constant 192 : index
      %get3A_495 = tpu.vector_load %arg12[%get3A_494] {strides = array<i32>} : memref<256xi32, #tpu.memory_space<vmem>>, vector<16xi32>,
      %swap3A_496 = arith.constant 12 : i32
      %swap3A_497 = arith.index_cast %swap3A_496 : i32 to index
      %swap3A_498 = arith.constant 0 : index
      %swap3A_499 = tpu.vector_load %arg13[%swap3A_497, %swap3A_498] {strides = array<i32>} : memref<16x16xi32, #tpu.memory_space<vmem>>, vector<16xi32>,
      tpu.vector_store %arg13[%swap3A_497, %swap3A_498], %get3A_495 {strides = array<i32>} : memref<16x16xi32, #tpu.memory_space<vmem>>, vector<16xi32>,
      %get3A_500 = arith.constant 208 : index
      %get3A_501 = tpu.vector_load %arg12[%get3A_500] {strides = array<i32>} : memref<256xi32, #tpu.memory_space<vmem>>, vector<16xi32>,
      %swap3A_502 = arith.constant 13 : i32
      %swap3A_503 = arith.index_cast %swap3A_502 : i32 to index
      %swap3A_504 = arith.constant 0 : index
      %swap3A_505 = tpu.vector_load %arg13[%swap3A_503, %swap3A_504] {strides = array<i32>} : memref<16x16xi32, #tpu.memory_space<vmem>>, vector<16xi32>,
      tpu.vector_store %arg13[%swap3A_503, %swap3A_504], %get3A_501 {strides = array<i32>} : memref<16x16xi32, #tpu.memory_space<vmem>>, vector<16xi32>,
      %get3A_506 = arith.constant 224 : index
      %get3A_507 = tpu.vector_load %arg12[%get3A_506] {strides = array<i32>} : memref<256xi32, #tpu.memory_space<vmem>>, vector<16xi32>,
      %swap3A_508 = arith.constant 14 : i32
      %swap3A_509 = arith.index_cast %swap3A_508 : i32 to index
      %swap3A_510 = arith.constant 0 : index
      %swap3A_511 = tpu.vector_load %arg13[%swap3A_509, %swap3A_510] {strides = array<i32>} : memref<16x16xi32, #tpu.memory_space<vmem>>, vector<16xi32>,
      tpu.vector_store %arg13[%swap3A_509, %swap3A_510], %get3A_507 {strides = array<i32>} : memref<16x16xi32, #tpu.memory_space<vmem>>, vector<16xi32>,
      %get3A_512 = arith.constant 240 : index
      %get3A_513 = tpu.vector_load %arg12[%get3A_512] {strides = array<i32>} : memref<256xi32, #tpu.memory_space<vmem>>, vector<16xi32>,
      %swap3A_514 = arith.constant 15 : i32
      %swap3A_515 = arith.index_cast %swap3A_514 : i32 to index
      %swap3A_516 = arith.constant 0 : index
      %swap3A_517 = tpu.vector_load %arg13[%swap3A_515, %swap3A_516] {strides = array<i32>} : memref<16x16xi32, #tpu.memory_space<vmem>>, vector<16xi32>,
      tpu.vector_store %arg13[%swap3A_515, %swap3A_516], %get3A_513 {strides = array<i32>} : memref<16x16xi32, #tpu.memory_space<vmem>>, vector<16xi32>,
      %add3A_518 = arith.constant 15 : i32
      %add3A_519 = arith.addi %while3A_422, %add3A_518 : i32
      %jit3A_520 = arith.constant 16 : i32
      %div3A_521 = arith.divsi %add3A_519, %jit3A_520 : i32
      %sign3A_522 = arith.constant 0 : i32
      %sign3A_523 = arith.cmpi sgt, %add3A_519, %sign3A_522 : i32
      %sign3A_524 = arith.extui %sign3A_523 : i1 to i32
      %sign3A_525 = arith.constant 0 : i32
      %sign3A_526 = arith.cmpi slt, %add3A_519, %sign3A_525 : i32
      %sign3A_527 = arith.extui %sign3A_526 : i1 to i32
      %sign3A_528 = arith.subi %sign3A_524, %sign3A_527 : i32
      %sign3A_529 = arith.constant 0 : i32
      %sign3A_530 = arith.cmpi sgt, %jit3A_520, %sign3A_529 : i32
      %sign3A_531 = arith.extui %sign3A_530 : i1 to i32
      %sign3A_532 = arith.constant 0 : i32
      %sign3A_533 = arith.cmpi slt, %jit3A_520, %sign3A_532 : i32
      %sign3A_534 = arith.extui %sign3A_533 : i1 to i32
      %sign3A_535 = arith.subi %sign3A_531, %sign3A_534 : i32
      %ne3A_536 = arith.cmpi ne, %sign3A_528, %sign3A_535 : i32
      %rem3A_537 = arith.remsi %add3A_519, %jit3A_520 : i32
      %ne3A_538 = arith.constant 0 : i32
      %ne3A_539 = arith.cmpi ne, %rem3A_537, %ne3A_538 : i32
      %and3A_540 = arith.andi %ne3A_536, %ne3A_539 : i1
      %sub3A_541 = arith.constant 1 : i32
      %sub3A_542 = arith.subi %div3A_521, %sub3A_541 : i32
      %select_n3A_543 = arith.select %and3A_540, %sub3A_542, %div3A_521 : i32
      %while3A_544 = arith.constant 0 : i32
      %while3A_545 = arith.constant 0 : i32
      %while3A_546 = arith.subi %select_n3A_543, %while3A_544 : i32
      %while3A_547 = arith.addi %while3A_544, %while3A_546 : i32
      %while3A_548 = arith.constant 1 : i32
      %while3A_549 = arith.divsi %while3A_546, %while3A_548 : i32
      %while3A_550 = arith.muli %while3A_549, %while3A_548 : i32
      %while3A_551 = arith.addi %while3A_544, %while3A_550 : i32
      %while3A_552 = arith.constant 1 : i32
      %while3A_553 = scf.for %while3A_580 = %while3A_544 to %while3A_551 step %while3A_552 iter_args(%while3A_581 = %while3A_545) -> (i32)  : i32 {
        %mul3A_582 = arith.constant 16 : i32
        %mul3A_583 = arith.muli %while3A_580, %mul3A_582 : i32
        %get3A_584 = arith.index_cast %mul3A_583 : i32 to index
        %get3A_585 = tpu.vector_load %arg11[%get3A_584] {strides = array<i32>} : memref<256xi32, #tpu.memory_space<vmem>>, vector<16xi32>,
        %mul3A_586 = arith.constant 16 : i32
        %mul3A_587 = arith.muli %while3A_580, %mul3A_586 : i32
        %add3A_588 = vector.broadcast %mul3A_587 : i32 to vector<16xi32>
        %add3A_589 = arith.addi %add3A_588, %iota3A : vector<16xi32>
        %broadcast_in_dim3A_590 = arith.constant 0 : i32
        %broadcast_in_dim3A_591 = vector.broadcast %broadcast_in_dim3A_590 : i32 to vector<16xi32>
        %add3A_592 = arith.constant 0 : i32
        %add3A_593 = vector.broadcast %add3A_592 : i32 to vector<16xi32>
        %add3A_594 = arith.addi %add3A_593, %get3A_585 : vector<16xi32>
        %gather3A = tpu.vector_load_idx %arg10[%add3A_594] : memref<2048xf32, #tpu.memory_space<vmem>>[vector<16xi32>], vector<16xf32>,
        tpu.vector_store_idx %arg14[%add3A_589, %broadcast_in_dim3A_591], %gather3A : memref<256x128xf32, #tpu.memory_space<vmem>>[vector<16xi32>, vector<16xi32>], vector<16xf32>,
        %broadcast_in_dim3A_595 = arith.constant 1 : i32
        %broadcast_in_dim3A_596 = vector.broadcast %broadcast_in_dim3A_595 : i32 to vector<16xi32>
        %add3A_597 = arith.constant 64 : i32
        %add3A_598 = vector.broadcast %add3A_597 : i32 to vector<16xi32>
        %add3A_599 = arith.addi %add3A_598, %get3A_585 : vector<16xi32>
        %gather3A_600 = tpu.vector_load_idx %arg10[%add3A_599] : memref<2048xf32, #tpu.memory_space<vmem>>[vector<16xi32>], vector<16xf32>,
        tpu.vector_store_idx %arg14[%add3A_589, %broadcast_in_dim3A_596], %gather3A_600 : memref<256x128xf32, #tpu.memory_space<vmem>>[vector<16xi32>, vector<16xi32>], vector<16xf32>,
        %broadcast_in_dim3A_601 = arith.constant 2 : i32
        %broadcast_in_dim3A_602 = vector.broadcast %broadcast_in_dim3A_601 : i32 to vector<16xi32>
        %add3A_603 = arith.constant 128 : i32
        %add3A_604 = vector.broadcast %add3A_603 : i32 to vector<16xi32>
        %add3A_605 = arith.addi %add3A_604, %get3A_585 : vector<16xi32>
        %gather3A_606 = tpu.vector_load_idx %arg10[%add3A_605] : memref<2048xf32, #tpu.memory_space<vmem>>[vector<16xi32>], vector<16xf32>,
        tpu.vector_store_idx %arg14[%add3A_589, %broadcast_in_dim3A_602], %gather3A_606 : memref<256x128xf32, #tpu.memory_space<vmem>>[vector<16xi32>, vector<16xi32>], vector<16xf32>,
        %broadcast_in_dim3A_607 = arith.constant 3 : i32
        %broadcast_in_dim3A_608 = vector.broadcast %broadcast_in_dim3A_607 : i32 to vector<16xi32>
        %add3A_609 = arith.constant 192 : i32
        %add3A_610 = vector.broadcast %add3A_609 : i32 to vector<16xi32>
        %add3A_611 = arith.addi %add3A_610, %get3A_585 : vector<16xi32>
        %gather3A_612 = tpu.vector_load_idx %arg10[%add3A_611] : memref<2048xf32, #tpu.memory_space<vmem>>[vector<16xi32>], vector<16xf32>,
        tpu.vector_store_idx %arg14[%add3A_589, %broadcast_in_dim3A_608], %gather3A_612 : memref<256x128xf32, #tpu.memory_space<vmem>>[vector<16xi32>, vector<16xi32>], vector<16xf32>,
        %broadcast_in_dim3A_613 = arith.constant 4 : i32
        %broadcast_in_dim3A_614 = vector.broadcast %broadcast_in_dim3A_613 : i32 to vector<16xi32>
        %add3A_615 = arith.constant 256 : i32
        %add3A_616 = vector.broadcast %add3A_615 : i32 to vector<16xi32>
        %add3A_617 = arith.addi %add3A_616, %get3A_585 : vector<16xi32>
        %gather3A_618 = tpu.vector_load_idx %arg10[%add3A_617] : memref<2048xf32, #tpu.memory_space<vmem>>[vector<16xi32>], vector<16xf32>,
        tpu.vector_store_idx %arg14[%add3A_589, %broadcast_in_dim3A_614], %gather3A_618 : memref<256x128xf32, #tpu.memory_space<vmem>>[vector<16xi32>, vector<16xi32>], vector<16xf32>,
        %broadcast_in_dim3A_619 = arith.constant 5 : i32
        %broadcast_in_dim3A_620 = vector.broadcast %broadcast_in_dim3A_619 : i32 to vector<16xi32>
        %add3A_621 = arith.constant 320 : i32
        %add3A_622 = vector.broadcast %add3A_621 : i32 to vector<16xi32>
        %add3A_623 = arith.addi %add3A_622, %get3A_585 : vector<16xi32>
        %gather3A_624 = tpu.vector_load_idx %arg10[%add3A_623] : memref<2048xf32, #tpu.memory_space<vmem>>[vector<16xi32>], vector<16xf32>,
        tpu.vector_store_idx %arg14[%add3A_589, %broadcast_in_dim3A_620], %gather3A_624 : memref<256x128xf32, #tpu.memory_space<vmem>>[vector<16xi32>, vector<16xi32>], vector<16xf32>,
        %broadcast_in_dim3A_625 = arith.constant 6 : i32
        %broadcast_in_dim3A_626 = vector.broadcast %broadcast_in_dim3A_625 : i32 to vector<16xi32>
        %add3A_627 = arith.constant 384 : i32
        %add3A_628 = vector.broadcast %add3A_627 : i32 to vector<16xi32>
        %add3A_629 = arith.addi %add3A_628, %get3A_585 : vector<16xi32>
        %gather3A_630 = tpu.vector_load_idx %arg10[%add3A_629] : memref<2048xf32, #tpu.memory_space<vmem>>[vector<16xi32>], vector<16xf32>,
        tpu.vector_store_idx %arg14[%add3A_589, %broadcast_in_dim3A_626], %gather3A_630 : memref<256x128xf32, #tpu.memory_space<vmem>>[vector<16xi32>, vector<16xi32>], vector<16xf32>,
        %broadcast_in_dim3A_631 = arith.constant 7 : i32
        %broadcast_in_dim3A_632 = vector.broadcast %broadcast_in_dim3A_631 : i32 to vector<16xi32>
        %add3A_633 = arith.constant 448 : i32
        %add3A_634 = vector.broadcast %add3A_633 : i32 to vector<16xi32>
        %add3A_635 = arith.addi %add3A_634, %get3A_585 : vector<16xi32>
        %gather3A_636 = tpu.vector_load_idx %arg10[%add3A_635] : memref<2048xf32, #tpu.memory_space<vmem>>[vector<16xi32>], vector<16xf32>,
        tpu.vector_store_idx %arg14[%add3A_589, %broadcast_in_dim3A_632], %gather3A_636 : memref<256x128xf32, #tpu.memory_space<vmem>>[vector<16xi32>, vector<16xi32>], vector<16xf32>,
        %broadcast_in_dim3A_637 = arith.constant 8 : i32
        %broadcast_in_dim3A_638 = vector.broadcast %broadcast_in_dim3A_637 : i32 to vector<16xi32>
        %add3A_639 = arith.constant 512 : i32
        %add3A_640 = vector.broadcast %add3A_639 : i32 to vector<16xi32>
        %add3A_641 = arith.addi %add3A_640, %get3A_585 : vector<16xi32>
        %gather3A_642 = tpu.vector_load_idx %arg10[%add3A_641] : memref<2048xf32, #tpu.memory_space<vmem>>[vector<16xi32>], vector<16xf32>,
        tpu.vector_store_idx %arg14[%add3A_589, %broadcast_in_dim3A_638], %gather3A_642 : memref<256x128xf32, #tpu.memory_space<vmem>>[vector<16xi32>, vector<16xi32>], vector<16xf32>,
        %broadcast_in_dim3A_643 = arith.constant 9 : i32
        %broadcast_in_dim3A_644 = vector.broadcast %broadcast_in_dim3A_643 : i32 to vector<16xi32>
        %add3A_645 = arith.constant 576 : i32
        %add3A_646 = vector.broadcast %add3A_645 : i32 to vector<16xi32>
        %add3A_647 = arith.addi %add3A_646, %get3A_585 : vector<16xi32>
        %gather3A_648 = tpu.vector_load_idx %arg10[%add3A_647] : memref<2048xf32, #tpu.memory_space<vmem>>[vector<16xi32>], vector<16xf32>,
        tpu.vector_store_idx %arg14[%add3A_589, %broadcast_in_dim3A_644], %gather3A_648 : memref<256x128xf32, #tpu.memory_space<vmem>>[vector<16xi32>, vector<16xi32>], vector<16xf32>,
        %broadcast_in_dim3A_649 = arith.constant 10 : i32
        %broadcast_in_dim3A_650 = vector.broadcast %broadcast_in_dim3A_649 : i32 to vector<16xi32>
        %add3A_651 = arith.constant 640 : i32
        %add3A_652 = vector.broadcast %add3A_651 : i32 to vector<16xi32>
        %add3A_653 = arith.addi %add3A_652, %get3A_585 : vector<16xi32>
        %gather3A_654 = tpu.vector_load_idx %arg10[%add3A_653] : memref<2048xf32, #tpu.memory_space<vmem>>[vector<16xi32>], vector<16xf32>,
        tpu.vector_store_idx %arg14[%add3A_589, %broadcast_in_dim3A_650], %gather3A_654 : memref<256x128xf32, #tpu.memory_space<vmem>>[vector<16xi32>, vector<16xi32>], vector<16xf32>,
        %broadcast_in_dim3A_655 = arith.constant 11 : i32
        %broadcast_in_dim3A_656 = vector.broadcast %broadcast_in_dim3A_655 : i32 to vector<16xi32>
        %add3A_657 = arith.constant 704 : i32
        %add3A_658 = vector.broadcast %add3A_657 : i32 to vector<16xi32>
        %add3A_659 = arith.addi %add3A_658, %get3A_585 : vector<16xi32>
        %gather3A_660 = tpu.vector_load_idx %arg10[%add3A_659] : memref<2048xf32, #tpu.memory_space<vmem>>[vector<16xi32>], vector<16xf32>,
        tpu.vector_store_idx %arg14[%add3A_589, %broadcast_in_dim3A_656], %gather3A_660 : memref<256x128xf32, #tpu.memory_space<vmem>>[vector<16xi32>, vector<16xi32>], vector<16xf32>,
        %broadcast_in_dim3A_661 = arith.constant 12 : i32
        %broadcast_in_dim3A_662 = vector.broadcast %broadcast_in_dim3A_661 : i32 to vector<16xi32>
        %add3A_663 = arith.constant 768 : i32
        %add3A_664 = vector.broadcast %add3A_663 : i32 to vector<16xi32>
        %add3A_665 = arith.addi %add3A_664, %get3A_585 : vector<16xi32>
        %gather3A_666 = tpu.vector_load_idx %arg10[%add3A_665] : memref<2048xf32, #tpu.memory_space<vmem>>[vector<16xi32>], vector<16xf32>,
        tpu.vector_store_idx %arg14[%add3A_589, %broadcast_in_dim3A_662], %gather3A_666 : memref<256x128xf32, #tpu.memory_space<vmem>>[vector<16xi32>, vector<16xi32>], vector<16xf32>,
        %broadcast_in_dim3A_667 = arith.constant 13 : i32
        %broadcast_in_dim3A_668 = vector.broadcast %broadcast_in_dim3A_667 : i32 to vector<16xi32>
        %add3A_669 = arith.constant 832 : i32
        %add3A_670 = vector.broadcast %add3A_669 : i32 to vector<16xi32>
        %add3A_671 = arith.addi %add3A_670, %get3A_585 : vector<16xi32>
        %gather3A_672 = tpu.vector_load_idx %arg10[%add3A_671] : memref<2048xf32, #tpu.memory_space<vmem>>[vector<16xi32>], vector<16xf32>,
        tpu.vector_store_idx %arg14[%add3A_589, %broadcast_in_dim3A_668], %gather3A_672 : memref<256x128xf32, #tpu.memory_space<vmem>>[vector<16xi32>, vector<16xi32>], vector<16xf32>,
        %broadcast_in_dim3A_673 = arith.constant 14 : i32
        %broadcast_in_dim3A_674 = vector.broadcast %broadcast_in_dim3A_673 : i32 to vector<16xi32>
        %add3A_675 = arith.constant 896 : i32
        %add3A_676 = vector.broadcast %add3A_675 : i32 to vector<16xi32>
        %add3A_677 = arith.addi %add3A_676, %get3A_585 : vector<16xi32>
        %gather3A_678 = tpu.vector_load_idx %arg10[%add3A_677] : memref<2048xf32, #tpu.memory_space<vmem>>[vector<16xi32>], vector<16xf32>,
        tpu.vector_store_idx %arg14[%add3A_589, %broadcast_in_dim3A_674], %gather3A_678 : memref<256x128xf32, #tpu.memory_space<vmem>>[vector<16xi32>, vector<16xi32>], vector<16xf32>,
        %broadcast_in_dim3A_679 = arith.constant 15 : i32
        %broadcast_in_dim3A_680 = vector.broadcast %broadcast_in_dim3A_679 : i32 to vector<16xi32>
        %add3A_681 = arith.constant 960 : i32
        %add3A_682 = vector.broadcast %add3A_681 : i32 to vector<16xi32>
        %add3A_683 = arith.addi %add3A_682, %get3A_585 : vector<16xi32>
        %gather3A_684 = tpu.vector_load_idx %arg10[%add3A_683] : memref<2048xf32, #tpu.memory_space<vmem>>[vector<16xi32>], vector<16xf32>,
        tpu.vector_store_idx %arg14[%add3A_589, %broadcast_in_dim3A_680], %gather3A_684 : memref<256x128xf32, #tpu.memory_space<vmem>>[vector<16xi32>, vector<16xi32>], vector<16xf32>,
        %broadcast_in_dim3A_685 = arith.constant 16 : i32
        %broadcast_in_dim3A_686 = vector.broadcast %broadcast_in_dim3A_685 : i32 to vector<16xi32>
        %add3A_687 = arith.constant 1024 : i32
        %add3A_688 = vector.broadcast %add3A_687 : i32 to vector<16xi32>
        %add3A_689 = arith.addi %add3A_688, %get3A_585 : vector<16xi32>
        %gather3A_690 = tpu.vector_load_idx %arg10[%add3A_689] : memref<2048xf32, #tpu.memory_space<vmem>>[vector<16xi32>], vector<16xf32>,
        tpu.vector_store_idx %arg14[%add3A_589, %broadcast_in_dim3A_686], %gather3A_690 : memref<256x128xf32, #tpu.memory_space<vmem>>[vector<16xi32>, vector<16xi32>], vector<16xf32>,
        %broadcast_in_dim3A_691 = arith.constant 17 : i32
        %broadcast_in_dim3A_692 = vector.broadcast %broadcast_in_dim3A_691 : i32 to vector<16xi32>
        %add3A_693 = arith.constant 1088 : i32
        %add3A_694 = vector.broadcast %add3A_693 : i32 to vector<16xi32>
        %add3A_695 = arith.addi %add3A_694, %get3A_585 : vector<16xi32>
        %gather3A_696 = tpu.vector_load_idx %arg10[%add3A_695] : memref<2048xf32, #tpu.memory_space<vmem>>[vector<16xi32>], vector<16xf32>,
        tpu.vector_store_idx %arg14[%add3A_589, %broadcast_in_dim3A_692], %gather3A_696 : memref<256x128xf32, #tpu.memory_space<vmem>>[vector<16xi32>, vector<16xi32>], vector<16xf32>,
        %broadcast_in_dim3A_697 = arith.constant 18 : i32
        %broadcast_in_dim3A_698 = vector.broadcast %broadcast_in_dim3A_697 : i32 to vector<16xi32>
        %add3A_699 = arith.constant 1152 : i32
        %add3A_700 = vector.broadcast %add3A_699 : i32 to vector<16xi32>
        %add3A_701 = arith.addi %add3A_700, %get3A_585 : vector<16xi32>
        %gather3A_702 = tpu.vector_load_idx %arg10[%add3A_701] : memref<2048xf32, #tpu.memory_space<vmem>>[vector<16xi32>], vector<16xf32>,
        tpu.vector_store_idx %arg14[%add3A_589, %broadcast_in_dim3A_698], %gather3A_702 : memref<256x128xf32, #tpu.memory_space<vmem>>[vector<16xi32>, vector<16xi32>], vector<16xf32>,
        %broadcast_in_dim3A_703 = arith.constant 19 : i32
        %broadcast_in_dim3A_704 = vector.broadcast %broadcast_in_dim3A_703 : i32 to vector<16xi32>
        %add3A_705 = arith.constant 1216 : i32
        %add3A_706 = vector.broadcast %add3A_705 : i32 to vector<16xi32>
        %add3A_707 = arith.addi %add3A_706, %get3A_585 : vector<16xi32>
        %gather3A_708 = tpu.vector_load_idx %arg10[%add3A_707] : memref<2048xf32, #tpu.memory_space<vmem>>[vector<16xi32>], vector<16xf32>,
        tpu.vector_store_idx %arg14[%add3A_589, %broadcast_in_dim3A_704], %gather3A_708 : memref<256x128xf32, #tpu.memory_space<vmem>>[vector<16xi32>, vector<16xi32>], vector<16xf32>,
        %broadcast_in_dim3A_709 = arith.constant 20 : i32
        %broadcast_in_dim3A_710 = vector.broadcast %broadcast_in_dim3A_709 : i32 to vector<16xi32>
        %add3A_711 = arith.constant 1280 : i32
        %add3A_712 = vector.broadcast %add3A_711 : i32 to vector<16xi32>
        %add3A_713 = arith.addi %add3A_712, %get3A_585 : vector<16xi32>
        %gather3A_714 = tpu.vector_load_idx %arg10[%add3A_713] : memref<2048xf32, #tpu.memory_space<vmem>>[vector<16xi32>], vector<16xf32>,
        tpu.vector_store_idx %arg14[%add3A_589, %broadcast_in_dim3A_710], %gather3A_714 : memref<256x128xf32, #tpu.memory_space<vmem>>[vector<16xi32>, vector<16xi32>], vector<16xf32>,
        %broadcast_in_dim3A_715 = arith.constant 21 : i32
        %broadcast_in_dim3A_716 = vector.broadcast %broadcast_in_dim3A_715 : i32 to vector<16xi32>
        %add3A_717 = arith.constant 1344 : i32
        %add3A_718 = vector.broadcast %add3A_717 : i32 to vector<16xi32>
        %add3A_719 = arith.addi %add3A_718, %get3A_585 : vector<16xi32>
        %gather3A_720 = tpu.vector_load_idx %arg10[%add3A_719] : memref<2048xf32, #tpu.memory_space<vmem>>[vector<16xi32>], vector<16xf32>,
        tpu.vector_store_idx %arg14[%add3A_589, %broadcast_in_dim3A_716], %gather3A_720 : memref<256x128xf32, #tpu.memory_space<vmem>>[vector<16xi32>, vector<16xi32>], vector<16xf32>,
        %broadcast_in_dim3A_721 = arith.constant 22 : i32
        %broadcast_in_dim3A_722 = vector.broadcast %broadcast_in_dim3A_721 : i32 to vector<16xi32>
        %add3A_723 = arith.constant 1408 : i32
        %add3A_724 = vector.broadcast %add3A_723 : i32 to vector<16xi32>
        %add3A_725 = arith.addi %add3A_724, %get3A_585 : vector<16xi32>
        %gather3A_726 = tpu.vector_load_idx %arg10[%add3A_725] : memref<2048xf32, #tpu.memory_space<vmem>>[vector<16xi32>], vector<16xf32>,
        tpu.vector_store_idx %arg14[%add3A_589, %broadcast_in_dim3A_722], %gather3A_726 : memref<256x128xf32, #tpu.memory_space<vmem>>[vector<16xi32>, vector<16xi32>], vector<16xf32>,
        %broadcast_in_dim3A_727 = arith.constant 23 : i32
        %broadcast_in_dim3A_728 = vector.broadcast %broadcast_in_dim3A_727 : i32 to vector<16xi32>
        %add3A_729 = arith.constant 1472 : i32
        %add3A_730 = vector.broadcast %add3A_729 : i32 to vector<16xi32>
        %add3A_731 = arith.addi %add3A_730, %get3A_585 : vector<16xi32>
        %gather3A_732 = tpu.vector_load_idx %arg10[%add3A_731] : memref<2048xf32, #tpu.memory_space<vmem>>[vector<16xi32>], vector<16xf32>,
        tpu.vector_store_idx %arg14[%add3A_589, %broadcast_in_dim3A_728], %gather3A_732 : memref<256x128xf32, #tpu.memory_space<vmem>>[vector<16xi32>, vector<16xi32>], vector<16xf32>,
        %broadcast_in_dim3A_733 = arith.constant 24 : i32
        %broadcast_in_dim3A_734 = vector.broadcast %broadcast_in_dim3A_733 : i32 to vector<16xi32>
        %add3A_735 = arith.constant 1536 : i32
        %add3A_736 = vector.broadcast %add3A_735 : i32 to vector<16xi32>
        %add3A_737 = arith.addi %add3A_736, %get3A_585 : vector<16xi32>
        %gather3A_738 = tpu.vector_load_idx %arg10[%add3A_737] : memref<2048xf32, #tpu.memory_space<vmem>>[vector<16xi32>], vector<16xf32>,
        tpu.vector_store_idx %arg14[%add3A_589, %broadcast_in_dim3A_734], %gather3A_738 : memref<256x128xf32, #tpu.memory_space<vmem>>[vector<16xi32>, vector<16xi32>], vector<16xf32>,
        %broadcast_in_dim3A_739 = arith.constant 25 : i32
        %broadcast_in_dim3A_740 = vector.broadcast %broadcast_in_dim3A_739 : i32 to vector<16xi32>
        %add3A_741 = arith.constant 1600 : i32
        %add3A_742 = vector.broadcast %add3A_741 : i32 to vector<16xi32>
        %add3A_743 = arith.addi %add3A_742, %get3A_585 : vector<16xi32>
        %gather3A_744 = tpu.vector_load_idx %arg10[%add3A_743] : memref<2048xf32, #tpu.memory_space<vmem>>[vector<16xi32>], vector<16xf32>,
        tpu.vector_store_idx %arg14[%add3A_589, %broadcast_in_dim3A_740], %gather3A_744 : memref<256x128xf32, #tpu.memory_space<vmem>>[vector<16xi32>, vector<16xi32>], vector<16xf32>,
        %broadcast_in_dim3A_745 = arith.constant 26 : i32
        %broadcast_in_dim3A_746 = vector.broadcast %broadcast_in_dim3A_745 : i32 to vector<16xi32>
        %add3A_747 = arith.constant 1664 : i32
        %add3A_748 = vector.broadcast %add3A_747 : i32 to vector<16xi32>
        %add3A_749 = arith.addi %add3A_748, %get3A_585 : vector<16xi32>
        %gather3A_750 = tpu.vector_load_idx %arg10[%add3A_749] : memref<2048xf32, #tpu.memory_space<vmem>>[vector<16xi32>], vector<16xf32>,
        tpu.vector_store_idx %arg14[%add3A_589, %broadcast_in_dim3A_746], %gather3A_750 : memref<256x128xf32, #tpu.memory_space<vmem>>[vector<16xi32>, vector<16xi32>], vector<16xf32>,
        %broadcast_in_dim3A_751 = arith.constant 27 : i32
        %broadcast_in_dim3A_752 = vector.broadcast %broadcast_in_dim3A_751 : i32 to vector<16xi32>
        %add3A_753 = arith.constant 1728 : i32
        %add3A_754 = vector.broadcast %add3A_753 : i32 to vector<16xi32>
        %add3A_755 = arith.addi %add3A_754, %get3A_585 : vector<16xi32>
        %gather3A_756 = tpu.vector_load_idx %arg10[%add3A_755] : memref<2048xf32, #tpu.memory_space<vmem>>[vector<16xi32>], vector<16xf32>,
        tpu.vector_store_idx %arg14[%add3A_589, %broadcast_in_dim3A_752], %gather3A_756 : memref<256x128xf32, #tpu.memory_space<vmem>>[vector<16xi32>, vector<16xi32>], vector<16xf32>,
        %broadcast_in_dim3A_757 = arith.constant 28 : i32
        %broadcast_in_dim3A_758 = vector.broadcast %broadcast_in_dim3A_757 : i32 to vector<16xi32>
        %add3A_759 = arith.constant 1792 : i32
        %add3A_760 = vector.broadcast %add3A_759 : i32 to vector<16xi32>
        %add3A_761 = arith.addi %add3A_760, %get3A_585 : vector<16xi32>
        %gather3A_762 = tpu.vector_load_idx %arg10[%add3A_761] : memref<2048xf32, #tpu.memory_space<vmem>>[vector<16xi32>], vector<16xf32>,
        tpu.vector_store_idx %arg14[%add3A_589, %broadcast_in_dim3A_758], %gather3A_762 : memref<256x128xf32, #tpu.memory_space<vmem>>[vector<16xi32>, vector<16xi32>], vector<16xf32>,
        %broadcast_in_dim3A_763 = arith.constant 29 : i32
        %broadcast_in_dim3A_764 = vector.broadcast %broadcast_in_dim3A_763 : i32 to vector<16xi32>
        %add3A_765 = arith.constant 1856 : i32
        %add3A_766 = vector.broadcast %add3A_765 : i32 to vector<16xi32>
        %add3A_767 = arith.addi %add3A_766, %get3A_585 : vector<16xi32>
        %gather3A_768 = tpu.vector_load_idx %arg10[%add3A_767] : memref<2048xf32, #tpu.memory_space<vmem>>[vector<16xi32>], vector<16xf32>,
        tpu.vector_store_idx %arg14[%add3A_589, %broadcast_in_dim3A_764], %gather3A_768 : memref<256x128xf32, #tpu.memory_space<vmem>>[vector<16xi32>, vector<16xi32>], vector<16xf32>,
        %broadcast_in_dim3A_769 = arith.constant 30 : i32
        %broadcast_in_dim3A_770 = vector.broadcast %broadcast_in_dim3A_769 : i32 to vector<16xi32>
        %add3A_771 = arith.constant 1920 : i32
        %add3A_772 = vector.broadcast %add3A_771 : i32 to vector<16xi32>
        %add3A_773 = arith.addi %add3A_772, %get3A_585 : vector<16xi32>
        %gather3A_774 = tpu.vector_load_idx %arg10[%add3A_773] : memref<2048xf32, #tpu.memory_space<vmem>>[vector<16xi32>], vector<16xf32>,
        tpu.vector_store_idx %arg14[%add3A_589, %broadcast_in_dim3A_770], %gather3A_774 : memref<256x128xf32, #tpu.memory_space<vmem>>[vector<16xi32>, vector<16xi32>], vector<16xf32>,
        %broadcast_in_dim3A_775 = arith.constant 31 : i32
        %broadcast_in_dim3A_776 = vector.broadcast %broadcast_in_dim3A_775 : i32 to vector<16xi32>
        %add3A_777 = arith.constant 1984 : i32
        %add3A_778 = vector.broadcast %add3A_777 : i32 to vector<16xi32>
        %add3A_779 = arith.addi %add3A_778, %get3A_585 : vector<16xi32>
        %gather3A_780 = tpu.vector_load_idx %arg10[%add3A_779] : memref<2048xf32, #tpu.memory_space<vmem>>[vector<16xi32>], vector<16xf32>,
        tpu.vector_store_idx %arg14[%add3A_589, %broadcast_in_dim3A_776], %gather3A_780 : memref<256x128xf32, #tpu.memory_space<vmem>>[vector<16xi32>, vector<16xi32>], vector<16xf32>,
        %while3A_781 = arith.constant 0 : i32
        scf.yield %while3A_781 : i32
      }
      %while3A_554 = arith.constant 1 : i32
      %while3A_555 = scf.for %while3A_580 = %while3A_551 to %while3A_547 step %while3A_554 iter_args(%while3A_581 = %while3A_553) -> (i32)  : i32 {
        %mul3A_582 = arith.constant 16 : i32
        %mul3A_583 = arith.muli %while3A_580, %mul3A_582 : i32
        %get3A_584 = arith.index_cast %mul3A_583 : i32 to index
        %get3A_585 = tpu.vector_load %arg11[%get3A_584] {strides = array<i32>} : memref<256xi32, #tpu.memory_space<vmem>>, vector<16xi32>,
        %mul3A_586 = arith.constant 16 : i32
        %mul3A_587 = arith.muli %while3A_580, %mul3A_586 : i32
        %add3A_588 = vector.broadcast %mul3A_587 : i32 to vector<16xi32>
        %add3A_589 = arith.addi %add3A_588, %iota3A : vector<16xi32>
        %broadcast_in_dim3A_590 = arith.constant 0 : i32
        %broadcast_in_dim3A_591 = vector.broadcast %broadcast_in_dim3A_590 : i32 to vector<16xi32>
        %add3A_592 = arith.constant 0 : i32
        %add3A_593 = vector.broadcast %add3A_592 : i32 to vector<16xi32>
        %add3A_594 = arith.addi %add3A_593, %get3A_585 : vector<16xi32>
        %gather3A = tpu.vector_load_idx %arg10[%add3A_594] : memref<2048xf32, #tpu.memory_space<vmem>>[vector<16xi32>], vector<16xf32>,
        tpu.vector_store_idx %arg14[%add3A_589, %broadcast_in_dim3A_591], %gather3A : memref<256x128xf32, #tpu.memory_space<vmem>>[vector<16xi32>, vector<16xi32>], vector<16xf32>,
        %broadcast_in_dim3A_595 = arith.constant 1 : i32
        %broadcast_in_dim3A_596 = vector.broadcast %broadcast_in_dim3A_595 : i32 to vector<16xi32>
        %add3A_597 = arith.constant 64 : i32
        %add3A_598 = vector.broadcast %add3A_597 : i32 to vector<16xi32>
        %add3A_599 = arith.addi %add3A_598, %get3A_585 : vector<16xi32>
        %gather3A_600 = tpu.vector_load_idx %arg10[%add3A_599] : memref<2048xf32, #tpu.memory_space<vmem>>[vector<16xi32>], vector<16xf32>,
        tpu.vector_store_idx %arg14[%add3A_589, %broadcast_in_dim3A_596], %gather3A_600 : memref<256x128xf32, #tpu.memory_space<vmem>>[vector<16xi32>, vector<16xi32>], vector<16xf32>,
        %broadcast_in_dim3A_601 = arith.constant 2 : i32
        %broadcast_in_dim3A_602 = vector.broadcast %broadcast_in_dim3A_601 : i32 to vector<16xi32>
        %add3A_603 = arith.constant 128 : i32
        %add3A_604 = vector.broadcast %add3A_603 : i32 to vector<16xi32>
        %add3A_605 = arith.addi %add3A_604, %get3A_585 : vector<16xi32>
        %gather3A_606 = tpu.vector_load_idx %arg10[%add3A_605] : memref<2048xf32, #tpu.memory_space<vmem>>[vector<16xi32>], vector<16xf32>,
        tpu.vector_store_idx %arg14[%add3A_589, %broadcast_in_dim3A_602], %gather3A_606 : memref<256x128xf32, #tpu.memory_space<vmem>>[vector<16xi32>, vector<16xi32>], vector<16xf32>,
        %broadcast_in_dim3A_607 = arith.constant 3 : i32
        %broadcast_in_dim3A_608 = vector.broadcast %broadcast_in_dim3A_607 : i32 to vector<16xi32>
        %add3A_609 = arith.constant 192 : i32
        %add3A_610 = vector.broadcast %add3A_609 : i32 to vector<16xi32>
        %add3A_611 = arith.addi %add3A_610, %get3A_585 : vector<16xi32>
        %gather3A_612 = tpu.vector_load_idx %arg10[%add3A_611] : memref<2048xf32, #tpu.memory_space<vmem>>[vector<16xi32>], vector<16xf32>,
        tpu.vector_store_idx %arg14[%add3A_589, %broadcast_in_dim3A_608], %gather3A_612 : memref<256x128xf32, #tpu.memory_space<vmem>>[vector<16xi32>, vector<16xi32>], vector<16xf32>,
        %broadcast_in_dim3A_613 = arith.constant 4 : i32
        %broadcast_in_dim3A_614 = vector.broadcast %broadcast_in_dim3A_613 : i32 to vector<16xi32>
        %add3A_615 = arith.constant 256 : i32
        %add3A_616 = vector.broadcast %add3A_615 : i32 to vector<16xi32>
        %add3A_617 = arith.addi %add3A_616, %get3A_585 : vector<16xi32>
        %gather3A_618 = tpu.vector_load_idx %arg10[%add3A_617] : memref<2048xf32, #tpu.memory_space<vmem>>[vector<16xi32>], vector<16xf32>,
        tpu.vector_store_idx %arg14[%add3A_589, %broadcast_in_dim3A_614], %gather3A_618 : memref<256x128xf32, #tpu.memory_space<vmem>>[vector<16xi32>, vector<16xi32>], vector<16xf32>,
        %broadcast_in_dim3A_619 = arith.constant 5 : i32
        %broadcast_in_dim3A_620 = vector.broadcast %broadcast_in_dim3A_619 : i32 to vector<16xi32>
        %add3A_621 = arith.constant 320 : i32
        %add3A_622 = vector.broadcast %add3A_621 : i32 to vector<16xi32>
        %add3A_623 = arith.addi %add3A_622, %get3A_585 : vector<16xi32>
        %gather3A_624 = tpu.vector_load_idx %arg10[%add3A_623] : memref<2048xf32, #tpu.memory_space<vmem>>[vector<16xi32>], vector<16xf32>,
        tpu.vector_store_idx %arg14[%add3A_589, %broadcast_in_dim3A_620], %gather3A_624 : memref<256x128xf32, #tpu.memory_space<vmem>>[vector<16xi32>, vector<16xi32>], vector<16xf32>,
        %broadcast_in_dim3A_625 = arith.constant 6 : i32
        %broadcast_in_dim3A_626 = vector.broadcast %broadcast_in_dim3A_625 : i32 to vector<16xi32>
        %add3A_627 = arith.constant 384 : i32
        %add3A_628 = vector.broadcast %add3A_627 : i32 to vector<16xi32>
        %add3A_629 = arith.addi %add3A_628, %get3A_585 : vector<16xi32>
        %gather3A_630 = tpu.vector_load_idx %arg10[%add3A_629] : memref<2048xf32, #tpu.memory_space<vmem>>[vector<16xi32>], vector<16xf32>,
        tpu.vector_store_idx %arg14[%add3A_589, %broadcast_in_dim3A_626], %gather3A_630 : memref<256x128xf32, #tpu.memory_space<vmem>>[vector<16xi32>, vector<16xi32>], vector<16xf32>,
        %broadcast_in_dim3A_631 = arith.constant 7 : i32
        %broadcast_in_dim3A_632 = vector.broadcast %broadcast_in_dim3A_631 : i32 to vector<16xi32>
        %add3A_633 = arith.constant 448 : i32
        %add3A_634 = vector.broadcast %add3A_633 : i32 to vector<16xi32>
        %add3A_635 = arith.addi %add3A_634, %get3A_585 : vector<16xi32>
        %gather3A_636 = tpu.vector_load_idx %arg10[%add3A_635] : memref<2048xf32, #tpu.memory_space<vmem>>[vector<16xi32>], vector<16xf32>,
        tpu.vector_store_idx %arg14[%add3A_589, %broadcast_in_dim3A_632], %gather3A_636 : memref<256x128xf32, #tpu.memory_space<vmem>>[vector<16xi32>, vector<16xi32>], vector<16xf32>,
        %broadcast_in_dim3A_637 = arith.constant 8 : i32
        %broadcast_in_dim3A_638 = vector.broadcast %broadcast_in_dim3A_637 : i32 to vector<16xi32>
        %add3A_639 = arith.constant 512 : i32
        %add3A_640 = vector.broadcast %add3A_639 : i32 to vector<16xi32>
        %add3A_641 = arith.addi %add3A_640, %get3A_585 : vector<16xi32>
        %gather3A_642 = tpu.vector_load_idx %arg10[%add3A_641] : memref<2048xf32, #tpu.memory_space<vmem>>[vector<16xi32>], vector<16xf32>,
        tpu.vector_store_idx %arg14[%add3A_589, %broadcast_in_dim3A_638], %gather3A_642 : memref<256x128xf32, #tpu.memory_space<vmem>>[vector<16xi32>, vector<16xi32>], vector<16xf32>,
        %broadcast_in_dim3A_643 = arith.constant 9 : i32
        %broadcast_in_dim3A_644 = vector.broadcast %broadcast_in_dim3A_643 : i32 to vector<16xi32>
        %add3A_645 = arith.constant 576 : i32
        %add3A_646 = vector.broadcast %add3A_645 : i32 to vector<16xi32>
        %add3A_647 = arith.addi %add3A_646, %get3A_585 : vector<16xi32>
        %gather3A_648 = tpu.vector_load_idx %arg10[%add3A_647] : memref<2048xf32, #tpu.memory_space<vmem>>[vector<16xi32>], vector<16xf32>,
        tpu.vector_store_idx %arg14[%add3A_589, %broadcast_in_dim3A_644], %gather3A_648 : memref<256x128xf32, #tpu.memory_space<vmem>>[vector<16xi32>, vector<16xi32>], vector<16xf32>,
        %broadcast_in_dim3A_649 = arith.constant 10 : i32
        %broadcast_in_dim3A_650 = vector.broadcast %broadcast_in_dim3A_649 : i32 to vector<16xi32>
        %add3A_651 = arith.constant 640 : i32
        %add3A_652 = vector.broadcast %add3A_651 : i32 to vector<16xi32>
        %add3A_653 = arith.addi %add3A_652, %get3A_585 : vector<16xi32>
        %gather3A_654 = tpu.vector_load_idx %arg10[%add3A_653] : memref<2048xf32, #tpu.memory_space<vmem>>[vector<16xi32>], vector<16xf32>,
        tpu.vector_store_idx %arg14[%add3A_589, %broadcast_in_dim3A_650], %gather3A_654 : memref<256x128xf32, #tpu.memory_space<vmem>>[vector<16xi32>, vector<16xi32>], vector<16xf32>,
        %broadcast_in_dim3A_655 = arith.constant 11 : i32
        %broadcast_in_dim3A_656 = vector.broadcast %broadcast_in_dim3A_655 : i32 to vector<16xi32>
        %add3A_657 = arith.constant 704 : i32
        %add3A_658 = vector.broadcast %add3A_657 : i32 to vector<16xi32>
        %add3A_659 = arith.addi %add3A_658, %get3A_585 : vector<16xi32>
        %gather3A_660 = tpu.vector_load_idx %arg10[%add3A_659] : memref<2048xf32, #tpu.memory_space<vmem>>[vector<16xi32>], vector<16xf32>,
        tpu.vector_store_idx %arg14[%add3A_589, %broadcast_in_dim3A_656], %gather3A_660 : memref<256x128xf32, #tpu.memory_space<vmem>>[vector<16xi32>, vector<16xi32>], vector<16xf32>,
        %broadcast_in_dim3A_661 = arith.constant 12 : i32
        %broadcast_in_dim3A_662 = vector.broadcast %broadcast_in_dim3A_661 : i32 to vector<16xi32>
        %add3A_663 = arith.constant 768 : i32
        %add3A_664 = vector.broadcast %add3A_663 : i32 to vector<16xi32>
        %add3A_665 = arith.addi %add3A_664, %get3A_585 : vector<16xi32>
        %gather3A_666 = tpu.vector_load_idx %arg10[%add3A_665] : memref<2048xf32, #tpu.memory_space<vmem>>[vector<16xi32>], vector<16xf32>,
        tpu.vector_store_idx %arg14[%add3A_589, %broadcast_in_dim3A_662], %gather3A_666 : memref<256x128xf32, #tpu.memory_space<vmem>>[vector<16xi32>, vector<16xi32>], vector<16xf32>,
        %broadcast_in_dim3A_667 = arith.constant 13 : i32
        %broadcast_in_dim3A_668 = vector.broadcast %broadcast_in_dim3A_667 : i32 to vector<16xi32>
        %add3A_669 = arith.constant 832 : i32
        %add3A_670 = vector.broadcast %add3A_669 : i32 to vector<16xi32>
        %add3A_671 = arith.addi %add3A_670, %get3A_585 : vector<16xi32>
        %gather3A_672 = tpu.vector_load_idx %arg10[%add3A_671] : memref<2048xf32, #tpu.memory_space<vmem>>[vector<16xi32>], vector<16xf32>,
        tpu.vector_store_idx %arg14[%add3A_589, %broadcast_in_dim3A_668], %gather3A_672 : memref<256x128xf32, #tpu.memory_space<vmem>>[vector<16xi32>, vector<16xi32>], vector<16xf32>,
        %broadcast_in_dim3A_673 = arith.constant 14 : i32
        %broadcast_in_dim3A_674 = vector.broadcast %broadcast_in_dim3A_673 : i32 to vector<16xi32>
        %add3A_675 = arith.constant 896 : i32
        %add3A_676 = vector.broadcast %add3A_675 : i32 to vector<16xi32>
        %add3A_677 = arith.addi %add3A_676, %get3A_585 : vector<16xi32>
        %gather3A_678 = tpu.vector_load_idx %arg10[%add3A_677] : memref<2048xf32, #tpu.memory_space<vmem>>[vector<16xi32>], vector<16xf32>,
        tpu.vector_store_idx %arg14[%add3A_589, %broadcast_in_dim3A_674], %gather3A_678 : memref<256x128xf32, #tpu.memory_space<vmem>>[vector<16xi32>, vector<16xi32>], vector<16xf32>,
        %broadcast_in_dim3A_679 = arith.constant 15 : i32
        %broadcast_in_dim3A_680 = vector.broadcast %broadcast_in_dim3A_679 : i32 to vector<16xi32>
        %add3A_681 = arith.constant 960 : i32
        %add3A_682 = vector.broadcast %add3A_681 : i32 to vector<16xi32>
        %add3A_683 = arith.addi %add3A_682, %get3A_585 : vector<16xi32>
        %gather3A_684 = tpu.vector_load_idx %arg10[%add3A_683] : memref<2048xf32, #tpu.memory_space<vmem>>[vector<16xi32>], vector<16xf32>,
        tpu.vector_store_idx %arg14[%add3A_589, %broadcast_in_dim3A_680], %gather3A_684 : memref<256x128xf32, #tpu.memory_space<vmem>>[vector<16xi32>, vector<16xi32>], vector<16xf32>,
        %broadcast_in_dim3A_685 = arith.constant 16 : i32
        %broadcast_in_dim3A_686 = vector.broadcast %broadcast_in_dim3A_685 : i32 to vector<16xi32>
        %add3A_687 = arith.constant 1024 : i32
        %add3A_688 = vector.broadcast %add3A_687 : i32 to vector<16xi32>
        %add3A_689 = arith.addi %add3A_688, %get3A_585 : vector<16xi32>
        %gather3A_690 = tpu.vector_load_idx %arg10[%add3A_689] : memref<2048xf32, #tpu.memory_space<vmem>>[vector<16xi32>], vector<16xf32>,
        tpu.vector_store_idx %arg14[%add3A_589, %broadcast_in_dim3A_686], %gather3A_690 : memref<256x128xf32, #tpu.memory_space<vmem>>[vector<16xi32>, vector<16xi32>], vector<16xf32>,
        %broadcast_in_dim3A_691 = arith.constant 17 : i32
        %broadcast_in_dim3A_692 = vector.broadcast %broadcast_in_dim3A_691 : i32 to vector<16xi32>
        %add3A_693 = arith.constant 1088 : i32
        %add3A_694 = vector.broadcast %add3A_693 : i32 to vector<16xi32>
        %add3A_695 = arith.addi %add3A_694, %get3A_585 : vector<16xi32>
        %gather3A_696 = tpu.vector_load_idx %arg10[%add3A_695] : memref<2048xf32, #tpu.memory_space<vmem>>[vector<16xi32>], vector<16xf32>,
        tpu.vector_store_idx %arg14[%add3A_589, %broadcast_in_dim3A_692], %gather3A_696 : memref<256x128xf32, #tpu.memory_space<vmem>>[vector<16xi32>, vector<16xi32>], vector<16xf32>,
        %broadcast_in_dim3A_697 = arith.constant 18 : i32
        %broadcast_in_dim3A_698 = vector.broadcast %broadcast_in_dim3A_697 : i32 to vector<16xi32>
        %add3A_699 = arith.constant 1152 : i32
        %add3A_700 = vector.broadcast %add3A_699 : i32 to vector<16xi32>
        %add3A_701 = arith.addi %add3A_700, %get3A_585 : vector<16xi32>
        %gather3A_702 = tpu.vector_load_idx %arg10[%add3A_701] : memref<2048xf32, #tpu.memory_space<vmem>>[vector<16xi32>], vector<16xf32>,
        tpu.vector_store_idx %arg14[%add3A_589, %broadcast_in_dim3A_698], %gather3A_702 : memref<256x128xf32, #tpu.memory_space<vmem>>[vector<16xi32>, vector<16xi32>], vector<16xf32>,
        %broadcast_in_dim3A_703 = arith.constant 19 : i32
        %broadcast_in_dim3A_704 = vector.broadcast %broadcast_in_dim3A_703 : i32 to vector<16xi32>
        %add3A_705 = arith.constant 1216 : i32
        %add3A_706 = vector.broadcast %add3A_705 : i32 to vector<16xi32>
        %add3A_707 = arith.addi %add3A_706, %get3A_585 : vector<16xi32>
        %gather3A_708 = tpu.vector_load_idx %arg10[%add3A_707] : memref<2048xf32, #tpu.memory_space<vmem>>[vector<16xi32>], vector<16xf32>,
        tpu.vector_store_idx %arg14[%add3A_589, %broadcast_in_dim3A_704], %gather3A_708 : memref<256x128xf32, #tpu.memory_space<vmem>>[vector<16xi32>, vector<16xi32>], vector<16xf32>,
        %broadcast_in_dim3A_709 = arith.constant 20 : i32
        %broadcast_in_dim3A_710 = vector.broadcast %broadcast_in_dim3A_709 : i32 to vector<16xi32>
        %add3A_711 = arith.constant 1280 : i32
        %add3A_712 = vector.broadcast %add3A_711 : i32 to vector<16xi32>
        %add3A_713 = arith.addi %add3A_712, %get3A_585 : vector<16xi32>
        %gather3A_714 = tpu.vector_load_idx %arg10[%add3A_713] : memref<2048xf32, #tpu.memory_space<vmem>>[vector<16xi32>], vector<16xf32>,
        tpu.vector_store_idx %arg14[%add3A_589, %broadcast_in_dim3A_710], %gather3A_714 : memref<256x128xf32, #tpu.memory_space<vmem>>[vector<16xi32>, vector<16xi32>], vector<16xf32>,
        %broadcast_in_dim3A_715 = arith.constant 21 : i32
        %broadcast_in_dim3A_716 = vector.broadcast %broadcast_in_dim3A_715 : i32 to vector<16xi32>
        %add3A_717 = arith.constant 1344 : i32
        %add3A_718 = vector.broadcast %add3A_717 : i32 to vector<16xi32>
        %add3A_719 = arith.addi %add3A_718, %get3A_585 : vector<16xi32>
        %gather3A_720 = tpu.vector_load_idx %arg10[%add3A_719] : memref<2048xf32, #tpu.memory_space<vmem>>[vector<16xi32>], vector<16xf32>,
        tpu.vector_store_idx %arg14[%add3A_589, %broadcast_in_dim3A_716], %gather3A_720 : memref<256x128xf32, #tpu.memory_space<vmem>>[vector<16xi32>, vector<16xi32>], vector<16xf32>,
        %broadcast_in_dim3A_721 = arith.constant 22 : i32
        %broadcast_in_dim3A_722 = vector.broadcast %broadcast_in_dim3A_721 : i32 to vector<16xi32>
        %add3A_723 = arith.constant 1408 : i32
        %add3A_724 = vector.broadcast %add3A_723 : i32 to vector<16xi32>
        %add3A_725 = arith.addi %add3A_724, %get3A_585 : vector<16xi32>
        %gather3A_726 = tpu.vector_load_idx %arg10[%add3A_725] : memref<2048xf32, #tpu.memory_space<vmem>>[vector<16xi32>], vector<16xf32>,
        tpu.vector_store_idx %arg14[%add3A_589, %broadcast_in_dim3A_722], %gather3A_726 : memref<256x128xf32, #tpu.memory_space<vmem>>[vector<16xi32>, vector<16xi32>], vector<16xf32>,
        %broadcast_in_dim3A_727 = arith.constant 23 : i32
        %broadcast_in_dim3A_728 = vector.broadcast %broadcast_in_dim3A_727 : i32 to vector<16xi32>
        %add3A_729 = arith.constant 1472 : i32
        %add3A_730 = vector.broadcast %add3A_729 : i32 to vector<16xi32>
        %add3A_731 = arith.addi %add3A_730, %get3A_585 : vector<16xi32>
        %gather3A_732 = tpu.vector_load_idx %arg10[%add3A_731] : memref<2048xf32, #tpu.memory_space<vmem>>[vector<16xi32>], vector<16xf32>,
        tpu.vector_store_idx %arg14[%add3A_589, %broadcast_in_dim3A_728], %gather3A_732 : memref<256x128xf32, #tpu.memory_space<vmem>>[vector<16xi32>, vector<16xi32>], vector<16xf32>,
        %broadcast_in_dim3A_733 = arith.constant 24 : i32
        %broadcast_in_dim3A_734 = vector.broadcast %broadcast_in_dim3A_733 : i32 to vector<16xi32>
        %add3A_735 = arith.constant 1536 : i32
        %add3A_736 = vector.broadcast %add3A_735 : i32 to vector<16xi32>
        %add3A_737 = arith.addi %add3A_736, %get3A_585 : vector<16xi32>
        %gather3A_738 = tpu.vector_load_idx %arg10[%add3A_737] : memref<2048xf32, #tpu.memory_space<vmem>>[vector<16xi32>], vector<16xf32>,
        tpu.vector_store_idx %arg14[%add3A_589, %broadcast_in_dim3A_734], %gather3A_738 : memref<256x128xf32, #tpu.memory_space<vmem>>[vector<16xi32>, vector<16xi32>], vector<16xf32>,
        %broadcast_in_dim3A_739 = arith.constant 25 : i32
        %broadcast_in_dim3A_740 = vector.broadcast %broadcast_in_dim3A_739 : i32 to vector<16xi32>
        %add3A_741 = arith.constant 1600 : i32
        %add3A_742 = vector.broadcast %add3A_741 : i32 to vector<16xi32>
        %add3A_743 = arith.addi %add3A_742, %get3A_585 : vector<16xi32>
        %gather3A_744 = tpu.vector_load_idx %arg10[%add3A_743] : memref<2048xf32, #tpu.memory_space<vmem>>[vector<16xi32>], vector<16xf32>,
        tpu.vector_store_idx %arg14[%add3A_589, %broadcast_in_dim3A_740], %gather3A_744 : memref<256x128xf32, #tpu.memory_space<vmem>>[vector<16xi32>, vector<16xi32>], vector<16xf32>,
        %broadcast_in_dim3A_745 = arith.constant 26 : i32
        %broadcast_in_dim3A_746 = vector.broadcast %broadcast_in_dim3A_745 : i32 to vector<16xi32>
        %add3A_747 = arith.constant 1664 : i32
        %add3A_748 = vector.broadcast %add3A_747 : i32 to vector<16xi32>
        %add3A_749 = arith.addi %add3A_748, %get3A_585 : vector<16xi32>
        %gather3A_750 = tpu.vector_load_idx %arg10[%add3A_749] : memref<2048xf32, #tpu.memory_space<vmem>>[vector<16xi32>], vector<16xf32>,
        tpu.vector_store_idx %arg14[%add3A_589, %broadcast_in_dim3A_746], %gather3A_750 : memref<256x128xf32, #tpu.memory_space<vmem>>[vector<16xi32>, vector<16xi32>], vector<16xf32>,
        %broadcast_in_dim3A_751 = arith.constant 27 : i32
        %broadcast_in_dim3A_752 = vector.broadcast %broadcast_in_dim3A_751 : i32 to vector<16xi32>
        %add3A_753 = arith.constant 1728 : i32
        %add3A_754 = vector.broadcast %add3A_753 : i32 to vector<16xi32>
        %add3A_755 = arith.addi %add3A_754, %get3A_585 : vector<16xi32>
        %gather3A_756 = tpu.vector_load_idx %arg10[%add3A_755] : memref<2048xf32, #tpu.memory_space<vmem>>[vector<16xi32>], vector<16xf32>,
        tpu.vector_store_idx %arg14[%add3A_589, %broadcast_in_dim3A_752], %gather3A_756 : memref<256x128xf32, #tpu.memory_space<vmem>>[vector<16xi32>, vector<16xi32>], vector<16xf32>,
        %broadcast_in_dim3A_757 = arith.constant 28 : i32
        %broadcast_in_dim3A_758 = vector.broadcast %broadcast_in_dim3A_757 : i32 to vector<16xi32>
        %add3A_759 = arith.constant 1792 : i32
        %add3A_760 = vector.broadcast %add3A_759 : i32 to vector<16xi32>
        %add3A_761 = arith.addi %add3A_760, %get3A_585 : vector<16xi32>
        %gather3A_762 = tpu.vector_load_idx %arg10[%add3A_761] : memref<2048xf32, #tpu.memory_space<vmem>>[vector<16xi32>], vector<16xf32>,
        tpu.vector_store_idx %arg14[%add3A_589, %broadcast_in_dim3A_758], %gather3A_762 : memref<256x128xf32, #tpu.memory_space<vmem>>[vector<16xi32>, vector<16xi32>], vector<16xf32>,
        %broadcast_in_dim3A_763 = arith.constant 29 : i32
        %broadcast_in_dim3A_764 = vector.broadcast %broadcast_in_dim3A_763 : i32 to vector<16xi32>
        %add3A_765 = arith.constant 1856 : i32
        %add3A_766 = vector.broadcast %add3A_765 : i32 to vector<16xi32>
        %add3A_767 = arith.addi %add3A_766, %get3A_585 : vector<16xi32>
        %gather3A_768 = tpu.vector_load_idx %arg10[%add3A_767] : memref<2048xf32, #tpu.memory_space<vmem>>[vector<16xi32>], vector<16xf32>,
        tpu.vector_store_idx %arg14[%add3A_589, %broadcast_in_dim3A_764], %gather3A_768 : memref<256x128xf32, #tpu.memory_space<vmem>>[vector<16xi32>, vector<16xi32>], vector<16xf32>,
        %broadcast_in_dim3A_769 = arith.constant 30 : i32
        %broadcast_in_dim3A_770 = vector.broadcast %broadcast_in_dim3A_769 : i32 to vector<16xi32>
        %add3A_771 = arith.constant 1920 : i32
        %add3A_772 = vector.broadcast %add3A_771 : i32 to vector<16xi32>
        %add3A_773 = arith.addi %add3A_772, %get3A_585 : vector<16xi32>
        %gather3A_774 = tpu.vector_load_idx %arg10[%add3A_773] : memref<2048xf32, #tpu.memory_space<vmem>>[vector<16xi32>], vector<16xf32>,
        tpu.vector_store_idx %arg14[%add3A_589, %broadcast_in_dim3A_770], %gather3A_774 : memref<256x128xf32, #tpu.memory_space<vmem>>[vector<16xi32>, vector<16xi32>], vector<16xf32>,
        %broadcast_in_dim3A_775 = arith.constant 31 : i32
        %broadcast_in_dim3A_776 = vector.broadcast %broadcast_in_dim3A_775 : i32 to vector<16xi32>
        %add3A_777 = arith.constant 1984 : i32
        %add3A_778 = vector.broadcast %add3A_777 : i32 to vector<16xi32>
        %add3A_779 = arith.addi %add3A_778, %get3A_585 : vector<16xi32>
        %gather3A_780 = tpu.vector_load_idx %arg10[%add3A_779] : memref<2048xf32, #tpu.memory_space<vmem>>[vector<16xi32>], vector<16xf32>,
        tpu.vector_store_idx %arg14[%add3A_589, %broadcast_in_dim3A_776], %gather3A_780 : memref<256x128xf32, #tpu.memory_space<vmem>>[vector<16xi32>, vector<16xi32>], vector<16xf32>,
        %while3A_781 = arith.constant 0 : i32
        scf.yield %while3A_781 : i32
      }
      %while3A_556 = arith.constant 0 : i32
      %while3A_557 = arith.constant 0 : i32
      %while3A_558 = arith.subi %select_n3A_543, %while3A_556 : i32
      %while3A_559 = arith.addi %while3A_556, %while3A_558 : i32
      %while3A_560 = arith.constant 1 : i32
      %while3A_561 = arith.divsi %while3A_558, %while3A_560 : i32
      %while3A_562 = arith.muli %while3A_561, %while3A_560 : i32
      %while3A_563 = arith.addi %while3A_556, %while3A_562 : i32
      %while3A_564 = arith.constant 1 : i32
      %while3A_565 = scf.for %while3A_580 = %while3A_556 to %while3A_563 step %while3A_564 iter_args(%while3A_581 = %while3A_557) -> (i32)  : i32 {
        %mul3A_582 = arith.constant 16 : i32
        %mul3A_583 = arith.muli %while3A_580, %mul3A_582 : i32
        %dma_start3A_584 = arith.constant 0 : i32
        %dma_start3A_585 = tpu.memref_slice %arg14[%mul3A_583, %dma_start3A_584] : memref<256x128xf32, #tpu.memory_space<vmem>> -> memref<16x128xf32, #tpu.memory_space<vmem>>
        %dma_start3A_586 = arith.constant 0 : i32
        %dma_start3A_587 = tpu.memref_slice %arg13[%while3A_580, %dma_start3A_586] : memref<16x16xi32, #tpu.memory_space<vmem>> -> memref<1x16xi32, #tpu.memory_space<vmem>>
        %dma_start3A_588 = tpu.memref_squeeze %dma_start3A_587 : memref<1x16xi32, #tpu.memory_space<vmem>> -> memref<16xi32, #tpu.memory_space<vmem>>
        %dma_start3A_589 = arith.constant 0 : i32
        %dma_start3A_590 = arith.constant 0 : i32
        %dma_start3A_591 = tpu.memref_slice %arg5[%dma_start3A_589, %dma_start3A_590] : memref<49664x128xf32, #tpu.memory_space<hbm>> -> memref<49664x128xf32, #tpu.memory_space<hbm>>
        tpu.enqueue_indirect_dma source(%dma_start3A_585 : memref<16x128xf32, #tpu.memory_space<vmem>>) target(%dma_start3A_591 : memref<49664x128xf32, #tpu.memory_space<hbm>>) offsets(%dma_start3A_588 : memref<16xi32, #tpu.memory_space<vmem>>) semaphore(%arg17 : memref<!tpu.dma_semaphore, #tpu.memory_space<semaphore_mem>>)
        %while3A_592 = arith.constant 0 : i32
        scf.yield %while3A_592 : i32
      }
      %while3A_566 = arith.constant 1 : i32
      %while3A_567 = scf.for %while3A_580 = %while3A_563 to %while3A_559 step %while3A_566 iter_args(%while3A_581 = %while3A_565) -> (i32)  : i32 {
        %mul3A_582 = arith.constant 16 : i32
        %mul3A_583 = arith.muli %while3A_580, %mul3A_582 : i32
        %dma_start3A_584 = arith.constant 0 : i32
        %dma_start3A_585 = tpu.memref_slice %arg14[%mul3A_583, %dma_start3A_584] : memref<256x128xf32, #tpu.memory_space<vmem>> -> memref<16x128xf32, #tpu.memory_space<vmem>>
        %dma_start3A_586 = arith.constant 0 : i32
        %dma_start3A_587 = tpu.memref_slice %arg13[%while3A_580, %dma_start3A_586] : memref<16x16xi32, #tpu.memory_space<vmem>> -> memref<1x16xi32, #tpu.memory_space<vmem>>
        %dma_start3A_588 = tpu.memref_squeeze %dma_start3A_587 : memref<1x16xi32, #tpu.memory_space<vmem>> -> memref<16xi32, #tpu.memory_space<vmem>>
        %dma_start3A_589 = arith.constant 0 : i32
        %dma_start3A_590 = arith.constant 0 : i32
        %dma_start3A_591 = tpu.memref_slice %arg5[%dma_start3A_589, %dma_start3A_590] : memref<49664x128xf32, #tpu.memory_space<hbm>> -> memref<49664x128xf32, #tpu.memory_space<hbm>>
        tpu.enqueue_indirect_dma source(%dma_start3A_585 : memref<16x128xf32, #tpu.memory_space<vmem>>) target(%dma_start3A_591 : memref<49664x128xf32, #tpu.memory_space<hbm>>) offsets(%dma_start3A_588 : memref<16xi32, #tpu.memory_space<vmem>>) semaphore(%arg17 : memref<!tpu.dma_semaphore, #tpu.memory_space<semaphore_mem>>)
        %while3A_592 = arith.constant 0 : i32
        scf.yield %while3A_592 : i32
      }
      %while3A_568 = arith.constant 0 : i32
      %while3A_569 = arith.constant 0 : i32
      %while3A_570 = arith.subi %select_n3A_543, %while3A_568 : i32
      %while3A_571 = arith.addi %while3A_568, %while3A_570 : i32
      %while3A_572 = arith.constant 1 : i32
      %while3A_573 = arith.divsi %while3A_570, %while3A_572 : i32
      %while3A_574 = arith.muli %while3A_573, %while3A_572 : i32
      %while3A_575 = arith.addi %while3A_568, %while3A_574 : i32
      %while3A_576 = arith.constant 1 : i32
      %while3A_577 = scf.for %while3A_580 = %while3A_568 to %while3A_575 step %while3A_576 iter_args(%while3A_581 = %while3A_569) -> (i32)  : i32 {
        %dma_wait3A_582 = arith.constant 0 : i32
        %dma_wait3A_583 = arith.constant 0 : i32
        %dma_wait3A_584 = tpu.memref_slice %arg14[%dma_wait3A_582, %dma_wait3A_583] : memref<256x128xf32, #tpu.memory_space<vmem>> -> memref<16x128xf32, #tpu.memory_space<vmem>>
        %dma_wait3A_585 = arith.constant 0 : i32
        %dma_wait3A_586 = arith.constant 0 : i32
        %dma_wait3A_587 = tpu.memref_slice %arg5[%dma_wait3A_585, %dma_wait3A_586] : memref<49664x128xf32, #tpu.memory_space<hbm>> -> memref<16x128xf32, #tpu.memory_space<hbm>>
        %dma_wait3A_588 = arith.constant 0 : i32
        %dma_wait3A_589 = arith.constant 0 : i32
        %dma_wait3A_590 = tpu.memref_slice %arg14[%dma_wait3A_588, %dma_wait3A_589] : memref<256x128xf32, #tpu.memory_space<vmem>> -> memref<16x128xf32, #tpu.memory_space<vmem>>
        %dma_wait3A_591 = arith.constant 0 : i32
        %dma_wait3A_592 = arith.constant 0 : i32
        %dma_wait3A_593 = tpu.memref_slice %arg5[%dma_wait3A_591, %dma_wait3A_592] : memref<49664x128xf32, #tpu.memory_space<hbm>> -> memref<16x128xf32, #tpu.memory_space<hbm>>
        tpu.wait_dma2 semaphore(%arg17 : memref<!tpu.dma_semaphore, #tpu.memory_space<semaphore_mem>>) src(%dma_wait3A_593 : memref<16x128xf32, #tpu.memory_space<hbm>>) dst(%dma_wait3A_590 : memref<16x128xf32, #tpu.memory_space<vmem>>)
        %while3A_594 = arith.constant 0 : i32
        scf.yield %while3A_594 : i32
      }
      %while3A_578 = arith.constant 1 : i32
      %while3A_579 = scf.for %while3A_580 = %while3A_575 to %while3A_571 step %while3A_578 iter_args(%while3A_581 = %while3A_577) -> (i32)  : i32 {
        %dma_wait3A_582 = arith.constant 0 : i32
        %dma_wait3A_583 = arith.constant 0 : i32
        %dma_wait3A_584 = tpu.memref_slice %arg14[%dma_wait3A_582, %dma_wait3A_583] : memref<256x128xf32, #tpu.memory_space<vmem>> -> memref<16x128xf32, #tpu.memory_space<vmem>>
        %dma_wait3A_585 = arith.constant 0 : i32
        %dma_wait3A_586 = arith.constant 0 : i32
        %dma_wait3A_587 = tpu.memref_slice %arg5[%dma_wait3A_585, %dma_wait3A_586] : memref<49664x128xf32, #tpu.memory_space<hbm>> -> memref<16x128xf32, #tpu.memory_space<hbm>>
        %dma_wait3A_588 = arith.constant 0 : i32
        %dma_wait3A_589 = arith.constant 0 : i32
        %dma_wait3A_590 = tpu.memref_slice %arg14[%dma_wait3A_588, %dma_wait3A_589] : memref<256x128xf32, #tpu.memory_space<vmem>> -> memref<16x128xf32, #tpu.memory_space<vmem>>
        %dma_wait3A_591 = arith.constant 0 : i32
        %dma_wait3A_592 = arith.constant 0 : i32
        %dma_wait3A_593 = tpu.memref_slice %arg5[%dma_wait3A_591, %dma_wait3A_592] : memref<49664x128xf32, #tpu.memory_space<hbm>> -> memref<16x128xf32, #tpu.memory_space<hbm>>
        tpu.wait_dma2 semaphore(%arg17 : memref<!tpu.dma_semaphore, #tpu.memory_space<semaphore_mem>>) src(%dma_wait3A_593 : memref<16x128xf32, #tpu.memory_space<hbm>>) dst(%dma_wait3A_590 : memref<16x128xf32, #tpu.memory_space<vmem>>)
        %while3A_594 = arith.constant 0 : i32
        scf.yield %while3A_594 : i32
      }
    } else {
    }
    return
  }
}

module attributes {stable_mosaic.version = 14 : i64} {
  func.func @_tc_body(%arg0: i32, %arg1: memref<2048x128xf32, #tpu.memory_space<vmem>>, %arg2: memref<2048x128xf32, #tpu.memory_space<vmem>>, %arg3: memref<2048x128xf32, #tpu.memory_space<vmem>>, %arg4: memref<1x1xf32, #tpu.memory_space<smem>>, %arg5: memref<1x1xf32, #tpu.memory_space<smem>>, %arg6: memref<1x1xf32, #tpu.memory_space<smem>>) attributes {dimension_semantics = [#tpu.dimension_semantics<arbitrary>], iteration_bounds = array<i64: 8>, scalar_prefetch = 0 : i64, scratch_operands = 0 : i64, tpu.core_type = #tpu.core_type<tc>, window_params = [{transform_indices = @transform_0, window_bounds = array<i64: 2048, 128>}, {transform_indices = @transform_1, window_bounds = array<i64: 2048, 128>}, {transform_indices = @transform_2, window_bounds = array<i64: 2048, 128>}, {transform_indices = @transform_3, window_bounds = array<i64: 1, 1>}, {transform_indices = @transform_4, window_bounds = array<i64: 1, 1>}, {transform_indices = @transform_5, window_bounds = array<i64: 1, 1>}]} {
    %get3A = arith.constant 0 : index
    %get3A_0 = arith.constant 0 : index
    %get3A_1 = vector.load %arg1[%get3A, %get3A_0] : memref<2048x128xf32, #tpu.memory_space<vmem>>, vector<2048x128xf32>
    %get3A_2 = arith.constant 0 : index
    %get3A_3 = arith.constant 0 : index
    %get3A_4 = vector.load %arg2[%get3A_2, %get3A_3] : memref<2048x128xf32, #tpu.memory_space<vmem>>, vector<2048x128xf32>
    %get3A_5 = arith.constant 0 : index
    %get3A_6 = arith.constant 0 : index
    %get3A_7 = vector.load %arg3[%get3A_5, %get3A_6] : memref<2048x128xf32, #tpu.memory_space<vmem>>, vector<2048x128xf32>
    %iota3A = tpu.iota {dimensions = array<i32: 1>} : vector<2048x128xi32>
    %lt3A = arith.constant 32 : i32
    %lt3A_8 = vector.broadcast %lt3A : i32 to vector<2048x128xi32>
    %lt3A_9 = arith.cmpi slt, %iota3A, %lt3A_8 : vector<2048x128xi32>
    %broadcast_in_dim3A = arith.constant 0.000000e+00 : f32
    %broadcast_in_dim3A_10 = vector.broadcast %broadcast_in_dim3A : f32 to vector<2048x128xf32>
    %sub3A = arith.subf %get3A_4, %get3A_7 : vector<2048x128xf32>
    %mul3A = arith.mulf %get3A_1, %sub3A : vector<2048x128xf32>
    %select_n3A = arith.select %lt3A_9, %mul3A, %broadcast_in_dim3A_10 : vector<2048x128xi1>, vector<2048x128xf32>
    %reduce_sum3A = arith.constant dense<0.000000e+00> : vector<2048xf32>
    %reduce_sum3A_11 = vector.multi_reduction <add>, %select_n3A, %reduce_sum3A [1] : vector<2048x128xf32> to vector<2048xf32>
    %mul3A_12 = arith.mulf %get3A_1, %get3A_1 : vector<2048x128xf32>
    %mul3A_13 = arith.mulf %get3A_4, %get3A_4 : vector<2048x128xf32>
    %add3A = arith.addf %mul3A_12, %mul3A_13 : vector<2048x128xf32>
    %mul3A_14 = arith.mulf %get3A_7, %get3A_7 : vector<2048x128xf32>
    %add3A_15 = arith.addf %add3A, %mul3A_14 : vector<2048x128xf32>
    %select_n3A_16 = arith.select %lt3A_9, %add3A_15, %broadcast_in_dim3A_10 : vector<2048x128xi1>, vector<2048x128xf32>
    %reduce_sum3A_17 = vector.shape_cast %select_n3A_16 : vector<2048x128xf32> to vector<1x2048x128xf32>
    %reduce_sum3A_18 = arith.constant dense<0.000000e+00> : vector<1xf32>
    %reduce_sum3A_19 = vector.multi_reduction <add>, %reduce_sum3A_17, %reduce_sum3A_18 [1, 2] : vector<1x2048x128xf32> to vector<1xf32>
    %reduce_sum3A_20 = vector.shape_cast %reduce_sum3A_19 : vector<1xf32> to vector<1x1x1xf32>
    %reduce_sum3A_21 = vector.extract %reduce_sum3A_20[0, 0, 0] : f32 from vector<1x1x1xf32>
    %min3A = arith.constant 0.000000e+00 : f32
    %min3A_22 = vector.broadcast %min3A : f32 to vector<2048xf32>
    %min3A_23 = arith.minimumf %reduce_sum3A_11, %min3A_22 : vector<2048xf32>
    %abs3A = math.absf %reduce_sum3A_11 : vector<2048xf32>
    %neg3A = arith.constant 0.000000e+00 : f32
    %neg3A_24 = vector.broadcast %neg3A : f32 to vector<2048xf32>
    %neg3A_25 = arith.subf %neg3A_24, %abs3A : vector<2048xf32>
    %exp3A = math.exp %neg3A_25 : vector<2048xf32>
    %log1p3A = math.log1p %exp3A : vector<2048xf32>
    %sub3A_26 = arith.subf %min3A_23, %log1p3A : vector<2048xf32>
    %reduce_sum3A_27 = vector.shape_cast %sub3A_26 : vector<2048xf32> to vector<1x2048xf32>
    %reduce_sum3A_28 = arith.constant dense<0.000000e+00> : vector<1xf32>
    %reduce_sum3A_29 = vector.multi_reduction <add>, %reduce_sum3A_27, %reduce_sum3A_28 [1] : vector<1x2048xf32> to vector<1xf32>
    %reduce_sum3A_30 = vector.shape_cast %reduce_sum3A_29 : vector<1xf32> to vector<1x1xf32>
    %reduce_sum3A_31 = vector.extract %reduce_sum3A_30[0, 0] : f32 from vector<1x1xf32>
    %gt3A = arith.constant 0.000000e+00 : f32
    %gt3A_32 = vector.broadcast %gt3A : f32 to vector<2048xf32>
    %gt3A_33 = arith.cmpf ogt, %reduce_sum3A_11, %gt3A_32 : vector<2048xf32>
    %jit3A = arith.constant 1.000000e+00 : f32
    %jit3A_34 = arith.constant 0.000000e+00 : f32
    %broadcast_in_dim3A_35 = vector.broadcast %jit3A : f32 to vector<2048xf32>
    %broadcast_in_dim3A_36 = vector.broadcast %jit3A_34 : f32 to vector<2048xf32>
    %select_n3A_37 = arith.select %gt3A_33, %broadcast_in_dim3A_35, %broadcast_in_dim3A_36 : vector<2048xi1>, vector<2048xf32>
    %reduce_sum3A_38 = vector.shape_cast %select_n3A_37 : vector<2048xf32> to vector<1x2048xf32>
    %reduce_sum3A_39 = arith.constant dense<0.000000e+00> : vector<1xf32>
    %reduce_sum3A_40 = vector.multi_reduction <add>, %reduce_sum3A_38, %reduce_sum3A_39 [1] : vector<1x2048xf32> to vector<1xf32>
    %reduce_sum3A_41 = vector.shape_cast %reduce_sum3A_40 : vector<1xf32> to vector<1x1xf32>
    %reduce_sum3A_42 = vector.extract %reduce_sum3A_41[0, 0] : f32 from vector<1x1xf32>
    %eq3A = arith.constant 0 : i32
    %eq3A_43 = arith.cmpi eq, %arg0, %eq3A : i32
    %convert_element_type3A = arith.extui %eq3A_43 : i1 to i32
    %cond3A = arith.constant 0 : i32
    %cond3A_44 = arith.cmpi ne, %convert_element_type3A, %cond3A : i32
    scf.if %cond3A_44 {
      %swap3A = arith.constant 0 : index
      %swap3A_50 = arith.constant 0 : index
      %swap3A_51 = memref.load %arg4[%swap3A, %swap3A_50] : memref<1x1xf32, #tpu.memory_space<smem>>
      memref.store %reduce_sum3A_31, %arg4[%swap3A, %swap3A_50] : memref<1x1xf32, #tpu.memory_space<smem>>
      %swap3A_52 = arith.constant 0 : index
      %swap3A_53 = arith.constant 0 : index
      %swap3A_54 = memref.load %arg5[%swap3A_52, %swap3A_53] : memref<1x1xf32, #tpu.memory_space<smem>>
      memref.store %reduce_sum3A_21, %arg5[%swap3A_52, %swap3A_53] : memref<1x1xf32, #tpu.memory_space<smem>>
      %swap3A_55 = arith.constant 0 : index
      %swap3A_56 = arith.constant 0 : index
      %swap3A_57 = memref.load %arg6[%swap3A_55, %swap3A_56] : memref<1x1xf32, #tpu.memory_space<smem>>
      memref.store %reduce_sum3A_42, %arg6[%swap3A_55, %swap3A_56] : memref<1x1xf32, #tpu.memory_space<smem>>
    } else {
    }
    %gt3A_45 = arith.constant 0 : i32
    %gt3A_46 = arith.cmpi sgt, %arg0, %gt3A_45 : i32
    %convert_element_type3A_47 = arith.extui %gt3A_46 : i1 to i32
    %cond3A_48 = arith.constant 0 : i32
    %cond3A_49 = arith.cmpi ne, %convert_element_type3A_47, %cond3A_48 : i32
    scf.if %cond3A_49 {
      %get3A_50 = arith.constant 0 : index
      %get3A_51 = arith.constant 0 : index
      %get3A_52 = memref.load %arg4[%get3A_50, %get3A_51] : memref<1x1xf32, #tpu.memory_space<smem>>
      %add3A_53 = arith.addf %get3A_52, %reduce_sum3A_31 : f32
      %swap3A = arith.constant 0 : index
      %swap3A_54 = arith.constant 0 : index
      %swap3A_55 = memref.load %arg4[%swap3A, %swap3A_54] : memref<1x1xf32, #tpu.memory_space<smem>>
      memref.store %add3A_53, %arg4[%swap3A, %swap3A_54] : memref<1x1xf32, #tpu.memory_space<smem>>
      %get3A_56 = arith.constant 0 : index
      %get3A_57 = arith.constant 0 : index
      %get3A_58 = memref.load %arg5[%get3A_56, %get3A_57] : memref<1x1xf32, #tpu.memory_space<smem>>
      %add3A_59 = arith.addf %get3A_58, %reduce_sum3A_21 : f32
      %swap3A_60 = arith.constant 0 : index
      %swap3A_61 = arith.constant 0 : index
      %swap3A_62 = memref.load %arg5[%swap3A_60, %swap3A_61] : memref<1x1xf32, #tpu.memory_space<smem>>
      memref.store %add3A_59, %arg5[%swap3A_60, %swap3A_61] : memref<1x1xf32, #tpu.memory_space<smem>>
      %get3A_63 = arith.constant 0 : index
      %get3A_64 = arith.constant 0 : index
      %get3A_65 = memref.load %arg6[%get3A_63, %get3A_64] : memref<1x1xf32, #tpu.memory_space<smem>>
      %add3A_66 = arith.addf %get3A_65, %reduce_sum3A_42 : f32
      %swap3A_67 = arith.constant 0 : index
      %swap3A_68 = arith.constant 0 : index
      %swap3A_69 = memref.load %arg6[%swap3A_67, %swap3A_68] : memref<1x1xf32, #tpu.memory_space<smem>>
      memref.store %add3A_66, %arg6[%swap3A_67, %swap3A_68] : memref<1x1xf32, #tpu.memory_space<smem>>
    } else {
    }
    return
  }
  func.func @transform_0(%arg0: i32) -> (i32, i32) {
    %c0_i32 = arith.constant 0 : i32
    %c0_i32_0 = arith.constant 0 : i32
    return %arg0, %c0_i32 : i32, i32
  }
  func.func @transform_1(%arg0: i32) -> (i32, i32) {
    %add3A = arith.constant 8 : i32
    %add3A_0 = arith.addi %add3A, %arg0 : i32
    %c0_i32 = arith.constant 0 : i32
    %c0_i32_1 = arith.constant 0 : i32
    return %add3A_0, %c0_i32 : i32, i32
  }
  func.func @transform_2(%arg0: i32) -> (i32, i32) {
    %add3A = arith.constant 16 : i32
    %add3A_0 = arith.addi %add3A, %arg0 : i32
    %c0_i32 = arith.constant 0 : i32
    %c0_i32_1 = arith.constant 0 : i32
    return %add3A_0, %c0_i32 : i32, i32
  }
  func.func @transform_3(%arg0: i32) -> (i32, i32) {
    %c0_i32 = arith.constant 0 : i32
    %c0_i32_0 = arith.constant 0 : i32
    %c0_i32_1 = arith.constant 0 : i32
    return %c0_i32, %c0_i32_0 : i32, i32
  }
  func.func @transform_4(%arg0: i32) -> (i32, i32) {
    %c0_i32 = arith.constant 0 : i32
    %c0_i32_0 = arith.constant 0 : i32
    %c0_i32_1 = arith.constant 0 : i32
    return %c0_i32, %c0_i32_0 : i32, i32
  }
  func.func @transform_5(%arg0: i32) -> (i32, i32) {
    %c0_i32 = arith.constant 0 : i32
    %c0_i32_0 = arith.constant 0 : i32
    %c0_i32_1 = arith.constant 0 : i32
    return %c0_i32, %c0_i32_0 : i32, i32
  }
}

</mosaic_0001>

<sc_bundles>
// kernel: kernel.4.cloned.1.call-start
scs
__scs_entry_jumppad:
0x0: {  	(pc) =	sbr.rel $0x88, $3  }
0x1: {  	(tag) =	ssettag $0x0;
	lr =	simm.s32 $0x1  }
0x2: {  	[smem:$0x3F9F] =	sst lr;
	_ =	strace $0xD0000000  }
0x3: {  	_ = 	snop  }
0x4: {  	_ = 	snop  }
0x5: {  	_ = 	snop  }
0x6: {  	_ = 	snop  }
0x7: {  	_ = 	snop  }
__scs_overlays_trampoline_lowered:
0x8: {  	[smem:$0x3FAE] =	sst s0  }
0x9: {  	[smem:$0x3FAF] =	sst s1  }
0xa: {  	[smem:$0x3FB0] =	sst s2  }
0xb: {  	[smem:$0x3FB1] =	sst s3  }
0xc: {  	[smem:$0x3FB2] =	sst s4  }
0xd: {  	[smem:$0x3FB3] =	sst s5  }
0xe: {  	[smem:$0x3FB4] =	sst s6  }
0xf: {  	[smem:$0x3FB5] =	sst s7  }
0x10: {  	[smem:$0x3FB6] =	sst s8  }
0x11: {  	[smem:$0x3FB7] =	sst s9;
	s0 =	simm.s32 @!p0 $0x0  }
0x12: {  	s1 =	sld [smem:$0x3F9D];
	s0 =	simm.s32 @p0 $0x1  }
0x13: {  	[smem:$0x3FB8] =	sst s0;
	s0 =	simm.s32 @!p1 $0x0  }
0x14: {  	s2 =	sld [smem:$0x3F9C];
	s0 =	simm.s32 @p1 $0x1  }
0x15: {  	[smem:$0x3FB9] =	sst s0;
	s0 =	simm.s32 @!p2 $0x0  }
0x16: {  	s3 =	sld [smem:$0x3FDB];
	s0 =	simm.s32 @p2 $0x1  }
0x17: {  	s4 =	simm.s32 $0x1BF5;
	[smem:$0x3FBB] =	sst s0  }
0x18: {  	s0 =	sld [smem:$0x3F9E];
	_ =	swait.ge [sflag:s4], $0x0  }
0x19: {  	s7 =	sld [smem:$0x3F9F]  }
0x1a: {  	s8 =	sadd.s32 $0xFFFFE003, lr  }
0x1b: {  	s9 =	sadd.s32 $0xFFFFFEF7, lr;
	s5 =	simm.s32 $0xFFFFFFFF;
	p2 =	slt.u32 s8, $0xFFFFF086  }
0x1c: {  	p1 =	slt.u32 s9, $0xF7A;
	s5 =	simm.s32 @!p2 $0x0  }
0x1d: {  	s5 =	simm.s32 @p1 $0x1;
	p0 =	seq.s32 s7, s2  }
0x1e: {  	s7 =	smul.u32 @!p0 $0xF7A, s2;
	p2 =	seq.s32 @!p0 s5, $0x0  }
0x1f: {  	s9 =	smul.u32 $0xF7A, s1;
	s8 =	simm.s32 @!p0 $0x1BF5;
	p2 =	por !p2, p0  }
0x20: {  	[sflag:s8] =	ssyncset.s32 @!p0 $0xFFFFF086;
	s6 =	sadd.s32 @!p0 s3, s7;
	s7 =	simm.s32 @!p0 $0x108  }
0x21: {  	s3 =	sadd.s32 s3, s9;
	s6 =	sadd.s32 @!p0 $0x88, s6;
	s7 =	simm.s32 @p2 $0x1082  }
0x22: {  	[simem:s7], [sflag:s8] =	dma.local @!p0 [hbm:s6], $0xF7A  }
0x23: {  	s9 =	sor.u32 $0xD0000000, s2;
	s6 =	simm.s32 $0x108;
	_ =	swait.ge @!p0 [sflag:s8], $0x0  }
0x24: {  	s3 =	sadd.s32 $0x88, s3;
	s6 =	simm.s32 @!p1 $0x1082;
	[sflag:s4] =	ssyncset.s32 $0xFFFFF086  }
0x25: {  	[simem:s6], [sflag:s4] =	dma.local [hbm:s3], $0xF7A  }
0x26: {  	[smem:$0x3F9F] =	sst s1;
	(tag) =	ssettag s2;
	_ =	strace s9  }
0x27: {  	s1 =	sld [smem:$0x3FAF]  }
0x28: {  	s2 =	sld [smem:$0x3FB0]  }
0x29: {  	s4 =	sld [smem:$0x3FB2]  }
0x2a: {  	p0 =	seq.s32 s5, $0x0;
	s5 =	sld [smem:$0x3FB3]  }
0x2b: {  	s6 =	sld [smem:$0x3FB4]  }
0x2c: {  	s7 =	sld [smem:$0x3FB5]  }
0x2d: {  	s3 =	simm.s32 $0x108;
	s8 =	sld [smem:$0x3FB6]  }
0x2e: {  	s3 =	simm.s32 @!p0 $0x1082;
	s9 =	sld [smem:$0x3FB7]  }
0x2f: {  	lr =	sadd.s32 s0, s3;
	s0 =	sld [smem:$0x3FAE]  }
0x30: {  	s3 =	sld [smem:$0x3FB1]  }
0x31: {  	[smem:$0x3FBA] =	sst s10  }
0x32: {  	s10 =	sld [smem:$0x3FB8];
	_ =	sdelay $0x3  }
0x33: {  	p0 =	seq.s32 s10, $0x1;
	s10 =	sld [smem:$0x3FBA];
	_ =	sdelay $0x3  }
0x34: {  	[smem:$0x3FBA] =	sst s10  }
0x35: {  	s10 =	sld [smem:$0x3FB9];
	_ =	sdelay $0x3  }
0x36: {  	p1 =	seq.s32 s10, $0x1;
	s10 =	sld [smem:$0x3FBA];
	_ =	sdelay $0x3  }
0x37: {  	[smem:$0x3FBA] =	sst s10  }
0x38: {  	s10 =	sld [smem:$0x3FBB]  }
0x39: {  	_ = 	snop;
	(pc) =	sbr.ind lr, $3  }
0x3a: {  	_ = 	snop  }
0x3b: {  	_ = 	snop  }
0x3c: {  	p2 =	seq.s32 s10, $0x1;
	s10 =	sld [smem:$0x3FBA]  }
0x3d: {  	_ =	shalt  }
0x3e: {  	_ =	shalt  }
0x3f: {  	_ =	shalt  }
0x40: {  	_ =	shalt  }
0x41: {  	_ =	shalt  }
0x42: {  	_ =	shalt  }
0x43: {  	_ =	shalt  }
0x44: {  	_ =	shalt  }
0x45: {  	_ =	shalt  }
0x46: {  	_ =	shalt  }
0x47: {  	_ =	shalt  }
0x48: {  	_ =	shalt  }
0x49: {  	_ =	shalt  }
0x4a: {  	_ =	shalt  }
0x4b: {  	_ =	shalt  }
0x4c: {  	_ =	shalt  }
0x4d: {  	_ =	shalt  }
0x4e: {  	_ =	shalt  }
0x4f: {  	_ =	shalt  }
0x50: {  	_ =	shalt  }
0x51: {  	_ =	shalt  }
0x52: {  	_ =	shalt  }
0x53: {  	_ =	shalt  }
0x54: {  	_ =	shalt  }
0x55: {  	_ =	shalt  }
0x56: {  	_ =	shalt  }
0x57: {  	_ =	shalt  }
0x58: {  	_ =	shalt  }
0x59: {  	_ =	shalt  }
0x5a: {  	_ =	shalt  }
0x5b: {  	_ =	shalt  }
0x5c: {  	_ =	shalt  }
0x5d: {  	_ =	shalt  }
0x5e: {  	_ =	shalt  }
0x5f: {  	_ =	shalt  }
0x60: {  	_ =	shalt  }
0x61: {  	_ =	shalt  }
0x62: {  	_ =	shalt  }
0x63: {  	_ =	shalt  }
0x64: {  	_ =	shalt  }
0x65: {  	_ =	shalt  }
0x66: {  	_ =	shalt  }
0x67: {  	_ =	shalt  }
0x68: {  	_ =	shalt  }
0x69: {  	_ =	shalt  }
0x6a: {  	_ =	shalt  }
0x6b: {  	_ =	shalt  }
0x6c: {  	_ =	shalt  }
0x6d: {  	_ =	shalt  }
0x6e: {  	_ =	shalt  }
0x6f: {  	_ =	shalt  }
0x70: {  	_ =	shalt  }
0x71: {  	_ =	shalt  }
0x72: {  	_ =	shalt  }
0x73: {  	_ =	shalt  }
0x74: {  	_ =	shalt  }
0x75: {  	_ =	shalt  }
0x76: {  	_ =	shalt  }
0x77: {  	_ =	shalt  }
0x78: {  	_ =	shalt  }
0x79: {  	_ =	shalt  }
0x7a: {  	_ =	shalt  }
0x7b: {  	_ =	shalt  }
0x7c: {  	_ =	shalt  }
0x7d: {  	_ =	shalt  }
0x7e: {  	_ =	shalt  }
0x7f: {  	_ =	shalt  }
0x80: {  	_ =	shalt  }
0x81: {  	_ =	shalt  }
0x82: {  	_ =	shalt  }
0x83: {  	_ =	shalt  }
0x84: {  	_ =	shalt  }
0x85: {  	_ =	shalt  }
0x86: {  	_ =	shalt  }
0x87: {  	_ =	shalt  }
.Lfunc_end0:
.L_simem_size_0:
called_computation_lowered:
.L_overlay_start_0:
0x88: {  	s2 =	sld [smem:$0x3FD9]  }
0x89: {  	s3 =	sld [smem:$0x3FFE];
	_ =	sdelay $0x1  }
0x8a: {  	s1 =	srdreg.scid  }
0x8b: {  	s0 =	sand.u32 $0x1, s1  }
0x8c: {  	s17 =	sshll.u32 s0, $0xA;
	s2 =	sadd.s32 s3, s2  }
0x8d: {  	s2 =	sadd.s32 s2, s17  }
0x8e: {  	[smem:$0x3FC6] =	sst s2  }
0x8f: {  	_ = 	snop  }
0x90: {  	s2 =	sld [smem:$0x3FC8];
	(tm) =	ssettm $0x1  }
0x91: {  	s18 =	sld [smem:$0x3FFB];
	_ =	sdelay $0x3  }
0x92: {  	_ =	strace s18  }
0x93: {  	s3 =	sld [smem:$0x3FFC];
	_ =	sdelay $0x3  }
0x94: {  	_ =	strace s3  }
0x95: {  	s3 =	sld [smem:$0x3FFD];
	_ =	sdelay $0x3  }
0x96: {  	_ =	strace s3  }
0x97: {  	_ =	strace $0x8FFFFFFF  }
0x98: {  	s19 =	sld [smem:$0x3FDB];
	_ =	sdelay $0x1  }
0x99: {  	s4 =	simm.s32 $_scs_section_size  }
0x9a: {  	s5 =	simm.s32 $_size__tile_overlayer_lowered;
	s6 =	simm.s32 $_tile_overlayer_lowered  }
0x9b: {  	s22 =	simm.s32 $0x1BFF;
	s21 =	sshll.u32 s6, $0x1;
	s3 =	sadd.s32 s4, s19  }
0x9c: {  	s7 =	simm.s32 $0x0;
	s20 =	sshll.u32 s5, $0x1;
	s5 =	sadd.s32 s21, s3  }
0x9d: {  	[timem:s7], [sflag:s22] =	dma.local [hbm:s5], s20  }
0x9e: {  	_ =	swait.ge [sflag:s22], s20  }
0x9f: {  	s4 =	ssub.s32 $0x0, s20;
	[sflag:s22] =	ssyncset.done $0x0  }
0xa0: {  	[sflag:s22] =	ssyncadd.s32 s4;
	_ =	sdelay $0x1  }
0xa1: {  	s23 =	simm.s32 $0x1B8B  }
0xa2: {  	_ =	swait.ge [sflag:s23], $0x1  }
0xa3: {  	[sflag:s23] =	ssyncset.done $0x0  }
0xa4: {  	s25 =	simm.s32 $0x1B8E;
	s24 =	sld [smem:$0x3FFE];
	[sflag:s23] =	ssyncadd.s32 $0xFFFFFFFF  }
0xa5: {  	s26 =	simm.s32 $execute0_lowered;
	[smem:$0x3FD2] =	sst s25  }
0xa6: {  	s5 =	sshll.u32 s26, $0x1;
	_ =	strace $0x80000046;
	[dreg:$0x1] =	wrdreg $0xFFFFFFFF  }
0xa7: {  	s28 =	simm.s32 $_size_execute0_lowered;
	s3 =	sadd.s32 s3, s5;
	[dreg:$0x0] =	wrdreg $0x0  }
0xa8: {  	s5 =	sshll.u32 s28, $0x1;
	[dreg:$0x2] =	wrdreg s3  }
0xa9: {  	[dreg:$0x3] =	wrdreg s5  }
0xaa: {  	[dreg:$0x4] =	wrdreg $0xC0  }
0xab: {  	_ =	task [dreg:s7], $0x5FFFF  }
0xac: {  	[dreg:$0x1] =	wrdreg $0xFFFFFFFF  }
0xad: {  	[dreg:$0x0] =	wrdreg $0x60  }
0xae: {  	[dreg:$0x2] =	wrdreg s24  }
0xaf: {  	[dreg:$0x3] =	wrdreg s2  }
0xb0: {  	[dreg:$0x4] =	wrdreg $0x9  }
0xb1: {  	_ =	task.clear_ibuf [dreg:s7], $0x5FFFF;
	_ =	strace $0x90000046  }
0xb2: {  	s29 =	simm.s32 $0x9;
	_ =	strace $0x80000048  }
0xb3: {  	_ =	swait.ge [sflag:s29], $0x1  }
0xb4: {  	[sflag:s29] =	ssyncadd.s32 $0xFFFFFFFF  }
0xb5: {  	_ =	strace $0x90000048  }
0xb6: {  	_ =	sfence  }
0xb7: {  	s30 =	sld [smem:$0x0];
	_ =	sdelay $0x2  }
0xb8: {  	s31 =	sshll.u32 s1, $0xD;
	s1 =	sshrl.u32 s1, $0x2  }
0xb9: {  	s3 =	sand.u32 $0x4000, s31;
	s1 =	sadd.s32 s1, s30  }
0xba: {  	s0 =	sor.u32 s3, s0;
	s1 =	sshll.u32 s1, $0x11  }
0xbb: {  	s0 =	sor.u32 s1, s0  }
0xbc: {  	s0 =	sadd.s32 $0x8F2B, s0  }
0xbd: {  	[sflag:s0] =	ssyncadd.remote.s32 $0x1  }
0xbe: {  	_ =	sfence.sel $0xFFFF  }
0xbf: {  	[dreg:$0x0] =	wrdreg $0xFFFFFFFF;
	(pc) =	sbr.abs _section_cstart, $3  }
0xc0: {  	[dreg:$0x1] =	wrdreg $0xFFFFFFFF  }
0xc1: {  	_ =	task.clear_ibuf [dreg:s7], $0x2FFFF;
	_ =	strace $0x9FFFFFFF  }
0xc2: {  	(tm) =	ssettm $0x7FFFFFFF  }
0xc3: {  	_ =	shalt  }
tec
execute0_lowered:
.L_overlay_start_1:
0x0: {  	(tag) =	ssettag $0x1  }
0x1: {  	s0 =	rddreg [dreg:$0x0];
	s1 =	srdreg.scid  }
0x2: {  	s2 =	stileid.u32;
	s14 =	rddreg [dreg:$0x1]  }
0x3: {  	s3 =	simm.s32 $0x0;
	s28 =	simm.s32 $0x4100;
	s29 =	simm.s32 $0x4  }
0x4: {  	s1 =	sand.u32 $0x1, s1;
	[smem:$0x7FF] =	sst s3;
	s26 =	sadd.s32 $0x800, s0  }
0x5: {  	s30 =	sadd.s32 $0x600, s0;
	s6 =	sadd.s32 $0x2000, s0;
	s11 =	sadd.s32 $0xF4280, s14  }
0x6: {  	s4 =	sshll.u32 s2, $0x1;
	s13 =	sadd.s32 $0x1E8500, s14;
	s15 =	sadd.s32 $0x2DC780, s14  }
0x7: {  	s25 =	smov.u32 s14;
	_ =	strace $0x80000047;
	[dreg:$0x3] =	wrdreg s26  }
0x8: {  	s24 =	sadd.s32 $0xE00, s0;
	s4 =	sor.u32 s1, s4;
	[dreg:$0x4] =	wrdreg s30  }
0x9: {  	s1 =	ssub.s32 $0x2, s1;
	[dreg:$0xd] =	wrdreg s24;
	s5 =	smul.u32 $0x7A10, s4  }
0xa: {  	s26 =	sadd.s32 $0x1400, s0;
	s0 =	sadd.s32 $0x1A00, s0;
	s10 =	sshrl.u32 s1, $0x1  }
0xb: {  	p0 =	seq.s32 s4, $0x1F;
	[dreg:$0xe] =	wrdreg s26;
	s7 =	sadd.s32 $0x7A10, s5  }
0xc: {  	[dreg:$0xf] =	wrdreg s0;
	s30 =	sshll.u32 s4, $0x4;
	s7 =	sand.u32 $0x1FFF80, s7  }
0xd: {  	s1 =	ssub.s32 s1, s10;
	s8 =	sand.u32 $0xFFF80, s5;
	s9 =	sadd.s32 $0xFFFFFC00, s7  }
0xe: {  	s0 =	sor.u32 $0xC000, s30;
	s1 =	smax.u32 s1, $0x1;
	s31 =	smin.u32 s8, s9  }
0xf: {  	s12 =	sadd.s32 $0x400, s8;
	[dreg:$0x10] =	wrdreg s1;
	s16 =	sadd.s32 s14, s31  }
0x10: {  	s26 =	sadd.s32 $0xC00, s8;
	s17 =	sadd.s32 s31, s11;
	[dreg:$0x5] =	wrdreg s16  }
0x11: {  	s1 =	simm.s32 $0x0;
	s18 =	sadd.s32 s31, s13;
	[dreg:$0x6] =	wrdreg s17  }
0x12: {  	s12 =	smin.u32 s12, s9;
	s19 =	sadd.s32 s31, s15;
	[dreg:$0x7] =	wrdreg s18  }
0x13: {  	s5 =	smov.u32 s7;
	s20 =	sadd.s32 s14, s12;
	[dreg:$0x8] =	wrdreg s19  }
0x14: {  	s5 =	simm.s32 @p0 $0xF4240;
	s21 =	sadd.s32 s12, s11;
	[dreg:$0x9] =	wrdreg s20  }
0x15: {  	s22 =	sadd.s32 s12, s13;
	s23 =	sadd.s32 s12, s15;
	[dreg:$0xa] =	wrdreg s21  }
.Ltmp0:
0x16: {  	p0 =	sle.u32 s5, s7;
	[dreg:$0xb] =	wrdreg s22;
	(pc) =	sbr.rel .LBB2_1-.Ltmp0, $4  }
0x17: {  	s31 =	sadd.s32 $0x800, s8;
	s12 =	simm.s32 $0x3000;
	[dreg:$0xc] =	wrdreg s23  }
0x18: {  	s14 =	simm.s32 $0x3880;
	[dreg:$0x11] =	wrdreg s31;
	s16 =	simm.s32 $0x1  }
0x19: {  	v0 =	vlaneseq.u32;
	v4 =	vimm.s32 $0xFFFFFFFF;
	v5 =	vimm.s32 $0x0;
	s17 =	simm.s32 $0x3;
	s18 =	simm.s32 $0x14900;
	s19 =	simm.s32 $0x14A00  }
0x1a: {  	v2 =	vor.u32 s0, v0;
	v3 =	vmov s8;
	v1 =	vmov s5;
	s20 =	simm.s32 $0x10;
	s21 =	simm.s32 $0x2;
	s22 =	simm.s32 $0x14100  }
.LBB2_58:
0x1b: {  	[sflag:s17] =	ssyncadd.s32 $0xFFFFF800;
	s1 =	rddreg [dreg:$0x12]  }
.LBB2_59:
0x1c: {  	s1 =	sadd.s32 $0x1, s1;
	s0 =	rddreg [dreg:$0x10]  }
0x1d: {  	p1 =	sne.s32 s1, s0  }
.Ltmp1:
0x1e: {  	_ = 	snop;
	(pc) =	sbr.rel @!p1 .LBB2_60-.Ltmp1, $1  }
0x1f: {  	_ =	sdelay $0x3  }
.LBB2_1:
0x20: {  	[dreg:$0x12] =	wrdreg s1  }
0x21: {  	s0 =	rddreg [dreg:$0x5]  }
0x22: {  	[tilespmem:s28], [sflag:$0x1] =	stream.linear.gather [hbm4b:s0+s3], $0x2000, $0x38;
	[tilespmem:$0x1D300] =	vst v63  }
0x23: {  	s5 =	rddreg [dreg:$0x6];
	s10 =	simm.s32 $0x6100  }
0x24: {  	[tilespmem:s10], [sflag:$0x1] =	stream.linear.gather [hbm4b:s5+s3], $0x2000, $0x38;
	[tilespmem:$0x1D300] =	vst v63  }
0x25: {  	s23 =	rddreg [dreg:$0x7];
	s24 =	simm.s32 $0x8100  }
0x26: {  	[tilespmem:s24], [sflag:$0x1] =	stream.linear.gather [hbm4b:s23+s3], $0x2000, $0x38;
	[tilespmem:$0x1D300] =	vst v63  }
0x27: {  	s30 =	rddreg [dreg:$0x8];
	s31 =	simm.s32 $0xA100  }
0x28: {  	[tilespmem:s31], [sflag:$0x1] =	stream.linear.gather [hbm4b:s30+s3], $0x2000, $0x38;
	[tilespmem:$0x1D300] =	vst v63  }
0x29: {  	s2 =	rddreg [dreg:$0x9];
	s4 =	simm.s32 $0xC100  }
0x2a: {  	[tilespmem:s4], [sflag:$0x2] =	stream.linear.gather [hbm4b:s2+s3], $0x2000, $0x38;
	[tilespmem:$0x1D300] =	vst v63  }
0x2b: {  	s5 =	rddreg [dreg:$0xa];
	s10 =	simm.s32 $0xE100  }
0x2c: {  	[tilespmem:s10], [sflag:$0x2] =	stream.linear.gather [hbm4b:s5+s3], $0x2000, $0x38;
	[tilespmem:$0x1D300] =	vst v63  }
0x2d: {  	s1 =	simm.s32 $0x0;
	s23 =	rddreg [dreg:$0xb];
	s24 =	simm.s32 $0x10100  }
0x2e: {  	[tilespmem:s24], [sflag:$0x2] =	stream.linear.gather [hbm4b:s23+s3], $0x2000, $0x38;
	[tilespmem:$0x1D300] =	vst v63  }
0x2f: {  	s0 =	simm.s32 $0x40;
	s30 =	rddreg [dreg:$0xc];
	s31 =	simm.s32 $0x12100  }
0x30: {  	[tilespmem:s31], [sflag:$0x2] =	stream.linear.gather [hbm4b:s30+s3], $0x2000, $0x38;
	[tilespmem:$0x1D300] =	vst v63  }
.LBB2_2:
0x31: {  	p1 =	sne.s32 s0, $0x20C0;
	[tilespmem:s1+$0x3000] =	vst v4;
	s1 =	smov.u32 s0;
	s0 =	sadd.s32 $0x40, s0  }
.Ltmp2:
0x32: {  	(pc) =	sbr.rel @p1 .LBB2_2-.Ltmp2, $2  }
0x33: {  	_ =	sdelay $0x2  }
0x34: {  	s1 =	sshra.s32 s1, $0x2  }
0x35: {  	[tilespmem:s1+$0x3000] =	vst v4;
	s0 =	simm.s32 $0x0;
	s2 =	rddreg [dreg:$0x3]  }
0x36: {  	[tilespmem:s0], [sflag:$0x4] =	stream.linear.gather [hbm4b:s2+s0], $0x3000, $0x38;
	[tilespmem:$0x1D300] =	vst v63  }
0x37: {  	_ =	swait.ge [sflag:s29], $0x3000  }
0x38: {  	[sflag:s29] =	ssyncset.done $0x0  }
0x39: {  	s10 =	simm.s32 $0x20;
	[sflag:s29] =	ssyncadd.s32 $0xFFFFD000  }
0x3a: {  	v6 =	vld [tilespmem:s10+$0xFFFFFFE0];
	_ =	sdelay $0x1  }
0x3b: {  	v7 =	vld [tilespmem:s10+$0xFFFFFFF0];
	_ =	sdelay $0x1  }
0x3c: {  	v8 =	vld [tilespmem:s10+$0x0]  }
0x3d: {  	vm0 =	vge.s32 v6, v3;
	vm1 =	vlt.s32 v6, v1  }
0x3e: {  	vm3 =	vmand vm0, vm1  }
0x3f: {  	vm0 =	vge.s32 v7, v3;
	vm1 =	vlt.s32 v7, v1;
	v9 =	vsel vm3, $0x1, v5  }
0x40: {  	vm1 =	vmand vm0, vm1;
	(xrf0) =	vadd.scan.msk.s32 $0xffff, v9  }
0x41: {  	vm2 =	vlt.s32 v8, v1;
	vm0 =	vge.s32 v8, v3;
	v58 =	vsel vm1, $0x1, v5  }
0x42: {  	vm2 =	vmand vm0, vm2;
	(xrf0) =	vadd.scan.msk.s32 $0xffff, v58  }
0x43: {  	v59 =	vsel vm2, $0x1, v5  }
0x44: {  	(xrf0) =	vadd.scan.msk.s32 $0xffff, v59;
	_ =	sdelay $0x1  }
0x45: {  	v60 =	vld [tilespmem:s10+$0x10];
	v10, _, _ =	vpop (xrf0)  }
0x46: {  	(v2sf) =	vpush v10, $0xF  }
0x47: {  	v11, _, _ =	vpop (xrf0)  }
0x48: {  	(v2sf) =	vpush v11, $0xF  }
0x49: {  	v12, _, _ =	vpop (xrf0)  }
0x4a: {  	vm4 =	vlt.s32 v60, v1;
	vm0 =	vge.s32 v60, v3;
	(v2sf) =	vpush v12, $0xF  }
0x4b: {  	vm0 =	vmand vm0, vm4  }
0x4c: {  	v13 =	vsel vm0, $0x1, v5  }
0x4d: {  	(xrf0) =	vadd.scan.msk.s32 $0xffff, v13;
	_ =	sdelay $0x5  }
0x4e: {  	v13, _, _ =	vpop (xrf0)  }
0x4f: {  	(v2sf) =	vpush v13, $0xF  }
0x50: {  	v14 =	vmov s0;
	s4 =	spop (v2sf)  }
0x51: {  	v14 =	vadd.s32 $0xFFFFFFFF, v14;
	s0 =	sadd.s32 $0x0, s4  }
0x52: {  	v14 =	vbroadcast v14, $0x0;
	s5 =	spop (v2sf);
	v15 =	vmov s0  }
0x53: {  	s0 =	sadd.s32 s5, s0;
	v15 =	vadd.s32 $0xFFFFFFFF, v15  }
0x54: {  	v10 =	vadd.s32 v10, v14;
	s23 =	spop (v2sf);
	v61 =	vmov s0;
	v15 =	vbroadcast v15, $0x0  }
0x55: {  	s1 =	sadd.s32 s23, s0;
	v14 =	vadd.s32 $0xFFFFFFFF, v61  }
0x56: {  	v62 =	vmov s1;
	v14 =	vbroadcast v14, $0x0;
	v11 =	vadd.s32 v11, v15  }
0x57: {  	v15 =	vadd.s32 $0xFFFFFFFF, v62  }
0x58: {  	s24 =	simm.s32 $0x0;
	v12 =	vadd.s32 v12, v14;
	v63 =	vbroadcast v15, $0x0  }
0x59: {  	[tilespmem:v10+s12+$0x0] =	vst.idx.msk vm3, v6;
	v6 =	vor.u32 s24, v0  }
0x5a: {  	s30 =	simm.s32 $0x10;
	[tilespmem:v10+s14+$0x0] =	vst.idx.msk vm3, v6;
	v6 =	vadd.s32 v13, v63  }
0x5b: {  	[tilespmem:v11+s12+$0x0] =	vst.idx.msk vm1, v7;
	v7 =	vor.u32 s30, v0  }
0x5c: {  	s31 =	simm.s32 $0x20;
	[tilespmem:v11+s14+$0x0] =	vst.idx.msk vm1, v7  }
0x5d: {  	v7 =	vor.u32 s31, v0;
	[tilespmem:v12+s12+$0x0] =	vst.idx.msk vm2, v8  }
0x5e: {  	s4 =	simm.s32 $0x30;
	s5 =	spop (v2sf);
	[tilespmem:v12+s14+$0x0] =	vst.idx.msk vm2, v7  }
0x5f: {  	s0 =	simm.s32 $0x70;
	s1 =	sadd.s32 s5, s1;
	v7 =	vor.u32 s4, v0;
	[tilespmem:v6+s12+$0x0] =	vst.idx.msk vm0, v60  }
.LBB2_4:
0x60: {  	p1 =	sne.s32 s0, $0x2FF0  }
0x61: {  	[tilespmem:v6+s14+$0x0] =	vst.idx.msk vm0, v7;
	s10 =	sadd.s32 $0x40, s10;
	s4 =	smov.u32 s0;
	s0 =	sadd.s32 $0x40, s0  }
0x62: {  	v6 =	vld [tilespmem:s10+$0xFFFFFFE0]  }
0x63: {  	v7 =	vld [tilespmem:s10+$0xFFFFFFF0]  }
0x64: {  	v8 =	vld [tilespmem:s10+$0x0];
	_ =	sdelay $0x2  }
0x65: {  	vm0 =	vge.s32 v6, v3;
	vm1 =	vlt.s32 v6, v1;
	v9 =	vld [tilespmem:s10+$0x10]  }
0x66: {  	vm3 =	vmand vm0, vm1;
	vm0 =	vge.s32 v7, v3;
	vm1 =	vlt.s32 v7, v1  }
0x67: {  	v10 =	vsel vm3, $0x1, v5;
	vm1 =	vmand vm0, vm1;
	vm0 =	vge.s32 v8, v3  }
0x68: {  	vm2 =	vlt.s32 v8, v1;
	v11 =	vsel vm1, $0x1, v5;
	(xrf0) =	vadd.scan.msk.s32 $0xffff, v10  }
0x69: {  	(xrf0) =	vadd.scan.msk.s32 $0xffff, v11  }
0x6a: {  	vm2 =	vmand vm0, vm2;
	vm0 =	vge.s32 v9, v3;
	vm4 =	vlt.s32 v9, v1  }
0x6b: {  	v10 =	vsel vm2, $0x1, v5;
	v11 =	vmov s1;
	vm0 =	vmand vm0, vm4  }
0x6c: {  	v13 =	vadd.s32 $0xFFFFFFFF, v11;
	v12 =	vsel vm0, $0x1, v5;
	(xrf0) =	vadd.scan.msk.s32 $0xffff, v10  }
0x6d: {  	v10 =	vbroadcast v13, $0x0;
	(xrf0) =	vadd.scan.msk.s32 $0xffff, v12  }
0x6e: {  	v11, _, _ =	vpop (xrf0)  }
0x6f: {  	v10 =	vadd.s32 v11, v10;
	v12, _, _ =	vpop (xrf0);
	(v2sf) =	vpush v11, $0xF  }
0x70: {  	(v2sf) =	vpush v12, $0xF;
	_ =	sdelay $0x1  }
0x71: {  	v11, _, _ =	vpop (xrf0)  }
0x72: {  	s5 =	sadd.s32 $0xFFFFFFD0, s4;
	v13, _, _ =	vpop (xrf0);
	(v2sf) =	vpush v11, $0xF  }
0x73: {  	[tilespmem:v10+s12+$0x0] =	vst.idx.msk vm3, v6;
	v6 =	vor.u32 s5, v0;
	(v2sf) =	vpush v13, $0xF  }
0x74: {  	[tilespmem:v10+s14+$0x0] =	vst.idx.msk vm3, v6;
	_ =	sdelay $0x8  }
0x75: {  	s5 =	spop (v2sf)  }
0x76: {  	s1 =	sadd.s32 s1, s5;
	s5 =	spop (v2sf)  }
0x77: {  	v6 =	vmov s1;
	s1 =	sadd.s32 s5, s1  }
0x78: {  	v6 =	vadd.s32 $0xFFFFFFFF, v6;
	v10 =	vmov s1  }
0x79: {  	v6 =	vbroadcast v6, $0x0;
	v10 =	vadd.s32 $0xFFFFFFFF, v10;
	s5 =	spop (v2sf)  }
0x7a: {  	v10 =	vbroadcast v10, $0x0;
	s1 =	sadd.s32 s5, s1;
	s5 =	spop (v2sf)  }
0x7b: {  	v12 =	vadd.s32 v12, v6;
	v6 =	vmov s1;
	s1 =	sadd.s32 s5, s1  }
0x7c: {  	v6 =	vadd.s32 $0xFFFFFFFF, v6  }
0x7d: {  	v10 =	vadd.s32 v11, v10;
	v6 =	vbroadcast v6, $0x0;
	_ =	sdelay $0x1  }
0x7e: {  	s5 =	sadd.s32 $0xFFFFFFE0, s4;
	v6 =	vadd.s32 v13, v6  }
.Ltmp3:
0x7f: {  	[tilespmem:v12+s12+$0x0] =	vst.idx.msk vm1, v7;
	v7 =	vor.u32 s5, v0;
	(pc) =	sbr.rel @p1 .LBB2_4-.Ltmp3, $4  }
0x80: {  	s5 =	sadd.s32 $0xFFFFFFF0, s4;
	[tilespmem:v12+s14+$0x0] =	vst.idx.msk vm1, v7  }
0x81: {  	v7 =	vor.u32 s5, v0;
	[tilespmem:v10+s12+$0x0] =	vst.idx.msk vm2, v8  }
0x82: {  	[tilespmem:v10+s14+$0x0] =	vst.idx.msk vm2, v7  }
0x83: {  	v7 =	vor.u32 s4, v0;
	[tilespmem:v6+s12+$0x0] =	vst.idx.msk vm0, v9  }
0x84: {  	_ =	sdelay $0x4  }
0x85: {  	[tilespmem:v6+s14+$0x0] =	vst.idx.msk vm0, v7;
	s0 =	rddreg [dreg:$0xd]  }
0x86: {  	[tilespmem:s3], [sflag:$0x4] =	stream.linear.gather [hbm4b:s0+s3], $0x3000, $0x38;
	[tilespmem:$0x1D300] =	vst v63  }
0x87: {  	_ =	swait.ge [sflag:s29], $0x3000  }
0x88: {  	[sflag:s29] =	ssyncset.done $0x0  }
0x89: {  	s10 =	simm.s32 $0x20;
	[sflag:s29] =	ssyncadd.s32 $0xFFFFD000  }
0x8a: {  	v6 =	vld [tilespmem:s10+$0xFFFFFFE0];
	_ =	sdelay $0x1  }
0x8b: {  	v7 =	vld [tilespmem:s10+$0xFFFFFFF0];
	_ =	sdelay $0x1  }
0x8c: {  	v8 =	vld [tilespmem:s10+$0x0]  }
0x8d: {  	vm0 =	vge.s32 v6, v3;
	vm1 =	vlt.s32 v6, v1  }
0x8e: {  	vm2 =	vmand vm0, vm1  }
0x8f: {  	vm0 =	vge.s32 v7, v3;
	vm1 =	vlt.s32 v7, v1;
	v9 =	vsel vm2, $0x1, v5  }
0x90: {  	vm1 =	vmand vm0, vm1;
	(xrf0) =	vadd.scan.msk.s32 $0xffff, v9  }
0x91: {  	vm3 =	vlt.s32 v8, v1;
	vm0 =	vge.s32 v8, v3;
	v58 =	vsel vm1, $0x1, v5  }
0x92: {  	vm3 =	vmand vm0, vm3;
	(xrf0) =	vadd.scan.msk.s32 $0xffff, v58  }
0x93: {  	v59 =	vsel vm3, $0x1, v5  }
0x94: {  	(xrf0) =	vadd.scan.msk.s32 $0xffff, v59;
	_ =	sdelay $0x1  }
0x95: {  	v60 =	vld [tilespmem:s10+$0x10];
	v10, _, _ =	vpop (xrf0)  }
0x96: {  	(v2sf) =	vpush v10, $0xF  }
0x97: {  	v11, _, _ =	vpop (xrf0)  }
0x98: {  	(v2sf) =	vpush v11, $0xF  }
0x99: {  	v12, _, _ =	vpop (xrf0)  }
0x9a: {  	vm4 =	vlt.s32 v60, v1;
	vm0 =	vge.s32 v60, v3;
	(v2sf) =	vpush v12, $0xF  }
0x9b: {  	vm0 =	vmand vm0, vm4  }
0x9c: {  	v13 =	vsel vm0, $0x1, v5  }
0x9d: {  	(xrf0) =	vadd.scan.msk.s32 $0xffff, v13;
	_ =	sdelay $0x5  }
0x9e: {  	v13, _, _ =	vpop (xrf0)  }
0x9f: {  	(v2sf) =	vpush v13, $0xF  }
0xa0: {  	v14 =	vmov s1;
	s2 =	spop (v2sf)  }
0xa1: {  	v14 =	vadd.s32 $0xFFFFFFFF, v14;
	s0 =	sadd.s32 s1, s2  }
0xa2: {  	v14 =	vbroadcast v14, $0x0;
	s4 =	spop (v2sf);
	v15 =	vmov s0  }
0xa3: {  	s0 =	sadd.s32 s4, s0;
	v15 =	vadd.s32 $0xFFFFFFFF, v15  }
0xa4: {  	v10 =	vadd.s32 v10, v14;
	s5 =	spop (v2sf);
	v61 =	vmov s0;
	v15 =	vbroadcast v15, $0x0  }
0xa5: {  	s0 =	sadd.s32 s5, s0;
	v14 =	vadd.s32 $0xFFFFFFFF, v61  }
0xa6: {  	v62 =	vmov s0;
	v14 =	vbroadcast v14, $0x0;
	v11 =	vadd.s32 v11, v15  }
0xa7: {  	v15 =	vadd.s32 $0xFFFFFFFF, v62  }
0xa8: {  	s23 =	simm.s32 $0x3000;
	v12 =	vadd.s32 v12, v14;
	v63 =	vbroadcast v15, $0x0  }
0xa9: {  	[tilespmem:v10+s12+$0x0] =	vst.idx.msk vm2, v6;
	v6 =	vor.u32 s23, v0  }
0xaa: {  	s24 =	simm.s32 $0x3010;
	[tilespmem:v10+s14+$0x0] =	vst.idx.msk vm2, v6;
	v6 =	vadd.s32 v13, v63  }
0xab: {  	[tilespmem:v11+s12+$0x0] =	vst.idx.msk vm1, v7;
	v7 =	vor.u32 s24, v0  }
0xac: {  	s30 =	simm.s32 $0x3020;
	[tilespmem:v11+s14+$0x0] =	vst.idx.msk vm1, v7  }
0xad: {  	v7 =	vor.u32 s30, v0;
	[tilespmem:v12+s12+$0x0] =	vst.idx.msk vm3, v8  }
0xae: {  	s4 =	simm.s32 $0x3030;
	s31 =	spop (v2sf);
	[tilespmem:v12+s14+$0x0] =	vst.idx.msk vm3, v7  }
0xaf: {  	s1 =	sadd.s32 s31, s0;
	s0 =	simm.s32 $0x3040;
	v7 =	vor.u32 s4, v0;
	[tilespmem:v6+s12+$0x0] =	vst.idx.msk vm0, v60  }
.LBB2_6:
0xb0: {  	p1 =	sne.s32 s0, $0x5FC0  }
0xb1: {  	[tilespmem:v6+s14+$0x0] =	vst.idx.msk vm0, v7;
	s10 =	sadd.s32 $0x40, s10;
	s4 =	smov.u32 s0;
	s0 =	sadd.s32 $0x40, s0  }
0xb2: {  	v6 =	vld [tilespmem:s10+$0xFFFFFFE0]  }
0xb3: {  	v7 =	vld [tilespmem:s10+$0xFFFFFFF0]  }
0xb4: {  	v8 =	vld [tilespmem:s10+$0x0];
	_ =	sdelay $0x2  }
0xb5: {  	vm0 =	vge.s32 v6, v3;
	vm1 =	vlt.s32 v6, v1;
	v9 =	vld [tilespmem:s10+$0x10]  }
0xb6: {  	vm3 =	vmand vm0, vm1;
	vm0 =	vge.s32 v7, v3;
	vm1 =	vlt.s32 v7, v1  }
0xb7: {  	v10 =	vsel vm3, $0x1, v5;
	vm1 =	vmand vm0, vm1;
	vm0 =	vge.s32 v8, v3  }
0xb8: {  	vm2 =	vlt.s32 v8, v1;
	v11 =	vsel vm1, $0x1, v5;
	(xrf0) =	vadd.scan.msk.s32 $0xffff, v10  }
0xb9: {  	(xrf0) =	vadd.scan.msk.s32 $0xffff, v11  }
0xba: {  	vm2 =	vmand vm0, vm2;
	vm0 =	vge.s32 v9, v3;
	vm4 =	vlt.s32 v9, v1  }
0xbb: {  	v10 =	vsel vm2, $0x1, v5;
	v11 =	vmov s1;
	vm0 =	vmand vm0, vm4  }
0xbc: {  	v13 =	vadd.s32 $0xFFFFFFFF, v11;
	v12 =	vsel vm0, $0x1, v5;
	(xrf0) =	vadd.scan.msk.s32 $0xffff, v10  }
0xbd: {  	v10 =	vbroadcast v13, $0x0;
	(xrf0) =	vadd.scan.msk.s32 $0xffff, v12  }
0xbe: {  	v11, _, _ =	vpop (xrf0)  }
0xbf: {  	v10 =	vadd.s32 v11, v10;
	v12, _, _ =	vpop (xrf0);
	(v2sf) =	vpush v11, $0xF  }
0xc0: {  	(v2sf) =	vpush v12, $0xF;
	_ =	sdelay $0x1  }
0xc1: {  	v11, _, _ =	vpop (xrf0)  }
0xc2: {  	v13, _, _ =	vpop (xrf0);
	(v2sf) =	vpush v11, $0xF  }
0xc3: {  	[tilespmem:v10+s12+$0x0] =	vst.idx.msk vm3, v6;
	v6 =	vor.u32 s4, v0;
	(v2sf) =	vpush v13, $0xF  }
0xc4: {  	[tilespmem:v10+s14+$0x0] =	vst.idx.msk vm3, v6;
	_ =	sdelay $0x8  }
0xc5: {  	s5 =	spop (v2sf)  }
0xc6: {  	s1 =	sadd.s32 s1, s5;
	s5 =	spop (v2sf)  }
0xc7: {  	v6 =	vmov s1;
	s1 =	sadd.s32 s5, s1  }
0xc8: {  	v6 =	vadd.s32 $0xFFFFFFFF, v6;
	v10 =	vmov s1  }
0xc9: {  	v6 =	vbroadcast v6, $0x0;
	v10 =	vadd.s32 $0xFFFFFFFF, v10;
	s5 =	spop (v2sf)  }
0xca: {  	v10 =	vbroadcast v10, $0x0;
	s1 =	sadd.s32 s5, s1;
	s5 =	spop (v2sf)  }
0xcb: {  	v12 =	vadd.s32 v12, v6;
	v6 =	vmov s1;
	s1 =	sadd.s32 s5, s1  }
0xcc: {  	v6 =	vadd.s32 $0xFFFFFFFF, v6  }
0xcd: {  	v10 =	vadd.s32 v11, v10;
	v6 =	vbroadcast v6, $0x0;
	_ =	sdelay $0x1  }
0xce: {  	s5 =	sadd.s32 $0x10, s4;
	v6 =	vadd.s32 v13, v6  }
.Ltmp4:
0xcf: {  	[tilespmem:v12+s12+$0x0] =	vst.idx.msk vm1, v7;
	v7 =	vor.u32 s5, v0;
	(pc) =	sbr.rel @p1 .LBB2_6-.Ltmp4, $4  }
0xd0: {  	s5 =	sadd.s32 $0x20, s4;
	[tilespmem:v12+s14+$0x0] =	vst.idx.msk vm1, v7  }
0xd1: {  	v7 =	vor.u32 s5, v0;
	[tilespmem:v10+s12+$0x0] =	vst.idx.msk vm2, v8  }
0xd2: {  	s4 =	sadd.s32 $0x30, s4;
	[tilespmem:v10+s14+$0x0] =	vst.idx.msk vm2, v7  }
0xd3: {  	v7 =	vor.u32 s4, v0;
	[tilespmem:v6+s12+$0x0] =	vst.idx.msk vm0, v9  }
0xd4: {  	_ =	sdelay $0x4  }
0xd5: {  	[tilespmem:v6+s14+$0x0] =	vst.idx.msk vm0, v7;
	s0 =	rddreg [dreg:$0xe]  }
0xd6: {  	[tilespmem:s3], [sflag:$0x4] =	stream.linear.gather [hbm4b:s0+s3], $0x3000, $0x38;
	[tilespmem:$0x1D300] =	vst v63  }
0xd7: {  	_ =	swait.ge [sflag:s29], $0x3000  }
0xd8: {  	[sflag:s29] =	ssyncset.done $0x0  }
0xd9: {  	s10 =	simm.s32 $0x20;
	[sflag:s29] =	ssyncadd.s32 $0xFFFFD000  }
0xda: {  	v6 =	vld [tilespmem:s10+$0xFFFFFFE0];
	_ =	sdelay $0x1  }
0xdb: {  	v7 =	vld [tilespmem:s10+$0xFFFFFFF0];
	_ =	sdelay $0x1  }
0xdc: {  	v8 =	vld [tilespmem:s10+$0x0]  }
0xdd: {  	vm0 =	vge.s32 v6, v3;
	vm1 =	vlt.s32 v6, v1  }
0xde: {  	vm2 =	vmand vm0, vm1  }
0xdf: {  	vm0 =	vge.s32 v7, v3;
	vm1 =	vlt.s32 v7, v1;
	v9 =	vsel vm2, $0x1, v5  }
0xe0: {  	vm1 =	vmand vm0, vm1;
	(xrf0) =	vadd.scan.msk.s32 $0xffff, v9  }
0xe1: {  	vm3 =	vlt.s32 v8, v1;
	vm0 =	vge.s32 v8, v3;
	v58 =	vsel vm1, $0x1, v5  }
0xe2: {  	vm3 =	vmand vm0, vm3;
	(xrf0) =	vadd.scan.msk.s32 $0xffff, v58  }
0xe3: {  	v59 =	vsel vm3, $0x1, v5  }
0xe4: {  	(xrf0) =	vadd.scan.msk.s32 $0xffff, v59;
	_ =	sdelay $0x1  }
0xe5: {  	v60 =	vld [tilespmem:s10+$0x10];
	v10, _, _ =	vpop (xrf0)  }
0xe6: {  	(v2sf) =	vpush v10, $0xF  }
0xe7: {  	v11, _, _ =	vpop (xrf0)  }
0xe8: {  	(v2sf) =	vpush v11, $0xF  }
0xe9: {  	v12, _, _ =	vpop (xrf0)  }
0xea: {  	vm4 =	vlt.s32 v60, v1;
	vm0 =	vge.s32 v60, v3;
	(v2sf) =	vpush v12, $0xF  }
0xeb: {  	vm0 =	vmand vm0, vm4  }
0xec: {  	v13 =	vsel vm0, $0x1, v5  }
0xed: {  	(xrf0) =	vadd.scan.msk.s32 $0xffff, v13;
	_ =	sdelay $0x5  }
0xee: {  	v13, _, _ =	vpop (xrf0)  }
0xef: {  	(v2sf) =	vpush v13, $0xF  }
0xf0: {  	v14 =	vmov s1;
	s2 =	spop (v2sf)  }
0xf1: {  	v14 =	vadd.s32 $0xFFFFFFFF, v14;
	s0 =	sadd.s32 s1, s2  }
0xf2: {  	v14 =	vbroadcast v14, $0x0;
	s4 =	spop (v2sf);
	v15 =	vmov s0  }
0xf3: {  	s0 =	sadd.s32 s4, s0;
	v15 =	vadd.s32 $0xFFFFFFFF, v15  }
0xf4: {  	v10 =	vadd.s32 v10, v14;
	s5 =	spop (v2sf);
	v61 =	vmov s0;
	v15 =	vbroadcast v15, $0x0  }
0xf5: {  	s0 =	sadd.s32 s5, s0;
	v14 =	vadd.s32 $0xFFFFFFFF, v61  }
0xf6: {  	v62 =	vmov s0;
	v14 =	vbroadcast v14, $0x0;
	v11 =	vadd.s32 v11, v15  }
0xf7: {  	v15 =	vadd.s32 $0xFFFFFFFF, v62  }
0xf8: {  	s23 =	simm.s32 $0x6000;
	v12 =	vadd.s32 v12, v14;
	v63 =	vbroadcast v15, $0x0  }
0xf9: {  	[tilespmem:v10+s12+$0x0] =	vst.idx.msk vm2, v6;
	v6 =	vor.u32 s23, v0  }
0xfa: {  	s24 =	simm.s32 $0x6010;
	[tilespmem:v10+s14+$0x0] =	vst.idx.msk vm2, v6;
	v6 =	vadd.s32 v13, v63  }
0xfb: {  	[tilespmem:v11+s12+$0x0] =	vst.idx.msk vm1, v7;
	v7 =	vor.u32 s24, v0  }
0xfc: {  	s30 =	simm.s32 $0x6020;
	[tilespmem:v11+s14+$0x0] =	vst.idx.msk vm1, v7  }
0xfd: {  	v7 =	vor.u32 s30, v0;
	[tilespmem:v12+s12+$0x0] =	vst.idx.msk vm3, v8  }
0xfe: {  	s4 =	simm.s32 $0x6030;
	s31 =	spop (v2sf);
	[tilespmem:v12+s14+$0x0] =	vst.idx.msk vm3, v7  }
0xff: {  	s1 =	sadd.s32 s31, s0;
	s0 =	simm.s32 $0x6040;
	v7 =	vor.u32 s4, v0;
	[tilespmem:v6+s12+$0x0] =	vst.idx.msk vm0, v60  }
.LBB2_8:
0x100: {  	p1 =	sne.s32 s0, $0x8FC0  }
0x101: {  	[tilespmem:v6+s14+$0x0] =	vst.idx.msk vm0, v7;
	s10 =	sadd.s32 $0x40, s10;
	s4 =	smov.u32 s0;
	s0 =	sadd.s32 $0x40, s0  }
0x102: {  	v6 =	vld [tilespmem:s10+$0xFFFFFFE0]  }
0x103: {  	v7 =	vld [tilespmem:s10+$0xFFFFFFF0]  }
0x104: {  	v8 =	vld [tilespmem:s10+$0x0];
	_ =	sdelay $0x2  }
0x105: {  	vm0 =	vge.s32 v6, v3;
	vm1 =	vlt.s32 v6, v1;
	v9 =	vld [tilespmem:s10+$0x10]  }
0x106: {  	vm3 =	vmand vm0, vm1;
	vm0 =	vge.s32 v7, v3;
	vm1 =	vlt.s32 v7, v1  }
0x107: {  	v10 =	vsel vm3, $0x1, v5;
	vm1 =	vmand vm0, vm1;
	vm0 =	vge.s32 v8, v3  }
0x108: {  	vm2 =	vlt.s32 v8, v1;
	v11 =	vsel vm1, $0x1, v5;
	(xrf0) =	vadd.scan.msk.s32 $0xffff, v10  }
0x109: {  	(xrf0) =	vadd.scan.msk.s32 $0xffff, v11  }
0x10a: {  	vm2 =	vmand vm0, vm2;
	vm0 =	vge.s32 v9, v3;
	vm4 =	vlt.s32 v9, v1  }
0x10b: {  	v10 =	vsel vm2, $0x1, v5;
	v11 =	vmov s1;
	vm0 =	vmand vm0, vm4  }
0x10c: {  	v13 =	vadd.s32 $0xFFFFFFFF, v11;
	v12 =	vsel vm0, $0x1, v5;
	(xrf0) =	vadd.scan.msk.s32 $0xffff, v10  }
0x10d: {  	v10 =	vbroadcast v13, $0x0;
	(xrf0) =	vadd.scan.msk.s32 $0xffff, v12  }
0x10e: {  	v11, _, _ =	vpop (xrf0)  }
0x10f: {  	v10 =	vadd.s32 v11, v10;
	v12, _, _ =	vpop (xrf0);
	(v2sf) =	vpush v11, $0xF  }
0x110: {  	(v2sf) =	vpush v12, $0xF;
	_ =	sdelay $0x1  }
0x111: {  	v11, _, _ =	vpop (xrf0)  }
0x112: {  	v13, _, _ =	vpop (xrf0);
	(v2sf) =	vpush v11, $0xF  }
0x113: {  	[tilespmem:v10+s12+$0x0] =	vst.idx.msk vm3, v6;
	v6 =	vor.u32 s4, v0;
	(v2sf) =	vpush v13, $0xF  }
0x114: {  	[tilespmem:v10+s14+$0x0] =	vst.idx.msk vm3, v6;
	_ =	sdelay $0x8  }
0x115: {  	s5 =	spop (v2sf)  }
0x116: {  	s1 =	sadd.s32 s1, s5;
	s5 =	spop (v2sf)  }
0x117: {  	v6 =	vmov s1;
	s1 =	sadd.s32 s5, s1  }
0x118: {  	v6 =	vadd.s32 $0xFFFFFFFF, v6;
	v10 =	vmov s1  }
0x119: {  	v6 =	vbroadcast v6, $0x0;
	v10 =	vadd.s32 $0xFFFFFFFF, v10;
	s5 =	spop (v2sf)  }
0x11a: {  	v10 =	vbroadcast v10, $0x0;
	s1 =	sadd.s32 s5, s1;
	s5 =	spop (v2sf)  }
0x11b: {  	v12 =	vadd.s32 v12, v6;
	v6 =	vmov s1;
	s1 =	sadd.s32 s5, s1  }
0x11c: {  	v6 =	vadd.s32 $0xFFFFFFFF, v6  }
0x11d: {  	v10 =	vadd.s32 v11, v10;
	v6 =	vbroadcast v6, $0x0;
	_ =	sdelay $0x1  }
0x11e: {  	s5 =	sadd.s32 $0x10, s4;
	v6 =	vadd.s32 v13, v6  }
.Ltmp5:
0x11f: {  	[tilespmem:v12+s12+$0x0] =	vst.idx.msk vm1, v7;
	v7 =	vor.u32 s5, v0;
	(pc) =	sbr.rel @p1 .LBB2_8-.Ltmp5, $4  }
0x120: {  	s5 =	sadd.s32 $0x20, s4;
	[tilespmem:v12+s14+$0x0] =	vst.idx.msk vm1, v7  }
0x121: {  	v7 =	vor.u32 s5, v0;
	[tilespmem:v10+s12+$0x0] =	vst.idx.msk vm2, v8  }
0x122: {  	s4 =	sadd.s32 $0x30, s4;
	[tilespmem:v10+s14+$0x0] =	vst.idx.msk vm2, v7  }
0x123: {  	v7 =	vor.u32 s4, v0;
	[tilespmem:v6+s12+$0x0] =	vst.idx.msk vm0, v9  }
0x124: {  	_ =	sdelay $0x4  }
0x125: {  	[tilespmem:v6+s14+$0x0] =	vst.idx.msk vm0, v7;
	s0 =	rddreg [dreg:$0xf]  }
0x126: {  	[tilespmem:s3], [sflag:$0x4] =	stream.linear.gather [hbm4b:s0+s3], $0x3000, $0x38;
	[tilespmem:$0x1D300] =	vst v63  }
0x127: {  	_ =	swait.ge [sflag:s29], $0x3000  }
0x128: {  	[sflag:s29] =	ssyncset.done $0x0  }
0x129: {  	s10 =	simm.s32 $0x20;
	[sflag:s29] =	ssyncadd.s32 $0xFFFFD000  }
0x12a: {  	v6 =	vld [tilespmem:s10+$0xFFFFFFE0];
	_ =	sdelay $0x1  }
0x12b: {  	v7 =	vld [tilespmem:s10+$0xFFFFFFF0];
	_ =	sdelay $0x1  }
0x12c: {  	v8 =	vld [tilespmem:s10+$0x0]  }
0x12d: {  	vm0 =	vge.s32 v6, v3;
	vm1 =	vlt.s32 v6, v1  }
0x12e: {  	vm2 =	vmand vm0, vm1  }
0x12f: {  	vm0 =	vge.s32 v7, v3;
	vm1 =	vlt.s32 v7, v1;
	v9 =	vsel vm2, $0x1, v5  }
0x130: {  	vm1 =	vmand vm0, vm1;
	(xrf0) =	vadd.scan.msk.s32 $0xffff, v9  }
0x131: {  	vm3 =	vlt.s32 v8, v1;
	vm0 =	vge.s32 v8, v3;
	v58 =	vsel vm1, $0x1, v5  }
0x132: {  	vm3 =	vmand vm0, vm3;
	(xrf0) =	vadd.scan.msk.s32 $0xffff, v58  }
0x133: {  	v59 =	vsel vm3, $0x1, v5  }
0x134: {  	(xrf0) =	vadd.scan.msk.s32 $0xffff, v59;
	_ =	sdelay $0x1  }
0x135: {  	v60 =	vld [tilespmem:s10+$0x10];
	v10, _, _ =	vpop (xrf0)  }
0x136: {  	(v2sf) =	vpush v10, $0xF  }
0x137: {  	v11, _, _ =	vpop (xrf0)  }
0x138: {  	(v2sf) =	vpush v11, $0xF  }
0x139: {  	v12, _, _ =	vpop (xrf0)  }
0x13a: {  	vm4 =	vlt.s32 v60, v1;
	vm0 =	vge.s32 v60, v3;
	(v2sf) =	vpush v12, $0xF  }
0x13b: {  	vm0 =	vmand vm0, vm4  }
0x13c: {  	v13 =	vsel vm0, $0x1, v5  }
0x13d: {  	(xrf0) =	vadd.scan.msk.s32 $0xffff, v13;
	_ =	sdelay $0x5  }
0x13e: {  	v13, _, _ =	vpop (xrf0)  }
0x13f: {  	(v2sf) =	vpush v13, $0xF  }
0x140: {  	v14 =	vmov s1;
	s4 =	spop (v2sf)  }
0x141: {  	v14 =	vadd.s32 $0xFFFFFFFF, v14;
	s0 =	sadd.s32 s1, s4  }
0x142: {  	v14 =	vbroadcast v14, $0x0;
	s5 =	spop (v2sf);
	v15 =	vmov s0  }
0x143: {  	s0 =	sadd.s32 s5, s0;
	v15 =	vadd.s32 $0xFFFFFFFF, v15  }
0x144: {  	v10 =	vadd.s32 v10, v14;
	s23 =	spop (v2sf);
	v61 =	vmov s0;
	v15 =	vbroadcast v15, $0x0  }
0x145: {  	s0 =	sadd.s32 s23, s0;
	v14 =	vadd.s32 $0xFFFFFFFF, v61  }
0x146: {  	v62 =	vmov s0;
	v14 =	vbroadcast v14, $0x0;
	v11 =	vadd.s32 v11, v15  }
0x147: {  	v15 =	vadd.s32 $0xFFFFFFFF, v62  }
0x148: {  	s24 =	simm.s32 $0x9000;
	v12 =	vadd.s32 v12, v14;
	v63 =	vbroadcast v15, $0x0  }
0x149: {  	[tilespmem:v10+s12+$0x0] =	vst.idx.msk vm2, v6;
	v6 =	vor.u32 s24, v0  }
0x14a: {  	s29 =	simm.s32 $0x9010;
	[tilespmem:v10+s14+$0x0] =	vst.idx.msk vm2, v6;
	v6 =	vadd.s32 v13, v63  }
0x14b: {  	[tilespmem:v11+s12+$0x0] =	vst.idx.msk vm1, v7;
	v7 =	vor.u32 s29, v0  }
0x14c: {  	s30 =	simm.s32 $0x9020;
	[tilespmem:v11+s14+$0x0] =	vst.idx.msk vm1, v7  }
0x14d: {  	v7 =	vor.u32 s30, v0;
	[tilespmem:v12+s12+$0x0] =	vst.idx.msk vm3, v8  }
0x14e: {  	s5 =	simm.s32 $0x9030;
	s31 =	spop (v2sf);
	[tilespmem:v12+s14+$0x0] =	vst.idx.msk vm3, v7  }
0x14f: {  	s4 =	sadd.s32 s31, s0;
	s0 =	simm.s32 $0x9040;
	v7 =	vor.u32 s5, v0;
	[tilespmem:v6+s12+$0x0] =	vst.idx.msk vm0, v60  }
.LBB2_10:
0x150: {  	p1 =	sne.s32 s0, $0xBFC0  }
0x151: {  	[tilespmem:v6+s14+$0x0] =	vst.idx.msk vm0, v7;
	s10 =	sadd.s32 $0x40, s10;
	s1 =	smov.u32 s0;
	s0 =	sadd.s32 $0x40, s0  }
0x152: {  	v6 =	vld [tilespmem:s10+$0xFFFFFFE0]  }
0x153: {  	v7 =	vld [tilespmem:s10+$0xFFFFFFF0]  }
0x154: {  	v8 =	vld [tilespmem:s10+$0x0];
	_ =	sdelay $0x2  }
0x155: {  	vm0 =	vge.s32 v6, v3;
	vm1 =	vlt.s32 v6, v1;
	v9 =	vld [tilespmem:s10+$0x10]  }
0x156: {  	vm3 =	vmand vm0, vm1;
	vm0 =	vge.s32 v7, v3;
	vm1 =	vlt.s32 v7, v1  }
0x157: {  	v10 =	vsel vm3, $0x1, v5;
	vm1 =	vmand vm0, vm1;
	vm0 =	vge.s32 v8, v3  }
0x158: {  	vm2 =	vlt.s32 v8, v1;
	v11 =	vsel vm1, $0x1, v5;
	(xrf0) =	vadd.scan.msk.s32 $0xffff, v10  }
0x159: {  	(xrf0) =	vadd.scan.msk.s32 $0xffff, v11  }
0x15a: {  	vm2 =	vmand vm0, vm2;
	vm0 =	vge.s32 v9, v3;
	vm4 =	vlt.s32 v9, v1  }
0x15b: {  	v10 =	vsel vm2, $0x1, v5;
	v11 =	vmov s4;
	vm0 =	vmand vm0, vm4  }
0x15c: {  	v13 =	vadd.s32 $0xFFFFFFFF, v11;
	v12 =	vsel vm0, $0x1, v5;
	(xrf0) =	vadd.scan.msk.s32 $0xffff, v10  }
0x15d: {  	v10 =	vbroadcast v13, $0x0;
	(xrf0) =	vadd.scan.msk.s32 $0xffff, v12  }
0x15e: {  	v11, _, _ =	vpop (xrf0)  }
0x15f: {  	v10 =	vadd.s32 v11, v10;
	v12, _, _ =	vpop (xrf0);
	(v2sf) =	vpush v11, $0xF  }
0x160: {  	(v2sf) =	vpush v12, $0xF;
	_ =	sdelay $0x1  }
0x161: {  	v11, _, _ =	vpop (xrf0)  }
0x162: {  	v13, _, _ =	vpop (xrf0);
	(v2sf) =	vpush v11, $0xF  }
0x163: {  	[tilespmem:v10+s12+$0x0] =	vst.idx.msk vm3, v6;
	v6 =	vor.u32 s1, v0;
	(v2sf) =	vpush v13, $0xF  }
0x164: {  	[tilespmem:v10+s14+$0x0] =	vst.idx.msk vm3, v6;
	_ =	sdelay $0x8  }
0x165: {  	s5 =	spop (v2sf)  }
0x166: {  	s4 =	sadd.s32 s4, s5;
	s5 =	spop (v2sf)  }
0x167: {  	v6 =	vmov s4;
	s4 =	sadd.s32 s5, s4  }
0x168: {  	v6 =	vadd.s32 $0xFFFFFFFF, v6;
	v10 =	vmov s4  }
0x169: {  	v6 =	vbroadcast v6, $0x0;
	v10 =	vadd.s32 $0xFFFFFFFF, v10;
	s5 =	spop (v2sf)  }
0x16a: {  	v10 =	vbroadcast v10, $0x0;
	s4 =	sadd.s32 s5, s4;
	s5 =	spop (v2sf)  }
0x16b: {  	v12 =	vadd.s32 v12, v6;
	v6 =	vmov s4;
	s4 =	sadd.s32 s5, s4  }
0x16c: {  	v6 =	vadd.s32 $0xFFFFFFFF, v6  }
0x16d: {  	v10 =	vadd.s32 v11, v10;
	v6 =	vbroadcast v6, $0x0;
	_ =	sdelay $0x1  }
0x16e: {  	s5 =	sadd.s32 $0x10, s1;
	v6 =	vadd.s32 v13, v6  }
.Ltmp6:
0x16f: {  	[tilespmem:v12+s12+$0x0] =	vst.idx.msk vm1, v7;
	v7 =	vor.u32 s5, v0;
	(pc) =	sbr.rel @p1 .LBB2_10-.Ltmp6, $4  }
0x170: {  	s5 =	sadd.s32 $0x20, s1;
	[tilespmem:v12+s14+$0x0] =	vst.idx.msk vm1, v7  }
0x171: {  	v7 =	vor.u32 s5, v0;
	[tilespmem:v10+s12+$0x0] =	vst.idx.msk vm2, v8  }
0x172: {  	s1 =	sadd.s32 $0x30, s1;
	[tilespmem:v10+s14+$0x0] =	vst.idx.msk vm2, v7  }
0x173: {  	v7 =	vor.u32 s1, v0;
	[tilespmem:v6+s12+$0x0] =	vst.idx.msk vm0, v9  }
0x174: {  	s0 =	sadd.s32 $0xF, s4  }
0x175: {  	s1 =	sand.u32 $0xF, s0  }
0x176: {  	s4 =	sshra.s32 s0, $0x1F;
	p1 =	slt.s32 s0, $0x1;
	p2 =	sne.s32 s1, $0x0  }
0x177: {  	s24 =	sshrl.u32 s4, $0x1C;
	p1 =	por !p1, !p2  }
0x178: {  	s1 =	simm.s32 $0x1;
	s0 =	sadd.s32 s24, s0;
	p1 =	por !p1, !p1  }
0x179: {  	s0 =	sshra.s32 s0, $0x4;
	s1 =	simm.s32 @!p1 $0x0  }
0x17a: {  	s0 =	ssub.s32 s0, s1  }
0x17b: {  	s1 =	sadd.s32 $0x3, s0  }
0x17c: {  	s30 =	sand.u32 $0x3, s1  }
0x17d: {  	p5 =	slt.s32 s0, $0xFFFFFFFE;
	p6 =	sne.s32 s30, $0x0  }
.Ltmp7:
0x17e: {  	s31 =	sshrl.u32 s1, $0x1E;
	p1 =	por !p5, !p6;
	(pc) =	sbr.rel .LBB2_12-.Ltmp7, $4  }
0x17f: {  	s0 =	sadd.s32 s31, s1;
	s1 =	simm.s32 $0x1;
	p1 =	por !p1, !p1  }
0x180: {  	s0 =	sshra.s32 s0, $0x2;
	s1 =	simm.s32 @!p1 $0x0  }
0x181: {  	s24 =	ssub.s32 s0, s1  }
0x182: {  	[tilespmem:v6+s14+$0x0] =	vst.idx.msk vm0, v7;
	s29 =	simm.s32 $0x0;
	s10 =	simm.s32 $0x0;
	p1 =	slt.s32 s24, $0x1  }
.LBB2_40:
0x183: {  	s0 =	sadd.s32 s23, s26  }
0x184: {  	s1 =	smov.u32 s9;
	p3 =	slt.s32 s0, s9  }
0x185: {  	s1 =	smov.u32 @p3 s0  }
0x186: {  	s2 =	simm.s32 $0xC100;
	s10 =	sadd.s32 $0x1, s10;
	s0 =	sadd.s32 s25, s1  }
0x187: {  	[tilespmem:s2], [sflag:$0x2] =	stream.linear.gather [hbm4b:s0+s3], $0x2000, $0x38;
	[tilespmem:$0x1D300] =	vst v63  }
0x188: {  	s4 =	simm.s32 $0xE100;
	p3 =	sne.s32 s10, $0x10;
	s2 =	sadd.s32 s1, s11  }
0x189: {  	[tilespmem:s4], [sflag:$0x2] =	stream.linear.gather [hbm4b:s2+s3], $0x2000, $0x38;
	[tilespmem:$0x1D300] =	vst v63  }
.Ltmp8:
0x18a: {  	_ = 	snop;
	(pc) =	sbr.rel @!p3 .LBB2_41-.Ltmp8, $4  }
0x18b: {  	s23 =	simm.s32 $0x10100;
	s5 =	sadd.s32 s1, s13  }
0x18c: {  	[tilespmem:s23], [sflag:$0x2] =	stream.linear.gather [hbm4b:s5+s3], $0x2000, $0x38;
	[tilespmem:$0x1D300] =	vst v63  }
0x18d: {  	s31 =	simm.s32 $0x12100;
	s30 =	sadd.s32 s1, s15  }
0x18e: {  	[tilespmem:s31], [sflag:$0x2] =	stream.linear.gather [hbm4b:s30+s3], $0x2000, $0x38;
	[tilespmem:$0x1D300] =	vst v63  }
.LBB2_12:
0x18f: {  	p2 =	slt.s32 s29, $0x1  }
.Ltmp9:
0x190: {  	_ = 	snop;
	(pc) =	sbr.rel @p2 .LBB2_16-.Ltmp9, $4  }
0x191: {  	_ = 	snop  }
0x192: {  	_ =	swait.ge [sflag:s16], $0x8000  }
0x193: {  	[sflag:s16] =	ssyncset.done $0x0  }
0x194: {  	[sflag:s16] =	ssyncadd.s32 $0xFFFF8000  }
0x195: {  	p2 =	sne.s32 s29, $0x1  }
.Ltmp10:
0x196: {  	_ = 	snop;
	(pc) =	sbr.rel @!p2 .LBB2_15-.Ltmp10, $3  }
0x197: {  	_ =	sdelay $0x1  }
0x198: {  	_ =	swait.ge [sflag:s17], $0x800  }
0x199: {  	s0 =	sadd.s32 $0xFFFFFFFF, s29;
	[sflag:s17] =	ssyncset.done $0x0  }
.LBB2_14:
0x19a: {  	p2 =	sne.s32 s0, $0x1;
	s0 =	sadd.s32 $0xFFFFFFFF, s0;
	[sflag:s17] =	ssyncadd.s32 $0xFFFFF800  }
.Ltmp11:
0x19b: {  	(pc) =	sbr.rel @p2 .LBB2_14-.Ltmp11, $3  }
0x19c: {  	_ =	sdelay $0x1  }
0x19d: {  	_ =	swait.ge [sflag:s17], $0x800  }
0x19e: {  	[sflag:s17] =	ssyncset.done $0x0  }
.LBB2_15:
0x19f: {  	[sflag:s17] =	ssyncadd.s32 $0xFFFFF800  }
.LBB2_16:
0x1a0: {  	[tilespmem:$0x14900] =	vst v5  }
0x1a1: {  	[tilespmem:$0x14A00] =	vst v2  }
0x1a2: {  	[tilespmem:$0x14910] =	vst v5  }
0x1a3: {  	[tilespmem:$0x14A10] =	vst v2  }
0x1a4: {  	[tilespmem:$0x14920] =	vst v5  }
0x1a5: {  	[tilespmem:$0x14A20] =	vst v2  }
0x1a6: {  	[tilespmem:$0x14930] =	vst v5  }
0x1a7: {  	[tilespmem:$0x14A30] =	vst v2  }
0x1a8: {  	[tilespmem:$0x14940] =	vst v5  }
0x1a9: {  	[tilespmem:$0x14A40] =	vst v2  }
0x1aa: {  	[tilespmem:$0x14950] =	vst v5  }
0x1ab: {  	[tilespmem:$0x14A50] =	vst v2  }
0x1ac: {  	[tilespmem:$0x14960] =	vst v5  }
0x1ad: {  	[tilespmem:$0x14A60] =	vst v2  }
0x1ae: {  	[tilespmem:$0x14970] =	vst v5  }
0x1af: {  	[tilespmem:$0x14A70] =	vst v2  }
0x1b0: {  	[tilespmem:$0x14980] =	vst v5  }
0x1b1: {  	[tilespmem:$0x14A80] =	vst v2  }
0x1b2: {  	[tilespmem:$0x14990] =	vst v5  }
0x1b3: {  	[tilespmem:$0x14A90] =	vst v2  }
0x1b4: {  	[tilespmem:$0x149A0] =	vst v5  }
0x1b5: {  	[tilespmem:$0x14AA0] =	vst v2  }
0x1b6: {  	[tilespmem:$0x149B0] =	vst v5  }
0x1b7: {  	[tilespmem:$0x14AB0] =	vst v2  }
0x1b8: {  	[tilespmem:$0x149C0] =	vst v5  }
0x1b9: {  	[tilespmem:$0x14AC0] =	vst v2  }
0x1ba: {  	[tilespmem:$0x149D0] =	vst v5  }
.Ltmp12:
0x1bb: {  	[tilespmem:$0x14AD0] =	vst v2;
	(pc) =	sbr.rel @p1 .LBB2_17-.Ltmp12, $4  }
0x1bc: {  	s23 =	sshll.u32 s10, $0xB;
	[tilespmem:$0x149E0] =	vst v5  }
0x1bd: {  	[tilespmem:$0x14AE0] =	vst v2;
	s0 =	sadd.s32 s23, s8  }
0x1be: {  	[tilespmem:$0x149F0] =	vst v5;
	s29 =	sadd.s32 $0x400, s0  }
0x1bf: {  	[tilespmem:$0x14AF0] =	vst v2;
	s30 =	smin.u32 s29, s7  }
0x1c0: {  	s31 =	simm.s32 $0x3020  }
0x1c1: {  	v10 =	vld [tilespmem:s31+$0xFFFFFFE0];
	_ =	sdelay $0x1  }
0x1c2: {  	s0 =	sadd.s32 s8, s23  }
0x1c3: {  	s1 =	smin.u32 s0, s7  }
0x1c4: {  	v8 =	vmov s30;
	v7 =	vmov s1  }
0x1c5: {  	vm0 =	vge.s32 v10, v7;
	vm1 =	vlt.s32 v10, v8  }
0x1c6: {  	vm1 =	vmand vm0, vm1  }
0x1c7: {  	v9 =	vsel vm1, $0x1, v5  }
0x1c8: {  	(xrf0) =	vadd.scan.msk.s32 $0xffff, v9  }
0x1c9: {  	v6 =	vld [tilespmem:s31+$0xFFFFFFF0];
	_ =	sdelay $0x4  }
0x1ca: {  	v12 =	vld [tilespmem:s31+$0x0];
	vm2 =	vlt.s32 v6, v8;
	vm0 =	vge.s32 v6, v7;
	v15, _, _ =	vpop (xrf0)  }
0x1cb: {  	vm0 =	vmand vm0, vm2;
	v9 =	vld [tilespmem:s31+$0x10];
	(v2sf) =	vpush v15, $0xF  }
0x1cc: {  	v11 =	vsel vm0, $0x1, v5  }
0x1cd: {  	(xrf0) =	vadd.scan.msk.s32 $0xffff, v11;
	_ =	sdelay $0x1  }
0x1ce: {  	vm3 =	vlt.s32 v12, v8;
	vm2 =	vge.s32 v12, v7  }
0x1cf: {  	vm2 =	vmand vm2, vm3;
	vm3 =	vge.s32 v9, v7;
	vm4 =	vlt.s32 v9, v8  }
0x1d0: {  	v11 =	vsel vm2, $0x1, v5;
	vm3 =	vmand vm3, vm4  }
0x1d1: {  	(xrf0) =	vadd.scan.msk.s32 $0xffff, v11;
	v14 =	vsel vm3, $0x1, v5  }
0x1d2: {  	v13, _, _ =	vpop (xrf0);
	(xrf0) =	vadd.scan.msk.s32 $0xffff, v14;
	_ =	sdelay $0x3  }
0x1d3: {  	(v2sf) =	vpush v13, $0xF  }
0x1d4: {  	v16, _, _ =	vpop (xrf0)  }
0x1d5: {  	(v2sf) =	vpush v16, $0xF;
	v14, _, _ =	vpop (xrf0)  }
0x1d6: {  	s5 =	spop (v2sf);
	(v2sf) =	vpush v14, $0xF;
	_ =	sdelay $0x5  }
0x1d7: {  	s4 =	simm.s32 $0x0  }
0x1d8: {  	p2 =	slt.s32 s0, s9;
	v11 =	vmov s4;
	s4 =	smov.u32 s9  }
0x1d9: {  	s4 =	smov.u32 @p2 s0;
	p2 =	sne.s32 s24, $0x1  }
.Ltmp13:
0x1da: {  	_ = 	snop;
	(pc) =	sbr.rel @!p2 .LBB2_20-.Ltmp13, $4  }
0x1db: {  	v11 =	vadd.s32 $0xFFFFFFFF, v11  }
0x1dc: {  	v17 =	vbroadcast v11, $0x0  }
0x1dd: {  	s1 =	simm.s32 $0x38A0;
	s2 =	sadd.s32 $0x0, s5;
	s5 =	spop (v2sf)  }
0x1de: {  	s0 =	sadd.s32 $0xFFFFFFFF, s24;
	v11 =	vmov s4;
	s4 =	simm.s32 $0x38A0;
	v15 =	vadd.s32 v15, v17;
	v17 =	vmov s2;
	s5 =	sadd.s32 s2, s5  }
.LBB2_19:
0x1df: {  	v17 =	vadd.s32 $0xFFFFFFFF, v17;
	v18 =	vmov s5;
	s4 =	sadd.s32 $0x40, s4;
	s31 =	sadd.s32 $0x40, s31;
	s2 =	spop (v2sf)  }
0x1e0: {  	p2 =	sne.s32 s0, $0x1;
	v19 =	vld [tilespmem:s1+$0xFFFFFFE0];
	v17 =	vbroadcast v17, $0x0;
	v18 =	vadd.s32 $0xFFFFFFFF, v18;
	s2 =	sadd.s32 s5, s2;
	s5 =	spop (v2sf)  }
0x1e1: {  	s0 =	sadd.s32 $0xFFFFFFFF, s0;
	v20 =	vld [tilespmem:s1+$0x10];
	v18 =	vbroadcast v18, $0x0;
	v21 =	vmov s2;
	s5 =	sadd.s32 s2, s5  }
0x1e2: {  	v22 =	vld [tilespmem:s1+$0xFFFFFFF0];
	v13 =	vadd.s32 v13, v17;
	v17 =	vadd.s32 $0xFFFFFFFF, v21  }
0x1e3: {  	v10 =	vsub.s32 v10, v11;
	v21 =	vld [tilespmem:s1+$0x0];
	v16 =	vadd.s32 v16, v18;
	v17 =	vbroadcast v17, $0x0;
	s1 =	smov.u32 s4  }
0x1e4: {  	[tilespmem:v15+s18+$0x0] =	vst.idx.msk vm1, v10  }
0x1e5: {  	v6 =	vsub.s32 v6, v11;
	[tilespmem:v15+s19+$0x0] =	vst.idx.msk vm1, v19;
	v10 =	vadd.s32 v14, v17;
	_ =	sdelay $0x1  }
0x1e6: {  	[tilespmem:v13+s18+$0x0] =	vst.idx.msk vm0, v6;
	v6 =	vsub.s32 v12, v11  }
0x1e7: {  	[tilespmem:v13+s19+$0x0] =	vst.idx.msk vm0, v22  }
0x1e8: {  	v13 =	vmov s5;
	[tilespmem:v16+s18+$0x0] =	vst.idx.msk vm2, v6;
	v6 =	vsub.s32 v9, v11  }
0x1e9: {  	[tilespmem:v16+s19+$0x0] =	vst.idx.msk vm2, v21  }
0x1ea: {  	[tilespmem:v10+s18+$0x0] =	vst.idx.msk vm3, v6  }
0x1eb: {  	[tilespmem:v10+s19+$0x0] =	vst.idx.msk vm3, v20  }
0x1ec: {  	v10 =	vld [tilespmem:s31+$0xFFFFFFE0]  }
0x1ed: {  	v6 =	vld [tilespmem:s31+$0xFFFFFFF0];
	_ =	sdelay $0x1  }
0x1ee: {  	v12 =	vld [tilespmem:s31+$0x0]  }
0x1ef: {  	v9 =	vld [tilespmem:s31+$0x10]  }
0x1f0: {  	vm0 =	vge.s32 v10, v7;
	vm1 =	vlt.s32 v10, v8  }
0x1f1: {  	vm1 =	vmand vm0, vm1;
	vm0 =	vge.s32 v6, v7;
	vm2 =	vlt.s32 v6, v8  }
0x1f2: {  	v14 =	vsel vm1, $0x1, v5;
	vm0 =	vmand vm0, vm2  }
0x1f3: {  	v15 =	vsel vm0, $0x1, v5;
	vm2 =	vge.s32 v12, v7;
	vm3 =	vlt.s32 v12, v8;
	(xrf0) =	vadd.scan.msk.s32 $0xffff, v14  }
0x1f4: {  	vm2 =	vmand vm2, vm3;
	vm3 =	vge.s32 v9, v7;
	vm4 =	vlt.s32 v9, v8;
	(xrf0) =	vadd.scan.msk.s32 $0xffff, v15  }
0x1f5: {  	v14 =	vsel vm2, $0x1, v5;
	vm3 =	vmand vm3, vm4  }
0x1f6: {  	v15 =	vsel vm3, $0x1, v5;
	(xrf0) =	vadd.scan.msk.s32 $0xffff, v14  }
0x1f7: {  	v13 =	vadd.s32 $0xFFFFFFFF, v13;
	(xrf0) =	vadd.scan.msk.s32 $0xffff, v15  }
0x1f8: {  	v16 =	vbroadcast v13, $0x0  }
0x1f9: {  	v14, _, _ =	vpop (xrf0)  }
0x1fa: {  	v15 =	vadd.s32 v14, v16;
	v13, _, _ =	vpop (xrf0);
	(v2sf) =	vpush v14, $0xF  }
0x1fb: {  	(v2sf) =	vpush v13, $0xF  }
0x1fc: {  	v16, _, _ =	vpop (xrf0)  }
0x1fd: {  	v14, _, _ =	vpop (xrf0);
	(v2sf) =	vpush v16, $0xF  }
0x1fe: {  	(v2sf) =	vpush v14, $0xF;
	_ =	sdelay $0x8  }
.Ltmp14:
0x1ff: {  	(pc) =	sbr.rel @p2 .LBB2_19-.Ltmp14, $4  }
0x200: {  	_ = 	snop  }
0x201: {  	s2 =	spop (v2sf)  }
0x202: {  	s2 =	sadd.s32 s5, s2;
	s5 =	spop (v2sf)  }
0x203: {  	v17 =	vmov s2;
	s5 =	sadd.s32 s2, s5  }
.LBB2_20:
0x204: {  	v7 =	vadd.s32 $0xFFFFFFFF, v17  }
0x205: {  	v8 =	vmov s5;
	s0 =	spop (v2sf);
	v7 =	vbroadcast v7, $0x0  }
0x206: {  	v60 =	vld [tilespmem:s1+$0xFFFFFFE0];
	v8 =	vadd.s32 $0xFFFFFFFF, v8;
	s0 =	sadd.s32 s5, s0  }
0x207: {  	v8 =	vbroadcast v8, $0x0;
	v19 =	vmov s0;
	v7 =	vadd.s32 v13, v7  }
0x208: {  	v61 =	vld [tilespmem:s1+$0xFFFFFFF0];
	v19 =	vadd.s32 $0xFFFFFFFF, v19  }
0x209: {  	v18 =	vld [tilespmem:s1+$0x10];
	v10 =	vsub.s32 v10, v11;
	v8 =	vadd.s32 v16, v8;
	v62 =	vbroadcast v19, $0x0  }
0x20a: {  	v20 =	vld [tilespmem:s1+$0x0];
	[tilespmem:v15+s18+$0x0] =	vst.idx.msk vm1, v10  }
0x20b: {  	v6 =	vsub.s32 v6, v11;
	[tilespmem:v15+s19+$0x0] =	vst.idx.msk vm1, v60;
	v63 =	vadd.s32 v14, v62  }
0x20c: {  	[tilespmem:v7+s18+$0x0] =	vst.idx.msk vm0, v6  }
.Ltmp15:
0x20d: {  	v6 =	vsub.s32 v12, v11;
	[tilespmem:v7+s19+$0x0] =	vst.idx.msk vm0, v61;
	(pc) =	sbr.rel .LBB2_21-.Ltmp15, $4  }
0x20e: {  	[tilespmem:v8+s18+$0x0] =	vst.idx.msk vm2, v6  }
0x20f: {  	s31 =	spop (v2sf);
	v6 =	vsub.s32 v9, v11;
	[tilespmem:v8+s19+$0x0] =	vst.idx.msk vm2, v20  }
0x210: {  	s0 =	sadd.s32 s0, s31;
	[tilespmem:v63+s18+$0x0] =	vst.idx.msk vm3, v6  }
0x211: {  	s0 =	sadd.s32 $0xF, s0;
	[tilespmem:v63+s19+$0x0] =	vst.idx.msk vm3, v18  }
.LBB2_17:
0x212: {  	s0 =	simm.s32 $0xF  }
.LBB2_21:
0x213: {  	v6 =	vld [tilespmem:$0x14A00]  }
0x214: {  	v7 =	vld [tilespmem:$0x14A10]  }
0x215: {  	v8 =	vld [tilespmem:$0x14A20]  }
0x216: {  	v9 =	vld [tilespmem:$0x14A30]  }
0x217: {  	v10 =	vld [tilespmem:$0x14A40]  }
0x218: {  	[tilespmem:$0x14B00] =	vst v6;
	v6 =	vld [tilespmem:$0x14A50]  }
0x219: {  	v58 =	vld [tilespmem:$0x14A70];
	[tilespmem:$0x14B80] =	vst v7  }
0x21a: {  	v59 =	vld [tilespmem:$0x14A80];
	[tilespmem:$0x14C00] =	vst v8  }
0x21b: {  	v60 =	vld [tilespmem:$0x14A90];
	[tilespmem:$0x14C80] =	vst v9  }
0x21c: {  	s1 =	sand.u32 $0xF, s0;
	v7 =	vld [tilespmem:$0x14A60];
	[tilespmem:$0x14D00] =	vst v10  }
0x21d: {  	s5 =	sshra.s32 s0, $0x1F;
	p3 =	slt.s32 s0, $0x1;
	p2 =	sne.s32 s1, $0x0;
	[tilespmem:$0x14D80] =	vst v6;
	v6 =	vld [tilespmem:$0x14AA0]  }
0x21e: {  	v61 =	vld [tilespmem:$0x14AC0];
	s1 =	sshrl.u32 s5, $0x1C;
	p2 =	por !p3, !p2;
	[tilespmem:$0x14E80] =	vst v58  }
0x21f: {  	v62 =	vld [tilespmem:$0x14AD0];
	s31 =	sadd.s32 s1, s0;
	s1 =	simm.s32 $0x1;
	p2 =	por !p2, !p2;
	[tilespmem:$0x14F00] =	vst v59  }
0x220: {  	v63 =	vld [tilespmem:$0x14AE0];
	s0 =	sshra.s32 s31, $0x4;
	s1 =	simm.s32 @!p2 $0x0;
	[tilespmem:$0x14F80] =	vst v60  }
0x221: {  	s4 =	ssub.s32 s0, s1;
	[tilespmem:$0x14E00] =	vst v7;
	v7 =	vld [tilespmem:$0x14AB0]  }
0x222: {  	p2 =	slt.s32 s4, $0x1;
	[tilespmem:$0x15000] =	vst v6;
	v6 =	vld [tilespmem:$0x14AF0]  }
.Ltmp16:
0x223: {  	[tilespmem:$0x15100] =	vst v61;
	(pc) =	sbr.rel @p2 .LBB2_26-.Ltmp16, $4  }
0x224: {  	[tilespmem:$0x15180] =	vst v62  }
0x225: {  	[tilespmem:$0x15200] =	vst v63  }
0x226: {  	[tilespmem:$0x15080] =	vst v7  }
0x227: {  	[tilespmem:$0x15280] =	vst v6  }
0x228: {  	s0 =	simm.s32 $0x14900;
	s5 =	simm.s32 $0x0;
	s31 =	smov.u32 s4  }
.LBB2_23:
0x229: {  	v6 =	vld [tilespmem:s0+$0x0];
	_ =	sdelay $0x4  }
0x22a: {  	v7 =	vshll.u32 v6, $0x3  }
0x22b: {  	v6 =	vand.u32 $0x7F, v6;
	v7 =	vand.u32 $0xFFFFFC00, v7  }
0x22c: {  	v6 =	vor.u32 v6, v7;
	_ =	sdelay $0x2  }
0x22d: {  	v8 =	vmul.u32 $0x80, v0;
	v7 =	vmov s5  }
0x22e: {  	v7 =	vshll.u32 v7, $0x7  }
0x22f: {  	v7 =	vor.u32 v8, v7;
	v9 =	vld.idx.msk [tilespmem:v6+s28+$0x0], $0xffff  }
0x230: {  	v57 =	vor.u32 $0x80, v6;
	_ =	sdelay $0x2  }
0x231: {  	s1 =	simm.s32 $0x15300  }
0x232: {  	[tilespmem:v7+s1+$0x0] =	vst.idx.msk $0xffff, v9  }
0x233: {  	v58 =	vor.u32 $0x1, v7;
	v8 =	vld.idx.msk [tilespmem:v57+s28+$0x0], $0xffff  }
0x234: {  	v10 =	vor.u32 $0x100, v6;
	_ =	sdelay $0x3  }
0x235: {  	[tilespmem:v58+s1+$0x0] =	vst.idx.msk $0xffff, v8  }
0x236: {  	v59 =	vor.u32 $0x2, v7;
	v8 =	vld.idx.msk [tilespmem:v10+s28+$0x0], $0xffff  }
0x237: {  	v60 =	vor.u32 $0x180, v6;
	_ =	sdelay $0x3  }
0x238: {  	[tilespmem:v59+s1+$0x0] =	vst.idx.msk $0xffff, v8  }
0x239: {  	v61 =	vor.u32 $0x3, v7;
	v8 =	vld.idx.msk [tilespmem:v60+s28+$0x0], $0xffff  }
0x23a: {  	v62 =	vor.u32 $0x200, v6;
	_ =	sdelay $0x3  }
0x23b: {  	[tilespmem:v61+s1+$0x0] =	vst.idx.msk $0xffff, v8  }
0x23c: {  	v63 =	vor.u32 $0x4, v7;
	v8 =	vld.idx.msk [tilespmem:v62+s28+$0x0], $0xffff  }
0x23d: {  	v12 =	vor.u32 $0x280, v6;
	_ =	sdelay $0x3  }
0x23e: {  	[tilespmem:v63+s1+$0x0] =	vst.idx.msk $0xffff, v8  }
0x23f: {  	v13 =	vor.u32 $0x5, v7;
	v8 =	vld.idx.msk [tilespmem:v12+s28+$0x0], $0xffff  }
0x240: {  	v14 =	vor.u32 $0x300, v6;
	_ =	sdelay $0x3  }
0x241: {  	[tilespmem:v13+s1+$0x0] =	vst.idx.msk $0xffff, v8  }
0x242: {  	v15 =	vor.u32 $0x6, v7;
	v8 =	vld.idx.msk [tilespmem:v14+s28+$0x0], $0xffff  }
0x243: {  	v16 =	vor.u32 $0x380, v6;
	_ =	sdelay $0x3  }
0x244: {  	[tilespmem:v15+s1+$0x0] =	vst.idx.msk $0xffff, v8  }
0x245: {  	v17 =	vor.u32 $0x7, v7;
	v8 =	vld.idx.msk [tilespmem:v16+s28+$0x0], $0xffff  }
0x246: {  	v18 =	vadd.s32 $0x2000, v6;
	_ =	sdelay $0x3  }
0x247: {  	[tilespmem:v17+s1+$0x0] =	vst.idx.msk $0xffff, v8  }
0x248: {  	v19 =	vor.u32 $0x8, v7;
	v8 =	vld.idx.msk [tilespmem:v18+s28+$0x0], $0xffff  }
0x249: {  	v20 =	vadd.s32 $0x2080, v6;
	_ =	sdelay $0x3  }
0x24a: {  	[tilespmem:v19+s1+$0x0] =	vst.idx.msk $0xffff, v8  }
0x24b: {  	v21 =	vor.u32 $0x9, v7;
	v8 =	vld.idx.msk [tilespmem:v20+s28+$0x0], $0xffff  }
0x24c: {  	v22 =	vadd.s32 $0x2100, v6;
	_ =	sdelay $0x3  }
0x24d: {  	[tilespmem:v21+s1+$0x0] =	vst.idx.msk $0xffff, v8  }
0x24e: {  	v23 =	vor.u32 $0xA, v7;
	v8 =	vld.idx.msk [tilespmem:v22+s28+$0x0], $0xffff  }
0x24f: {  	v24 =	vadd.s32 $0x2180, v6;
	_ =	sdelay $0x3  }
0x250: {  	[tilespmem:v23+s1+$0x0] =	vst.idx.msk $0xffff, v8  }
0x251: {  	v25 =	vor.u32 $0xB, v7;
	v8 =	vld.idx.msk [tilespmem:v24+s28+$0x0], $0xffff  }
0x252: {  	v26 =	vadd.s32 $0x2200, v6;
	_ =	sdelay $0x3  }
0x253: {  	[tilespmem:v25+s1+$0x0] =	vst.idx.msk $0xffff, v8  }
0x254: {  	v27 =	vor.u32 $0xC, v7;
	v8 =	vld.idx.msk [tilespmem:v26+s28+$0x0], $0xffff  }
0x255: {  	v28 =	vadd.s32 $0x2280, v6;
	_ =	sdelay $0x3  }
0x256: {  	[tilespmem:v27+s1+$0x0] =	vst.idx.msk $0xffff, v8  }
0x257: {  	v29 =	vor.u32 $0xD, v7;
	v8 =	vld.idx.msk [tilespmem:v28+s28+$0x0], $0xffff  }
0x258: {  	v30 =	vadd.s32 $0x2300, v6;
	_ =	sdelay $0x3  }
0x259: {  	[tilespmem:v29+s1+$0x0] =	vst.idx.msk $0xffff, v8  }
0x25a: {  	v31 =	vor.u32 $0xE, v7;
	v8 =	vld.idx.msk [tilespmem:v30+s28+$0x0], $0xffff  }
0x25b: {  	v32 =	vadd.s32 $0x2380, v6;
	_ =	sdelay $0x3  }
0x25c: {  	[tilespmem:v31+s1+$0x0] =	vst.idx.msk $0xffff, v8  }
0x25d: {  	v33 =	vor.u32 $0xF, v7;
	v8 =	vld.idx.msk [tilespmem:v32+s28+$0x0], $0xffff  }
0x25e: {  	v34 =	vadd.s32 $0x4000, v6;
	_ =	sdelay $0x3  }
0x25f: {  	[tilespmem:v33+s1+$0x0] =	vst.idx.msk $0xffff, v8  }
0x260: {  	v35 =	vor.u32 $0x10, v7;
	v8 =	vld.idx.msk [tilespmem:v34+s28+$0x0], $0xffff  }
0x261: {  	v36 =	vadd.s32 $0x4080, v6;
	_ =	sdelay $0x3  }
0x262: {  	[tilespmem:v35+s1+$0x0] =	vst.idx.msk $0xffff, v8  }
0x263: {  	v37 =	vor.u32 $0x11, v7;
	v8 =	vld.idx.msk [tilespmem:v36+s28+$0x0], $0xffff  }
0x264: {  	v38 =	vadd.s32 $0x4100, v6;
	_ =	sdelay $0x3  }
0x265: {  	[tilespmem:v37+s1+$0x0] =	vst.idx.msk $0xffff, v8  }
0x266: {  	v39 =	vor.u32 $0x12, v7;
	v8 =	vld.idx.msk [tilespmem:v38+s28+$0x0], $0xffff  }
0x267: {  	v40 =	vadd.s32 $0x4180, v6;
	_ =	sdelay $0x3  }
0x268: {  	[tilespmem:v39+s1+$0x0] =	vst.idx.msk $0xffff, v8  }
0x269: {  	v41 =	vor.u32 $0x13, v7;
	v8 =	vld.idx.msk [tilespmem:v40+s28+$0x0], $0xffff  }
0x26a: {  	v42 =	vadd.s32 $0x4200, v6;
	_ =	sdelay $0x3  }
0x26b: {  	[tilespmem:v41+s1+$0x0] =	vst.idx.msk $0xffff, v8  }
0x26c: {  	v43 =	vor.u32 $0x14, v7;
	v8 =	vld.idx.msk [tilespmem:v42+s28+$0x0], $0xffff  }
0x26d: {  	v44 =	vadd.s32 $0x4280, v6;
	_ =	sdelay $0x3  }
0x26e: {  	[tilespmem:v43+s1+$0x0] =	vst.idx.msk $0xffff, v8  }
0x26f: {  	v45 =	vor.u32 $0x15, v7;
	v8 =	vld.idx.msk [tilespmem:v44+s28+$0x0], $0xffff  }
0x270: {  	v46 =	vadd.s32 $0x4300, v6;
	_ =	sdelay $0x3  }
0x271: {  	[tilespmem:v45+s1+$0x0] =	vst.idx.msk $0xffff, v8  }
0x272: {  	v47 =	vor.u32 $0x16, v7;
	v8 =	vld.idx.msk [tilespmem:v46+s28+$0x0], $0xffff  }
0x273: {  	v48 =	vadd.s32 $0x4380, v6;
	_ =	sdelay $0x3  }
0x274: {  	[tilespmem:v47+s1+$0x0] =	vst.idx.msk $0xffff, v8  }
0x275: {  	v49 =	vor.u32 $0x17, v7;
	v8 =	vld.idx.msk [tilespmem:v48+s28+$0x0], $0xffff  }
0x276: {  	v50 =	vadd.s32 $0x6000, v6;
	_ =	sdelay $0x3  }
0x277: {  	[tilespmem:v49+s1+$0x0] =	vst.idx.msk $0xffff, v8  }
0x278: {  	v51 =	vor.u32 $0x18, v7;
	v8 =	vld.idx.msk [tilespmem:v50+s28+$0x0], $0xffff  }
0x279: {  	v52 =	vadd.s32 $0x6080, v6;
	_ =	sdelay $0x3  }
0x27a: {  	[tilespmem:v51+s1+$0x0] =	vst.idx.msk $0xffff, v8  }
0x27b: {  	v53 =	vor.u32 $0x19, v7;
	v8 =	vld.idx.msk [tilespmem:v52+s28+$0x0], $0xffff  }
0x27c: {  	v54 =	vadd.s32 $0x6100, v6;
	_ =	sdelay $0x3  }
0x27d: {  	[tilespmem:v53+s1+$0x0] =	vst.idx.msk $0xffff, v8  }
0x27e: {  	v55 =	vor.u32 $0x1A, v7;
	v8 =	vld.idx.msk [tilespmem:v54+s28+$0x0], $0xffff  }
0x27f: {  	v56 =	vadd.s32 $0x6180, v6;
	_ =	sdelay $0x3  }
0x280: {  	[tilespmem:v55+s1+$0x0] =	vst.idx.msk $0xffff, v8  }
0x281: {  	v57 =	vor.u32 $0x1B, v7;
	v8 =	vld.idx.msk [tilespmem:v56+s28+$0x0], $0xffff  }
0x282: {  	v58 =	vadd.s32 $0x6200, v6;
	_ =	sdelay $0x3  }
0x283: {  	[tilespmem:v57+s1+$0x0] =	vst.idx.msk $0xffff, v8  }
0x284: {  	v59 =	vor.u32 $0x1C, v7;
	v8 =	vld.idx.msk [tilespmem:v58+s28+$0x0], $0xffff  }
0x285: {  	v60 =	vadd.s32 $0x6280, v6;
	_ =	sdelay $0x3  }
0x286: {  	[tilespmem:v59+s1+$0x0] =	vst.idx.msk $0xffff, v8  }
0x287: {  	v61 =	vor.u32 $0x1D, v7;
	v8 =	vld.idx.msk [tilespmem:v60+s28+$0x0], $0xffff  }
0x288: {  	v62 =	vadd.s32 $0x6300, v6;
	_ =	sdelay $0x3  }
0x289: {  	[tilespmem:v61+s1+$0x0] =	vst.idx.msk $0xffff, v8  }
0x28a: {  	v63 =	vor.u32 $0x1E, v7;
	v8 =	vld.idx.msk [tilespmem:v62+s28+$0x0], $0xffff  }
0x28b: {  	v6 =	vadd.s32 $0x6380, v6;
	_ =	sdelay $0x3  }
0x28c: {  	[tilespmem:v63+s1+$0x0] =	vst.idx.msk $0xffff, v8  }
0x28d: {  	p3 =	sne.s32 s31, $0x1;
	v7 =	vor.u32 $0x1F, v7;
	v6 =	vld.idx.msk [tilespmem:v6+s28+$0x0], $0xffff  }
.Ltmp17:
0x28e: {  	_ = 	snop;
	(pc) =	sbr.rel @p3 .LBB2_23-.Ltmp17, $2  }
0x28f: {  	_ =	sdelay $0x2  }
0x290: {  	s0 =	sadd.s32 $0x10, s0;
	s31 =	sadd.s32 $0xFFFFFFFF, s31;
	s5 =	sadd.s32 $0x10, s5;
	[tilespmem:v7+s1+$0x0] =	vst.idx.msk $0xffff, v6  }
0x291: {  	p3 =	sne.s32 s4, $0x1  }
.Ltmp18:
0x292: {  	_ = 	snop;
	(pc) =	sbr.rel @!p3 .LBB2_26-.Ltmp18, $3  }
0x293: {  	_ =	sdelay $0x1  }
0x294: {  	s0 =	simm.s32 $0x14B00;
	s5 =	sadd.s32 $0xFFFFFFFF, s4  }
0x295: {  	[hbm4b:s6+s20] =	stream.indirect.scatter [tilespmem:s1], [sflag:$0x3], $0x80, s0, s20, $0xb8;
	[tilespmem:$0x1D300] =	vst v63  }
.LBB2_25:
0x296: {  	p3 =	sne.s32 s5, $0x1  }
.Ltmp19:
0x297: {  	_ = 	snop;
	(pc) =	sbr.rel @p3 .LBB2_25-.Ltmp19, $4  }
0x298: {  	_ = 	snop  }
0x299: {  	s0 =	sadd.s32 $0x80, s0;
	s1 =	sadd.s32 $0x800, s1  }
0x29a: {  	s5 =	sadd.s32 $0xFFFFFFFF, s5  }
0x29b: {  	[hbm4b:s6+s20] =	stream.indirect.scatter [tilespmem:s1], [sflag:$0x3], $0x80, s0, s20, $0xb8;
	[tilespmem:$0x1D300] =	vst v63  }
.LBB2_26:
0x29c: {  	s0 =	rddreg [dreg:$0x11]  }
0x29d: {  	s0 =	sadd.s32 s23, s0  }
0x29e: {  	s1 =	smov.u32 s9;
	p3 =	slt.s32 s0, s9  }
0x29f: {  	s1 =	smov.u32 @p3 s0  }
0x2a0: {  	s2 =	sadd.s32 s25, s1  }
0x2a1: {  	[tilespmem:s28], [sflag:$0x1] =	stream.linear.gather [hbm4b:s2+s3], $0x2000, $0x38;
	[tilespmem:$0x1D300] =	vst v63  }
0x2a2: {  	s5 =	simm.s32 $0x6100;
	s31 =	sadd.s32 s1, s11  }
0x2a3: {  	[tilespmem:s5], [sflag:$0x1] =	stream.linear.gather [hbm4b:s31+s3], $0x2000, $0x38;
	[tilespmem:$0x1D300] =	vst v63  }
0x2a4: {  	s5 =	sadd.s32 s1, s13;
	s31 =	simm.s32 $0x8100  }
0x2a5: {  	[tilespmem:s31], [sflag:$0x1] =	stream.linear.gather [hbm4b:s5+s3], $0x2000, $0x38;
	[tilespmem:$0x1D300] =	vst v63  }
.Ltmp20:
0x2a6: {  	s1 =	sadd.s32 s1, s15;
	s31 =	simm.s32 $0xA100;
	(pc) =	sbr.rel @p2 .LBB2_30-.Ltmp20, $4  }
0x2a7: {  	[tilespmem:s31], [sflag:$0x1] =	stream.linear.gather [hbm4b:s1+s3], $0x2000, $0x38;
	[tilespmem:$0x1D300] =	vst v63  }
0x2a8: {  	_ =	swait.ge [sflag:s21], $0x8000  }
0x2a9: {  	[sflag:s21] =	ssyncset.done $0x0  }
0x2aa: {  	[sflag:s21] =	ssyncadd.s32 $0xFFFF8000  }
0x2ab: {  	p2 =	sne.s32 s4, $0x1  }
.Ltmp21:
0x2ac: {  	_ = 	snop;
	(pc) =	sbr.rel @!p2 .LBB2_29-.Ltmp21, $3  }
0x2ad: {  	_ =	sdelay $0x1  }
0x2ae: {  	_ =	swait.ge [sflag:s17], $0x800  }
0x2af: {  	s1 =	sadd.s32 $0xFFFFFFFF, s4;
	[sflag:s17] =	ssyncset.done $0x0  }
.LBB2_28:
0x2b0: {  	p2 =	sne.s32 s1, $0x1;
	s1 =	sadd.s32 $0xFFFFFFFF, s1;
	[sflag:s17] =	ssyncadd.s32 $0xFFFFF800  }
.Ltmp22:
0x2b1: {  	(pc) =	sbr.rel @p2 .LBB2_28-.Ltmp22, $3  }
0x2b2: {  	_ =	sdelay $0x1  }
0x2b3: {  	_ =	swait.ge [sflag:s17], $0x800  }
0x2b4: {  	[sflag:s17] =	ssyncset.done $0x0  }
.LBB2_29:
0x2b5: {  	[sflag:s17] =	ssyncadd.s32 $0xFFFFF800  }
.LBB2_30:
0x2b6: {  	[tilespmem:$0x14900] =	vst v5  }
0x2b7: {  	[tilespmem:$0x14A00] =	vst v2  }
0x2b8: {  	[tilespmem:$0x14910] =	vst v5  }
0x2b9: {  	[tilespmem:$0x14A10] =	vst v2  }
0x2ba: {  	[tilespmem:$0x14920] =	vst v5  }
0x2bb: {  	[tilespmem:$0x14A20] =	vst v2  }
0x2bc: {  	[tilespmem:$0x14930] =	vst v5  }
0x2bd: {  	[tilespmem:$0x14A30] =	vst v2  }
0x2be: {  	[tilespmem:$0x14940] =	vst v5  }
0x2bf: {  	[tilespmem:$0x14A40] =	vst v2  }
0x2c0: {  	[tilespmem:$0x14950] =	vst v5  }
0x2c1: {  	[tilespmem:$0x14A50] =	vst v2  }
0x2c2: {  	[tilespmem:$0x14960] =	vst v5  }
0x2c3: {  	[tilespmem:$0x14A60] =	vst v2  }
0x2c4: {  	[tilespmem:$0x14970] =	vst v5  }
0x2c5: {  	[tilespmem:$0x14A70] =	vst v2  }
0x2c6: {  	[tilespmem:$0x14980] =	vst v5  }
0x2c7: {  	[tilespmem:$0x14A80] =	vst v2  }
0x2c8: {  	[tilespmem:$0x14990] =	vst v5  }
0x2c9: {  	[tilespmem:$0x14A90] =	vst v2  }
0x2ca: {  	[tilespmem:$0x149A0] =	vst v5  }
0x2cb: {  	[tilespmem:$0x14AA0] =	vst v2  }
0x2cc: {  	[tilespmem:$0x149B0] =	vst v5  }
0x2cd: {  	[tilespmem:$0x14AB0] =	vst v2  }
0x2ce: {  	[tilespmem:$0x149C0] =	vst v5  }
0x2cf: {  	[tilespmem:$0x14AC0] =	vst v2  }
0x2d0: {  	[tilespmem:$0x149D0] =	vst v5  }
.Ltmp23:
0x2d1: {  	[tilespmem:$0x14AD0] =	vst v2;
	(pc) =	sbr.rel @p1 .LBB2_31-.Ltmp23, $4  }
0x2d2: {  	[tilespmem:$0x149E0] =	vst v5  }
0x2d3: {  	[tilespmem:$0x14AE0] =	vst v2  }
0x2d4: {  	[tilespmem:$0x149F0] =	vst v5  }
0x2d5: {  	[tilespmem:$0x14AF0] =	vst v2  }
0x2d6: {  	s31 =	simm.s32 $0x3020  }
0x2d7: {  	v10 =	vld [tilespmem:s31+$0xFFFFFFE0];
	_ =	sdelay $0x2  }
0x2d8: {  	s0 =	smin.u32 s0, s7  }
0x2d9: {  	v7 =	vmov s30;
	v8 =	vmov s0  }
0x2da: {  	vm0 =	vge.s32 v10, v7;
	vm1 =	vlt.s32 v10, v8  }
0x2db: {  	vm1 =	vmand vm0, vm1  }
0x2dc: {  	v9 =	vsel vm1, $0x1, v5  }
0x2dd: {  	(xrf0) =	vadd.scan.msk.s32 $0xffff, v9  }
0x2de: {  	v6 =	vld [tilespmem:s31+$0xFFFFFFF0];
	_ =	sdelay $0x4  }
0x2df: {  	v12 =	vld [tilespmem:s31+$0x0];
	vm2 =	vlt.s32 v6, v8;
	vm0 =	vge.s32 v6, v7;
	v15, _, _ =	vpop (xrf0)  }
0x2e0: {  	vm0 =	vmand vm0, vm2;
	v9 =	vld [tilespmem:s31+$0x10];
	(v2sf) =	vpush v15, $0xF  }
0x2e1: {  	v11 =	vsel vm0, $0x1, v5  }
0x2e2: {  	(xrf0) =	vadd.scan.msk.s32 $0xffff, v11;
	_ =	sdelay $0x1  }
0x2e3: {  	vm3 =	vlt.s32 v12, v8;
	vm2 =	vge.s32 v12, v7  }
0x2e4: {  	vm2 =	vmand vm2, vm3;
	vm3 =	vge.s32 v9, v7;
	vm4 =	vlt.s32 v9, v8  }
0x2e5: {  	v11 =	vsel vm2, $0x1, v5;
	vm3 =	vmand vm3, vm4  }
0x2e6: {  	(xrf0) =	vadd.scan.msk.s32 $0xffff, v11;
	v14 =	vsel vm3, $0x1, v5  }
0x2e7: {  	v13, _, _ =	vpop (xrf0);
	(xrf0) =	vadd.scan.msk.s32 $0xffff, v14;
	_ =	sdelay $0x3  }
0x2e8: {  	(v2sf) =	vpush v13, $0xF  }
0x2e9: {  	v16, _, _ =	vpop (xrf0)  }
0x2ea: {  	(v2sf) =	vpush v16, $0xF;
	v14, _, _ =	vpop (xrf0)  }
0x2eb: {  	s2 =	spop (v2sf);
	(v2sf) =	vpush v14, $0xF;
	_ =	sdelay $0x6  }
0x2ec: {  	p2 =	slt.s32 s29, s9;
	s0 =	smov.u32 s9  }
0x2ed: {  	s30 =	simm.s32 $0x0;
	s0 =	smov.u32 @p2 s29;
	p2 =	sne.s32 s24, $0x1  }
.Ltmp24:
0x2ee: {  	v11 =	vmov s30;
	(pc) =	sbr.rel @!p2 .LBB2_34-.Ltmp24, $4  }
0x2ef: {  	v11 =	vadd.s32 $0xFFFFFFFF, v11  }
0x2f0: {  	v17 =	vbroadcast v11, $0x0  }
0x2f1: {  	s1 =	simm.s32 $0x38A0;
	s2 =	sadd.s32 $0x0, s2;
	s4 =	spop (v2sf)  }
0x2f2: {  	v11 =	vmov s0;
	s0 =	sadd.s32 $0xFFFFFFFF, s24;
	v15 =	vadd.s32 v15, v17;
	v17 =	vmov s2;
	s5 =	sadd.s32 s2, s4;
	s4 =	simm.s32 $0x38A0  }
.LBB2_33:
0x2f3: {  	v17 =	vadd.s32 $0xFFFFFFFF, v17;
	v18 =	vmov s5;
	s4 =	sadd.s32 $0x40, s4;
	s31 =	sadd.s32 $0x40, s31;
	s2 =	spop (v2sf)  }
0x2f4: {  	p2 =	sne.s32 s0, $0x1;
	v19 =	vld [tilespmem:s1+$0xFFFFFFE0];
	v17 =	vbroadcast v17, $0x0;
	v18 =	vadd.s32 $0xFFFFFFFF, v18;
	s2 =	sadd.s32 s5, s2;
	s5 =	spop (v2sf)  }
0x2f5: {  	s0 =	sadd.s32 $0xFFFFFFFF, s0;
	v20 =	vld [tilespmem:s1+$0x10];
	v18 =	vbroadcast v18, $0x0;
	v21 =	vmov s2;
	s5 =	sadd.s32 s2, s5  }
0x2f6: {  	v22 =	vld [tilespmem:s1+$0xFFFFFFF0];
	v13 =	vadd.s32 v13, v17;
	v17 =	vadd.s32 $0xFFFFFFFF, v21  }
0x2f7: {  	v10 =	vsub.s32 v10, v11;
	v21 =	vld [tilespmem:s1+$0x0];
	v16 =	vadd.s32 v16, v18;
	v17 =	vbroadcast v17, $0x0;
	s1 =	smov.u32 s4  }
0x2f8: {  	[tilespmem:v15+s18+$0x0] =	vst.idx.msk vm1, v10  }
0x2f9: {  	v6 =	vsub.s32 v6, v11;
	[tilespmem:v15+s19+$0x0] =	vst.idx.msk vm1, v19;
	v10 =	vadd.s32 v14, v17;
	_ =	sdelay $0x1  }
0x2fa: {  	[tilespmem:v13+s18+$0x0] =	vst.idx.msk vm0, v6;
	v6 =	vsub.s32 v12, v11  }
0x2fb: {  	[tilespmem:v13+s19+$0x0] =	vst.idx.msk vm0, v22  }
0x2fc: {  	v13 =	vmov s5;
	[tilespmem:v16+s18+$0x0] =	vst.idx.msk vm2, v6;
	v6 =	vsub.s32 v9, v11  }
0x2fd: {  	[tilespmem:v16+s19+$0x0] =	vst.idx.msk vm2, v21  }
0x2fe: {  	[tilespmem:v10+s18+$0x0] =	vst.idx.msk vm3, v6  }
0x2ff: {  	[tilespmem:v10+s19+$0x0] =	vst.idx.msk vm3, v20  }
0x300: {  	v10 =	vld [tilespmem:s31+$0xFFFFFFE0]  }
0x301: {  	v6 =	vld [tilespmem:s31+$0xFFFFFFF0];
	_ =	sdelay $0x1  }
0x302: {  	v12 =	vld [tilespmem:s31+$0x0]  }
0x303: {  	v9 =	vld [tilespmem:s31+$0x10]  }
0x304: {  	vm0 =	vge.s32 v10, v7;
	vm1 =	vlt.s32 v10, v8  }
0x305: {  	vm1 =	vmand vm0, vm1;
	vm0 =	vge.s32 v6, v7;
	vm2 =	vlt.s32 v6, v8  }
0x306: {  	v14 =	vsel vm1, $0x1, v5;
	vm0 =	vmand vm0, vm2  }
0x307: {  	v15 =	vsel vm0, $0x1, v5;
	vm2 =	vge.s32 v12, v7;
	vm3 =	vlt.s32 v12, v8;
	(xrf0) =	vadd.scan.msk.s32 $0xffff, v14  }
0x308: {  	vm2 =	vmand vm2, vm3;
	vm3 =	vge.s32 v9, v7;
	vm4 =	vlt.s32 v9, v8;
	(xrf0) =	vadd.scan.msk.s32 $0xffff, v15  }
0x309: {  	v14 =	vsel vm2, $0x1, v5;
	vm3 =	vmand vm3, vm4  }
0x30a: {  	v15 =	vsel vm3, $0x1, v5;
	(xrf0) =	vadd.scan.msk.s32 $0xffff, v14  }
0x30b: {  	v13 =	vadd.s32 $0xFFFFFFFF, v13;
	(xrf0) =	vadd.scan.msk.s32 $0xffff, v15  }
0x30c: {  	v16 =	vbroadcast v13, $0x0  }
0x30d: {  	v14, _, _ =	vpop (xrf0)  }
0x30e: {  	v15 =	vadd.s32 v14, v16;
	v13, _, _ =	vpop (xrf0);
	(v2sf) =	vpush v14, $0xF  }
0x30f: {  	(v2sf) =	vpush v13, $0xF  }
0x310: {  	v16, _, _ =	vpop (xrf0)  }
0x311: {  	v14, _, _ =	vpop (xrf0);
	(v2sf) =	vpush v16, $0xF  }
0x312: {  	(v2sf) =	vpush v14, $0xF;
	_ =	sdelay $0x8  }
.Ltmp25:
0x313: {  	(pc) =	sbr.rel @p2 .LBB2_33-.Ltmp25, $4  }
0x314: {  	_ = 	snop  }
0x315: {  	s2 =	spop (v2sf)  }
0x316: {  	s2 =	sadd.s32 s5, s2;
	s5 =	spop (v2sf)  }
0x317: {  	v17 =	vmov s2;
	s5 =	sadd.s32 s2, s5  }
.LBB2_34:
0x318: {  	v7 =	vadd.s32 $0xFFFFFFFF, v17  }
0x319: {  	v8 =	vmov s5;
	s0 =	spop (v2sf);
	v7 =	vbroadcast v7, $0x0  }
0x31a: {  	v60 =	vld [tilespmem:s1+$0xFFFFFFE0];
	v8 =	vadd.s32 $0xFFFFFFFF, v8;
	s0 =	sadd.s32 s5, s0  }
0x31b: {  	v8 =	vbroadcast v8, $0x0;
	v19 =	vmov s0;
	v7 =	vadd.s32 v13, v7  }
0x31c: {  	v61 =	vld [tilespmem:s1+$0xFFFFFFF0];
	v19 =	vadd.s32 $0xFFFFFFFF, v19  }
0x31d: {  	v18 =	vld [tilespmem:s1+$0x10];
	v10 =	vsub.s32 v10, v11;
	v8 =	vadd.s32 v16, v8;
	v62 =	vbroadcast v19, $0x0  }
0x31e: {  	v20 =	vld [tilespmem:s1+$0x0];
	[tilespmem:v15+s18+$0x0] =	vst.idx.msk vm1, v10  }
0x31f: {  	v6 =	vsub.s32 v6, v11;
	[tilespmem:v15+s19+$0x0] =	vst.idx.msk vm1, v60;
	v63 =	vadd.s32 v14, v62  }
0x320: {  	[tilespmem:v7+s18+$0x0] =	vst.idx.msk vm0, v6  }
.Ltmp26:
0x321: {  	v6 =	vsub.s32 v12, v11;
	[tilespmem:v7+s19+$0x0] =	vst.idx.msk vm0, v61;
	(pc) =	sbr.rel .LBB2_35-.Ltmp26, $4  }
0x322: {  	[tilespmem:v8+s18+$0x0] =	vst.idx.msk vm2, v6  }
0x323: {  	s31 =	spop (v2sf);
	v6 =	vsub.s32 v9, v11;
	[tilespmem:v8+s19+$0x0] =	vst.idx.msk vm2, v20  }
0x324: {  	s0 =	sadd.s32 s0, s31;
	[tilespmem:v63+s18+$0x0] =	vst.idx.msk vm3, v6  }
0x325: {  	s0 =	sadd.s32 $0xF, s0;
	[tilespmem:v63+s19+$0x0] =	vst.idx.msk vm3, v18  }
.LBB2_31:
0x326: {  	s0 =	simm.s32 $0xF  }
.LBB2_35:
0x327: {  	v6 =	vld [tilespmem:$0x14A00]  }
0x328: {  	v7 =	vld [tilespmem:$0x14A10]  }
0x329: {  	v8 =	vld [tilespmem:$0x14A20]  }
0x32a: {  	v9 =	vld [tilespmem:$0x14A30]  }
0x32b: {  	v10 =	vld [tilespmem:$0x14A40]  }
0x32c: {  	[tilespmem:$0x14B00] =	vst v6;
	v6 =	vld [tilespmem:$0x14A50]  }
0x32d: {  	v58 =	vld [tilespmem:$0x14A70];
	[tilespmem:$0x14B80] =	vst v7  }
0x32e: {  	v59 =	vld [tilespmem:$0x14A80];
	[tilespmem:$0x14C00] =	vst v8  }
0x32f: {  	v60 =	vld [tilespmem:$0x14A90];
	[tilespmem:$0x14C80] =	vst v9  }
0x330: {  	s1 =	sand.u32 $0xF, s0;
	v7 =	vld [tilespmem:$0x14A60];
	[tilespmem:$0x14D00] =	vst v10  }
0x331: {  	s30 =	sshra.s32 s0, $0x1F;
	p3 =	slt.s32 s0, $0x1;
	p2 =	sne.s32 s1, $0x0;
	[tilespmem:$0x14D80] =	vst v6;
	v6 =	vld [tilespmem:$0x14AA0]  }
0x332: {  	v61 =	vld [tilespmem:$0x14AC0];
	s1 =	sshrl.u32 s30, $0x1C;
	p2 =	por !p3, !p2;
	[tilespmem:$0x14E80] =	vst v58  }
0x333: {  	v62 =	vld [tilespmem:$0x14AD0];
	s31 =	sadd.s32 s1, s0;
	s1 =	simm.s32 $0x1;
	p2 =	por !p2, !p2;
	[tilespmem:$0x14F00] =	vst v59  }
0x334: {  	v63 =	vld [tilespmem:$0x14AE0];
	s0 =	sshra.s32 s31, $0x4;
	s1 =	simm.s32 @!p2 $0x0;
	[tilespmem:$0x14F80] =	vst v60  }
0x335: {  	s29 =	ssub.s32 s0, s1;
	[tilespmem:$0x14E00] =	vst v7;
	v7 =	vld [tilespmem:$0x14AB0]  }
0x336: {  	p2 =	slt.s32 s29, $0x1;
	[tilespmem:$0x15000] =	vst v6;
	v6 =	vld [tilespmem:$0x14AF0]  }
.Ltmp27:
0x337: {  	[tilespmem:$0x15100] =	vst v61;
	(pc) =	sbr.rel @p2 .LBB2_40-.Ltmp27, $4  }
0x338: {  	[tilespmem:$0x15180] =	vst v62  }
0x339: {  	[tilespmem:$0x15200] =	vst v63  }
0x33a: {  	[tilespmem:$0x15080] =	vst v7  }
0x33b: {  	[tilespmem:$0x15280] =	vst v6  }
0x33c: {  	s30 =	simm.s32 $0x14900;
	s0 =	simm.s32 $0x0;
	s5 =	smov.u32 s29  }
.LBB2_37:
0x33d: {  	v6 =	vld [tilespmem:s30+$0x0];
	_ =	sdelay $0x4  }
0x33e: {  	v7 =	vshll.u32 v6, $0x3  }
0x33f: {  	v6 =	vand.u32 $0x7F, v6;
	v7 =	vand.u32 $0xFFFFFC00, v7  }
0x340: {  	v6 =	vor.u32 v6, v7  }
0x341: {  	v7 =	vadd.s32 $0x8000, v6;
	_ =	sdelay $0x2  }
0x342: {  	v8 =	vmov s0;
	v9 =	vmul.u32 $0x80, v0  }
0x343: {  	v8 =	vshll.u32 v8, $0x7  }
0x344: {  	v8 =	vor.u32 v9, v8;
	v7 =	vld.idx.msk [tilespmem:v7+s28+$0x0], $0xffff  }
0x345: {  	v57 =	vadd.s32 $0x8080, v6;
	_ =	sdelay $0x2  }
0x346: {  	s1 =	simm.s32 $0x15300  }
0x347: {  	[tilespmem:v8+s1+$0x0] =	vst.idx.msk $0xffff, v7  }
0x348: {  	v58 =	vor.u32 $0x1, v8;
	v7 =	vld.idx.msk [tilespmem:v57+s28+$0x0], $0xffff  }
0x349: {  	v10 =	vadd.s32 $0x8100, v6;
	_ =	sdelay $0x3  }
0x34a: {  	[tilespmem:v58+s1+$0x0] =	vst.idx.msk $0xffff, v7  }
0x34b: {  	v59 =	vor.u32 $0x2, v8;
	v7 =	vld.idx.msk [tilespmem:v10+s28+$0x0], $0xffff  }
0x34c: {  	v60 =	vadd.s32 $0x8180, v6;
	_ =	sdelay $0x3  }
0x34d: {  	[tilespmem:v59+s1+$0x0] =	vst.idx.msk $0xffff, v7  }
0x34e: {  	v61 =	vor.u32 $0x3, v8;
	v7 =	vld.idx.msk [tilespmem:v60+s28+$0x0], $0xffff  }
0x34f: {  	v62 =	vadd.s32 $0x8200, v6;
	_ =	sdelay $0x3  }
0x350: {  	[tilespmem:v61+s1+$0x0] =	vst.idx.msk $0xffff, v7  }
0x351: {  	v63 =	vor.u32 $0x4, v8;
	v7 =	vld.idx.msk [tilespmem:v62+s28+$0x0], $0xffff  }
0x352: {  	v12 =	vadd.s32 $0x8280, v6;
	_ =	sdelay $0x3  }
0x353: {  	[tilespmem:v63+s1+$0x0] =	vst.idx.msk $0xffff, v7  }
0x354: {  	v13 =	vor.u32 $0x5, v8;
	v7 =	vld.idx.msk [tilespmem:v12+s28+$0x0], $0xffff  }
0x355: {  	v14 =	vadd.s32 $0x8300, v6;
	_ =	sdelay $0x3  }
0x356: {  	[tilespmem:v13+s1+$0x0] =	vst.idx.msk $0xffff, v7  }
0x357: {  	v15 =	vor.u32 $0x6, v8;
	v7 =	vld.idx.msk [tilespmem:v14+s28+$0x0], $0xffff  }
0x358: {  	v16 =	vadd.s32 $0x8380, v6;
	_ =	sdelay $0x3  }
0x359: {  	[tilespmem:v15+s1+$0x0] =	vst.idx.msk $0xffff, v7  }
0x35a: {  	v17 =	vor.u32 $0x7, v8;
	v7 =	vld.idx.msk [tilespmem:v16+s28+$0x0], $0xffff  }
0x35b: {  	v18 =	vadd.s32 $0xA000, v6;
	_ =	sdelay $0x3  }
0x35c: {  	[tilespmem:v17+s1+$0x0] =	vst.idx.msk $0xffff, v7  }
0x35d: {  	v19 =	vor.u32 $0x8, v8;
	v7 =	vld.idx.msk [tilespmem:v18+s28+$0x0], $0xffff  }
0x35e: {  	v20 =	vadd.s32 $0xA080, v6;
	_ =	sdelay $0x3  }
0x35f: {  	[tilespmem:v19+s1+$0x0] =	vst.idx.msk $0xffff, v7  }
0x360: {  	v21 =	vor.u32 $0x9, v8;
	v7 =	vld.idx.msk [tilespmem:v20+s28+$0x0], $0xffff  }
0x361: {  	v22 =	vadd.s32 $0xA100, v6;
	_ =	sdelay $0x3  }
0x362: {  	[tilespmem:v21+s1+$0x0] =	vst.idx.msk $0xffff, v7  }
0x363: {  	v23 =	vor.u32 $0xA, v8;
	v7 =	vld.idx.msk [tilespmem:v22+s28+$0x0], $0xffff  }
0x364: {  	v24 =	vadd.s32 $0xA180, v6;
	_ =	sdelay $0x3  }
0x365: {  	[tilespmem:v23+s1+$0x0] =	vst.idx.msk $0xffff, v7  }
0x366: {  	v25 =	vor.u32 $0xB, v8;
	v7 =	vld.idx.msk [tilespmem:v24+s28+$0x0], $0xffff  }
0x367: {  	v26 =	vadd.s32 $0xA200, v6;
	_ =	sdelay $0x3  }
0x368: {  	[tilespmem:v25+s1+$0x0] =	vst.idx.msk $0xffff, v7  }
0x369: {  	v27 =	vor.u32 $0xC, v8;
	v7 =	vld.idx.msk [tilespmem:v26+s28+$0x0], $0xffff  }
0x36a: {  	v28 =	vadd.s32 $0xA280, v6;
	_ =	sdelay $0x3  }
0x36b: {  	[tilespmem:v27+s1+$0x0] =	vst.idx.msk $0xffff, v7  }
0x36c: {  	v29 =	vor.u32 $0xD, v8;
	v7 =	vld.idx.msk [tilespmem:v28+s28+$0x0], $0xffff  }
0x36d: {  	v30 =	vadd.s32 $0xA300, v6;
	_ =	sdelay $0x3  }
0x36e: {  	[tilespmem:v29+s1+$0x0] =	vst.idx.msk $0xffff, v7  }
0x36f: {  	v31 =	vor.u32 $0xE, v8;
	v7 =	vld.idx.msk [tilespmem:v30+s28+$0x0], $0xffff  }
0x370: {  	v32 =	vadd.s32 $0xA380, v6;
	_ =	sdelay $0x3  }
0x371: {  	[tilespmem:v31+s1+$0x0] =	vst.idx.msk $0xffff, v7  }
0x372: {  	v33 =	vor.u32 $0xF, v8;
	v7 =	vld.idx.msk [tilespmem:v32+s28+$0x0], $0xffff  }
0x373: {  	v34 =	vadd.s32 $0xC000, v6;
	_ =	sdelay $0x3  }
0x374: {  	[tilespmem:v33+s1+$0x0] =	vst.idx.msk $0xffff, v7  }
0x375: {  	v35 =	vor.u32 $0x10, v8;
	v7 =	vld.idx.msk [tilespmem:v34+s28+$0x0], $0xffff  }
0x376: {  	v36 =	vadd.s32 $0xC080, v6;
	_ =	sdelay $0x3  }
0x377: {  	[tilespmem:v35+s1+$0x0] =	vst.idx.msk $0xffff, v7  }
0x378: {  	v37 =	vor.u32 $0x11, v8;
	v7 =	vld.idx.msk [tilespmem:v36+s28+$0x0], $0xffff  }
0x379: {  	v38 =	vadd.s32 $0xC100, v6;
	_ =	sdelay $0x3  }
0x37a: {  	[tilespmem:v37+s1+$0x0] =	vst.idx.msk $0xffff, v7  }
0x37b: {  	v39 =	vor.u32 $0x12, v8;
	v7 =	vld.idx.msk [tilespmem:v38+s28+$0x0], $0xffff  }
0x37c: {  	v40 =	vadd.s32 $0xC180, v6;
	_ =	sdelay $0x3  }
0x37d: {  	[tilespmem:v39+s1+$0x0] =	vst.idx.msk $0xffff, v7  }
0x37e: {  	v41 =	vor.u32 $0x13, v8;
	v7 =	vld.idx.msk [tilespmem:v40+s28+$0x0], $0xffff  }
0x37f: {  	v42 =	vadd.s32 $0xC200, v6;
	_ =	sdelay $0x3  }
0x380: {  	[tilespmem:v41+s1+$0x0] =	vst.idx.msk $0xffff, v7  }
0x381: {  	v43 =	vor.u32 $0x14, v8;
	v7 =	vld.idx.msk [tilespmem:v42+s28+$0x0], $0xffff  }
0x382: {  	v44 =	vadd.s32 $0xC280, v6;
	_ =	sdelay $0x3  }
0x383: {  	[tilespmem:v43+s1+$0x0] =	vst.idx.msk $0xffff, v7  }
0x384: {  	v45 =	vor.u32 $0x15, v8;
	v7 =	vld.idx.msk [tilespmem:v44+s28+$0x0], $0xffff  }
0x385: {  	v46 =	vadd.s32 $0xC300, v6;
	_ =	sdelay $0x3  }
0x386: {  	[tilespmem:v45+s1+$0x0] =	vst.idx.msk $0xffff, v7  }
0x387: {  	v47 =	vor.u32 $0x16, v8;
	v7 =	vld.idx.msk [tilespmem:v46+s28+$0x0], $0xffff  }
0x388: {  	v48 =	vadd.s32 $0xC380, v6;
	_ =	sdelay $0x3  }
0x389: {  	[tilespmem:v47+s1+$0x0] =	vst.idx.msk $0xffff, v7  }
0x38a: {  	v49 =	vor.u32 $0x17, v8;
	v7 =	vld.idx.msk [tilespmem:v48+s28+$0x0], $0xffff  }
0x38b: {  	v50 =	vadd.s32 $0xE000, v6;
	_ =	sdelay $0x3  }
0x38c: {  	[tilespmem:v49+s1+$0x0] =	vst.idx.msk $0xffff, v7  }
0x38d: {  	v51 =	vor.u32 $0x18, v8;
	v7 =	vld.idx.msk [tilespmem:v50+s28+$0x0], $0xffff  }
0x38e: {  	v52 =	vadd.s32 $0xE080, v6;
	_ =	sdelay $0x3  }
0x38f: {  	[tilespmem:v51+s1+$0x0] =	vst.idx.msk $0xffff, v7  }
0x390: {  	v53 =	vor.u32 $0x19, v8;
	v7 =	vld.idx.msk [tilespmem:v52+s28+$0x0], $0xffff  }
0x391: {  	v54 =	vadd.s32 $0xE100, v6;
	_ =	sdelay $0x3  }
0x392: {  	[tilespmem:v53+s1+$0x0] =	vst.idx.msk $0xffff, v7  }
0x393: {  	v55 =	vor.u32 $0x1A, v8;
	v7 =	vld.idx.msk [tilespmem:v54+s28+$0x0], $0xffff  }
0x394: {  	v56 =	vadd.s32 $0xE180, v6;
	_ =	sdelay $0x3  }
0x395: {  	[tilespmem:v55+s1+$0x0] =	vst.idx.msk $0xffff, v7  }
0x396: {  	v57 =	vor.u32 $0x1B, v8;
	v7 =	vld.idx.msk [tilespmem:v56+s28+$0x0], $0xffff  }
0x397: {  	v58 =	vadd.s32 $0xE200, v6;
	_ =	sdelay $0x3  }
0x398: {  	[tilespmem:v57+s1+$0x0] =	vst.idx.msk $0xffff, v7  }
0x399: {  	v59 =	vor.u32 $0x1C, v8;
	v7 =	vld.idx.msk [tilespmem:v58+s28+$0x0], $0xffff  }
0x39a: {  	v60 =	vadd.s32 $0xE280, v6;
	_ =	sdelay $0x3  }
0x39b: {  	[tilespmem:v59+s1+$0x0] =	vst.idx.msk $0xffff, v7  }
0x39c: {  	v61 =	vor.u32 $0x1D, v8;
	v7 =	vld.idx.msk [tilespmem:v60+s28+$0x0], $0xffff  }
0x39d: {  	v62 =	vadd.s32 $0xE300, v6;
	_ =	sdelay $0x3  }
0x39e: {  	[tilespmem:v61+s1+$0x0] =	vst.idx.msk $0xffff, v7  }
0x39f: {  	v63 =	vor.u32 $0x1E, v8;
	v7 =	vld.idx.msk [tilespmem:v62+s28+$0x0], $0xffff  }
0x3a0: {  	v6 =	vadd.s32 $0xE380, v6;
	_ =	sdelay $0x3  }
0x3a1: {  	[tilespmem:v63+s1+$0x0] =	vst.idx.msk $0xffff, v7  }
0x3a2: {  	p3 =	sne.s32 s5, $0x1;
	v7 =	vor.u32 $0x1F, v8;
	v6 =	vld.idx.msk [tilespmem:v6+s28+$0x0], $0xffff  }
.Ltmp28:
0x3a3: {  	_ = 	snop;
	(pc) =	sbr.rel @p3 .LBB2_37-.Ltmp28, $2  }
0x3a4: {  	_ =	sdelay $0x2  }
0x3a5: {  	s30 =	sadd.s32 $0x10, s30;
	s0 =	sadd.s32 $0x10, s0;
	s5 =	sadd.s32 $0xFFFFFFFF, s5;
	[tilespmem:v7+s1+$0x0] =	vst.idx.msk $0xffff, v6  }
0x3a6: {  	p3 =	sne.s32 s29, $0x1  }
.Ltmp29:
0x3a7: {  	_ = 	snop;
	(pc) =	sbr.rel @!p3 .LBB2_40-.Ltmp29, $3  }
0x3a8: {  	_ =	sdelay $0x1  }
0x3a9: {  	s0 =	simm.s32 $0x14B00;
	s4 =	sadd.s32 $0xFFFFFFFF, s29  }
0x3aa: {  	[hbm4b:s6+s20] =	stream.indirect.scatter [tilespmem:s1], [sflag:$0x3], $0x80, s0, s20, $0xb8;
	[tilespmem:$0x1D300] =	vst v63  }
.LBB2_39:
0x3ab: {  	p3 =	sne.s32 s4, $0x1  }
.Ltmp30:
0x3ac: {  	_ = 	snop;
	(pc) =	sbr.rel @p3 .LBB2_39-.Ltmp30, $4  }
0x3ad: {  	_ = 	snop  }
0x3ae: {  	s0 =	sadd.s32 $0x80, s0;
	s1 =	sadd.s32 $0x800, s1  }
0x3af: {  	s4 =	sadd.s32 $0xFFFFFFFF, s4  }
0x3b0: {  	[hbm4b:s6+s20] =	stream.indirect.scatter [tilespmem:s1], [sflag:$0x3], $0x80, s0, s20, $0xb8;
	[tilespmem:$0x1D300] =	vst v63  }
.Ltmp31:
0x3b1: {  	_ = 	snop;
	(pc) =	sbr.rel .LBB2_40-.Ltmp31, $1  }
0x3b2: {  	_ =	sdelay $0x3  }
.LBB2_41:
0x3b3: {  	_ =	swait.ge [sflag:s16], $0x8000  }
.Ltmp32:
0x3b4: {  	[sflag:s16] =	ssyncset.done $0x0;
	(pc) =	sbr.rel @p2 .LBB2_45-.Ltmp32, $4  }
0x3b5: {  	[sflag:s16] =	ssyncadd.s32 $0xFFFF8000  }
0x3b6: {  	_ =	swait.ge [sflag:s21], $0x8000  }
0x3b7: {  	[sflag:s21] =	ssyncset.done $0x0  }
0x3b8: {  	s0 =	simm.s32 $0x0;
	[sflag:s21] =	ssyncadd.s32 $0xFFFF8000  }
0x3b9: {  	s0 =	sadd.s32 $0x1, s0  }
0x3ba: {  	p2 =	slt.s32 s0, s29  }
.Ltmp33:
0x3bb: {  	_ = 	snop;
	(pc) =	sbr.rel @!p2 .LBB2_44-.Ltmp33, $3  }
0x3bc: {  	_ =	sdelay $0x1  }
0x3bd: {  	_ =	swait.ge [sflag:s17], $0x800  }
0x3be: {  	[sflag:s17] =	ssyncset.done $0x0  }
.LBB2_43:
0x3bf: {  	s0 =	sadd.s32 $0x1, s0  }
0x3c0: {  	[sflag:s17] =	ssyncadd.s32 $0xFFFFF800;
	p2 =	slt.s32 s0, s29  }
.Ltmp34:
0x3c1: {  	(pc) =	sbr.rel @p2 .LBB2_43-.Ltmp34, $3  }
0x3c2: {  	_ =	sdelay $0x1  }
0x3c3: {  	_ =	swait.ge [sflag:s17], $0x800  }
0x3c4: {  	[sflag:s17] =	ssyncset.done $0x0  }
.LBB2_44:
0x3c5: {  	[sflag:s17] =	ssyncadd.s32 $0xFFFFF800  }
.LBB2_45:
.Ltmp35:
0x3c6: {  	(pc) =	sbr.rel @p0 .LBB2_59-.Ltmp35, $2  }
0x3c7: {  	_ =	sdelay $0x2  }
0x3c8: {  	s29 =	simm.s32 $0x4;
	s1 =	rddreg [dreg:$0x12]  }
0x3c9: {  	s0 =	simm.s32 $0x0;
	s1 =	rddreg [dreg:$0x4]  }
0x3ca: {  	[tilespmem:s22], [sflag:$0x4] =	stream.linear.gather [hbm4b:s1+s0], $0x800, $0x38;
	[tilespmem:$0x1D300] =	vst v63  }
0x3cb: {  	_ =	swait.ge [sflag:s29], $0x800  }
0x3cc: {  	[sflag:s29] =	ssyncset.done $0x0  }
0x3cd: {  	[sflag:s29] =	ssyncadd.s32 $0xFFFFF800  }
0x3ce: {  	[tilespmem:$0x14900] =	vst v5  }
0x3cf: {  	[tilespmem:$0x14A00] =	vst v2  }
0x3d0: {  	[tilespmem:$0x14910] =	vst v5  }
0x3d1: {  	[tilespmem:$0x14A10] =	vst v2  }
0x3d2: {  	[tilespmem:$0x14920] =	vst v5  }
0x3d3: {  	[tilespmem:$0x14A20] =	vst v2  }
0x3d4: {  	[tilespmem:$0x14930] =	vst v5  }
0x3d5: {  	[tilespmem:$0x14A30] =	vst v2  }
0x3d6: {  	[tilespmem:$0x14940] =	vst v5  }
0x3d7: {  	[tilespmem:$0x14A40] =	vst v2  }
0x3d8: {  	[tilespmem:$0x14950] =	vst v5  }
0x3d9: {  	[tilespmem:$0x14A50] =	vst v2  }
0x3da: {  	[tilespmem:$0x14960] =	vst v5  }
0x3db: {  	[tilespmem:$0x14A60] =	vst v2  }
0x3dc: {  	[tilespmem:$0x14970] =	vst v5  }
0x3dd: {  	[tilespmem:$0x14A70] =	vst v2  }
0x3de: {  	[tilespmem:$0x14980] =	vst v5  }
0x3df: {  	[tilespmem:$0x14A80] =	vst v2  }
0x3e0: {  	[tilespmem:$0x14990] =	vst v5  }
0x3e1: {  	[tilespmem:$0x14A90] =	vst v2  }
0x3e2: {  	[tilespmem:$0x149A0] =	vst v5  }
0x3e3: {  	[tilespmem:$0x14AA0] =	vst v2  }
0x3e4: {  	[tilespmem:$0x149B0] =	vst v5  }
0x3e5: {  	[tilespmem:$0x14AB0] =	vst v2  }
0x3e6: {  	[tilespmem:$0x149C0] =	vst v5  }
0x3e7: {  	[tilespmem:$0x14AC0] =	vst v2  }
0x3e8: {  	[tilespmem:$0x149D0] =	vst v5  }
.Ltmp36:
0x3e9: {  	[tilespmem:$0x14AD0] =	vst v2;
	(pc) =	sbr.rel @p1 .LBB2_47-.Ltmp36, $4  }
0x3ea: {  	[tilespmem:$0x149E0] =	vst v5  }
0x3eb: {  	[tilespmem:$0x14AE0] =	vst v2  }
0x3ec: {  	[tilespmem:$0x149F0] =	vst v5  }
0x3ed: {  	[tilespmem:$0x14AF0] =	vst v2  }
0x3ee: {  	s10 =	simm.s32 $0x3020  }
0x3ef: {  	v7 =	vld [tilespmem:s10+$0xFFFFFFE0];
	_ =	sdelay $0x2  }
0x3f0: {  	v8 =	vld [tilespmem:s10+$0xFFFFFFF0];
	_ =	sdelay $0x1  }
0x3f1: {  	v6 =	vand.u32 $0xFFFFFFC0, v7  }
0x3f2: {  	v10 =	vld [tilespmem:s10+$0x0];
	vm3 =	veq.s32 v6, $0xF4200  }
0x3f3: {  	v9 =	vsel vm3, $0x1, v5  }
0x3f4: {  	v6 =	vand.u32 $0xFFFFFFC0, v8;
	(xrf0) =	vadd.scan.msk.s32 $0xffff, v9  }
0x3f5: {  	vm2 =	veq.s32 v6, $0xF4200  }
0x3f6: {  	v6 =	vsel vm2, $0x1, v5  }
0x3f7: {  	(xrf0) =	vadd.scan.msk.s32 $0xffff, v6;
	v6 =	vand.u32 $0xFFFFFFC0, v10  }
0x3f8: {  	vm1 =	veq.s32 v6, $0xF4200  }
0x3f9: {  	v11 =	vsel vm1, $0x1, v5  }
0x3fa: {  	v6, _, _ =	vpop (xrf0);
	(xrf0) =	vadd.scan.msk.s32 $0xffff, v11  }
0x3fb: {  	v9 =	vld [tilespmem:s10+$0x10];
	_ =	sdelay $0x1  }
0x3fc: {  	(v2sf) =	vpush v6, $0xF  }
0x3fd: {  	v11, _, _ =	vpop (xrf0)  }
0x3fe: {  	(v2sf) =	vpush v11, $0xF  }
0x3ff: {  	v12 =	vand.u32 $0xFFFFFFC0, v9;
	v62, _, _ =	vpop (xrf0)  }
0x400: {  	vm0 =	veq.s32 v12, $0xF4200;
	(v2sf) =	vpush v62, $0xF  }
0x401: {  	v12 =	vsel vm0, $0x1, v5  }
0x402: {  	(xrf0) =	vadd.scan.msk.s32 $0xffff, v12;
	_ =	sdelay $0x5  }
0x403: {  	v14 =	vmov s0;
	v13, _, _ =	vpop (xrf0)  }
0x404: {  	v14 =	vadd.s32 $0xFFFFFFFF, v14;
	(v2sf) =	vpush v13, $0xF  }
0x405: {  	v14 =	vbroadcast v14, $0x0  }
0x406: {  	s30 =	spop (v2sf)  }
0x407: {  	v14 =	vadd.s32 v6, v14;
	s0 =	sadd.s32 $0x0, s30  }
0x408: {  	s23 =	simm.s32 $0x38A0;
	s1 =	spop (v2sf);
	v15 =	vmov s0  }
0x409: {  	v16 =	vld [tilespmem:s23+$0xFFFFFFE0];
	s0 =	sadd.s32 s0, s1;
	v15 =	vadd.s32 $0xFFFFFFFF, v15  }
0x40a: {  	v63 =	vld [tilespmem:s23+$0xFFFFFFF0];
	v6 =	vmov s0;
	v15 =	vbroadcast v15, $0x0;
	s31 =	spop (v2sf)  }
0x40b: {  	v18 =	vld [tilespmem:s23+$0x0];
	v7 =	vadd.s32 $0xFFF0BE00, v7;
	v17 =	vadd.s32 $0xFFFFFFFF, v6;
	s1 =	sadd.s32 s0, s31  }
0x40c: {  	v6 =	vld [tilespmem:s23+$0x10];
	[tilespmem:v14+s18+$0x0] =	vst.idx.msk vm3, v7;
	v17 =	vbroadcast v17, $0x0;
	v11 =	vadd.s32 v11, v15;
	v7 =	vmov s1  }
0x40d: {  	v7 =	vadd.s32 $0xFFFFFFFF, v7  }
0x40e: {  	v12 =	vadd.s32 v62, v17;
	v7 =	vbroadcast v7, $0x0  }
0x40f: {  	p1 =	sne.s32 s24, $0x1  }
.Ltmp37:
0x410: {  	v8 =	vadd.s32 $0xFFF0BE00, v8;
	[tilespmem:v14+s19+$0x0] =	vst.idx.msk vm3, v16;
	v7 =	vadd.s32 v13, v7;
	(pc) =	sbr.rel @!p1 .LBB2_50-.Ltmp37, $4  }
0x411: {  	[tilespmem:v11+s18+$0x0] =	vst.idx.msk vm2, v8  }
0x412: {  	v8 =	vadd.s32 $0xFFF0BE00, v10;
	[tilespmem:v11+s19+$0x0] =	vst.idx.msk vm2, v63  }
0x413: {  	s2 =	spop (v2sf);
	[tilespmem:v12+s18+$0x0] =	vst.idx.msk vm1, v8  }
0x414: {  	s0 =	sadd.s32 $0xFFFFFFFF, s24;
	s1 =	sadd.s32 s1, s2;
	v8 =	vadd.s32 $0xFFF0BE00, v9;
	[tilespmem:v12+s19+$0x0] =	vst.idx.msk vm1, v18  }
.LBB2_49:
0x415: {  	p1 =	sne.s32 s0, $0x1;
	[tilespmem:v7+s18+$0x0] =	vst.idx.msk vm0, v8;
	s23 =	sadd.s32 $0x40, s23;
	s10 =	sadd.s32 $0x40, s10  }
0x416: {  	s0 =	sadd.s32 $0xFFFFFFFF, s0;
	[tilespmem:v7+s19+$0x0] =	vst.idx.msk vm0, v6  }
0x417: {  	v7 =	vld [tilespmem:s10+$0xFFFFFFE0]  }
0x418: {  	v8 =	vld [tilespmem:s10+$0xFFFFFFF0]  }
0x419: {  	v9 =	vld [tilespmem:s10+$0x0]  }
0x41a: {  	v10 =	vld [tilespmem:s10+$0x10];
	_ =	sdelay $0x1  }
0x41b: {  	v6 =	vand.u32 $0xFFFFFFC0, v7  }
0x41c: {  	vm3 =	veq.s32 v6, $0xF4200;
	v6 =	vand.u32 $0xFFFFFFC0, v8  }
0x41d: {  	v11 =	vsel vm3, $0x1, v5;
	vm2 =	veq.s32 v6, $0xF4200;
	v6 =	vand.u32 $0xFFFFFFC0, v9  }
0x41e: {  	v12 =	vsel vm2, $0x1, v5;
	vm1 =	veq.s32 v6, $0xF4200;
	v6 =	vand.u32 $0xFFFFFFC0, v10;
	(xrf0) =	vadd.scan.msk.s32 $0xffff, v11  }
0x41f: {  	v11 =	vsel vm1, $0x1, v5;
	vm0 =	veq.s32 v6, $0xF4200;
	(xrf0) =	vadd.scan.msk.s32 $0xffff, v12  }
0x420: {  	v6 =	vsel vm0, $0x1, v5;
	(xrf0) =	vadd.scan.msk.s32 $0xffff, v11  }
0x421: {  	v11 =	vmov s1;
	(xrf0) =	vadd.scan.msk.s32 $0xffff, v6  }
0x422: {  	v6 =	vadd.s32 $0xFFFFFFFF, v11  }
0x423: {  	v6 =	vbroadcast v6, $0x0  }
0x424: {  	v11, _, _ =	vpop (xrf0)  }
0x425: {  	v12 =	vadd.s32 v11, v6;
	v13, _, _ =	vpop (xrf0);
	(v2sf) =	vpush v11, $0xF  }
0x426: {  	v11, _, _ =	vpop (xrf0);
	(v2sf) =	vpush v13, $0xF  }
0x427: {  	v14, _, _ =	vpop (xrf0);
	(v2sf) =	vpush v11, $0xF  }
0x428: {  	(v2sf) =	vpush v14, $0xF;
	_ =	sdelay $0xb  }
0x429: {  	s2 =	spop (v2sf)  }
0x42a: {  	s1 =	sadd.s32 s1, s2;
	s2 =	spop (v2sf)  }
0x42b: {  	v6 =	vmov s1;
	s1 =	sadd.s32 s1, s2;
	s2 =	spop (v2sf)  }
0x42c: {  	v6 =	vadd.s32 $0xFFFFFFFF, v6;
	v15 =	vmov s1;
	s1 =	sadd.s32 s1, s2;
	s2 =	spop (v2sf)  }
0x42d: {  	v16 =	vld [tilespmem:s23+$0xFFFFFFE0];
	v17 =	vbroadcast v6, $0x0;
	v15 =	vadd.s32 $0xFFFFFFFF, v15;
	v18 =	vmov s1;
	s1 =	sadd.s32 s1, s2  }
0x42e: {  	v6 =	vld [tilespmem:s23+$0x10];
	v15 =	vbroadcast v15, $0x0;
	v18 =	vadd.s32 $0xFFFFFFFF, v18  }
0x42f: {  	v19 =	vld [tilespmem:s23+$0xFFFFFFF0];
	v13 =	vadd.s32 v13, v17;
	v17 =	vbroadcast v18, $0x0  }
0x430: {  	v7 =	vadd.s32 $0xFFF0BE00, v7;
	v18 =	vld [tilespmem:s23+$0x0];
	v11 =	vadd.s32 v11, v15  }
0x431: {  	[tilespmem:v12+s18+$0x0] =	vst.idx.msk vm3, v7  }
0x432: {  	v8 =	vadd.s32 $0xFFF0BE00, v8;
	v7 =	vadd.s32 v14, v17;
	[tilespmem:v12+s19+$0x0] =	vst.idx.msk vm3, v16  }
.Ltmp38:
0x433: {  	(pc) =	sbr.rel @p1 .LBB2_49-.Ltmp38, $4  }
0x434: {  	[tilespmem:v13+s18+$0x0] =	vst.idx.msk vm2, v8;
	v8 =	vadd.s32 $0xFFF0BE00, v9  }
0x435: {  	[tilespmem:v13+s19+$0x0] =	vst.idx.msk vm2, v19  }
0x436: {  	[tilespmem:v11+s18+$0x0] =	vst.idx.msk vm1, v8;
	v8 =	vadd.s32 $0xFFF0BE00, v10  }
0x437: {  	[tilespmem:v11+s19+$0x0] =	vst.idx.msk vm1, v18  }
.LBB2_50:
0x438: {  	_ =	sdelay $0x1  }
.Ltmp39:
0x439: {  	_ = 	snop;
	(pc) =	sbr.rel .LBB2_51-.Ltmp39, $3  }
0x43a: {  	_ =	sdelay $0x1  }
0x43b: {  	[tilespmem:v7+s18+$0x0] =	vst.idx.msk vm0, v8  }
0x43c: {  	s0 =	sadd.s32 $0xF, s1;
	[tilespmem:v7+s19+$0x0] =	vst.idx.msk vm0, v6  }
.LBB2_47:
0x43d: {  	s0 =	simm.s32 $0xF  }
.LBB2_51:
0x43e: {  	v6 =	vld [tilespmem:$0x14A00]  }
0x43f: {  	v7 =	vld [tilespmem:$0x14A10]  }
0x440: {  	v8 =	vld [tilespmem:$0x14A20]  }
0x441: {  	v9 =	vld [tilespmem:$0x14A30]  }
0x442: {  	v10 =	vld [tilespmem:$0x14A40]  }
0x443: {  	[tilespmem:$0x14B00] =	vst v6;
	v6 =	vld [tilespmem:$0x14A50]  }
0x444: {  	v58 =	vld [tilespmem:$0x14A70];
	[tilespmem:$0x14B80] =	vst v7  }
0x445: {  	v59 =	vld [tilespmem:$0x14A80];
	[tilespmem:$0x14C00] =	vst v8  }
0x446: {  	v60 =	vld [tilespmem:$0x14A90];
	[tilespmem:$0x14C80] =	vst v9  }
0x447: {  	s1 =	sand.u32 $0xF, s0;
	v7 =	vld [tilespmem:$0x14A60];
	[tilespmem:$0x14D00] =	vst v10  }
0x448: {  	s30 =	sshra.s32 s0, $0x1F;
	p2 =	slt.s32 s0, $0x1;
	p1 =	sne.s32 s1, $0x0;
	[tilespmem:$0x14D80] =	vst v6;
	v6 =	vld [tilespmem:$0x14AA0]  }
0x449: {  	v61 =	vld [tilespmem:$0x14AC0];
	s1 =	sshrl.u32 s30, $0x1C;
	p1 =	por !p2, !p1;
	[tilespmem:$0x14E80] =	vst v58  }
0x44a: {  	v62 =	vld [tilespmem:$0x14AD0];
	s31 =	sadd.s32 s1, s0;
	s1 =	simm.s32 $0x1;
	p1 =	por !p1, !p1;
	[tilespmem:$0x14F00] =	vst v59  }
0x44b: {  	v63 =	vld [tilespmem:$0x14AE0];
	s0 =	sshra.s32 s31, $0x4;
	s1 =	simm.s32 @!p1 $0x0;
	[tilespmem:$0x14F80] =	vst v60  }
0x44c: {  	s10 =	ssub.s32 s0, s1;
	[tilespmem:$0x14E00] =	vst v7;
	v7 =	vld [tilespmem:$0x14AB0]  }
0x44d: {  	p1 =	slt.s32 s10, $0x1;
	[tilespmem:$0x15000] =	vst v6;
	v6 =	vld [tilespmem:$0x14AF0]  }
.Ltmp40:
0x44e: {  	[tilespmem:$0x15100] =	vst v61;
	(pc) =	sbr.rel @p1 .LBB2_59-.Ltmp40, $4  }
0x44f: {  	[tilespmem:$0x15180] =	vst v62  }
0x450: {  	[tilespmem:$0x15200] =	vst v63  }
0x451: {  	[tilespmem:$0x15080] =	vst v7  }
0x452: {  	s1 =	rddreg [dreg:$0x12];
	[tilespmem:$0x15280] =	vst v6  }
0x453: {  	s0 =	simm.s32 $0x14900;
	s4 =	simm.s32 $0x0;
	s5 =	smov.u32 s10  }
.LBB2_53:
0x454: {  	v6 =	vld [tilespmem:s0+$0x0];
	_ =	sdelay $0x5  }
0x455: {  	v7 =	vmov s4;
	v8 =	vmul.u32 $0x80, v0  }
0x456: {  	v7 =	vshll.u32 v7, $0x7  }
0x457: {  	v7 =	vor.u32 v8, v7;
	v9 =	vld.idx.msk [tilespmem:v6+s22+$0x0], $0xffff  }
0x458: {  	v57 =	vadd.s32 $0x40, v6;
	_ =	sdelay $0x2  }
0x459: {  	s1 =	simm.s32 $0x15300  }
0x45a: {  	[tilespmem:v7+s1+$0x0] =	vst.idx.msk $0xffff, v9  }
0x45b: {  	v58 =	vor.u32 $0x1, v7;
	v8 =	vld.idx.msk [tilespmem:v57+s22+$0x0], $0xffff  }
0x45c: {  	v10 =	vadd.s32 $0x80, v6;
	_ =	sdelay $0x3  }
0x45d: {  	[tilespmem:v58+s1+$0x0] =	vst.idx.msk $0xffff, v8  }
0x45e: {  	v59 =	vor.u32 $0x2, v7;
	v8 =	vld.idx.msk [tilespmem:v10+s22+$0x0], $0xffff  }
0x45f: {  	v60 =	vadd.s32 $0xC0, v6;
	_ =	sdelay $0x3  }
0x460: {  	[tilespmem:v59+s1+$0x0] =	vst.idx.msk $0xffff, v8  }
0x461: {  	v61 =	vor.u32 $0x3, v7;
	v8 =	vld.idx.msk [tilespmem:v60+s22+$0x0], $0xffff  }
0x462: {  	v62 =	vadd.s32 $0x100, v6;
	_ =	sdelay $0x3  }
0x463: {  	[tilespmem:v61+s1+$0x0] =	vst.idx.msk $0xffff, v8  }
0x464: {  	v63 =	vor.u32 $0x4, v7;
	v8 =	vld.idx.msk [tilespmem:v62+s22+$0x0], $0xffff  }
0x465: {  	v12 =	vadd.s32 $0x140, v6;
	_ =	sdelay $0x3  }
0x466: {  	[tilespmem:v63+s1+$0x0] =	vst.idx.msk $0xffff, v8  }
0x467: {  	v13 =	vor.u32 $0x5, v7;
	v8 =	vld.idx.msk [tilespmem:v12+s22+$0x0], $0xffff  }
0x468: {  	v14 =	vadd.s32 $0x180, v6;
	_ =	sdelay $0x3  }
0x469: {  	[tilespmem:v13+s1+$0x0] =	vst.idx.msk $0xffff, v8  }
0x46a: {  	v15 =	vor.u32 $0x6, v7;
	v8 =	vld.idx.msk [tilespmem:v14+s22+$0x0], $0xffff  }
0x46b: {  	v16 =	vadd.s32 $0x1C0, v6;
	_ =	sdelay $0x3  }
0x46c: {  	[tilespmem:v15+s1+$0x0] =	vst.idx.msk $0xffff, v8  }
0x46d: {  	v17 =	vor.u32 $0x7, v7;
	v8 =	vld.idx.msk [tilespmem:v16+s22+$0x0], $0xffff  }
0x46e: {  	v18 =	vadd.s32 $0x200, v6;
	_ =	sdelay $0x3  }
0x46f: {  	[tilespmem:v17+s1+$0x0] =	vst.idx.msk $0xffff, v8  }
0x470: {  	v19 =	vor.u32 $0x8, v7;
	v8 =	vld.idx.msk [tilespmem:v18+s22+$0x0], $0xffff  }
0x471: {  	v20 =	vadd.s32 $0x240, v6;
	_ =	sdelay $0x3  }
0x472: {  	[tilespmem:v19+s1+$0x0] =	vst.idx.msk $0xffff, v8  }
0x473: {  	v21 =	vor.u32 $0x9, v7;
	v8 =	vld.idx.msk [tilespmem:v20+s22+$0x0], $0xffff  }
0x474: {  	v22 =	vadd.s32 $0x280, v6;
	_ =	sdelay $0x3  }
0x475: {  	[tilespmem:v21+s1+$0x0] =	vst.idx.msk $0xffff, v8  }
0x476: {  	v23 =	vor.u32 $0xA, v7;
	v8 =	vld.idx.msk [tilespmem:v22+s22+$0x0], $0xffff  }
0x477: {  	v24 =	vadd.s32 $0x2C0, v6;
	_ =	sdelay $0x3  }
0x478: {  	[tilespmem:v23+s1+$0x0] =	vst.idx.msk $0xffff, v8  }
0x479: {  	v25 =	vor.u32 $0xB, v7;
	v8 =	vld.idx.msk [tilespmem:v24+s22+$0x0], $0xffff  }
0x47a: {  	v26 =	vadd.s32 $0x300, v6;
	_ =	sdelay $0x3  }
0x47b: {  	[tilespmem:v25+s1+$0x0] =	vst.idx.msk $0xffff, v8  }
0x47c: {  	v27 =	vor.u32 $0xC, v7;
	v8 =	vld.idx.msk [tilespmem:v26+s22+$0x0], $0xffff  }
0x47d: {  	v28 =	vadd.s32 $0x340, v6;
	_ =	sdelay $0x3  }
0x47e: {  	[tilespmem:v27+s1+$0x0] =	vst.idx.msk $0xffff, v8  }
0x47f: {  	v29 =	vor.u32 $0xD, v7;
	v8 =	vld.idx.msk [tilespmem:v28+s22+$0x0], $0xffff  }
0x480: {  	v30 =	vadd.s32 $0x380, v6;
	_ =	sdelay $0x3  }
0x481: {  	[tilespmem:v29+s1+$0x0] =	vst.idx.msk $0xffff, v8  }
0x482: {  	v31 =	vor.u32 $0xE, v7;
	v8 =	vld.idx.msk [tilespmem:v30+s22+$0x0], $0xffff  }
0x483: {  	v32 =	vadd.s32 $0x3C0, v6;
	_ =	sdelay $0x3  }
0x484: {  	[tilespmem:v31+s1+$0x0] =	vst.idx.msk $0xffff, v8  }
0x485: {  	v33 =	vor.u32 $0xF, v7;
	v8 =	vld.idx.msk [tilespmem:v32+s22+$0x0], $0xffff  }
0x486: {  	v34 =	vadd.s32 $0x400, v6;
	_ =	sdelay $0x3  }
0x487: {  	[tilespmem:v33+s1+$0x0] =	vst.idx.msk $0xffff, v8  }
0x488: {  	v35 =	vor.u32 $0x10, v7;
	v8 =	vld.idx.msk [tilespmem:v34+s22+$0x0], $0xffff  }
0x489: {  	v36 =	vadd.s32 $0x440, v6;
	_ =	sdelay $0x3  }
0x48a: {  	[tilespmem:v35+s1+$0x0] =	vst.idx.msk $0xffff, v8  }
0x48b: {  	v37 =	vor.u32 $0x11, v7;
	v8 =	vld.idx.msk [tilespmem:v36+s22+$0x0], $0xffff  }
0x48c: {  	v38 =	vadd.s32 $0x480, v6;
	_ =	sdelay $0x3  }
0x48d: {  	[tilespmem:v37+s1+$0x0] =	vst.idx.msk $0xffff, v8  }
0x48e: {  	v39 =	vor.u32 $0x12, v7;
	v8 =	vld.idx.msk [tilespmem:v38+s22+$0x0], $0xffff  }
0x48f: {  	v40 =	vadd.s32 $0x4C0, v6;
	_ =	sdelay $0x3  }
0x490: {  	[tilespmem:v39+s1+$0x0] =	vst.idx.msk $0xffff, v8  }
0x491: {  	v41 =	vor.u32 $0x13, v7;
	v8 =	vld.idx.msk [tilespmem:v40+s22+$0x0], $0xffff  }
0x492: {  	v42 =	vadd.s32 $0x500, v6;
	_ =	sdelay $0x3  }
0x493: {  	[tilespmem:v41+s1+$0x0] =	vst.idx.msk $0xffff, v8  }
0x494: {  	v43 =	vor.u32 $0x14, v7;
	v8 =	vld.idx.msk [tilespmem:v42+s22+$0x0], $0xffff  }
0x495: {  	v44 =	vadd.s32 $0x540, v6;
	_ =	sdelay $0x3  }
0x496: {  	[tilespmem:v43+s1+$0x0] =	vst.idx.msk $0xffff, v8  }
0x497: {  	v45 =	vor.u32 $0x15, v7;
	v8 =	vld.idx.msk [tilespmem:v44+s22+$0x0], $0xffff  }
0x498: {  	v46 =	vadd.s32 $0x580, v6;
	_ =	sdelay $0x3  }
0x499: {  	[tilespmem:v45+s1+$0x0] =	vst.idx.msk $0xffff, v8  }
0x49a: {  	v47 =	vor.u32 $0x16, v7;
	v8 =	vld.idx.msk [tilespmem:v46+s22+$0x0], $0xffff  }
0x49b: {  	v48 =	vadd.s32 $0x5C0, v6;
	_ =	sdelay $0x3  }
0x49c: {  	[tilespmem:v47+s1+$0x0] =	vst.idx.msk $0xffff, v8  }
0x49d: {  	v49 =	vor.u32 $0x17, v7;
	v8 =	vld.idx.msk [tilespmem:v48+s22+$0x0], $0xffff  }
0x49e: {  	v50 =	vadd.s32 $0x600, v6;
	_ =	sdelay $0x3  }
0x49f: {  	[tilespmem:v49+s1+$0x0] =	vst.idx.msk $0xffff, v8  }
0x4a0: {  	v51 =	vor.u32 $0x18, v7;
	v8 =	vld.idx.msk [tilespmem:v50+s22+$0x0], $0xffff  }
0x4a1: {  	v52 =	vadd.s32 $0x640, v6;
	_ =	sdelay $0x3  }
0x4a2: {  	[tilespmem:v51+s1+$0x0] =	vst.idx.msk $0xffff, v8  }
0x4a3: {  	v53 =	vor.u32 $0x19, v7;
	v8 =	vld.idx.msk [tilespmem:v52+s22+$0x0], $0xffff  }
0x4a4: {  	v54 =	vadd.s32 $0x680, v6;
	_ =	sdelay $0x3  }
0x4a5: {  	[tilespmem:v53+s1+$0x0] =	vst.idx.msk $0xffff, v8  }
0x4a6: {  	v55 =	vor.u32 $0x1A, v7;
	v8 =	vld.idx.msk [tilespmem:v54+s22+$0x0], $0xffff  }
0x4a7: {  	v56 =	vadd.s32 $0x6C0, v6;
	_ =	sdelay $0x3  }
0x4a8: {  	[tilespmem:v55+s1+$0x0] =	vst.idx.msk $0xffff, v8  }
0x4a9: {  	v57 =	vor.u32 $0x1B, v7;
	v8 =	vld.idx.msk [tilespmem:v56+s22+$0x0], $0xffff  }
0x4aa: {  	v58 =	vadd.s32 $0x700, v6;
	_ =	sdelay $0x3  }
0x4ab: {  	[tilespmem:v57+s1+$0x0] =	vst.idx.msk $0xffff, v8  }
0x4ac: {  	v59 =	vor.u32 $0x1C, v7;
	v8 =	vld.idx.msk [tilespmem:v58+s22+$0x0], $0xffff  }
0x4ad: {  	v60 =	vadd.s32 $0x740, v6;
	_ =	sdelay $0x3  }
0x4ae: {  	[tilespmem:v59+s1+$0x0] =	vst.idx.msk $0xffff, v8  }
0x4af: {  	v61 =	vor.u32 $0x1D, v7;
	v8 =	vld.idx.msk [tilespmem:v60+s22+$0x0], $0xffff  }
0x4b0: {  	v62 =	vadd.s32 $0x780, v6;
	_ =	sdelay $0x3  }
0x4b1: {  	[tilespmem:v61+s1+$0x0] =	vst.idx.msk $0xffff, v8  }
0x4b2: {  	v63 =	vor.u32 $0x1E, v7;
	v8 =	vld.idx.msk [tilespmem:v62+s22+$0x0], $0xffff  }
0x4b3: {  	v6 =	vadd.s32 $0x7C0, v6;
	_ =	sdelay $0x3  }
0x4b4: {  	[tilespmem:v63+s1+$0x0] =	vst.idx.msk $0xffff, v8  }
0x4b5: {  	p1 =	sne.s32 s5, $0x1;
	v7 =	vor.u32 $0x1F, v7;
	v6 =	vld.idx.msk [tilespmem:v6+s22+$0x0], $0xffff  }
.Ltmp41:
0x4b6: {  	_ = 	snop;
	(pc) =	sbr.rel @p1 .LBB2_53-.Ltmp41, $2  }
0x4b7: {  	_ =	sdelay $0x2  }
0x4b8: {  	s0 =	sadd.s32 $0x10, s0;
	s4 =	sadd.s32 $0x10, s4;
	s5 =	sadd.s32 $0xFFFFFFFF, s5;
	[tilespmem:v7+s1+$0x0] =	vst.idx.msk $0xffff, v6  }
0x4b9: {  	p1 =	sne.s32 s10, $0x1  }
.Ltmp42:
0x4ba: {  	_ = 	snop;
	(pc) =	sbr.rel @!p1 .LBB2_56-.Ltmp42, $3  }
0x4bb: {  	_ =	sdelay $0x1  }
0x4bc: {  	s0 =	simm.s32 $0x14B00;
	s4 =	sadd.s32 $0xFFFFFFFF, s10  }
0x4bd: {  	[hbm4b:s6+s20] =	stream.indirect.scatter [tilespmem:s1], [sflag:$0x3], $0x80, s0, s20, $0xb8;
	[tilespmem:$0x1D300] =	vst v63  }
.LBB2_55:
0x4be: {  	p2 =	sne.s32 s4, $0x1  }
.Ltmp43:
0x4bf: {  	_ = 	snop;
	(pc) =	sbr.rel @p2 .LBB2_55-.Ltmp43, $4  }
0x4c0: {  	_ = 	snop  }
0x4c1: {  	s0 =	sadd.s32 $0x80, s0;
	s1 =	sadd.s32 $0x800, s1  }
0x4c2: {  	s4 =	sadd.s32 $0xFFFFFFFF, s4  }
0x4c3: {  	[hbm4b:s6+s20] =	stream.indirect.scatter [tilespmem:s1], [sflag:$0x3], $0x80, s0, s20, $0xb8;
	[tilespmem:$0x1D300] =	vst v63  }
.LBB2_56:
.Ltmp44:
0x4c4: {  	(pc) =	sbr.rel @!p1 .LBB2_58-.Ltmp44, $3  }
0x4c5: {  	_ =	sdelay $0x1  }
0x4c6: {  	_ =	swait.ge [sflag:s17], $0x800  }
0x4c7: {  	s0 =	sadd.s32 $0xFFFFFFFF, s10;
	[sflag:s17] =	ssyncset.done $0x0  }
.LBB2_57:
0x4c8: {  	p1 =	sne.s32 s0, $0x1;
	s0 =	sadd.s32 $0xFFFFFFFF, s0;
	[sflag:s17] =	ssyncadd.s32 $0xFFFFF800  }
.Ltmp45:
0x4c9: {  	(pc) =	sbr.rel @p1 .LBB2_57-.Ltmp45, $3  }
0x4ca: {  	_ =	sdelay $0x1  }
0x4cb: {  	_ =	swait.ge [sflag:s17], $0x800  }
0x4cc: {  	[sflag:s17] =	ssyncset.done $0x0  }
.Ltmp46:
0x4cd: {  	_ = 	snop;
	(pc) =	sbr.rel .LBB2_58-.Ltmp46, $1  }
0x4ce: {  	_ =	sdelay $0x3  }
.LBB2_60:
0x4cf: {  	_ =	sfence.sel $0x180000  }
0x4d0: {  	[bflag:$0x0] =	sbarrier.arrive $0xFFFF  }
0x4d1: {  	_ =	strace $0x90000047  }
0x4d2: {  	s0 =	stileid.u32;
	[bflag:$0x2] =	sbarrier.arrive $0xFFFF  }
0x4d3: {  	p0 =	sne.s32 s0, $0x0;
	s0 =	rddreg [dreg:$0x2]  }
0x4d4: {  	s0 =	sadd.s32 @!p0 $0x100000, s0  }
0x4d5: {  	[sflag:s0] =	ssyncadd.tile.s32 @!p0 $0x1;
	_ =	shalt  }
.Lfunc_end2:
_tile_overlayer_lowered:
.L_overlay_start_2:
0x4d6: {  	(tag) =	ssettag $0x2  }
0x4d7: {  	s0 =	rddreg [dreg:$0x0];
	s2 =	stileid.u32  }
0x4d8: {  	s1 =	rddreg [dreg:$0x1];
	p0 =	sne.s32 s2, $0x0  }
0x4d9: {  	s3 =	rddreg [dreg:$0x2];
	[bflag:$0x3] =	sbarrier.arrive $0xFFFF;
	s2 =	simm.s32 @!p0 $0x1C04  }
0x4da: {  	[timem:s3], [sflag:s2] =	dma.local @!p0 [hbm:s0], s1  }
0x4db: {  	s0 =	simm.s32 @!p0 $0x4  }
0x4dc: {  	_ =	swait.ge @!p0 [sflag:s0], s1  }
0x4dd: {  	s1 =	ssub.s32 @!p0 $0x0, s1;
	[sflag:s0] =	ssyncset.done @!p0 $0x0  }
0x4de: {  	[sflag:s0] =	ssyncadd.s32 @!p0 s1  }
0x4df: {  	[bflag:$0x3] =	sbarrier.arrive $0xFFFF  }
0x4e0: {  	_ =	shalt  }

</sc_bundles>
